<compile_context>
chip_gen: v7x
topology: tpu7x:2x2x1
jax: 0.10.2.dev20260603
libtpu: 0.0.44.dev20260713+nightly
codegen_flags: <defaults>
</compile_context>

<pallas_src>
import functools

import jax
import jax.numpy as jnp
from jax import lax
from jax.experimental import pallas as pl
from jax.experimental.pallas import tpu as pltpu
from jax.experimental.pallas import tpu_sc as plsc

N = 10000
E = 640000
R = 90
H = 64
C = 4
C2 = 8
RS = 96
NH = N // 2

NC = 2
NS = 16
NW = NC * NS
EPW = E // NW
CK = 80
NCH = EPW // CK
NP = 10240
NPT = NP // NS
NB = 5


def _make_sc_layer(D, mode):
    mesh = plsc.VectorSubcoreMesh(core_axis_name="c", subcore_axis_name="s")

    @functools.partial(
        pl.kernel,
        mesh=mesh,
        compiler_params=pltpu.CompilerParams(use_tc_tiling_on_sc=False),
        out_type=jax.ShapeDtypeStruct((NC, NP, D), jnp.float32),
        scratch_types=[
            pltpu.VMEM((NCH, CK), jnp.int32),
            pltpu.VMEM((NCH, CK), jnp.int32),
            pltpu.VMEM((NCH, CK), jnp.int32),
            pltpu.VMEM((NB, CK, D), jnp.float32),
            pltpu.VMEM_SHARED((NP, D), jnp.float32),
            [pltpu.SemaphoreType.DMA] * NB,
            [pltpu.SemaphoreType.DMA] * NB,
        ],
    )
    def sc_layer(src_h, et_h, didx_h, zer_h, table_h, out_h,
                 gi_v, et_v, di_v, rows_v, acc_s, gsem, ssem):
        c = lax.axis_index("c")
        s = lax.axis_index("s")
        w = c * NS + s

        pltpu.sync_copy(zer_h, rows_v.at[0])
        for t in range(NPT // CK):
            pltpu.sync_copy(rows_v.at[0], acc_s.at[pl.ds(s * NPT + t * CK, CK)])
        pltpu.sync_copy(src_h.at[w], gi_v)
        pltpu.sync_copy(et_h.at[w], et_v)
        pltpu.sync_copy(didx_h.at[w], di_v)

        @pl.loop(0, NCH)
        def _(r):
            for g in range(CK // 16):
                sl = pl.ds(g * 16, 16)
                sv = gi_v[r, sl]
                ev = et_v[r, sl]
                if mode == 1:
                    gi = jnp.where(sv >= NH, 2 * sv - (N - 1), 2 * sv) + ev * N
                else:
                    gi = (ev >> 4) * (16 * N) + (sv << 4) + (ev & 15)
                gi_v[r, sl] = gi

        plsc.subcore_barrier()

        for b in range(NB):
            pltpu.async_copy(table_h.at[gi_v.at[b]], rows_v.at[b], gsem[b])

        @pl.loop(0, NCH, step=NB)
        def _(j):
            for b in range(NB):
                pltpu.make_async_copy(table_h.at[gi_v.at[j + b]],
                                      rows_v.at[b], gsem[b]).wait()
                pltpu.async_copy(rows_v.at[b], acc_s.at[di_v.at[j + b]],
                                 ssem[b], add=True)

                @pl.when(j + b + NB < NCH)
                def _():
                    pltpu.make_async_copy(rows_v.at[b],
                                          acc_s.at[di_v.at[j + b]],
                                          ssem[b]).wait()
                    pltpu.async_copy(table_h.at[gi_v.at[j + b + NB]],
                                     rows_v.at[b], gsem[b])

        for b in range(NB):
            pltpu.make_async_copy(rows_v.at[b],
                                  acc_s.at[di_v.at[NCH - NB + b]],
                                  ssem[b]).wait()

        plsc.subcore_barrier()

        for t in range(NPT // CK):
            b = t % NB
            pltpu.sync_copy(acc_s.at[pl.ds(s * NPT + t * CK, CK)], rows_v.at[b])
            pltpu.sync_copy(rows_v.at[b], out_h.at[c, pl.ds(s * NPT + t * CK, CK)])

    return sc_layer


def _tc_repack(w1t):

    def body(w_ref, o_ref):
        for g in range(2):
            t = w_ref[g].T
            o_ref[g] = jnp.concatenate([t[:NH], t[NH:]], axis=1)

    return pl.pallas_call(
        body,
        grid=(R // 2,),
        in_specs=[pl.BlockSpec((2, H, N), lambda r: (r, 0, 0))],
        out_specs=pl.BlockSpec((2, NH, 2 * H), lambda r: (r, 0, 0)),
        out_shape=jax.ShapeDtypeStruct((R, NH, 2 * H), jnp.float32),
    )(w1t)


def _tc_dense(p, root1, b1, w2rs, root2):
    BN = 1000

    NT = RS * C2 // 128

    def body(p_ref, r1_ref, b1_ref, w_ref, rt_ref, h_ref, x2_ref):
        x1 = jnp.maximum(p_ref[0] + p_ref[1] + r1_ref[...] + b1_ref[...], 0.0)
        hb = jnp.dot(x1, w_ref[...], preferred_element_type=jnp.float32)
        for k in range(NT):
            h_ref[k] = hb[:, 128 * k:128 * (k + 1)]
        x2_ref[...] = jnp.dot(x1, rt_ref[...], preferred_element_type=jnp.float32)

    return pl.pallas_call(
        body,
        grid=(N // BN,),
        in_specs=[
            pl.BlockSpec((NC, BN, H), lambda i: (0, i, 0)),
            pl.BlockSpec((BN, H), lambda i: (i, 0)),
            pl.BlockSpec((1, H), lambda i: (0, 0)),
            pl.BlockSpec((H, RS * C2), lambda i: (0, 0)),
            pl.BlockSpec((H, C), lambda i: (0, 0)),
        ],
        out_specs=[
            pl.BlockSpec((NT, BN, 128), lambda i: (0, i, 0)),
            pl.BlockSpec((BN, C), lambda i: (i, 0)),
        ],
        out_shape=[
            jax.ShapeDtypeStruct((NT, N, 128), jnp.float32),
            jax.ShapeDtypeStruct((N, C), jnp.float32),
        ],
    )(p, root1, b1, w2rs, root2)


def _tc_final(p2, xr2, b2):
    def body(p_ref, x_ref, b_ref, o_ref):
        agg = (p_ref[0] + p_ref[1])[:, :C]
        t = agg + x_ref[...] + b_ref[...]
        m = jnp.max(t, axis=1, keepdims=True)
        lse = jnp.log(jnp.sum(jnp.exp(t - m), axis=1, keepdims=True)) + m
        o_ref[...] = t - lse

    return pl.pallas_call(
        body,
        grid=(1,),
        in_specs=[
            pl.BlockSpec((NC, N, C2), lambda i: (0, 0, 0)),
            pl.BlockSpec((N, C), lambda i: (0, 0)),
            pl.BlockSpec((1, C), lambda i: (0, 0)),
        ],
        out_specs=pl.BlockSpec((N, C), lambda i: (0, 0)),
        out_shape=jax.ShapeDtypeStruct((N, C), jnp.float32),
    )(p2, xr2, b2)


def kernel(edge_index, edge_type, tensor_slice, W1, root1, b1, W2, root2, b2):
    srcs = edge_index[0].reshape(NW, NCH, CK)
    dsts = edge_index[1].reshape(NW, NCH, CK)
    ets = edge_type.reshape(NW, NCH, CK)

    zeros1 = jnp.zeros((CK, H), jnp.float32)
    zeros2 = jnp.zeros((CK, C2), jnp.float32)

    w1p = _tc_repack(jnp.transpose(W1, (0, 2, 1)))
    p1 = _make_sc_layer(H, 1)(srcs, ets, dsts, zeros1,
                              w1p.reshape(R * N, H))

    w2rs = jnp.pad(W2.transpose(1, 0, 2),
                   ((0, 0), (0, RS - R), (0, C2 - C))).reshape(H, RS * C2)
    h, xr2 = _tc_dense(p1, root1, b1.reshape(1, H), w2rs, root2)

    p2 = _make_sc_layer(C2, 2)(srcs, ets, dsts, zeros2,
                               h.reshape(N * RS, C2))

    return _tc_final(p2, xr2, b2.reshape(1, C))

# --- scband reference (transcript-rebuilt; emitter-appended) ---
"""Pipeline reference for scband-fasten-net-43679817401126 (READ-ONLY COPY).

The authoritative reference and input builder live on the scoring server;
editing this copy changes nothing except your own understanding.
"""

import jax, jax.numpy as jnp
import numpy as np

N = 10000   # num_nodes
E = 640000  # num_edges
R = 90      # num_relations (AIFB)
H = 64      # hidden_size
C = 4       # num_classes (AIFB)


def setup_inputs(seed: int = 0) -> dict:
    key = jax.random.key(seed)
    k1, k2, k3, k4, k5, k6 = jax.random.split(key, 6)
    edge_index = jax.random.randint(k1, (2, E), 0, N, dtype=jnp.int32)
    # is_sorted=True: edge_type is sorted ascending
    edge_type = jnp.sort(jax.random.randint(k2, (E,), 0, R, dtype=jnp.int32))
    # fasten tensor_slice: per-relation [start, end) offsets into the sorted edge list
    tensor_slice = jnp.searchsorted(edge_type, jnp.arange(R + 1, dtype=jnp.int32)).astype(jnp.int32)
    # layer 1: x is None -> relation-specific node embedding weight [R, N, H]
    W1 = jax.random.normal(k3, (R, N, H), dtype=jnp.float32) * 0.02
    root1 = jax.random.normal(k4, (N, H), dtype=jnp.float32) * 0.02
    b1 = jnp.zeros((H,), dtype=jnp.float32)
    # layer 2: [R, H, C]
    W2 = jax.random.normal(k5, (R, H, C), dtype=jnp.float32) * 0.02
    root2 = jax.random.normal(k6, (H, C), dtype=jnp.float32) * 0.02
    b2 = jnp.zeros((C,), dtype=jnp.float32)
    return {
        "edge_index": edge_index,
        "edge_type": edge_type,
        "tensor_slice": tensor_slice,
        "W1": W1,
        "root1": root1,
        "b1": b1,
        "W2": W2,
        "root2": root2,
        "b2": b2,
    }


def reference(edge_index, edge_type, tensor_slice, W1, root1, b1, W2, root2, b2):
    # tensor_slice only drives fasten's kernel scheduling; the math below is the
    # faithful RGCN computation with aggr='add'.
    src = edge_index[0]
    dst = edge_index[1]

    # ---- layer 1 (x=None): message = W1[edge_type, src]  (embedding lookup) ----
    m1 = W1[edge_type, src]                                   # [E, H]
    agg1 = jax.ops.segment_sum(m1, dst, num_segments=N)       # sum aggregation
    # root weight with x=None: out += root1[arange(N)] == root1
    x1 = jax.nn.relu(agg1 + root1 + b1)                       # [N, H]

    # ---- layer 2: message = x1[src] @ W2[edge_type] ----
    # transform every node under every relation, then gather per edge
    h = jnp.einsum("nd,rdo->nro", x1, W2)                     # [N, R, C]
    m2 = h[src, edge_type]                                    # [E, C]
    agg2 = jax.ops.segment_sum(m2, dst, num_segments=N)       # [N, C]
    out = agg2 + x1 @ root2 + b2                              # [N, C]

    return jax.nn.log_softmax(out, axis=1)

if __name__ == "__main__":
    import jax
    _d = setup_inputs()
    print(jax.jit(kernel)(*tuple(_d.values())))

</pallas_src>

<mosaic_0001>
#map = affine_map<(d0, d1) -> (0, 0, 0)>
#map1 = affine_map<(d0, d1) -> (0, 0)>
module attributes {stable_mosaic.version = 14 : i64} {
  func.func @sc_layer(%arg0: i32, %arg1: i32, %arg2: memref<32x250x80xi32, #tpu.memory_space<hbm>>, %arg3: memref<32x250x80xi32, #tpu.memory_space<hbm>>, %arg4: memref<32x250x80xi32, #tpu.memory_space<hbm>>, %arg5: memref<80x8xf32, #tpu.memory_space<hbm>>, %arg6: memref<960000x8xf32, #tpu.memory_space<hbm>>, %arg7: memref<2x10240x8xf32, #tpu.memory_space<hbm>>, %arg8: memref<250x80xi32, #tpu.memory_space<vmem>>, %arg9: memref<250x80xi32, #tpu.memory_space<vmem>>, %arg10: memref<250x80xi32, #tpu.memory_space<vmem>>, %arg11: memref<5x80x8xf32, #tpu.memory_space<vmem>>, %arg12: memref<10240x8xf32, #tpu.memory_space<vmem_shared>>, %arg13: memref<!tpu.dma_semaphore, #tpu.memory_space<semaphore_mem>>, %arg14: memref<!tpu.dma_semaphore, #tpu.memory_space<semaphore_mem>>, %arg15: memref<!tpu.dma_semaphore, #tpu.memory_space<semaphore_mem>>, %arg16: memref<!tpu.dma_semaphore, #tpu.memory_space<semaphore_mem>>, %arg17: memref<!tpu.dma_semaphore, #tpu.memory_space<semaphore_mem>>, %arg18: memref<!tpu.dma_semaphore, #tpu.memory_space<semaphore_mem>>, %arg19: memref<!tpu.dma_semaphore, #tpu.memory_space<semaphore_mem>>, %arg20: memref<!tpu.dma_semaphore, #tpu.memory_space<semaphore_mem>>, %arg21: memref<!tpu.dma_semaphore, #tpu.memory_space<semaphore_mem>>, %arg22: memref<!tpu.dma_semaphore, #tpu.memory_space<semaphore_mem>>) attributes {dimension_semantics = [#tpu.dimension_semantics<core_parallel>, #tpu.dimension_semantics<subcore_parallel>], iteration_bounds = array<i64: 2, 16>, scalar_prefetch = 0 : i64, scratch_operands = 15 : i64, tpu.core_type = #tpu.core_type<sc_vector_subcore>, window_params = [{transform_indices = #map}, {transform_indices = #map}, {transform_indices = #map}, {transform_indices = #map1}, {transform_indices = #map1}, {transform_indices = #map}]} {
    %mul3A = arith.constant 16 : i32
    %mul3A_0 = arith.muli %arg0, %mul3A : i32
    %add3A = arith.addi %mul3A_0, %arg1 : i32
    %run_scoped3A = arith.constant 0 : i32
    "tpu.region"() ({
      %run_scoped3A_249 = tpu.sem_alloc : memref<!tpu.dma_semaphore, #tpu.memory_space<semaphore_mem>>
      %dma_start3A_250 = arith.constant 0 : i32
      %dma_start3A_251 = arith.constant 0 : i32
      %dma_start3A_252 = tpu.memref_slice %arg11[%run_scoped3A, %dma_start3A_250, %dma_start3A_251] : memref<5x80x8xf32, #tpu.memory_space<vmem>> -> memref<1x80x8xf32, #tpu.memory_space<vmem>>
      %dma_start3A_253 = tpu.memref_squeeze %dma_start3A_252 : memref<1x80x8xf32, #tpu.memory_space<vmem>> -> memref<80x8xf32, #tpu.memory_space<vmem>>
      %dma_start3A_254 = arith.constant 0 : i32
      %dma_start3A_255 = arith.constant 0 : i32
      %dma_start3A_256 = tpu.memref_slice %arg11[%run_scoped3A, %dma_start3A_254, %dma_start3A_255] : memref<5x80x8xf32, #tpu.memory_space<vmem>> -> memref<1x80x8xf32, #tpu.memory_space<vmem>>
      %dma_start3A_257 = tpu.memref_squeeze %dma_start3A_256 : memref<1x80x8xf32, #tpu.memory_space<vmem>> -> memref<80x8xf32, #tpu.memory_space<vmem>>
      tpu.enqueue_dma source(%arg5 : memref<80x8xf32, #tpu.memory_space<hbm>>) target(%dma_start3A_257 : memref<80x8xf32, #tpu.memory_space<vmem>>) target_semaphore(%run_scoped3A_249 : memref<!tpu.dma_semaphore, #tpu.memory_space<semaphore_mem>>)
      %dma_wait3A_258 = arith.constant 0 : i32
      %dma_wait3A_259 = arith.constant 0 : i32
      %dma_wait3A_260 = tpu.memref_slice %arg11[%run_scoped3A, %dma_wait3A_258, %dma_wait3A_259] : memref<5x80x8xf32, #tpu.memory_space<vmem>> -> memref<1x80x8xf32, #tpu.memory_space<vmem>>
      %dma_wait3A_261 = tpu.memref_squeeze %dma_wait3A_260 : memref<1x80x8xf32, #tpu.memory_space<vmem>> -> memref<80x8xf32, #tpu.memory_space<vmem>>
      %dma_wait3A_262 = arith.constant 0 : i32
      %dma_wait3A_263 = arith.constant 0 : i32
      %dma_wait3A_264 = tpu.memref_slice %arg11[%run_scoped3A, %dma_wait3A_262, %dma_wait3A_263] : memref<5x80x8xf32, #tpu.memory_space<vmem>> -> memref<1x80x8xf32, #tpu.memory_space<vmem>>
      %dma_wait3A_265 = tpu.memref_squeeze %dma_wait3A_264 : memref<1x80x8xf32, #tpu.memory_space<vmem>> -> memref<80x8xf32, #tpu.memory_space<vmem>>
      tpu.wait_dma2 semaphore(%run_scoped3A_249 : memref<!tpu.dma_semaphore, #tpu.memory_space<semaphore_mem>>) src(%arg5 : memref<80x8xf32, #tpu.memory_space<hbm>>) dst(%dma_wait3A_265 : memref<80x8xf32, #tpu.memory_space<vmem>>)
      tpu.yield
    }) : () -> ()
    %mul3A_1 = arith.constant 640 : i32
    %mul3A_2 = arith.muli %arg1, %mul3A_1 : i32
    %add3A_3 = arith.constant 0 : i32
    %add3A_4 = arith.addi %mul3A_2, %add3A_3 : i32
    %run_scoped3A_5 = arith.constant 0 : i32
    "tpu.region"() ({
      %run_scoped3A_249 = tpu.sem_alloc : memref<!tpu.dma_semaphore, #tpu.memory_space<semaphore_mem>>
      %dma_start3A_250 = arith.constant 0 : i32
      %dma_start3A_251 = arith.constant 0 : i32
      %dma_start3A_252 = tpu.memref_slice %arg11[%run_scoped3A_5, %dma_start3A_250, %dma_start3A_251] : memref<5x80x8xf32, #tpu.memory_space<vmem>> -> memref<1x80x8xf32, #tpu.memory_space<vmem>>
      %dma_start3A_253 = tpu.memref_squeeze %dma_start3A_252 : memref<1x80x8xf32, #tpu.memory_space<vmem>> -> memref<80x8xf32, #tpu.memory_space<vmem>>
      %dma_start3A_254 = arith.constant 0 : i32
      %dma_start3A_255 = tpu.memref_slice %arg12[%add3A_4, %dma_start3A_254] : memref<10240x8xf32, #tpu.memory_space<vmem_shared>> -> memref<80x8xf32, #tpu.memory_space<vmem_shared>>
      %dma_start3A_256 = arith.constant 0 : i32
      %dma_start3A_257 = tpu.memref_slice %arg12[%add3A_4, %dma_start3A_256] : memref<10240x8xf32, #tpu.memory_space<vmem_shared>> -> memref<80x8xf32, #tpu.memory_space<vmem_shared>>
      %dma_start3A_258 = arith.constant 0 : i32
      %dma_start3A_259 = arith.constant 0 : i32
      %dma_start3A_260 = tpu.memref_slice %arg11[%run_scoped3A_5, %dma_start3A_258, %dma_start3A_259] : memref<5x80x8xf32, #tpu.memory_space<vmem>> -> memref<1x80x8xf32, #tpu.memory_space<vmem>>
      %dma_start3A_261 = tpu.memref_squeeze %dma_start3A_260 : memref<1x80x8xf32, #tpu.memory_space<vmem>> -> memref<80x8xf32, #tpu.memory_space<vmem>>
      tpu.enqueue_dma source(%dma_start3A_261 : memref<80x8xf32, #tpu.memory_space<vmem>>) target(%dma_start3A_257 : memref<80x8xf32, #tpu.memory_space<vmem_shared>>) target_semaphore(%run_scoped3A_249 : memref<!tpu.dma_semaphore, #tpu.memory_space<semaphore_mem>>)
      %dma_wait3A_262 = arith.constant 0 : i32
      %dma_wait3A_263 = arith.constant 0 : i32
      %dma_wait3A_264 = tpu.memref_slice %arg11[%run_scoped3A_5, %dma_wait3A_262, %dma_wait3A_263] : memref<5x80x8xf32, #tpu.memory_space<vmem>> -> memref<1x80x8xf32, #tpu.memory_space<vmem>>
      %dma_wait3A_265 = tpu.memref_squeeze %dma_wait3A_264 : memref<1x80x8xf32, #tpu.memory_space<vmem>> -> memref<80x8xf32, #tpu.memory_space<vmem>>
      %dma_wait3A_266 = arith.constant 0 : i32
      %dma_wait3A_267 = tpu.memref_slice %arg12[%add3A_4, %dma_wait3A_266] : memref<10240x8xf32, #tpu.memory_space<vmem_shared>> -> memref<80x8xf32, #tpu.memory_space<vmem_shared>>
      %dma_wait3A_268 = arith.constant 0 : i32
      %dma_wait3A_269 = tpu.memref_slice %arg12[%add3A_4, %dma_wait3A_268] : memref<10240x8xf32, #tpu.memory_space<vmem_shared>> -> memref<80x8xf32, #tpu.memory_space<vmem_shared>>
      %dma_wait3A_270 = arith.constant 0 : i32
      %dma_wait3A_271 = arith.constant 0 : i32
      %dma_wait3A_272 = tpu.memref_slice %arg11[%run_scoped3A_5, %dma_wait3A_270, %dma_wait3A_271] : memref<5x80x8xf32, #tpu.memory_space<vmem>> -> memref<1x80x8xf32, #tpu.memory_space<vmem>>
      %dma_wait3A_273 = tpu.memref_squeeze %dma_wait3A_272 : memref<1x80x8xf32, #tpu.memory_space<vmem>> -> memref<80x8xf32, #tpu.memory_space<vmem>>
      tpu.wait_dma2 semaphore(%run_scoped3A_249 : memref<!tpu.dma_semaphore, #tpu.memory_space<semaphore_mem>>) src(%dma_wait3A_273 : memref<80x8xf32, #tpu.memory_space<vmem>>) dst(%dma_wait3A_269 : memref<80x8xf32, #tpu.memory_space<vmem_shared>>)
      tpu.yield
    }) : () -> ()
    %mul3A_6 = arith.constant 640 : i32
    %mul3A_7 = arith.muli %arg1, %mul3A_6 : i32
    %add3A_8 = arith.constant 80 : i32
    %add3A_9 = arith.addi %mul3A_7, %add3A_8 : i32
    %run_scoped3A_10 = arith.constant 0 : i32
    "tpu.region"() ({
      %run_scoped3A_249 = tpu.sem_alloc : memref<!tpu.dma_semaphore, #tpu.memory_space<semaphore_mem>>
      %dma_start3A_250 = arith.constant 0 : i32
      %dma_start3A_251 = arith.constant 0 : i32
      %dma_start3A_252 = tpu.memref_slice %arg11[%run_scoped3A_10, %dma_start3A_250, %dma_start3A_251] : memref<5x80x8xf32, #tpu.memory_space<vmem>> -> memref<1x80x8xf32, #tpu.memory_space<vmem>>
      %dma_start3A_253 = tpu.memref_squeeze %dma_start3A_252 : memref<1x80x8xf32, #tpu.memory_space<vmem>> -> memref<80x8xf32, #tpu.memory_space<vmem>>
      %dma_start3A_254 = arith.constant 0 : i32
      %dma_start3A_255 = tpu.memref_slice %arg12[%add3A_9, %dma_start3A_254] : memref<10240x8xf32, #tpu.memory_space<vmem_shared>> -> memref<80x8xf32, #tpu.memory_space<vmem_shared>>
      %dma_start3A_256 = arith.constant 0 : i32
      %dma_start3A_257 = tpu.memref_slice %arg12[%add3A_9, %dma_start3A_256] : memref<10240x8xf32, #tpu.memory_space<vmem_shared>> -> memref<80x8xf32, #tpu.memory_space<vmem_shared>>
      %dma_start3A_258 = arith.constant 0 : i32
      %dma_start3A_259 = arith.constant 0 : i32
      %dma_start3A_260 = tpu.memref_slice %arg11[%run_scoped3A_10, %dma_start3A_258, %dma_start3A_259] : memref<5x80x8xf32, #tpu.memory_space<vmem>> -> memref<1x80x8xf32, #tpu.memory_space<vmem>>
      %dma_start3A_261 = tpu.memref_squeeze %dma_start3A_260 : memref<1x80x8xf32, #tpu.memory_space<vmem>> -> memref<80x8xf32, #tpu.memory_space<vmem>>
      tpu.enqueue_dma source(%dma_start3A_261 : memref<80x8xf32, #tpu.memory_space<vmem>>) target(%dma_start3A_257 : memref<80x8xf32, #tpu.memory_space<vmem_shared>>) target_semaphore(%run_scoped3A_249 : memref<!tpu.dma_semaphore, #tpu.memory_space<semaphore_mem>>)
      %dma_wait3A_262 = arith.constant 0 : i32
      %dma_wait3A_263 = arith.constant 0 : i32
      %dma_wait3A_264 = tpu.memref_slice %arg11[%run_scoped3A_10, %dma_wait3A_262, %dma_wait3A_263] : memref<5x80x8xf32, #tpu.memory_space<vmem>> -> memref<1x80x8xf32, #tpu.memory_space<vmem>>
      %dma_wait3A_265 = tpu.memref_squeeze %dma_wait3A_264 : memref<1x80x8xf32, #tpu.memory_space<vmem>> -> memref<80x8xf32, #tpu.memory_space<vmem>>
      %dma_wait3A_266 = arith.constant 0 : i32
      %dma_wait3A_267 = tpu.memref_slice %arg12[%add3A_9, %dma_wait3A_266] : memref<10240x8xf32, #tpu.memory_space<vmem_shared>> -> memref<80x8xf32, #tpu.memory_space<vmem_shared>>
      %dma_wait3A_268 = arith.constant 0 : i32
      %dma_wait3A_269 = tpu.memref_slice %arg12[%add3A_9, %dma_wait3A_268] : memref<10240x8xf32, #tpu.memory_space<vmem_shared>> -> memref<80x8xf32, #tpu.memory_space<vmem_shared>>
      %dma_wait3A_270 = arith.constant 0 : i32
      %dma_wait3A_271 = arith.constant 0 : i32
      %dma_wait3A_272 = tpu.memref_slice %arg11[%run_scoped3A_10, %dma_wait3A_270, %dma_wait3A_271] : memref<5x80x8xf32, #tpu.memory_space<vmem>> -> memref<1x80x8xf32, #tpu.memory_space<vmem>>
      %dma_wait3A_273 = tpu.memref_squeeze %dma_wait3A_272 : memref<1x80x8xf32, #tpu.memory_space<vmem>> -> memref<80x8xf32, #tpu.memory_space<vmem>>
      tpu.wait_dma2 semaphore(%run_scoped3A_249 : memref<!tpu.dma_semaphore, #tpu.memory_space<semaphore_mem>>) src(%dma_wait3A_273 : memref<80x8xf32, #tpu.memory_space<vmem>>) dst(%dma_wait3A_269 : memref<80x8xf32, #tpu.memory_space<vmem_shared>>)
      tpu.yield
    }) : () -> ()
    %mul3A_11 = arith.constant 640 : i32
    %mul3A_12 = arith.muli %arg1, %mul3A_11 : i32
    %add3A_13 = arith.constant 160 : i32
    %add3A_14 = arith.addi %mul3A_12, %add3A_13 : i32
    %run_scoped3A_15 = arith.constant 0 : i32
    "tpu.region"() ({
      %run_scoped3A_249 = tpu.sem_alloc : memref<!tpu.dma_semaphore, #tpu.memory_space<semaphore_mem>>
      %dma_start3A_250 = arith.constant 0 : i32
      %dma_start3A_251 = arith.constant 0 : i32
      %dma_start3A_252 = tpu.memref_slice %arg11[%run_scoped3A_15, %dma_start3A_250, %dma_start3A_251] : memref<5x80x8xf32, #tpu.memory_space<vmem>> -> memref<1x80x8xf32, #tpu.memory_space<vmem>>
      %dma_start3A_253 = tpu.memref_squeeze %dma_start3A_252 : memref<1x80x8xf32, #tpu.memory_space<vmem>> -> memref<80x8xf32, #tpu.memory_space<vmem>>
      %dma_start3A_254 = arith.constant 0 : i32
      %dma_start3A_255 = tpu.memref_slice %arg12[%add3A_14, %dma_start3A_254] : memref<10240x8xf32, #tpu.memory_space<vmem_shared>> -> memref<80x8xf32, #tpu.memory_space<vmem_shared>>
      %dma_start3A_256 = arith.constant 0 : i32
      %dma_start3A_257 = tpu.memref_slice %arg12[%add3A_14, %dma_start3A_256] : memref<10240x8xf32, #tpu.memory_space<vmem_shared>> -> memref<80x8xf32, #tpu.memory_space<vmem_shared>>
      %dma_start3A_258 = arith.constant 0 : i32
      %dma_start3A_259 = arith.constant 0 : i32
      %dma_start3A_260 = tpu.memref_slice %arg11[%run_scoped3A_15, %dma_start3A_258, %dma_start3A_259] : memref<5x80x8xf32, #tpu.memory_space<vmem>> -> memref<1x80x8xf32, #tpu.memory_space<vmem>>
      %dma_start3A_261 = tpu.memref_squeeze %dma_start3A_260 : memref<1x80x8xf32, #tpu.memory_space<vmem>> -> memref<80x8xf32, #tpu.memory_space<vmem>>
      tpu.enqueue_dma source(%dma_start3A_261 : memref<80x8xf32, #tpu.memory_space<vmem>>) target(%dma_start3A_257 : memref<80x8xf32, #tpu.memory_space<vmem_shared>>) target_semaphore(%run_scoped3A_249 : memref<!tpu.dma_semaphore, #tpu.memory_space<semaphore_mem>>)
      %dma_wait3A_262 = arith.constant 0 : i32
      %dma_wait3A_263 = arith.constant 0 : i32
      %dma_wait3A_264 = tpu.memref_slice %arg11[%run_scoped3A_15, %dma_wait3A_262, %dma_wait3A_263] : memref<5x80x8xf32, #tpu.memory_space<vmem>> -> memref<1x80x8xf32, #tpu.memory_space<vmem>>
      %dma_wait3A_265 = tpu.memref_squeeze %dma_wait3A_264 : memref<1x80x8xf32, #tpu.memory_space<vmem>> -> memref<80x8xf32, #tpu.memory_space<vmem>>
      %dma_wait3A_266 = arith.constant 0 : i32
      %dma_wait3A_267 = tpu.memref_slice %arg12[%add3A_14, %dma_wait3A_266] : memref<10240x8xf32, #tpu.memory_space<vmem_shared>> -> memref<80x8xf32, #tpu.memory_space<vmem_shared>>
      %dma_wait3A_268 = arith.constant 0 : i32
      %dma_wait3A_269 = tpu.memref_slice %arg12[%add3A_14, %dma_wait3A_268] : memref<10240x8xf32, #tpu.memory_space<vmem_shared>> -> memref<80x8xf32, #tpu.memory_space<vmem_shared>>
      %dma_wait3A_270 = arith.constant 0 : i32
      %dma_wait3A_271 = arith.constant 0 : i32
      %dma_wait3A_272 = tpu.memref_slice %arg11[%run_scoped3A_15, %dma_wait3A_270, %dma_wait3A_271] : memref<5x80x8xf32, #tpu.memory_space<vmem>> -> memref<1x80x8xf32, #tpu.memory_space<vmem>>
      %dma_wait3A_273 = tpu.memref_squeeze %dma_wait3A_272 : memref<1x80x8xf32, #tpu.memory_space<vmem>> -> memref<80x8xf32, #tpu.memory_space<vmem>>
      tpu.wait_dma2 semaphore(%run_scoped3A_249 : memref<!tpu.dma_semaphore, #tpu.memory_space<semaphore_mem>>) src(%dma_wait3A_273 : memref<80x8xf32, #tpu.memory_space<vmem>>) dst(%dma_wait3A_269 : memref<80x8xf32, #tpu.memory_space<vmem_shared>>)
      tpu.yield
    }) : () -> ()
    %mul3A_16 = arith.constant 640 : i32
    %mul3A_17 = arith.muli %arg1, %mul3A_16 : i32
    %add3A_18 = arith.constant 240 : i32
    %add3A_19 = arith.addi %mul3A_17, %add3A_18 : i32
    %run_scoped3A_20 = arith.constant 0 : i32
    "tpu.region"() ({
      %run_scoped3A_249 = tpu.sem_alloc : memref<!tpu.dma_semaphore, #tpu.memory_space<semaphore_mem>>
      %dma_start3A_250 = arith.constant 0 : i32
      %dma_start3A_251 = arith.constant 0 : i32
      %dma_start3A_252 = tpu.memref_slice %arg11[%run_scoped3A_20, %dma_start3A_250, %dma_start3A_251] : memref<5x80x8xf32, #tpu.memory_space<vmem>> -> memref<1x80x8xf32, #tpu.memory_space<vmem>>
      %dma_start3A_253 = tpu.memref_squeeze %dma_start3A_252 : memref<1x80x8xf32, #tpu.memory_space<vmem>> -> memref<80x8xf32, #tpu.memory_space<vmem>>
      %dma_start3A_254 = arith.constant 0 : i32
      %dma_start3A_255 = tpu.memref_slice %arg12[%add3A_19, %dma_start3A_254] : memref<10240x8xf32, #tpu.memory_space<vmem_shared>> -> memref<80x8xf32, #tpu.memory_space<vmem_shared>>
      %dma_start3A_256 = arith.constant 0 : i32
      %dma_start3A_257 = tpu.memref_slice %arg12[%add3A_19, %dma_start3A_256] : memref<10240x8xf32, #tpu.memory_space<vmem_shared>> -> memref<80x8xf32, #tpu.memory_space<vmem_shared>>
      %dma_start3A_258 = arith.constant 0 : i32
      %dma_start3A_259 = arith.constant 0 : i32
      %dma_start3A_260 = tpu.memref_slice %arg11[%run_scoped3A_20, %dma_start3A_258, %dma_start3A_259] : memref<5x80x8xf32, #tpu.memory_space<vmem>> -> memref<1x80x8xf32, #tpu.memory_space<vmem>>
      %dma_start3A_261 = tpu.memref_squeeze %dma_start3A_260 : memref<1x80x8xf32, #tpu.memory_space<vmem>> -> memref<80x8xf32, #tpu.memory_space<vmem>>
      tpu.enqueue_dma source(%dma_start3A_261 : memref<80x8xf32, #tpu.memory_space<vmem>>) target(%dma_start3A_257 : memref<80x8xf32, #tpu.memory_space<vmem_shared>>) target_semaphore(%run_scoped3A_249 : memref<!tpu.dma_semaphore, #tpu.memory_space<semaphore_mem>>)
      %dma_wait3A_262 = arith.constant 0 : i32
      %dma_wait3A_263 = arith.constant 0 : i32
      %dma_wait3A_264 = tpu.memref_slice %arg11[%run_scoped3A_20, %dma_wait3A_262, %dma_wait3A_263] : memref<5x80x8xf32, #tpu.memory_space<vmem>> -> memref<1x80x8xf32, #tpu.memory_space<vmem>>
      %dma_wait3A_265 = tpu.memref_squeeze %dma_wait3A_264 : memref<1x80x8xf32, #tpu.memory_space<vmem>> -> memref<80x8xf32, #tpu.memory_space<vmem>>
      %dma_wait3A_266 = arith.constant 0 : i32
      %dma_wait3A_267 = tpu.memref_slice %arg12[%add3A_19, %dma_wait3A_266] : memref<10240x8xf32, #tpu.memory_space<vmem_shared>> -> memref<80x8xf32, #tpu.memory_space<vmem_shared>>
      %dma_wait3A_268 = arith.constant 0 : i32
      %dma_wait3A_269 = tpu.memref_slice %arg12[%add3A_19, %dma_wait3A_268] : memref<10240x8xf32, #tpu.memory_space<vmem_shared>> -> memref<80x8xf32, #tpu.memory_space<vmem_shared>>
      %dma_wait3A_270 = arith.constant 0 : i32
      %dma_wait3A_271 = arith.constant 0 : i32
      %dma_wait3A_272 = tpu.memref_slice %arg11[%run_scoped3A_20, %dma_wait3A_270, %dma_wait3A_271] : memref<5x80x8xf32, #tpu.memory_space<vmem>> -> memref<1x80x8xf32, #tpu.memory_space<vmem>>
      %dma_wait3A_273 = tpu.memref_squeeze %dma_wait3A_272 : memref<1x80x8xf32, #tpu.memory_space<vmem>> -> memref<80x8xf32, #tpu.memory_space<vmem>>
      tpu.wait_dma2 semaphore(%run_scoped3A_249 : memref<!tpu.dma_semaphore, #tpu.memory_space<semaphore_mem>>) src(%dma_wait3A_273 : memref<80x8xf32, #tpu.memory_space<vmem>>) dst(%dma_wait3A_269 : memref<80x8xf32, #tpu.memory_space<vmem_shared>>)
      tpu.yield
    }) : () -> ()
    %mul3A_21 = arith.constant 640 : i32
    %mul3A_22 = arith.muli %arg1, %mul3A_21 : i32
    %add3A_23 = arith.constant 320 : i32
    %add3A_24 = arith.addi %mul3A_22, %add3A_23 : i32
    %run_scoped3A_25 = arith.constant 0 : i32
    "tpu.region"() ({
      %run_scoped3A_249 = tpu.sem_alloc : memref<!tpu.dma_semaphore, #tpu.memory_space<semaphore_mem>>
      %dma_start3A_250 = arith.constant 0 : i32
      %dma_start3A_251 = arith.constant 0 : i32
      %dma_start3A_252 = tpu.memref_slice %arg11[%run_scoped3A_25, %dma_start3A_250, %dma_start3A_251] : memref<5x80x8xf32, #tpu.memory_space<vmem>> -> memref<1x80x8xf32, #tpu.memory_space<vmem>>
      %dma_start3A_253 = tpu.memref_squeeze %dma_start3A_252 : memref<1x80x8xf32, #tpu.memory_space<vmem>> -> memref<80x8xf32, #tpu.memory_space<vmem>>
      %dma_start3A_254 = arith.constant 0 : i32
      %dma_start3A_255 = tpu.memref_slice %arg12[%add3A_24, %dma_start3A_254] : memref<10240x8xf32, #tpu.memory_space<vmem_shared>> -> memref<80x8xf32, #tpu.memory_space<vmem_shared>>
      %dma_start3A_256 = arith.constant 0 : i32
      %dma_start3A_257 = tpu.memref_slice %arg12[%add3A_24, %dma_start3A_256] : memref<10240x8xf32, #tpu.memory_space<vmem_shared>> -> memref<80x8xf32, #tpu.memory_space<vmem_shared>>
      %dma_start3A_258 = arith.constant 0 : i32
      %dma_start3A_259 = arith.constant 0 : i32
      %dma_start3A_260 = tpu.memref_slice %arg11[%run_scoped3A_25, %dma_start3A_258, %dma_start3A_259] : memref<5x80x8xf32, #tpu.memory_space<vmem>> -> memref<1x80x8xf32, #tpu.memory_space<vmem>>
      %dma_start3A_261 = tpu.memref_squeeze %dma_start3A_260 : memref<1x80x8xf32, #tpu.memory_space<vmem>> -> memref<80x8xf32, #tpu.memory_space<vmem>>
      tpu.enqueue_dma source(%dma_start3A_261 : memref<80x8xf32, #tpu.memory_space<vmem>>) target(%dma_start3A_257 : memref<80x8xf32, #tpu.memory_space<vmem_shared>>) target_semaphore(%run_scoped3A_249 : memref<!tpu.dma_semaphore, #tpu.memory_space<semaphore_mem>>)
      %dma_wait3A_262 = arith.constant 0 : i32
      %dma_wait3A_263 = arith.constant 0 : i32
      %dma_wait3A_264 = tpu.memref_slice %arg11[%run_scoped3A_25, %dma_wait3A_262, %dma_wait3A_263] : memref<5x80x8xf32, #tpu.memory_space<vmem>> -> memref<1x80x8xf32, #tpu.memory_space<vmem>>
      %dma_wait3A_265 = tpu.memref_squeeze %dma_wait3A_264 : memref<1x80x8xf32, #tpu.memory_space<vmem>> -> memref<80x8xf32, #tpu.memory_space<vmem>>
      %dma_wait3A_266 = arith.constant 0 : i32
      %dma_wait3A_267 = tpu.memref_slice %arg12[%add3A_24, %dma_wait3A_266] : memref<10240x8xf32, #tpu.memory_space<vmem_shared>> -> memref<80x8xf32, #tpu.memory_space<vmem_shared>>
      %dma_wait3A_268 = arith.constant 0 : i32
      %dma_wait3A_269 = tpu.memref_slice %arg12[%add3A_24, %dma_wait3A_268] : memref<10240x8xf32, #tpu.memory_space<vmem_shared>> -> memref<80x8xf32, #tpu.memory_space<vmem_shared>>
      %dma_wait3A_270 = arith.constant 0 : i32
      %dma_wait3A_271 = arith.constant 0 : i32
      %dma_wait3A_272 = tpu.memref_slice %arg11[%run_scoped3A_25, %dma_wait3A_270, %dma_wait3A_271] : memref<5x80x8xf32, #tpu.memory_space<vmem>> -> memref<1x80x8xf32, #tpu.memory_space<vmem>>
      %dma_wait3A_273 = tpu.memref_squeeze %dma_wait3A_272 : memref<1x80x8xf32, #tpu.memory_space<vmem>> -> memref<80x8xf32, #tpu.memory_space<vmem>>
      tpu.wait_dma2 semaphore(%run_scoped3A_249 : memref<!tpu.dma_semaphore, #tpu.memory_space<semaphore_mem>>) src(%dma_wait3A_273 : memref<80x8xf32, #tpu.memory_space<vmem>>) dst(%dma_wait3A_269 : memref<80x8xf32, #tpu.memory_space<vmem_shared>>)
      tpu.yield
    }) : () -> ()
    %mul3A_26 = arith.constant 640 : i32
    %mul3A_27 = arith.muli %arg1, %mul3A_26 : i32
    %add3A_28 = arith.constant 400 : i32
    %add3A_29 = arith.addi %mul3A_27, %add3A_28 : i32
    %run_scoped3A_30 = arith.constant 0 : i32
    "tpu.region"() ({
      %run_scoped3A_249 = tpu.sem_alloc : memref<!tpu.dma_semaphore, #tpu.memory_space<semaphore_mem>>
      %dma_start3A_250 = arith.constant 0 : i32
      %dma_start3A_251 = arith.constant 0 : i32
      %dma_start3A_252 = tpu.memref_slice %arg11[%run_scoped3A_30, %dma_start3A_250, %dma_start3A_251] : memref<5x80x8xf32, #tpu.memory_space<vmem>> -> memref<1x80x8xf32, #tpu.memory_space<vmem>>
      %dma_start3A_253 = tpu.memref_squeeze %dma_start3A_252 : memref<1x80x8xf32, #tpu.memory_space<vmem>> -> memref<80x8xf32, #tpu.memory_space<vmem>>
      %dma_start3A_254 = arith.constant 0 : i32
      %dma_start3A_255 = tpu.memref_slice %arg12[%add3A_29, %dma_start3A_254] : memref<10240x8xf32, #tpu.memory_space<vmem_shared>> -> memref<80x8xf32, #tpu.memory_space<vmem_shared>>
      %dma_start3A_256 = arith.constant 0 : i32
      %dma_start3A_257 = tpu.memref_slice %arg12[%add3A_29, %dma_start3A_256] : memref<10240x8xf32, #tpu.memory_space<vmem_shared>> -> memref<80x8xf32, #tpu.memory_space<vmem_shared>>
      %dma_start3A_258 = arith.constant 0 : i32
      %dma_start3A_259 = arith.constant 0 : i32
      %dma_start3A_260 = tpu.memref_slice %arg11[%run_scoped3A_30, %dma_start3A_258, %dma_start3A_259] : memref<5x80x8xf32, #tpu.memory_space<vmem>> -> memref<1x80x8xf32, #tpu.memory_space<vmem>>
      %dma_start3A_261 = tpu.memref_squeeze %dma_start3A_260 : memref<1x80x8xf32, #tpu.memory_space<vmem>> -> memref<80x8xf32, #tpu.memory_space<vmem>>
      tpu.enqueue_dma source(%dma_start3A_261 : memref<80x8xf32, #tpu.memory_space<vmem>>) target(%dma_start3A_257 : memref<80x8xf32, #tpu.memory_space<vmem_shared>>) target_semaphore(%run_scoped3A_249 : memref<!tpu.dma_semaphore, #tpu.memory_space<semaphore_mem>>)
      %dma_wait3A_262 = arith.constant 0 : i32
      %dma_wait3A_263 = arith.constant 0 : i32
      %dma_wait3A_264 = tpu.memref_slice %arg11[%run_scoped3A_30, %dma_wait3A_262, %dma_wait3A_263] : memref<5x80x8xf32, #tpu.memory_space<vmem>> -> memref<1x80x8xf32, #tpu.memory_space<vmem>>
      %dma_wait3A_265 = tpu.memref_squeeze %dma_wait3A_264 : memref<1x80x8xf32, #tpu.memory_space<vmem>> -> memref<80x8xf32, #tpu.memory_space<vmem>>
      %dma_wait3A_266 = arith.constant 0 : i32
      %dma_wait3A_267 = tpu.memref_slice %arg12[%add3A_29, %dma_wait3A_266] : memref<10240x8xf32, #tpu.memory_space<vmem_shared>> -> memref<80x8xf32, #tpu.memory_space<vmem_shared>>
      %dma_wait3A_268 = arith.constant 0 : i32
      %dma_wait3A_269 = tpu.memref_slice %arg12[%add3A_29, %dma_wait3A_268] : memref<10240x8xf32, #tpu.memory_space<vmem_shared>> -> memref<80x8xf32, #tpu.memory_space<vmem_shared>>
      %dma_wait3A_270 = arith.constant 0 : i32
      %dma_wait3A_271 = arith.constant 0 : i32
      %dma_wait3A_272 = tpu.memref_slice %arg11[%run_scoped3A_30, %dma_wait3A_270, %dma_wait3A_271] : memref<5x80x8xf32, #tpu.memory_space<vmem>> -> memref<1x80x8xf32, #tpu.memory_space<vmem>>
      %dma_wait3A_273 = tpu.memref_squeeze %dma_wait3A_272 : memref<1x80x8xf32, #tpu.memory_space<vmem>> -> memref<80x8xf32, #tpu.memory_space<vmem>>
      tpu.wait_dma2 semaphore(%run_scoped3A_249 : memref<!tpu.dma_semaphore, #tpu.memory_space<semaphore_mem>>) src(%dma_wait3A_273 : memref<80x8xf32, #tpu.memory_space<vmem>>) dst(%dma_wait3A_269 : memref<80x8xf32, #tpu.memory_space<vmem_shared>>)
      tpu.yield
    }) : () -> ()
    %mul3A_31 = arith.constant 640 : i32
    %mul3A_32 = arith.muli %arg1, %mul3A_31 : i32
    %add3A_33 = arith.constant 480 : i32
    %add3A_34 = arith.addi %mul3A_32, %add3A_33 : i32
    %run_scoped3A_35 = arith.constant 0 : i32
    "tpu.region"() ({
      %run_scoped3A_249 = tpu.sem_alloc : memref<!tpu.dma_semaphore, #tpu.memory_space<semaphore_mem>>
      %dma_start3A_250 = arith.constant 0 : i32
      %dma_start3A_251 = arith.constant 0 : i32
      %dma_start3A_252 = tpu.memref_slice %arg11[%run_scoped3A_35, %dma_start3A_250, %dma_start3A_251] : memref<5x80x8xf32, #tpu.memory_space<vmem>> -> memref<1x80x8xf32, #tpu.memory_space<vmem>>
      %dma_start3A_253 = tpu.memref_squeeze %dma_start3A_252 : memref<1x80x8xf32, #tpu.memory_space<vmem>> -> memref<80x8xf32, #tpu.memory_space<vmem>>
      %dma_start3A_254 = arith.constant 0 : i32
      %dma_start3A_255 = tpu.memref_slice %arg12[%add3A_34, %dma_start3A_254] : memref<10240x8xf32, #tpu.memory_space<vmem_shared>> -> memref<80x8xf32, #tpu.memory_space<vmem_shared>>
      %dma_start3A_256 = arith.constant 0 : i32
      %dma_start3A_257 = tpu.memref_slice %arg12[%add3A_34, %dma_start3A_256] : memref<10240x8xf32, #tpu.memory_space<vmem_shared>> -> memref<80x8xf32, #tpu.memory_space<vmem_shared>>
      %dma_start3A_258 = arith.constant 0 : i32
      %dma_start3A_259 = arith.constant 0 : i32
      %dma_start3A_260 = tpu.memref_slice %arg11[%run_scoped3A_35, %dma_start3A_258, %dma_start3A_259] : memref<5x80x8xf32, #tpu.memory_space<vmem>> -> memref<1x80x8xf32, #tpu.memory_space<vmem>>
      %dma_start3A_261 = tpu.memref_squeeze %dma_start3A_260 : memref<1x80x8xf32, #tpu.memory_space<vmem>> -> memref<80x8xf32, #tpu.memory_space<vmem>>
      tpu.enqueue_dma source(%dma_start3A_261 : memref<80x8xf32, #tpu.memory_space<vmem>>) target(%dma_start3A_257 : memref<80x8xf32, #tpu.memory_space<vmem_shared>>) target_semaphore(%run_scoped3A_249 : memref<!tpu.dma_semaphore, #tpu.memory_space<semaphore_mem>>)
      %dma_wait3A_262 = arith.constant 0 : i32
      %dma_wait3A_263 = arith.constant 0 : i32
      %dma_wait3A_264 = tpu.memref_slice %arg11[%run_scoped3A_35, %dma_wait3A_262, %dma_wait3A_263] : memref<5x80x8xf32, #tpu.memory_space<vmem>> -> memref<1x80x8xf32, #tpu.memory_space<vmem>>
      %dma_wait3A_265 = tpu.memref_squeeze %dma_wait3A_264 : memref<1x80x8xf32, #tpu.memory_space<vmem>> -> memref<80x8xf32, #tpu.memory_space<vmem>>
      %dma_wait3A_266 = arith.constant 0 : i32
      %dma_wait3A_267 = tpu.memref_slice %arg12[%add3A_34, %dma_wait3A_266] : memref<10240x8xf32, #tpu.memory_space<vmem_shared>> -> memref<80x8xf32, #tpu.memory_space<vmem_shared>>
      %dma_wait3A_268 = arith.constant 0 : i32
      %dma_wait3A_269 = tpu.memref_slice %arg12[%add3A_34, %dma_wait3A_268] : memref<10240x8xf32, #tpu.memory_space<vmem_shared>> -> memref<80x8xf32, #tpu.memory_space<vmem_shared>>
      %dma_wait3A_270 = arith.constant 0 : i32
      %dma_wait3A_271 = arith.constant 0 : i32
      %dma_wait3A_272 = tpu.memref_slice %arg11[%run_scoped3A_35, %dma_wait3A_270, %dma_wait3A_271] : memref<5x80x8xf32, #tpu.memory_space<vmem>> -> memref<1x80x8xf32, #tpu.memory_space<vmem>>
      %dma_wait3A_273 = tpu.memref_squeeze %dma_wait3A_272 : memref<1x80x8xf32, #tpu.memory_space<vmem>> -> memref<80x8xf32, #tpu.memory_space<vmem>>
      tpu.wait_dma2 semaphore(%run_scoped3A_249 : memref<!tpu.dma_semaphore, #tpu.memory_space<semaphore_mem>>) src(%dma_wait3A_273 : memref<80x8xf32, #tpu.memory_space<vmem>>) dst(%dma_wait3A_269 : memref<80x8xf32, #tpu.memory_space<vmem_shared>>)
      tpu.yield
    }) : () -> ()
    %mul3A_36 = arith.constant 640 : i32
    %mul3A_37 = arith.muli %arg1, %mul3A_36 : i32
    %add3A_38 = arith.constant 560 : i32
    %add3A_39 = arith.addi %mul3A_37, %add3A_38 : i32
    %run_scoped3A_40 = arith.constant 0 : i32
    "tpu.region"() ({
      %run_scoped3A_249 = tpu.sem_alloc : memref<!tpu.dma_semaphore, #tpu.memory_space<semaphore_mem>>
      %dma_start3A_250 = arith.constant 0 : i32
      %dma_start3A_251 = arith.constant 0 : i32
      %dma_start3A_252 = tpu.memref_slice %arg11[%run_scoped3A_40, %dma_start3A_250, %dma_start3A_251] : memref<5x80x8xf32, #tpu.memory_space<vmem>> -> memref<1x80x8xf32, #tpu.memory_space<vmem>>
      %dma_start3A_253 = tpu.memref_squeeze %dma_start3A_252 : memref<1x80x8xf32, #tpu.memory_space<vmem>> -> memref<80x8xf32, #tpu.memory_space<vmem>>
      %dma_start3A_254 = arith.constant 0 : i32
      %dma_start3A_255 = tpu.memref_slice %arg12[%add3A_39, %dma_start3A_254] : memref<10240x8xf32, #tpu.memory_space<vmem_shared>> -> memref<80x8xf32, #tpu.memory_space<vmem_shared>>
      %dma_start3A_256 = arith.constant 0 : i32
      %dma_start3A_257 = tpu.memref_slice %arg12[%add3A_39, %dma_start3A_256] : memref<10240x8xf32, #tpu.memory_space<vmem_shared>> -> memref<80x8xf32, #tpu.memory_space<vmem_shared>>
      %dma_start3A_258 = arith.constant 0 : i32
      %dma_start3A_259 = arith.constant 0 : i32
      %dma_start3A_260 = tpu.memref_slice %arg11[%run_scoped3A_40, %dma_start3A_258, %dma_start3A_259] : memref<5x80x8xf32, #tpu.memory_space<vmem>> -> memref<1x80x8xf32, #tpu.memory_space<vmem>>
      %dma_start3A_261 = tpu.memref_squeeze %dma_start3A_260 : memref<1x80x8xf32, #tpu.memory_space<vmem>> -> memref<80x8xf32, #tpu.memory_space<vmem>>
      tpu.enqueue_dma source(%dma_start3A_261 : memref<80x8xf32, #tpu.memory_space<vmem>>) target(%dma_start3A_257 : memref<80x8xf32, #tpu.memory_space<vmem_shared>>) target_semaphore(%run_scoped3A_249 : memref<!tpu.dma_semaphore, #tpu.memory_space<semaphore_mem>>)
      %dma_wait3A_262 = arith.constant 0 : i32
      %dma_wait3A_263 = arith.constant 0 : i32
      %dma_wait3A_264 = tpu.memref_slice %arg11[%run_scoped3A_40, %dma_wait3A_262, %dma_wait3A_263] : memref<5x80x8xf32, #tpu.memory_space<vmem>> -> memref<1x80x8xf32, #tpu.memory_space<vmem>>
      %dma_wait3A_265 = tpu.memref_squeeze %dma_wait3A_264 : memref<1x80x8xf32, #tpu.memory_space<vmem>> -> memref<80x8xf32, #tpu.memory_space<vmem>>
      %dma_wait3A_266 = arith.constant 0 : i32
      %dma_wait3A_267 = tpu.memref_slice %arg12[%add3A_39, %dma_wait3A_266] : memref<10240x8xf32, #tpu.memory_space<vmem_shared>> -> memref<80x8xf32, #tpu.memory_space<vmem_shared>>
      %dma_wait3A_268 = arith.constant 0 : i32
      %dma_wait3A_269 = tpu.memref_slice %arg12[%add3A_39, %dma_wait3A_268] : memref<10240x8xf32, #tpu.memory_space<vmem_shared>> -> memref<80x8xf32, #tpu.memory_space<vmem_shared>>
      %dma_wait3A_270 = arith.constant 0 : i32
      %dma_wait3A_271 = arith.constant 0 : i32
      %dma_wait3A_272 = tpu.memref_slice %arg11[%run_scoped3A_40, %dma_wait3A_270, %dma_wait3A_271] : memref<5x80x8xf32, #tpu.memory_space<vmem>> -> memref<1x80x8xf32, #tpu.memory_space<vmem>>
      %dma_wait3A_273 = tpu.memref_squeeze %dma_wait3A_272 : memref<1x80x8xf32, #tpu.memory_space<vmem>> -> memref<80x8xf32, #tpu.memory_space<vmem>>
      tpu.wait_dma2 semaphore(%run_scoped3A_249 : memref<!tpu.dma_semaphore, #tpu.memory_space<semaphore_mem>>) src(%dma_wait3A_273 : memref<80x8xf32, #tpu.memory_space<vmem>>) dst(%dma_wait3A_269 : memref<80x8xf32, #tpu.memory_space<vmem_shared>>)
      tpu.yield
    }) : () -> ()
    "tpu.region"() ({
      %run_scoped3A_249 = tpu.sem_alloc : memref<!tpu.dma_semaphore, #tpu.memory_space<semaphore_mem>>
      %dma_start3A_250 = arith.constant 0 : i32
      %dma_start3A_251 = arith.constant 0 : i32
      %dma_start3A_252 = tpu.memref_slice %arg2[%add3A, %dma_start3A_250, %dma_start3A_251] : memref<32x250x80xi32, #tpu.memory_space<hbm>> -> memref<1x250x80xi32, #tpu.memory_space<hbm>>
      %dma_start3A_253 = tpu.memref_squeeze %dma_start3A_252 : memref<1x250x80xi32, #tpu.memory_space<hbm>> -> memref<250x80xi32, #tpu.memory_space<hbm>>
      %dma_start3A_254 = arith.constant 0 : i32
      %dma_start3A_255 = arith.constant 0 : i32
      %dma_start3A_256 = tpu.memref_slice %arg2[%add3A, %dma_start3A_254, %dma_start3A_255] : memref<32x250x80xi32, #tpu.memory_space<hbm>> -> memref<1x250x80xi32, #tpu.memory_space<hbm>>
      %dma_start3A_257 = tpu.memref_squeeze %dma_start3A_256 : memref<1x250x80xi32, #tpu.memory_space<hbm>> -> memref<250x80xi32, #tpu.memory_space<hbm>>
      tpu.enqueue_dma source(%dma_start3A_257 : memref<250x80xi32, #tpu.memory_space<hbm>>) target(%arg8 : memref<250x80xi32, #tpu.memory_space<vmem>>) target_semaphore(%run_scoped3A_249 : memref<!tpu.dma_semaphore, #tpu.memory_space<semaphore_mem>>)
      %dma_wait3A_258 = arith.constant 0 : i32
      %dma_wait3A_259 = arith.constant 0 : i32
      %dma_wait3A_260 = tpu.memref_slice %arg2[%add3A, %dma_wait3A_258, %dma_wait3A_259] : memref<32x250x80xi32, #tpu.memory_space<hbm>> -> memref<1x250x80xi32, #tpu.memory_space<hbm>>
      %dma_wait3A_261 = tpu.memref_squeeze %dma_wait3A_260 : memref<1x250x80xi32, #tpu.memory_space<hbm>> -> memref<250x80xi32, #tpu.memory_space<hbm>>
      %dma_wait3A_262 = arith.constant 0 : i32
      %dma_wait3A_263 = arith.constant 0 : i32
      %dma_wait3A_264 = tpu.memref_slice %arg2[%add3A, %dma_wait3A_262, %dma_wait3A_263] : memref<32x250x80xi32, #tpu.memory_space<hbm>> -> memref<1x250x80xi32, #tpu.memory_space<hbm>>
      %dma_wait3A_265 = tpu.memref_squeeze %dma_wait3A_264 : memref<1x250x80xi32, #tpu.memory_space<hbm>> -> memref<250x80xi32, #tpu.memory_space<hbm>>
      tpu.wait_dma2 semaphore(%run_scoped3A_249 : memref<!tpu.dma_semaphore, #tpu.memory_space<semaphore_mem>>) src(%dma_wait3A_265 : memref<250x80xi32, #tpu.memory_space<hbm>>) dst(%arg8 : memref<250x80xi32, #tpu.memory_space<vmem>>)
      tpu.yield
    }) : () -> ()
    "tpu.region"() ({
      %run_scoped3A_249 = tpu.sem_alloc : memref<!tpu.dma_semaphore, #tpu.memory_space<semaphore_mem>>
      %dma_start3A_250 = arith.constant 0 : i32
      %dma_start3A_251 = arith.constant 0 : i32
      %dma_start3A_252 = tpu.memref_slice %arg3[%add3A, %dma_start3A_250, %dma_start3A_251] : memref<32x250x80xi32, #tpu.memory_space<hbm>> -> memref<1x250x80xi32, #tpu.memory_space<hbm>>
      %dma_start3A_253 = tpu.memref_squeeze %dma_start3A_252 : memref<1x250x80xi32, #tpu.memory_space<hbm>> -> memref<250x80xi32, #tpu.memory_space<hbm>>
      %dma_start3A_254 = arith.constant 0 : i32
      %dma_start3A_255 = arith.constant 0 : i32
      %dma_start3A_256 = tpu.memref_slice %arg3[%add3A, %dma_start3A_254, %dma_start3A_255] : memref<32x250x80xi32, #tpu.memory_space<hbm>> -> memref<1x250x80xi32, #tpu.memory_space<hbm>>
      %dma_start3A_257 = tpu.memref_squeeze %dma_start3A_256 : memref<1x250x80xi32, #tpu.memory_space<hbm>> -> memref<250x80xi32, #tpu.memory_space<hbm>>
      tpu.enqueue_dma source(%dma_start3A_257 : memref<250x80xi32, #tpu.memory_space<hbm>>) target(%arg9 : memref<250x80xi32, #tpu.memory_space<vmem>>) target_semaphore(%run_scoped3A_249 : memref<!tpu.dma_semaphore, #tpu.memory_space<semaphore_mem>>)
      %dma_wait3A_258 = arith.constant 0 : i32
      %dma_wait3A_259 = arith.constant 0 : i32
      %dma_wait3A_260 = tpu.memref_slice %arg3[%add3A, %dma_wait3A_258, %dma_wait3A_259] : memref<32x250x80xi32, #tpu.memory_space<hbm>> -> memref<1x250x80xi32, #tpu.memory_space<hbm>>
      %dma_wait3A_261 = tpu.memref_squeeze %dma_wait3A_260 : memref<1x250x80xi32, #tpu.memory_space<hbm>> -> memref<250x80xi32, #tpu.memory_space<hbm>>
      %dma_wait3A_262 = arith.constant 0 : i32
      %dma_wait3A_263 = arith.constant 0 : i32
      %dma_wait3A_264 = tpu.memref_slice %arg3[%add3A, %dma_wait3A_262, %dma_wait3A_263] : memref<32x250x80xi32, #tpu.memory_space<hbm>> -> memref<1x250x80xi32, #tpu.memory_space<hbm>>
      %dma_wait3A_265 = tpu.memref_squeeze %dma_wait3A_264 : memref<1x250x80xi32, #tpu.memory_space<hbm>> -> memref<250x80xi32, #tpu.memory_space<hbm>>
      tpu.wait_dma2 semaphore(%run_scoped3A_249 : memref<!tpu.dma_semaphore, #tpu.memory_space<semaphore_mem>>) src(%dma_wait3A_265 : memref<250x80xi32, #tpu.memory_space<hbm>>) dst(%arg9 : memref<250x80xi32, #tpu.memory_space<vmem>>)
      tpu.yield
    }) : () -> ()
    "tpu.region"() ({
      %run_scoped3A_249 = tpu.sem_alloc : memref<!tpu.dma_semaphore, #tpu.memory_space<semaphore_mem>>
      %dma_start3A_250 = arith.constant 0 : i32
      %dma_start3A_251 = arith.constant 0 : i32
      %dma_start3A_252 = tpu.memref_slice %arg4[%add3A, %dma_start3A_250, %dma_start3A_251] : memref<32x250x80xi32, #tpu.memory_space<hbm>> -> memref<1x250x80xi32, #tpu.memory_space<hbm>>
      %dma_start3A_253 = tpu.memref_squeeze %dma_start3A_252 : memref<1x250x80xi32, #tpu.memory_space<hbm>> -> memref<250x80xi32, #tpu.memory_space<hbm>>
      %dma_start3A_254 = arith.constant 0 : i32
      %dma_start3A_255 = arith.constant 0 : i32
      %dma_start3A_256 = tpu.memref_slice %arg4[%add3A, %dma_start3A_254, %dma_start3A_255] : memref<32x250x80xi32, #tpu.memory_space<hbm>> -> memref<1x250x80xi32, #tpu.memory_space<hbm>>
      %dma_start3A_257 = tpu.memref_squeeze %dma_start3A_256 : memref<1x250x80xi32, #tpu.memory_space<hbm>> -> memref<250x80xi32, #tpu.memory_space<hbm>>
      tpu.enqueue_dma source(%dma_start3A_257 : memref<250x80xi32, #tpu.memory_space<hbm>>) target(%arg10 : memref<250x80xi32, #tpu.memory_space<vmem>>) target_semaphore(%run_scoped3A_249 : memref<!tpu.dma_semaphore, #tpu.memory_space<semaphore_mem>>)
      %dma_wait3A_258 = arith.constant 0 : i32
      %dma_wait3A_259 = arith.constant 0 : i32
      %dma_wait3A_260 = tpu.memref_slice %arg4[%add3A, %dma_wait3A_258, %dma_wait3A_259] : memref<32x250x80xi32, #tpu.memory_space<hbm>> -> memref<1x250x80xi32, #tpu.memory_space<hbm>>
      %dma_wait3A_261 = tpu.memref_squeeze %dma_wait3A_260 : memref<1x250x80xi32, #tpu.memory_space<hbm>> -> memref<250x80xi32, #tpu.memory_space<hbm>>
      %dma_wait3A_262 = arith.constant 0 : i32
      %dma_wait3A_263 = arith.constant 0 : i32
      %dma_wait3A_264 = tpu.memref_slice %arg4[%add3A, %dma_wait3A_262, %dma_wait3A_263] : memref<32x250x80xi32, #tpu.memory_space<hbm>> -> memref<1x250x80xi32, #tpu.memory_space<hbm>>
      %dma_wait3A_265 = tpu.memref_squeeze %dma_wait3A_264 : memref<1x250x80xi32, #tpu.memory_space<hbm>> -> memref<250x80xi32, #tpu.memory_space<hbm>>
      tpu.wait_dma2 semaphore(%run_scoped3A_249 : memref<!tpu.dma_semaphore, #tpu.memory_space<semaphore_mem>>) src(%dma_wait3A_265 : memref<250x80xi32, #tpu.memory_space<hbm>>) dst(%arg10 : memref<250x80xi32, #tpu.memory_space<vmem>>)
      tpu.yield
    }) : () -> ()
    %scan3A = arith.constant 0 : i32
    %scan3A_41 = arith.constant 250 : i32
    %scan3A_42 = arith.addi %scan3A, %scan3A_41 : i32
    %scan3A_43 = arith.constant 1 : i32
    scf.for %scan3A_249 = %scan3A to %scan3A_42 step %scan3A_43  : i32 {
      %mul3A_250 = arith.constant 1 : i32
      %mul3A_251 = arith.muli %scan3A_249, %mul3A_250 : i32
      %add3A_252 = arith.constant 0 : i32
      %add3A_253 = arith.addi %add3A_252, %mul3A_251 : i32
      %get3A = arith.index_cast %add3A_253 : i32 to index
      %get3A_254 = arith.constant 0 : index
      %get3A_255 = tpu.vector_load %arg8[%get3A, %get3A_254] {strides = array<i32>} : memref<250x80xi32, #tpu.memory_space<vmem>>, vector<1x16xi32>,
      %get3A_256 = vector.shape_cast %get3A_255 : vector<1x16xi32> to vector<16xi32>
      %get3A_257 = arith.index_cast %add3A_253 : i32 to index
      %get3A_258 = arith.constant 0 : index
      %get3A_259 = tpu.vector_load %arg9[%get3A_257, %get3A_258] {strides = array<i32>} : memref<250x80xi32, #tpu.memory_space<vmem>>, vector<1x16xi32>,
      %get3A_260 = vector.shape_cast %get3A_259 : vector<1x16xi32> to vector<16xi32>
      %shift_right_arithmetic3A = arith.constant 4 : i32
      %shift_right_arithmetic3A_261 = vector.broadcast %shift_right_arithmetic3A : i32 to vector<16xi32>
      %shift_right_arithmetic3A_262 = arith.shrsi %get3A_260, %shift_right_arithmetic3A_261 : vector<16xi32>
      %mul3A_263 = arith.constant 160000 : i32
      %mul3A_264 = vector.broadcast %mul3A_263 : i32 to vector<16xi32>
      %mul3A_265 = arith.muli %shift_right_arithmetic3A_262, %mul3A_264 : vector<16xi32>
      %shift_left3A = arith.constant 4 : i32
      %shift_left3A_266 = vector.broadcast %shift_left3A : i32 to vector<16xi32>
      %shift_left3A_267 = arith.shli %get3A_256, %shift_left3A_266 : vector<16xi32>
      %add3A_268 = arith.addi %mul3A_265, %shift_left3A_267 : vector<16xi32>
      %and3A = arith.constant 15 : i32
      %and3A_269 = vector.broadcast %and3A : i32 to vector<16xi32>
      %and3A_270 = arith.andi %get3A_260, %and3A_269 : vector<16xi32>
      %add3A_271 = arith.addi %add3A_268, %and3A_270 : vector<16xi32>
      %swap3A = arith.index_cast %add3A_253 : i32 to index
      %swap3A_272 = arith.constant 0 : index
      %swap3A_273 = tpu.vector_load %arg8[%swap3A, %swap3A_272] {strides = array<i32>} : memref<250x80xi32, #tpu.memory_space<vmem>>, vector<1x16xi32>,
      %swap3A_274 = vector.shape_cast %swap3A_273 : vector<1x16xi32> to vector<16xi32>
      %swap3A_275 = vector.shape_cast %add3A_271 : vector<16xi32> to vector<1x16xi32>
      tpu.vector_store %arg8[%swap3A, %swap3A_272], %swap3A_275 {strides = array<i32>} : memref<250x80xi32, #tpu.memory_space<vmem>>, vector<1x16xi32>,
      %get3A_276 = arith.index_cast %add3A_253 : i32 to index
      %get3A_277 = arith.constant 16 : index
      %get3A_278 = tpu.vector_load %arg8[%get3A_276, %get3A_277] {strides = array<i32>} : memref<250x80xi32, #tpu.memory_space<vmem>>, vector<1x16xi32>,
      %get3A_279 = vector.shape_cast %get3A_278 : vector<1x16xi32> to vector<16xi32>
      %get3A_280 = arith.index_cast %add3A_253 : i32 to index
      %get3A_281 = arith.constant 16 : index
      %get3A_282 = tpu.vector_load %arg9[%get3A_280, %get3A_281] {strides = array<i32>} : memref<250x80xi32, #tpu.memory_space<vmem>>, vector<1x16xi32>,
      %get3A_283 = vector.shape_cast %get3A_282 : vector<1x16xi32> to vector<16xi32>
      %shift_right_arithmetic3A_284 = arith.constant 4 : i32
      %shift_right_arithmetic3A_285 = vector.broadcast %shift_right_arithmetic3A_284 : i32 to vector<16xi32>
      %shift_right_arithmetic3A_286 = arith.shrsi %get3A_283, %shift_right_arithmetic3A_285 : vector<16xi32>
      %mul3A_287 = arith.constant 160000 : i32
      %mul3A_288 = vector.broadcast %mul3A_287 : i32 to vector<16xi32>
      %mul3A_289 = arith.muli %shift_right_arithmetic3A_286, %mul3A_288 : vector<16xi32>
      %shift_left3A_290 = arith.constant 4 : i32
      %shift_left3A_291 = vector.broadcast %shift_left3A_290 : i32 to vector<16xi32>
      %shift_left3A_292 = arith.shli %get3A_279, %shift_left3A_291 : vector<16xi32>
      %add3A_293 = arith.addi %mul3A_289, %shift_left3A_292 : vector<16xi32>
      %and3A_294 = arith.constant 15 : i32
      %and3A_295 = vector.broadcast %and3A_294 : i32 to vector<16xi32>
      %and3A_296 = arith.andi %get3A_283, %and3A_295 : vector<16xi32>
      %add3A_297 = arith.addi %add3A_293, %and3A_296 : vector<16xi32>
      %swap3A_298 = arith.index_cast %add3A_253 : i32 to index
      %swap3A_299 = arith.constant 16 : index
      %swap3A_300 = tpu.vector_load %arg8[%swap3A_298, %swap3A_299] {strides = array<i32>} : memref<250x80xi32, #tpu.memory_space<vmem>>, vector<1x16xi32>,
      %swap3A_301 = vector.shape_cast %swap3A_300 : vector<1x16xi32> to vector<16xi32>
      %swap3A_302 = vector.shape_cast %add3A_297 : vector<16xi32> to vector<1x16xi32>
      tpu.vector_store %arg8[%swap3A_298, %swap3A_299], %swap3A_302 {strides = array<i32>} : memref<250x80xi32, #tpu.memory_space<vmem>>, vector<1x16xi32>,
      %get3A_303 = arith.index_cast %add3A_253 : i32 to index
      %get3A_304 = arith.constant 32 : index
      %get3A_305 = tpu.vector_load %arg8[%get3A_303, %get3A_304] {strides = array<i32>} : memref<250x80xi32, #tpu.memory_space<vmem>>, vector<1x16xi32>,
      %get3A_306 = vector.shape_cast %get3A_305 : vector<1x16xi32> to vector<16xi32>
      %get3A_307 = arith.index_cast %add3A_253 : i32 to index
      %get3A_308 = arith.constant 32 : index
      %get3A_309 = tpu.vector_load %arg9[%get3A_307, %get3A_308] {strides = array<i32>} : memref<250x80xi32, #tpu.memory_space<vmem>>, vector<1x16xi32>,
      %get3A_310 = vector.shape_cast %get3A_309 : vector<1x16xi32> to vector<16xi32>
      %shift_right_arithmetic3A_311 = arith.constant 4 : i32
      %shift_right_arithmetic3A_312 = vector.broadcast %shift_right_arithmetic3A_311 : i32 to vector<16xi32>
      %shift_right_arithmetic3A_313 = arith.shrsi %get3A_310, %shift_right_arithmetic3A_312 : vector<16xi32>
      %mul3A_314 = arith.constant 160000 : i32
      %mul3A_315 = vector.broadcast %mul3A_314 : i32 to vector<16xi32>
      %mul3A_316 = arith.muli %shift_right_arithmetic3A_313, %mul3A_315 : vector<16xi32>
      %shift_left3A_317 = arith.constant 4 : i32
      %shift_left3A_318 = vector.broadcast %shift_left3A_317 : i32 to vector<16xi32>
      %shift_left3A_319 = arith.shli %get3A_306, %shift_left3A_318 : vector<16xi32>
      %add3A_320 = arith.addi %mul3A_316, %shift_left3A_319 : vector<16xi32>
      %and3A_321 = arith.constant 15 : i32
      %and3A_322 = vector.broadcast %and3A_321 : i32 to vector<16xi32>
      %and3A_323 = arith.andi %get3A_310, %and3A_322 : vector<16xi32>
      %add3A_324 = arith.addi %add3A_320, %and3A_323 : vector<16xi32>
      %swap3A_325 = arith.index_cast %add3A_253 : i32 to index
      %swap3A_326 = arith.constant 32 : index
      %swap3A_327 = tpu.vector_load %arg8[%swap3A_325, %swap3A_326] {strides = array<i32>} : memref<250x80xi32, #tpu.memory_space<vmem>>, vector<1x16xi32>,
      %swap3A_328 = vector.shape_cast %swap3A_327 : vector<1x16xi32> to vector<16xi32>
      %swap3A_329 = vector.shape_cast %add3A_324 : vector<16xi32> to vector<1x16xi32>
      tpu.vector_store %arg8[%swap3A_325, %swap3A_326], %swap3A_329 {strides = array<i32>} : memref<250x80xi32, #tpu.memory_space<vmem>>, vector<1x16xi32>,
      %get3A_330 = arith.index_cast %add3A_253 : i32 to index
      %get3A_331 = arith.constant 48 : index
      %get3A_332 = tpu.vector_load %arg8[%get3A_330, %get3A_331] {strides = array<i32>} : memref<250x80xi32, #tpu.memory_space<vmem>>, vector<1x16xi32>,
      %get3A_333 = vector.shape_cast %get3A_332 : vector<1x16xi32> to vector<16xi32>
      %get3A_334 = arith.index_cast %add3A_253 : i32 to index
      %get3A_335 = arith.constant 48 : index
      %get3A_336 = tpu.vector_load %arg9[%get3A_334, %get3A_335] {strides = array<i32>} : memref<250x80xi32, #tpu.memory_space<vmem>>, vector<1x16xi32>,
      %get3A_337 = vector.shape_cast %get3A_336 : vector<1x16xi32> to vector<16xi32>
      %shift_right_arithmetic3A_338 = arith.constant 4 : i32
      %shift_right_arithmetic3A_339 = vector.broadcast %shift_right_arithmetic3A_338 : i32 to vector<16xi32>
      %shift_right_arithmetic3A_340 = arith.shrsi %get3A_337, %shift_right_arithmetic3A_339 : vector<16xi32>
      %mul3A_341 = arith.constant 160000 : i32
      %mul3A_342 = vector.broadcast %mul3A_341 : i32 to vector<16xi32>
      %mul3A_343 = arith.muli %shift_right_arithmetic3A_340, %mul3A_342 : vector<16xi32>
      %shift_left3A_344 = arith.constant 4 : i32
      %shift_left3A_345 = vector.broadcast %shift_left3A_344 : i32 to vector<16xi32>
      %shift_left3A_346 = arith.shli %get3A_333, %shift_left3A_345 : vector<16xi32>
      %add3A_347 = arith.addi %mul3A_343, %shift_left3A_346 : vector<16xi32>
      %and3A_348 = arith.constant 15 : i32
      %and3A_349 = vector.broadcast %and3A_348 : i32 to vector<16xi32>
      %and3A_350 = arith.andi %get3A_337, %and3A_349 : vector<16xi32>
      %add3A_351 = arith.addi %add3A_347, %and3A_350 : vector<16xi32>
      %swap3A_352 = arith.index_cast %add3A_253 : i32 to index
      %swap3A_353 = arith.constant 48 : index
      %swap3A_354 = tpu.vector_load %arg8[%swap3A_352, %swap3A_353] {strides = array<i32>} : memref<250x80xi32, #tpu.memory_space<vmem>>, vector<1x16xi32>,
      %swap3A_355 = vector.shape_cast %swap3A_354 : vector<1x16xi32> to vector<16xi32>
      %swap3A_356 = vector.shape_cast %add3A_351 : vector<16xi32> to vector<1x16xi32>
      tpu.vector_store %arg8[%swap3A_352, %swap3A_353], %swap3A_356 {strides = array<i32>} : memref<250x80xi32, #tpu.memory_space<vmem>>, vector<1x16xi32>,
      %get3A_357 = arith.index_cast %add3A_253 : i32 to index
      %get3A_358 = arith.constant 64 : index
      %get3A_359 = tpu.vector_load %arg8[%get3A_357, %get3A_358] {strides = array<i32>} : memref<250x80xi32, #tpu.memory_space<vmem>>, vector<1x16xi32>,
      %get3A_360 = vector.shape_cast %get3A_359 : vector<1x16xi32> to vector<16xi32>
      %get3A_361 = arith.index_cast %add3A_253 : i32 to index
      %get3A_362 = arith.constant 64 : index
      %get3A_363 = tpu.vector_load %arg9[%get3A_361, %get3A_362] {strides = array<i32>} : memref<250x80xi32, #tpu.memory_space<vmem>>, vector<1x16xi32>,
      %get3A_364 = vector.shape_cast %get3A_363 : vector<1x16xi32> to vector<16xi32>
      %shift_right_arithmetic3A_365 = arith.constant 4 : i32
      %shift_right_arithmetic3A_366 = vector.broadcast %shift_right_arithmetic3A_365 : i32 to vector<16xi32>
      %shift_right_arithmetic3A_367 = arith.shrsi %get3A_364, %shift_right_arithmetic3A_366 : vector<16xi32>
      %mul3A_368 = arith.constant 160000 : i32
      %mul3A_369 = vector.broadcast %mul3A_368 : i32 to vector<16xi32>
      %mul3A_370 = arith.muli %shift_right_arithmetic3A_367, %mul3A_369 : vector<16xi32>
      %shift_left3A_371 = arith.constant 4 : i32
      %shift_left3A_372 = vector.broadcast %shift_left3A_371 : i32 to vector<16xi32>
      %shift_left3A_373 = arith.shli %get3A_360, %shift_left3A_372 : vector<16xi32>
      %add3A_374 = arith.addi %mul3A_370, %shift_left3A_373 : vector<16xi32>
      %and3A_375 = arith.constant 15 : i32
      %and3A_376 = vector.broadcast %and3A_375 : i32 to vector<16xi32>
      %and3A_377 = arith.andi %get3A_364, %and3A_376 : vector<16xi32>
      %add3A_378 = arith.addi %add3A_374, %and3A_377 : vector<16xi32>
      %swap3A_379 = arith.index_cast %add3A_253 : i32 to index
      %swap3A_380 = arith.constant 64 : index
      %swap3A_381 = tpu.vector_load %arg8[%swap3A_379, %swap3A_380] {strides = array<i32>} : memref<250x80xi32, #tpu.memory_space<vmem>>, vector<1x16xi32>,
      %swap3A_382 = vector.shape_cast %swap3A_381 : vector<1x16xi32> to vector<16xi32>
      %swap3A_383 = vector.shape_cast %add3A_378 : vector<16xi32> to vector<1x16xi32>
      tpu.vector_store %arg8[%swap3A_379, %swap3A_380], %swap3A_383 {strides = array<i32>} : memref<250x80xi32, #tpu.memory_space<vmem>>, vector<1x16xi32>,
    }
    %scan3A_44 = arith.constant 250 : i32
    %barrier3A = arith.constant 0 : index
    tpu.barrier barrier_id(%barrier3A)
    %dma_start3A = arith.constant 0 : i32
    %dma_start3A_45 = arith.constant 0 : i32
    %dma_start3A_46 = arith.constant 0 : i32
    %dma_start3A_47 = arith.constant 0 : i32
    %dma_start3A_48 = tpu.memref_slice %arg11[%dma_start3A_45, %dma_start3A_46, %dma_start3A_47] : memref<5x80x8xf32, #tpu.memory_space<vmem>> -> memref<1x80x8xf32, #tpu.memory_space<vmem>>
    %dma_start3A_49 = tpu.memref_squeeze %dma_start3A_48 : memref<1x80x8xf32, #tpu.memory_space<vmem>> -> memref<80x8xf32, #tpu.memory_space<vmem>>
    %dma_start3A_50 = arith.constant 0 : i32
    %dma_start3A_51 = tpu.memref_slice %arg8[%dma_start3A, %dma_start3A_50] : memref<250x80xi32, #tpu.memory_space<vmem>> -> memref<1x80xi32, #tpu.memory_space<vmem>>
    %dma_start3A_52 = tpu.memref_squeeze %dma_start3A_51 : memref<1x80xi32, #tpu.memory_space<vmem>> -> memref<80xi32, #tpu.memory_space<vmem>>
    %dma_start3A_53 = arith.constant 0 : i32
    %dma_start3A_54 = arith.constant 0 : i32
    %dma_start3A_55 = tpu.memref_slice %arg6[%dma_start3A_53, %dma_start3A_54] : memref<960000x8xf32, #tpu.memory_space<hbm>> -> memref<960000x8xf32, #tpu.memory_space<hbm>>
    tpu.enqueue_indirect_dma source(%dma_start3A_55 : memref<960000x8xf32, #tpu.memory_space<hbm>>) target(%dma_start3A_49 : memref<80x8xf32, #tpu.memory_space<vmem>>) offsets(%dma_start3A_52 : memref<80xi32, #tpu.memory_space<vmem>>) semaphore(%arg13 : memref<!tpu.dma_semaphore, #tpu.memory_space<semaphore_mem>>)
    %dma_start3A_56 = arith.constant 1 : i32
    %dma_start3A_57 = arith.constant 1 : i32
    %dma_start3A_58 = arith.constant 0 : i32
    %dma_start3A_59 = arith.constant 0 : i32
    %dma_start3A_60 = tpu.memref_slice %arg11[%dma_start3A_57, %dma_start3A_58, %dma_start3A_59] : memref<5x80x8xf32, #tpu.memory_space<vmem>> -> memref<1x80x8xf32, #tpu.memory_space<vmem>>
    %dma_start3A_61 = tpu.memref_squeeze %dma_start3A_60 : memref<1x80x8xf32, #tpu.memory_space<vmem>> -> memref<80x8xf32, #tpu.memory_space<vmem>>
    %dma_start3A_62 = arith.constant 0 : i32
    %dma_start3A_63 = tpu.memref_slice %arg8[%dma_start3A_56, %dma_start3A_62] : memref<250x80xi32, #tpu.memory_space<vmem>> -> memref<1x80xi32, #tpu.memory_space<vmem>>
    %dma_start3A_64 = tpu.memref_squeeze %dma_start3A_63 : memref<1x80xi32, #tpu.memory_space<vmem>> -> memref<80xi32, #tpu.memory_space<vmem>>
    %dma_start3A_65 = arith.constant 0 : i32
    %dma_start3A_66 = arith.constant 0 : i32
    %dma_start3A_67 = tpu.memref_slice %arg6[%dma_start3A_65, %dma_start3A_66] : memref<960000x8xf32, #tpu.memory_space<hbm>> -> memref<960000x8xf32, #tpu.memory_space<hbm>>
    tpu.enqueue_indirect_dma source(%dma_start3A_67 : memref<960000x8xf32, #tpu.memory_space<hbm>>) target(%dma_start3A_61 : memref<80x8xf32, #tpu.memory_space<vmem>>) offsets(%dma_start3A_64 : memref<80xi32, #tpu.memory_space<vmem>>) semaphore(%arg14 : memref<!tpu.dma_semaphore, #tpu.memory_space<semaphore_mem>>)
    %dma_start3A_68 = arith.constant 2 : i32
    %dma_start3A_69 = arith.constant 2 : i32
    %dma_start3A_70 = arith.constant 0 : i32
    %dma_start3A_71 = arith.constant 0 : i32
    %dma_start3A_72 = tpu.memref_slice %arg11[%dma_start3A_69, %dma_start3A_70, %dma_start3A_71] : memref<5x80x8xf32, #tpu.memory_space<vmem>> -> memref<1x80x8xf32, #tpu.memory_space<vmem>>
    %dma_start3A_73 = tpu.memref_squeeze %dma_start3A_72 : memref<1x80x8xf32, #tpu.memory_space<vmem>> -> memref<80x8xf32, #tpu.memory_space<vmem>>
    %dma_start3A_74 = arith.constant 0 : i32
    %dma_start3A_75 = tpu.memref_slice %arg8[%dma_start3A_68, %dma_start3A_74] : memref<250x80xi32, #tpu.memory_space<vmem>> -> memref<1x80xi32, #tpu.memory_space<vmem>>
    %dma_start3A_76 = tpu.memref_squeeze %dma_start3A_75 : memref<1x80xi32, #tpu.memory_space<vmem>> -> memref<80xi32, #tpu.memory_space<vmem>>
    %dma_start3A_77 = arith.constant 0 : i32
    %dma_start3A_78 = arith.constant 0 : i32
    %dma_start3A_79 = tpu.memref_slice %arg6[%dma_start3A_77, %dma_start3A_78] : memref<960000x8xf32, #tpu.memory_space<hbm>> -> memref<960000x8xf32, #tpu.memory_space<hbm>>
    tpu.enqueue_indirect_dma source(%dma_start3A_79 : memref<960000x8xf32, #tpu.memory_space<hbm>>) target(%dma_start3A_73 : memref<80x8xf32, #tpu.memory_space<vmem>>) offsets(%dma_start3A_76 : memref<80xi32, #tpu.memory_space<vmem>>) semaphore(%arg15 : memref<!tpu.dma_semaphore, #tpu.memory_space<semaphore_mem>>)
    %dma_start3A_80 = arith.constant 3 : i32
    %dma_start3A_81 = arith.constant 3 : i32
    %dma_start3A_82 = arith.constant 0 : i32
    %dma_start3A_83 = arith.constant 0 : i32
    %dma_start3A_84 = tpu.memref_slice %arg11[%dma_start3A_81, %dma_start3A_82, %dma_start3A_83] : memref<5x80x8xf32, #tpu.memory_space<vmem>> -> memref<1x80x8xf32, #tpu.memory_space<vmem>>
    %dma_start3A_85 = tpu.memref_squeeze %dma_start3A_84 : memref<1x80x8xf32, #tpu.memory_space<vmem>> -> memref<80x8xf32, #tpu.memory_space<vmem>>
    %dma_start3A_86 = arith.constant 0 : i32
    %dma_start3A_87 = tpu.memref_slice %arg8[%dma_start3A_80, %dma_start3A_86] : memref<250x80xi32, #tpu.memory_space<vmem>> -> memref<1x80xi32, #tpu.memory_space<vmem>>
    %dma_start3A_88 = tpu.memref_squeeze %dma_start3A_87 : memref<1x80xi32, #tpu.memory_space<vmem>> -> memref<80xi32, #tpu.memory_space<vmem>>
    %dma_start3A_89 = arith.constant 0 : i32
    %dma_start3A_90 = arith.constant 0 : i32
    %dma_start3A_91 = tpu.memref_slice %arg6[%dma_start3A_89, %dma_start3A_90] : memref<960000x8xf32, #tpu.memory_space<hbm>> -> memref<960000x8xf32, #tpu.memory_space<hbm>>
    tpu.enqueue_indirect_dma source(%dma_start3A_91 : memref<960000x8xf32, #tpu.memory_space<hbm>>) target(%dma_start3A_85 : memref<80x8xf32, #tpu.memory_space<vmem>>) offsets(%dma_start3A_88 : memref<80xi32, #tpu.memory_space<vmem>>) semaphore(%arg16 : memref<!tpu.dma_semaphore, #tpu.memory_space<semaphore_mem>>)
    %dma_start3A_92 = arith.constant 4 : i32
    %dma_start3A_93 = arith.constant 4 : i32
    %dma_start3A_94 = arith.constant 0 : i32
    %dma_start3A_95 = arith.constant 0 : i32
    %dma_start3A_96 = tpu.memref_slice %arg11[%dma_start3A_93, %dma_start3A_94, %dma_start3A_95] : memref<5x80x8xf32, #tpu.memory_space<vmem>> -> memref<1x80x8xf32, #tpu.memory_space<vmem>>
    %dma_start3A_97 = tpu.memref_squeeze %dma_start3A_96 : memref<1x80x8xf32, #tpu.memory_space<vmem>> -> memref<80x8xf32, #tpu.memory_space<vmem>>
    %dma_start3A_98 = arith.constant 0 : i32
    %dma_start3A_99 = tpu.memref_slice %arg8[%dma_start3A_92, %dma_start3A_98] : memref<250x80xi32, #tpu.memory_space<vmem>> -> memref<1x80xi32, #tpu.memory_space<vmem>>
    %dma_start3A_100 = tpu.memref_squeeze %dma_start3A_99 : memref<1x80xi32, #tpu.memory_space<vmem>> -> memref<80xi32, #tpu.memory_space<vmem>>
    %dma_start3A_101 = arith.constant 0 : i32
    %dma_start3A_102 = arith.constant 0 : i32
    %dma_start3A_103 = tpu.memref_slice %arg6[%dma_start3A_101, %dma_start3A_102] : memref<960000x8xf32, #tpu.memory_space<hbm>> -> memref<960000x8xf32, #tpu.memory_space<hbm>>
    tpu.enqueue_indirect_dma source(%dma_start3A_103 : memref<960000x8xf32, #tpu.memory_space<hbm>>) target(%dma_start3A_97 : memref<80x8xf32, #tpu.memory_space<vmem>>) offsets(%dma_start3A_100 : memref<80xi32, #tpu.memory_space<vmem>>) semaphore(%arg17 : memref<!tpu.dma_semaphore, #tpu.memory_space<semaphore_mem>>)
    %scan3A_104 = arith.constant 0 : i32
    %scan3A_105 = arith.constant 50 : i32
    %scan3A_106 = arith.addi %scan3A_104, %scan3A_105 : i32
    %scan3A_107 = arith.constant 1 : i32
    scf.for %scan3A_249 = %scan3A_104 to %scan3A_106 step %scan3A_107  : i32 {
      %mul3A_250 = arith.constant 5 : i32
      %mul3A_251 = arith.muli %scan3A_249, %mul3A_250 : i32
      %add3A_252 = arith.constant 0 : i32
      %add3A_253 = arith.addi %add3A_252, %mul3A_251 : i32
      %add3A_254 = arith.constant 0 : i32
      %add3A_255 = arith.addi %add3A_253, %add3A_254 : i32
      %dma_wait3A_256 = arith.constant 0 : i32
      %dma_wait3A_257 = arith.constant 0 : i32
      %dma_wait3A_258 = arith.constant 0 : i32
      %dma_wait3A_259 = tpu.memref_slice %arg11[%dma_wait3A_256, %dma_wait3A_257, %dma_wait3A_258] : memref<5x80x8xf32, #tpu.memory_space<vmem>> -> memref<1x80x8xf32, #tpu.memory_space<vmem>>
      %dma_wait3A_260 = tpu.memref_squeeze %dma_wait3A_259 : memref<1x80x8xf32, #tpu.memory_space<vmem>> -> memref<80x8xf32, #tpu.memory_space<vmem>>
      %dma_wait3A_261 = arith.constant 0 : i32
      %dma_wait3A_262 = tpu.memref_slice %arg8[%add3A_255, %dma_wait3A_261] : memref<250x80xi32, #tpu.memory_space<vmem>> -> memref<1x80xi32, #tpu.memory_space<vmem>>
      %dma_wait3A_263 = tpu.memref_squeeze %dma_wait3A_262 : memref<1x80xi32, #tpu.memory_space<vmem>> -> memref<80xi32, #tpu.memory_space<vmem>>
      %dma_wait3A_264 = arith.constant 0 : i32
      %dma_wait3A_265 = arith.constant 0 : i32
      %dma_wait3A_266 = tpu.memref_slice %arg6[%dma_wait3A_264, %dma_wait3A_265] : memref<960000x8xf32, #tpu.memory_space<hbm>> -> memref<960000x8xf32, #tpu.memory_space<hbm>>
      tpu.wait_indirect_dma semaphore(%arg13 : memref<!tpu.dma_semaphore, #tpu.memory_space<semaphore_mem>>) src(%dma_wait3A_266 : memref<960000x8xf32, #tpu.memory_space<hbm>>) dst(%dma_wait3A_260 : memref<80x8xf32, #tpu.memory_space<vmem>>)
      %add3A_267 = arith.constant 0 : i32
      %add3A_268 = arith.addi %add3A_253, %add3A_267 : i32
      %dma_start3A_269 = arith.constant 0 : i32
      %dma_start3A_270 = arith.constant 0 : i32
      %dma_start3A_271 = arith.constant 0 : i32
      %dma_start3A_272 = tpu.memref_slice %arg11[%dma_start3A_269, %dma_start3A_270, %dma_start3A_271] : memref<5x80x8xf32, #tpu.memory_space<vmem>> -> memref<1x80x8xf32, #tpu.memory_space<vmem>>
      %dma_start3A_273 = tpu.memref_squeeze %dma_start3A_272 : memref<1x80x8xf32, #tpu.memory_space<vmem>> -> memref<80x8xf32, #tpu.memory_space<vmem>>
      %dma_start3A_274 = arith.constant 0 : i32
      %dma_start3A_275 = tpu.memref_slice %arg10[%add3A_268, %dma_start3A_274] : memref<250x80xi32, #tpu.memory_space<vmem>> -> memref<1x80xi32, #tpu.memory_space<vmem>>
      %dma_start3A_276 = tpu.memref_squeeze %dma_start3A_275 : memref<1x80xi32, #tpu.memory_space<vmem>> -> memref<80xi32, #tpu.memory_space<vmem>>
      %dma_start3A_277 = arith.constant 0 : i32
      %dma_start3A_278 = arith.constant 0 : i32
      %dma_start3A_279 = tpu.memref_slice %arg12[%dma_start3A_277, %dma_start3A_278] : memref<10240x8xf32, #tpu.memory_space<vmem_shared>> -> memref<10240x8xf32, #tpu.memory_space<vmem_shared>>
      tpu.enqueue_indirect_dma source(%dma_start3A_273 : memref<80x8xf32, #tpu.memory_space<vmem>>) target(%dma_start3A_279 : memref<10240x8xf32, #tpu.memory_space<vmem_shared>>) offsets(%dma_start3A_276 : memref<80xi32, #tpu.memory_space<vmem>>) semaphore(%arg18 : memref<!tpu.dma_semaphore, #tpu.memory_space<semaphore_mem>>) {add = true}
      %add3A_280 = arith.constant 0 : i32
      %add3A_281 = arith.addi %add3A_253, %add3A_280 : i32
      %add3A_282 = arith.constant 5 : i32
      %add3A_283 = arith.addi %add3A_281, %add3A_282 : i32
      %lt3A = arith.constant 250 : i32
      %lt3A_284 = arith.cmpi slt, %add3A_283, %lt3A : i32
      %convert_element_type3A = arith.extui %lt3A_284 : i1 to i32
      %cond3A = arith.constant 0 : i32
      %cond3A_285 = arith.cmpi ne, %convert_element_type3A, %cond3A : i32
      scf.if %cond3A_285 {
        %add3A_426 = arith.constant 0 : i32
        %add3A_427 = arith.addi %add3A_253, %add3A_426 : i32
        %dma_wait3A_428 = arith.constant 0 : i32
        %dma_wait3A_429 = arith.constant 0 : i32
        %dma_wait3A_430 = arith.constant 0 : i32
        %dma_wait3A_431 = tpu.memref_slice %arg11[%dma_wait3A_428, %dma_wait3A_429, %dma_wait3A_430] : memref<5x80x8xf32, #tpu.memory_space<vmem>> -> memref<1x80x8xf32, #tpu.memory_space<vmem>>
        %dma_wait3A_432 = tpu.memref_squeeze %dma_wait3A_431 : memref<1x80x8xf32, #tpu.memory_space<vmem>> -> memref<80x8xf32, #tpu.memory_space<vmem>>
        %dma_wait3A_433 = arith.constant 0 : i32
        %dma_wait3A_434 = tpu.memref_slice %arg10[%add3A_427, %dma_wait3A_433] : memref<250x80xi32, #tpu.memory_space<vmem>> -> memref<1x80xi32, #tpu.memory_space<vmem>>
        %dma_wait3A_435 = tpu.memref_squeeze %dma_wait3A_434 : memref<1x80xi32, #tpu.memory_space<vmem>> -> memref<80xi32, #tpu.memory_space<vmem>>
        %dma_wait3A_436 = arith.constant 0 : i32
        %dma_wait3A_437 = arith.constant 0 : i32
        %dma_wait3A_438 = tpu.memref_slice %arg12[%dma_wait3A_436, %dma_wait3A_437] : memref<10240x8xf32, #tpu.memory_space<vmem_shared>> -> memref<10240x8xf32, #tpu.memory_space<vmem_shared>>
        tpu.wait_indirect_dma semaphore(%arg18 : memref<!tpu.dma_semaphore, #tpu.memory_space<semaphore_mem>>) src(%dma_wait3A_432 : memref<80x8xf32, #tpu.memory_space<vmem>>) dst(%dma_wait3A_438 : memref<10240x8xf32, #tpu.memory_space<vmem_shared>>)
        %add3A_439 = arith.constant 0 : i32
        %add3A_440 = arith.addi %add3A_253, %add3A_439 : i32
        %add3A_441 = arith.constant 5 : i32
        %add3A_442 = arith.addi %add3A_440, %add3A_441 : i32
        %dma_start3A_443 = arith.constant 0 : i32
        %dma_start3A_444 = arith.constant 0 : i32
        %dma_start3A_445 = arith.constant 0 : i32
        %dma_start3A_446 = tpu.memref_slice %arg11[%dma_start3A_443, %dma_start3A_444, %dma_start3A_445] : memref<5x80x8xf32, #tpu.memory_space<vmem>> -> memref<1x80x8xf32, #tpu.memory_space<vmem>>
        %dma_start3A_447 = tpu.memref_squeeze %dma_start3A_446 : memref<1x80x8xf32, #tpu.memory_space<vmem>> -> memref<80x8xf32, #tpu.memory_space<vmem>>
        %dma_start3A_448 = arith.constant 0 : i32
        %dma_start3A_449 = tpu.memref_slice %arg8[%add3A_442, %dma_start3A_448] : memref<250x80xi32, #tpu.memory_space<vmem>> -> memref<1x80xi32, #tpu.memory_space<vmem>>
        %dma_start3A_450 = tpu.memref_squeeze %dma_start3A_449 : memref<1x80xi32, #tpu.memory_space<vmem>> -> memref<80xi32, #tpu.memory_space<vmem>>
        %dma_start3A_451 = arith.constant 0 : i32
        %dma_start3A_452 = arith.constant 0 : i32
        %dma_start3A_453 = tpu.memref_slice %arg6[%dma_start3A_451, %dma_start3A_452] : memref<960000x8xf32, #tpu.memory_space<hbm>> -> memref<960000x8xf32, #tpu.memory_space<hbm>>
        tpu.enqueue_indirect_dma source(%dma_start3A_453 : memref<960000x8xf32, #tpu.memory_space<hbm>>) target(%dma_start3A_447 : memref<80x8xf32, #tpu.memory_space<vmem>>) offsets(%dma_start3A_450 : memref<80xi32, #tpu.memory_space<vmem>>) semaphore(%arg13 : memref<!tpu.dma_semaphore, #tpu.memory_space<semaphore_mem>>)
      } else {
      }
      %add3A_286 = arith.constant 1 : i32
      %add3A_287 = arith.addi %add3A_253, %add3A_286 : i32
      %dma_wait3A_288 = arith.constant 1 : i32
      %dma_wait3A_289 = arith.constant 0 : i32
      %dma_wait3A_290 = arith.constant 0 : i32
      %dma_wait3A_291 = tpu.memref_slice %arg11[%dma_wait3A_288, %dma_wait3A_289, %dma_wait3A_290] : memref<5x80x8xf32, #tpu.memory_space<vmem>> -> memref<1x80x8xf32, #tpu.memory_space<vmem>>
      %dma_wait3A_292 = tpu.memref_squeeze %dma_wait3A_291 : memref<1x80x8xf32, #tpu.memory_space<vmem>> -> memref<80x8xf32, #tpu.memory_space<vmem>>
      %dma_wait3A_293 = arith.constant 0 : i32
      %dma_wait3A_294 = tpu.memref_slice %arg8[%add3A_287, %dma_wait3A_293] : memref<250x80xi32, #tpu.memory_space<vmem>> -> memref<1x80xi32, #tpu.memory_space<vmem>>
      %dma_wait3A_295 = tpu.memref_squeeze %dma_wait3A_294 : memref<1x80xi32, #tpu.memory_space<vmem>> -> memref<80xi32, #tpu.memory_space<vmem>>
      %dma_wait3A_296 = arith.constant 0 : i32
      %dma_wait3A_297 = arith.constant 0 : i32
      %dma_wait3A_298 = tpu.memref_slice %arg6[%dma_wait3A_296, %dma_wait3A_297] : memref<960000x8xf32, #tpu.memory_space<hbm>> -> memref<960000x8xf32, #tpu.memory_space<hbm>>
      tpu.wait_indirect_dma semaphore(%arg14 : memref<!tpu.dma_semaphore, #tpu.memory_space<semaphore_mem>>) src(%dma_wait3A_298 : memref<960000x8xf32, #tpu.memory_space<hbm>>) dst(%dma_wait3A_292 : memref<80x8xf32, #tpu.memory_space<vmem>>)
      %add3A_299 = arith.constant 1 : i32
      %add3A_300 = arith.addi %add3A_253, %add3A_299 : i32
      %dma_start3A_301 = arith.constant 1 : i32
      %dma_start3A_302 = arith.constant 0 : i32
      %dma_start3A_303 = arith.constant 0 : i32
      %dma_start3A_304 = tpu.memref_slice %arg11[%dma_start3A_301, %dma_start3A_302, %dma_start3A_303] : memref<5x80x8xf32, #tpu.memory_space<vmem>> -> memref<1x80x8xf32, #tpu.memory_space<vmem>>
      %dma_start3A_305 = tpu.memref_squeeze %dma_start3A_304 : memref<1x80x8xf32, #tpu.memory_space<vmem>> -> memref<80x8xf32, #tpu.memory_space<vmem>>
      %dma_start3A_306 = arith.constant 0 : i32
      %dma_start3A_307 = tpu.memref_slice %arg10[%add3A_300, %dma_start3A_306] : memref<250x80xi32, #tpu.memory_space<vmem>> -> memref<1x80xi32, #tpu.memory_space<vmem>>
      %dma_start3A_308 = tpu.memref_squeeze %dma_start3A_307 : memref<1x80xi32, #tpu.memory_space<vmem>> -> memref<80xi32, #tpu.memory_space<vmem>>
      %dma_start3A_309 = arith.constant 0 : i32
      %dma_start3A_310 = arith.constant 0 : i32
      %dma_start3A_311 = tpu.memref_slice %arg12[%dma_start3A_309, %dma_start3A_310] : memref<10240x8xf32, #tpu.memory_space<vmem_shared>> -> memref<10240x8xf32, #tpu.memory_space<vmem_shared>>
      tpu.enqueue_indirect_dma source(%dma_start3A_305 : memref<80x8xf32, #tpu.memory_space<vmem>>) target(%dma_start3A_311 : memref<10240x8xf32, #tpu.memory_space<vmem_shared>>) offsets(%dma_start3A_308 : memref<80xi32, #tpu.memory_space<vmem>>) semaphore(%arg19 : memref<!tpu.dma_semaphore, #tpu.memory_space<semaphore_mem>>) {add = true}
      %add3A_312 = arith.constant 1 : i32
      %add3A_313 = arith.addi %add3A_253, %add3A_312 : i32
      %add3A_314 = arith.constant 5 : i32
      %add3A_315 = arith.addi %add3A_313, %add3A_314 : i32
      %lt3A_316 = arith.constant 250 : i32
      %lt3A_317 = arith.cmpi slt, %add3A_315, %lt3A_316 : i32
      %convert_element_type3A_318 = arith.extui %lt3A_317 : i1 to i32
      %cond3A_319 = arith.constant 0 : i32
      %cond3A_320 = arith.cmpi ne, %convert_element_type3A_318, %cond3A_319 : i32
      scf.if %cond3A_320 {
        %add3A_426 = arith.constant 1 : i32
        %add3A_427 = arith.addi %add3A_253, %add3A_426 : i32
        %dma_wait3A_428 = arith.constant 1 : i32
        %dma_wait3A_429 = arith.constant 0 : i32
        %dma_wait3A_430 = arith.constant 0 : i32
        %dma_wait3A_431 = tpu.memref_slice %arg11[%dma_wait3A_428, %dma_wait3A_429, %dma_wait3A_430] : memref<5x80x8xf32, #tpu.memory_space<vmem>> -> memref<1x80x8xf32, #tpu.memory_space<vmem>>
        %dma_wait3A_432 = tpu.memref_squeeze %dma_wait3A_431 : memref<1x80x8xf32, #tpu.memory_space<vmem>> -> memref<80x8xf32, #tpu.memory_space<vmem>>
        %dma_wait3A_433 = arith.constant 0 : i32
        %dma_wait3A_434 = tpu.memref_slice %arg10[%add3A_427, %dma_wait3A_433] : memref<250x80xi32, #tpu.memory_space<vmem>> -> memref<1x80xi32, #tpu.memory_space<vmem>>
        %dma_wait3A_435 = tpu.memref_squeeze %dma_wait3A_434 : memref<1x80xi32, #tpu.memory_space<vmem>> -> memref<80xi32, #tpu.memory_space<vmem>>
        %dma_wait3A_436 = arith.constant 0 : i32
        %dma_wait3A_437 = arith.constant 0 : i32
        %dma_wait3A_438 = tpu.memref_slice %arg12[%dma_wait3A_436, %dma_wait3A_437] : memref<10240x8xf32, #tpu.memory_space<vmem_shared>> -> memref<10240x8xf32, #tpu.memory_space<vmem_shared>>
        tpu.wait_indirect_dma semaphore(%arg19 : memref<!tpu.dma_semaphore, #tpu.memory_space<semaphore_mem>>) src(%dma_wait3A_432 : memref<80x8xf32, #tpu.memory_space<vmem>>) dst(%dma_wait3A_438 : memref<10240x8xf32, #tpu.memory_space<vmem_shared>>)
        %add3A_439 = arith.constant 1 : i32
        %add3A_440 = arith.addi %add3A_253, %add3A_439 : i32
        %add3A_441 = arith.constant 5 : i32
        %add3A_442 = arith.addi %add3A_440, %add3A_441 : i32
        %dma_start3A_443 = arith.constant 1 : i32
        %dma_start3A_444 = arith.constant 0 : i32
        %dma_start3A_445 = arith.constant 0 : i32
        %dma_start3A_446 = tpu.memref_slice %arg11[%dma_start3A_443, %dma_start3A_444, %dma_start3A_445] : memref<5x80x8xf32, #tpu.memory_space<vmem>> -> memref<1x80x8xf32, #tpu.memory_space<vmem>>
        %dma_start3A_447 = tpu.memref_squeeze %dma_start3A_446 : memref<1x80x8xf32, #tpu.memory_space<vmem>> -> memref<80x8xf32, #tpu.memory_space<vmem>>
        %dma_start3A_448 = arith.constant 0 : i32
        %dma_start3A_449 = tpu.memref_slice %arg8[%add3A_442, %dma_start3A_448] : memref<250x80xi32, #tpu.memory_space<vmem>> -> memref<1x80xi32, #tpu.memory_space<vmem>>
        %dma_start3A_450 = tpu.memref_squeeze %dma_start3A_449 : memref<1x80xi32, #tpu.memory_space<vmem>> -> memref<80xi32, #tpu.memory_space<vmem>>
        %dma_start3A_451 = arith.constant 0 : i32
        %dma_start3A_452 = arith.constant 0 : i32
        %dma_start3A_453 = tpu.memref_slice %arg6[%dma_start3A_451, %dma_start3A_452] : memref<960000x8xf32, #tpu.memory_space<hbm>> -> memref<960000x8xf32, #tpu.memory_space<hbm>>
        tpu.enqueue_indirect_dma source(%dma_start3A_453 : memref<960000x8xf32, #tpu.memory_space<hbm>>) target(%dma_start3A_447 : memref<80x8xf32, #tpu.memory_space<vmem>>) offsets(%dma_start3A_450 : memref<80xi32, #tpu.memory_space<vmem>>) semaphore(%arg14 : memref<!tpu.dma_semaphore, #tpu.memory_space<semaphore_mem>>)
      } else {
      }
      %add3A_321 = arith.constant 2 : i32
      %add3A_322 = arith.addi %add3A_253, %add3A_321 : i32
      %dma_wait3A_323 = arith.constant 2 : i32
      %dma_wait3A_324 = arith.constant 0 : i32
      %dma_wait3A_325 = arith.constant 0 : i32
      %dma_wait3A_326 = tpu.memref_slice %arg11[%dma_wait3A_323, %dma_wait3A_324, %dma_wait3A_325] : memref<5x80x8xf32, #tpu.memory_space<vmem>> -> memref<1x80x8xf32, #tpu.memory_space<vmem>>
      %dma_wait3A_327 = tpu.memref_squeeze %dma_wait3A_326 : memref<1x80x8xf32, #tpu.memory_space<vmem>> -> memref<80x8xf32, #tpu.memory_space<vmem>>
      %dma_wait3A_328 = arith.constant 0 : i32
      %dma_wait3A_329 = tpu.memref_slice %arg8[%add3A_322, %dma_wait3A_328] : memref<250x80xi32, #tpu.memory_space<vmem>> -> memref<1x80xi32, #tpu.memory_space<vmem>>
      %dma_wait3A_330 = tpu.memref_squeeze %dma_wait3A_329 : memref<1x80xi32, #tpu.memory_space<vmem>> -> memref<80xi32, #tpu.memory_space<vmem>>
      %dma_wait3A_331 = arith.constant 0 : i32
      %dma_wait3A_332 = arith.constant 0 : i32
      %dma_wait3A_333 = tpu.memref_slice %arg6[%dma_wait3A_331, %dma_wait3A_332] : memref<960000x8xf32, #tpu.memory_space<hbm>> -> memref<960000x8xf32, #tpu.memory_space<hbm>>
      tpu.wait_indirect_dma semaphore(%arg15 : memref<!tpu.dma_semaphore, #tpu.memory_space<semaphore_mem>>) src(%dma_wait3A_333 : memref<960000x8xf32, #tpu.memory_space<hbm>>) dst(%dma_wait3A_327 : memref<80x8xf32, #tpu.memory_space<vmem>>)
      %add3A_334 = arith.constant 2 : i32
      %add3A_335 = arith.addi %add3A_253, %add3A_334 : i32
      %dma_start3A_336 = arith.constant 2 : i32
      %dma_start3A_337 = arith.constant 0 : i32
      %dma_start3A_338 = arith.constant 0 : i32
      %dma_start3A_339 = tpu.memref_slice %arg11[%dma_start3A_336, %dma_start3A_337, %dma_start3A_338] : memref<5x80x8xf32, #tpu.memory_space<vmem>> -> memref<1x80x8xf32, #tpu.memory_space<vmem>>
      %dma_start3A_340 = tpu.memref_squeeze %dma_start3A_339 : memref<1x80x8xf32, #tpu.memory_space<vmem>> -> memref<80x8xf32, #tpu.memory_space<vmem>>
      %dma_start3A_341 = arith.constant 0 : i32
      %dma_start3A_342 = tpu.memref_slice %arg10[%add3A_335, %dma_start3A_341] : memref<250x80xi32, #tpu.memory_space<vmem>> -> memref<1x80xi32, #tpu.memory_space<vmem>>
      %dma_start3A_343 = tpu.memref_squeeze %dma_start3A_342 : memref<1x80xi32, #tpu.memory_space<vmem>> -> memref<80xi32, #tpu.memory_space<vmem>>
      %dma_start3A_344 = arith.constant 0 : i32
      %dma_start3A_345 = arith.constant 0 : i32
      %dma_start3A_346 = tpu.memref_slice %arg12[%dma_start3A_344, %dma_start3A_345] : memref<10240x8xf32, #tpu.memory_space<vmem_shared>> -> memref<10240x8xf32, #tpu.memory_space<vmem_shared>>
      tpu.enqueue_indirect_dma source(%dma_start3A_340 : memref<80x8xf32, #tpu.memory_space<vmem>>) target(%dma_start3A_346 : memref<10240x8xf32, #tpu.memory_space<vmem_shared>>) offsets(%dma_start3A_343 : memref<80xi32, #tpu.memory_space<vmem>>) semaphore(%arg20 : memref<!tpu.dma_semaphore, #tpu.memory_space<semaphore_mem>>) {add = true}
      %add3A_347 = arith.constant 2 : i32
      %add3A_348 = arith.addi %add3A_253, %add3A_347 : i32
      %add3A_349 = arith.constant 5 : i32
      %add3A_350 = arith.addi %add3A_348, %add3A_349 : i32
      %lt3A_351 = arith.constant 250 : i32
      %lt3A_352 = arith.cmpi slt, %add3A_350, %lt3A_351 : i32
      %convert_element_type3A_353 = arith.extui %lt3A_352 : i1 to i32
      %cond3A_354 = arith.constant 0 : i32
      %cond3A_355 = arith.cmpi ne, %convert_element_type3A_353, %cond3A_354 : i32
      scf.if %cond3A_355 {
        %add3A_426 = arith.constant 2 : i32
        %add3A_427 = arith.addi %add3A_253, %add3A_426 : i32
        %dma_wait3A_428 = arith.constant 2 : i32
        %dma_wait3A_429 = arith.constant 0 : i32
        %dma_wait3A_430 = arith.constant 0 : i32
        %dma_wait3A_431 = tpu.memref_slice %arg11[%dma_wait3A_428, %dma_wait3A_429, %dma_wait3A_430] : memref<5x80x8xf32, #tpu.memory_space<vmem>> -> memref<1x80x8xf32, #tpu.memory_space<vmem>>
        %dma_wait3A_432 = tpu.memref_squeeze %dma_wait3A_431 : memref<1x80x8xf32, #tpu.memory_space<vmem>> -> memref<80x8xf32, #tpu.memory_space<vmem>>
        %dma_wait3A_433 = arith.constant 0 : i32
        %dma_wait3A_434 = tpu.memref_slice %arg10[%add3A_427, %dma_wait3A_433] : memref<250x80xi32, #tpu.memory_space<vmem>> -> memref<1x80xi32, #tpu.memory_space<vmem>>
        %dma_wait3A_435 = tpu.memref_squeeze %dma_wait3A_434 : memref<1x80xi32, #tpu.memory_space<vmem>> -> memref<80xi32, #tpu.memory_space<vmem>>
        %dma_wait3A_436 = arith.constant 0 : i32
        %dma_wait3A_437 = arith.constant 0 : i32
        %dma_wait3A_438 = tpu.memref_slice %arg12[%dma_wait3A_436, %dma_wait3A_437] : memref<10240x8xf32, #tpu.memory_space<vmem_shared>> -> memref<10240x8xf32, #tpu.memory_space<vmem_shared>>
        tpu.wait_indirect_dma semaphore(%arg20 : memref<!tpu.dma_semaphore, #tpu.memory_space<semaphore_mem>>) src(%dma_wait3A_432 : memref<80x8xf32, #tpu.memory_space<vmem>>) dst(%dma_wait3A_438 : memref<10240x8xf32, #tpu.memory_space<vmem_shared>>)
        %add3A_439 = arith.constant 2 : i32
        %add3A_440 = arith.addi %add3A_253, %add3A_439 : i32
        %add3A_441 = arith.constant 5 : i32
        %add3A_442 = arith.addi %add3A_440, %add3A_441 : i32
        %dma_start3A_443 = arith.constant 2 : i32
        %dma_start3A_444 = arith.constant 0 : i32
        %dma_start3A_445 = arith.constant 0 : i32
        %dma_start3A_446 = tpu.memref_slice %arg11[%dma_start3A_443, %dma_start3A_444, %dma_start3A_445] : memref<5x80x8xf32, #tpu.memory_space<vmem>> -> memref<1x80x8xf32, #tpu.memory_space<vmem>>
        %dma_start3A_447 = tpu.memref_squeeze %dma_start3A_446 : memref<1x80x8xf32, #tpu.memory_space<vmem>> -> memref<80x8xf32, #tpu.memory_space<vmem>>
        %dma_start3A_448 = arith.constant 0 : i32
        %dma_start3A_449 = tpu.memref_slice %arg8[%add3A_442, %dma_start3A_448] : memref<250x80xi32, #tpu.memory_space<vmem>> -> memref<1x80xi32, #tpu.memory_space<vmem>>
        %dma_start3A_450 = tpu.memref_squeeze %dma_start3A_449 : memref<1x80xi32, #tpu.memory_space<vmem>> -> memref<80xi32, #tpu.memory_space<vmem>>
        %dma_start3A_451 = arith.constant 0 : i32
        %dma_start3A_452 = arith.constant 0 : i32
        %dma_start3A_453 = tpu.memref_slice %arg6[%dma_start3A_451, %dma_start3A_452] : memref<960000x8xf32, #tpu.memory_space<hbm>> -> memref<960000x8xf32, #tpu.memory_space<hbm>>
        tpu.enqueue_indirect_dma source(%dma_start3A_453 : memref<960000x8xf32, #tpu.memory_space<hbm>>) target(%dma_start3A_447 : memref<80x8xf32, #tpu.memory_space<vmem>>) offsets(%dma_start3A_450 : memref<80xi32, #tpu.memory_space<vmem>>) semaphore(%arg15 : memref<!tpu.dma_semaphore, #tpu.memory_space<semaphore_mem>>)
      } else {
      }
      %add3A_356 = arith.constant 3 : i32
      %add3A_357 = arith.addi %add3A_253, %add3A_356 : i32
      %dma_wait3A_358 = arith.constant 3 : i32
      %dma_wait3A_359 = arith.constant 0 : i32
      %dma_wait3A_360 = arith.constant 0 : i32
      %dma_wait3A_361 = tpu.memref_slice %arg11[%dma_wait3A_358, %dma_wait3A_359, %dma_wait3A_360] : memref<5x80x8xf32, #tpu.memory_space<vmem>> -> memref<1x80x8xf32, #tpu.memory_space<vmem>>
      %dma_wait3A_362 = tpu.memref_squeeze %dma_wait3A_361 : memref<1x80x8xf32, #tpu.memory_space<vmem>> -> memref<80x8xf32, #tpu.memory_space<vmem>>
      %dma_wait3A_363 = arith.constant 0 : i32
      %dma_wait3A_364 = tpu.memref_slice %arg8[%add3A_357, %dma_wait3A_363] : memref<250x80xi32, #tpu.memory_space<vmem>> -> memref<1x80xi32, #tpu.memory_space<vmem>>
      %dma_wait3A_365 = tpu.memref_squeeze %dma_wait3A_364 : memref<1x80xi32, #tpu.memory_space<vmem>> -> memref<80xi32, #tpu.memory_space<vmem>>
      %dma_wait3A_366 = arith.constant 0 : i32
      %dma_wait3A_367 = arith.constant 0 : i32
      %dma_wait3A_368 = tpu.memref_slice %arg6[%dma_wait3A_366, %dma_wait3A_367] : memref<960000x8xf32, #tpu.memory_space<hbm>> -> memref<960000x8xf32, #tpu.memory_space<hbm>>
      tpu.wait_indirect_dma semaphore(%arg16 : memref<!tpu.dma_semaphore, #tpu.memory_space<semaphore_mem>>) src(%dma_wait3A_368 : memref<960000x8xf32, #tpu.memory_space<hbm>>) dst(%dma_wait3A_362 : memref<80x8xf32, #tpu.memory_space<vmem>>)
      %add3A_369 = arith.constant 3 : i32
      %add3A_370 = arith.addi %add3A_253, %add3A_369 : i32
      %dma_start3A_371 = arith.constant 3 : i32
      %dma_start3A_372 = arith.constant 0 : i32
      %dma_start3A_373 = arith.constant 0 : i32
      %dma_start3A_374 = tpu.memref_slice %arg11[%dma_start3A_371, %dma_start3A_372, %dma_start3A_373] : memref<5x80x8xf32, #tpu.memory_space<vmem>> -> memref<1x80x8xf32, #tpu.memory_space<vmem>>
      %dma_start3A_375 = tpu.memref_squeeze %dma_start3A_374 : memref<1x80x8xf32, #tpu.memory_space<vmem>> -> memref<80x8xf32, #tpu.memory_space<vmem>>
      %dma_start3A_376 = arith.constant 0 : i32
      %dma_start3A_377 = tpu.memref_slice %arg10[%add3A_370, %dma_start3A_376] : memref<250x80xi32, #tpu.memory_space<vmem>> -> memref<1x80xi32, #tpu.memory_space<vmem>>
      %dma_start3A_378 = tpu.memref_squeeze %dma_start3A_377 : memref<1x80xi32, #tpu.memory_space<vmem>> -> memref<80xi32, #tpu.memory_space<vmem>>
      %dma_start3A_379 = arith.constant 0 : i32
      %dma_start3A_380 = arith.constant 0 : i32
      %dma_start3A_381 = tpu.memref_slice %arg12[%dma_start3A_379, %dma_start3A_380] : memref<10240x8xf32, #tpu.memory_space<vmem_shared>> -> memref<10240x8xf32, #tpu.memory_space<vmem_shared>>
      tpu.enqueue_indirect_dma source(%dma_start3A_375 : memref<80x8xf32, #tpu.memory_space<vmem>>) target(%dma_start3A_381 : memref<10240x8xf32, #tpu.memory_space<vmem_shared>>) offsets(%dma_start3A_378 : memref<80xi32, #tpu.memory_space<vmem>>) semaphore(%arg21 : memref<!tpu.dma_semaphore, #tpu.memory_space<semaphore_mem>>) {add = true}
      %add3A_382 = arith.constant 3 : i32
      %add3A_383 = arith.addi %add3A_253, %add3A_382 : i32
      %add3A_384 = arith.constant 5 : i32
      %add3A_385 = arith.addi %add3A_383, %add3A_384 : i32
      %lt3A_386 = arith.constant 250 : i32
      %lt3A_387 = arith.cmpi slt, %add3A_385, %lt3A_386 : i32
      %convert_element_type3A_388 = arith.extui %lt3A_387 : i1 to i32
      %cond3A_389 = arith.constant 0 : i32
      %cond3A_390 = arith.cmpi ne, %convert_element_type3A_388, %cond3A_389 : i32
      scf.if %cond3A_390 {
        %add3A_426 = arith.constant 3 : i32
        %add3A_427 = arith.addi %add3A_253, %add3A_426 : i32
        %dma_wait3A_428 = arith.constant 3 : i32
        %dma_wait3A_429 = arith.constant 0 : i32
        %dma_wait3A_430 = arith.constant 0 : i32
        %dma_wait3A_431 = tpu.memref_slice %arg11[%dma_wait3A_428, %dma_wait3A_429, %dma_wait3A_430] : memref<5x80x8xf32, #tpu.memory_space<vmem>> -> memref<1x80x8xf32, #tpu.memory_space<vmem>>
        %dma_wait3A_432 = tpu.memref_squeeze %dma_wait3A_431 : memref<1x80x8xf32, #tpu.memory_space<vmem>> -> memref<80x8xf32, #tpu.memory_space<vmem>>
        %dma_wait3A_433 = arith.constant 0 : i32
        %dma_wait3A_434 = tpu.memref_slice %arg10[%add3A_427, %dma_wait3A_433] : memref<250x80xi32, #tpu.memory_space<vmem>> -> memref<1x80xi32, #tpu.memory_space<vmem>>
        %dma_wait3A_435 = tpu.memref_squeeze %dma_wait3A_434 : memref<1x80xi32, #tpu.memory_space<vmem>> -> memref<80xi32, #tpu.memory_space<vmem>>
        %dma_wait3A_436 = arith.constant 0 : i32
        %dma_wait3A_437 = arith.constant 0 : i32
        %dma_wait3A_438 = tpu.memref_slice %arg12[%dma_wait3A_436, %dma_wait3A_437] : memref<10240x8xf32, #tpu.memory_space<vmem_shared>> -> memref<10240x8xf32, #tpu.memory_space<vmem_shared>>
        tpu.wait_indirect_dma semaphore(%arg21 : memref<!tpu.dma_semaphore, #tpu.memory_space<semaphore_mem>>) src(%dma_wait3A_432 : memref<80x8xf32, #tpu.memory_space<vmem>>) dst(%dma_wait3A_438 : memref<10240x8xf32, #tpu.memory_space<vmem_shared>>)
        %add3A_439 = arith.constant 3 : i32
        %add3A_440 = arith.addi %add3A_253, %add3A_439 : i32
        %add3A_441 = arith.constant 5 : i32
        %add3A_442 = arith.addi %add3A_440, %add3A_441 : i32
        %dma_start3A_443 = arith.constant 3 : i32
        %dma_start3A_444 = arith.constant 0 : i32
        %dma_start3A_445 = arith.constant 0 : i32
        %dma_start3A_446 = tpu.memref_slice %arg11[%dma_start3A_443, %dma_start3A_444, %dma_start3A_445] : memref<5x80x8xf32, #tpu.memory_space<vmem>> -> memref<1x80x8xf32, #tpu.memory_space<vmem>>
        %dma_start3A_447 = tpu.memref_squeeze %dma_start3A_446 : memref<1x80x8xf32, #tpu.memory_space<vmem>> -> memref<80x8xf32, #tpu.memory_space<vmem>>
        %dma_start3A_448 = arith.constant 0 : i32
        %dma_start3A_449 = tpu.memref_slice %arg8[%add3A_442, %dma_start3A_448] : memref<250x80xi32, #tpu.memory_space<vmem>> -> memref<1x80xi32, #tpu.memory_space<vmem>>
        %dma_start3A_450 = tpu.memref_squeeze %dma_start3A_449 : memref<1x80xi32, #tpu.memory_space<vmem>> -> memref<80xi32, #tpu.memory_space<vmem>>
        %dma_start3A_451 = arith.constant 0 : i32
        %dma_start3A_452 = arith.constant 0 : i32
        %dma_start3A_453 = tpu.memref_slice %arg6[%dma_start3A_451, %dma_start3A_452] : memref<960000x8xf32, #tpu.memory_space<hbm>> -> memref<960000x8xf32, #tpu.memory_space<hbm>>
        tpu.enqueue_indirect_dma source(%dma_start3A_453 : memref<960000x8xf32, #tpu.memory_space<hbm>>) target(%dma_start3A_447 : memref<80x8xf32, #tpu.memory_space<vmem>>) offsets(%dma_start3A_450 : memref<80xi32, #tpu.memory_space<vmem>>) semaphore(%arg16 : memref<!tpu.dma_semaphore, #tpu.memory_space<semaphore_mem>>)
      } else {
      }
      %add3A_391 = arith.constant 4 : i32
      %add3A_392 = arith.addi %add3A_253, %add3A_391 : i32
      %dma_wait3A_393 = arith.constant 4 : i32
      %dma_wait3A_394 = arith.constant 0 : i32
      %dma_wait3A_395 = arith.constant 0 : i32
      %dma_wait3A_396 = tpu.memref_slice %arg11[%dma_wait3A_393, %dma_wait3A_394, %dma_wait3A_395] : memref<5x80x8xf32, #tpu.memory_space<vmem>> -> memref<1x80x8xf32, #tpu.memory_space<vmem>>
      %dma_wait3A_397 = tpu.memref_squeeze %dma_wait3A_396 : memref<1x80x8xf32, #tpu.memory_space<vmem>> -> memref<80x8xf32, #tpu.memory_space<vmem>>
      %dma_wait3A_398 = arith.constant 0 : i32
      %dma_wait3A_399 = tpu.memref_slice %arg8[%add3A_392, %dma_wait3A_398] : memref<250x80xi32, #tpu.memory_space<vmem>> -> memref<1x80xi32, #tpu.memory_space<vmem>>
      %dma_wait3A_400 = tpu.memref_squeeze %dma_wait3A_399 : memref<1x80xi32, #tpu.memory_space<vmem>> -> memref<80xi32, #tpu.memory_space<vmem>>
      %dma_wait3A_401 = arith.constant 0 : i32
      %dma_wait3A_402 = arith.constant 0 : i32
      %dma_wait3A_403 = tpu.memref_slice %arg6[%dma_wait3A_401, %dma_wait3A_402] : memref<960000x8xf32, #tpu.memory_space<hbm>> -> memref<960000x8xf32, #tpu.memory_space<hbm>>
      tpu.wait_indirect_dma semaphore(%arg17 : memref<!tpu.dma_semaphore, #tpu.memory_space<semaphore_mem>>) src(%dma_wait3A_403 : memref<960000x8xf32, #tpu.memory_space<hbm>>) dst(%dma_wait3A_397 : memref<80x8xf32, #tpu.memory_space<vmem>>)
      %add3A_404 = arith.constant 4 : i32
      %add3A_405 = arith.addi %add3A_253, %add3A_404 : i32
      %dma_start3A_406 = arith.constant 4 : i32
      %dma_start3A_407 = arith.constant 0 : i32
      %dma_start3A_408 = arith.constant 0 : i32
      %dma_start3A_409 = tpu.memref_slice %arg11[%dma_start3A_406, %dma_start3A_407, %dma_start3A_408] : memref<5x80x8xf32, #tpu.memory_space<vmem>> -> memref<1x80x8xf32, #tpu.memory_space<vmem>>
      %dma_start3A_410 = tpu.memref_squeeze %dma_start3A_409 : memref<1x80x8xf32, #tpu.memory_space<vmem>> -> memref<80x8xf32, #tpu.memory_space<vmem>>
      %dma_start3A_411 = arith.constant 0 : i32
      %dma_start3A_412 = tpu.memref_slice %arg10[%add3A_405, %dma_start3A_411] : memref<250x80xi32, #tpu.memory_space<vmem>> -> memref<1x80xi32, #tpu.memory_space<vmem>>
      %dma_start3A_413 = tpu.memref_squeeze %dma_start3A_412 : memref<1x80xi32, #tpu.memory_space<vmem>> -> memref<80xi32, #tpu.memory_space<vmem>>
      %dma_start3A_414 = arith.constant 0 : i32
      %dma_start3A_415 = arith.constant 0 : i32
      %dma_start3A_416 = tpu.memref_slice %arg12[%dma_start3A_414, %dma_start3A_415] : memref<10240x8xf32, #tpu.memory_space<vmem_shared>> -> memref<10240x8xf32, #tpu.memory_space<vmem_shared>>
      tpu.enqueue_indirect_dma source(%dma_start3A_410 : memref<80x8xf32, #tpu.memory_space<vmem>>) target(%dma_start3A_416 : memref<10240x8xf32, #tpu.memory_space<vmem_shared>>) offsets(%dma_start3A_413 : memref<80xi32, #tpu.memory_space<vmem>>) semaphore(%arg22 : memref<!tpu.dma_semaphore, #tpu.memory_space<semaphore_mem>>) {add = true}
      %add3A_417 = arith.constant 4 : i32
      %add3A_418 = arith.addi %add3A_253, %add3A_417 : i32
      %add3A_419 = arith.constant 5 : i32
      %add3A_420 = arith.addi %add3A_418, %add3A_419 : i32
      %lt3A_421 = arith.constant 250 : i32
      %lt3A_422 = arith.cmpi slt, %add3A_420, %lt3A_421 : i32
      %convert_element_type3A_423 = arith.extui %lt3A_422 : i1 to i32
      %cond3A_424 = arith.constant 0 : i32
      %cond3A_425 = arith.cmpi ne, %convert_element_type3A_423, %cond3A_424 : i32
      scf.if %cond3A_425 {
        %add3A_426 = arith.constant 4 : i32
        %add3A_427 = arith.addi %add3A_253, %add3A_426 : i32
        %dma_wait3A_428 = arith.constant 4 : i32
        %dma_wait3A_429 = arith.constant 0 : i32
        %dma_wait3A_430 = arith.constant 0 : i32
        %dma_wait3A_431 = tpu.memref_slice %arg11[%dma_wait3A_428, %dma_wait3A_429, %dma_wait3A_430] : memref<5x80x8xf32, #tpu.memory_space<vmem>> -> memref<1x80x8xf32, #tpu.memory_space<vmem>>
        %dma_wait3A_432 = tpu.memref_squeeze %dma_wait3A_431 : memref<1x80x8xf32, #tpu.memory_space<vmem>> -> memref<80x8xf32, #tpu.memory_space<vmem>>
        %dma_wait3A_433 = arith.constant 0 : i32
        %dma_wait3A_434 = tpu.memref_slice %arg10[%add3A_427, %dma_wait3A_433] : memref<250x80xi32, #tpu.memory_space<vmem>> -> memref<1x80xi32, #tpu.memory_space<vmem>>
        %dma_wait3A_435 = tpu.memref_squeeze %dma_wait3A_434 : memref<1x80xi32, #tpu.memory_space<vmem>> -> memref<80xi32, #tpu.memory_space<vmem>>
        %dma_wait3A_436 = arith.constant 0 : i32
        %dma_wait3A_437 = arith.constant 0 : i32
        %dma_wait3A_438 = tpu.memref_slice %arg12[%dma_wait3A_436, %dma_wait3A_437] : memref<10240x8xf32, #tpu.memory_space<vmem_shared>> -> memref<10240x8xf32, #tpu.memory_space<vmem_shared>>
        tpu.wait_indirect_dma semaphore(%arg22 : memref<!tpu.dma_semaphore, #tpu.memory_space<semaphore_mem>>) src(%dma_wait3A_432 : memref<80x8xf32, #tpu.memory_space<vmem>>) dst(%dma_wait3A_438 : memref<10240x8xf32, #tpu.memory_space<vmem_shared>>)
        %add3A_439 = arith.constant 4 : i32
        %add3A_440 = arith.addi %add3A_253, %add3A_439 : i32
        %add3A_441 = arith.constant 5 : i32
        %add3A_442 = arith.addi %add3A_440, %add3A_441 : i32
        %dma_start3A_443 = arith.constant 4 : i32
        %dma_start3A_444 = arith.constant 0 : i32
        %dma_start3A_445 = arith.constant 0 : i32
        %dma_start3A_446 = tpu.memref_slice %arg11[%dma_start3A_443, %dma_start3A_444, %dma_start3A_445] : memref<5x80x8xf32, #tpu.memory_space<vmem>> -> memref<1x80x8xf32, #tpu.memory_space<vmem>>
        %dma_start3A_447 = tpu.memref_squeeze %dma_start3A_446 : memref<1x80x8xf32, #tpu.memory_space<vmem>> -> memref<80x8xf32, #tpu.memory_space<vmem>>
        %dma_start3A_448 = arith.constant 0 : i32
        %dma_start3A_449 = tpu.memref_slice %arg8[%add3A_442, %dma_start3A_448] : memref<250x80xi32, #tpu.memory_space<vmem>> -> memref<1x80xi32, #tpu.memory_space<vmem>>
        %dma_start3A_450 = tpu.memref_squeeze %dma_start3A_449 : memref<1x80xi32, #tpu.memory_space<vmem>> -> memref<80xi32, #tpu.memory_space<vmem>>
        %dma_start3A_451 = arith.constant 0 : i32
        %dma_start3A_452 = arith.constant 0 : i32
        %dma_start3A_453 = tpu.memref_slice %arg6[%dma_start3A_451, %dma_start3A_452] : memref<960000x8xf32, #tpu.memory_space<hbm>> -> memref<960000x8xf32, #tpu.memory_space<hbm>>
        tpu.enqueue_indirect_dma source(%dma_start3A_453 : memref<960000x8xf32, #tpu.memory_space<hbm>>) target(%dma_start3A_447 : memref<80x8xf32, #tpu.memory_space<vmem>>) offsets(%dma_start3A_450 : memref<80xi32, #tpu.memory_space<vmem>>) semaphore(%arg17 : memref<!tpu.dma_semaphore, #tpu.memory_space<semaphore_mem>>)
      } else {
      }
    }
    %scan3A_108 = arith.constant 50 : i32
    %dma_wait3A = arith.constant 0 : i32
    %dma_wait3A_109 = arith.constant 245 : i32
    %dma_wait3A_110 = arith.constant 0 : i32
    %dma_wait3A_111 = arith.constant 0 : i32
    %dma_wait3A_112 = tpu.memref_slice %arg11[%dma_wait3A, %dma_wait3A_110, %dma_wait3A_111] : memref<5x80x8xf32, #tpu.memory_space<vmem>> -> memref<1x80x8xf32, #tpu.memory_space<vmem>>
    %dma_wait3A_113 = tpu.memref_squeeze %dma_wait3A_112 : memref<1x80x8xf32, #tpu.memory_space<vmem>> -> memref<80x8xf32, #tpu.memory_space<vmem>>
    %dma_wait3A_114 = arith.constant 0 : i32
    %dma_wait3A_115 = tpu.memref_slice %arg10[%dma_wait3A_109, %dma_wait3A_114] : memref<250x80xi32, #tpu.memory_space<vmem>> -> memref<1x80xi32, #tpu.memory_space<vmem>>
    %dma_wait3A_116 = tpu.memref_squeeze %dma_wait3A_115 : memref<1x80xi32, #tpu.memory_space<vmem>> -> memref<80xi32, #tpu.memory_space<vmem>>
    %dma_wait3A_117 = arith.constant 0 : i32
    %dma_wait3A_118 = arith.constant 0 : i32
    %dma_wait3A_119 = tpu.memref_slice %arg12[%dma_wait3A_117, %dma_wait3A_118] : memref<10240x8xf32, #tpu.memory_space<vmem_shared>> -> memref<10240x8xf32, #tpu.memory_space<vmem_shared>>
    tpu.wait_indirect_dma semaphore(%arg18 : memref<!tpu.dma_semaphore, #tpu.memory_space<semaphore_mem>>) src(%dma_wait3A_113 : memref<80x8xf32, #tpu.memory_space<vmem>>) dst(%dma_wait3A_119 : memref<10240x8xf32, #tpu.memory_space<vmem_shared>>)
    %dma_wait3A_120 = arith.constant 1 : i32
    %dma_wait3A_121 = arith.constant 246 : i32
    %dma_wait3A_122 = arith.constant 0 : i32
    %dma_wait3A_123 = arith.constant 0 : i32
    %dma_wait3A_124 = tpu.memref_slice %arg11[%dma_wait3A_120, %dma_wait3A_122, %dma_wait3A_123] : memref<5x80x8xf32, #tpu.memory_space<vmem>> -> memref<1x80x8xf32, #tpu.memory_space<vmem>>
    %dma_wait3A_125 = tpu.memref_squeeze %dma_wait3A_124 : memref<1x80x8xf32, #tpu.memory_space<vmem>> -> memref<80x8xf32, #tpu.memory_space<vmem>>
    %dma_wait3A_126 = arith.constant 0 : i32
    %dma_wait3A_127 = tpu.memref_slice %arg10[%dma_wait3A_121, %dma_wait3A_126] : memref<250x80xi32, #tpu.memory_space<vmem>> -> memref<1x80xi32, #tpu.memory_space<vmem>>
    %dma_wait3A_128 = tpu.memref_squeeze %dma_wait3A_127 : memref<1x80xi32, #tpu.memory_space<vmem>> -> memref<80xi32, #tpu.memory_space<vmem>>
    %dma_wait3A_129 = arith.constant 0 : i32
    %dma_wait3A_130 = arith.constant 0 : i32
    %dma_wait3A_131 = tpu.memref_slice %arg12[%dma_wait3A_129, %dma_wait3A_130] : memref<10240x8xf32, #tpu.memory_space<vmem_shared>> -> memref<10240x8xf32, #tpu.memory_space<vmem_shared>>
    tpu.wait_indirect_dma semaphore(%arg19 : memref<!tpu.dma_semaphore, #tpu.memory_space<semaphore_mem>>) src(%dma_wait3A_125 : memref<80x8xf32, #tpu.memory_space<vmem>>) dst(%dma_wait3A_131 : memref<10240x8xf32, #tpu.memory_space<vmem_shared>>)
    %dma_wait3A_132 = arith.constant 2 : i32
    %dma_wait3A_133 = arith.constant 247 : i32
    %dma_wait3A_134 = arith.constant 0 : i32
    %dma_wait3A_135 = arith.constant 0 : i32
    %dma_wait3A_136 = tpu.memref_slice %arg11[%dma_wait3A_132, %dma_wait3A_134, %dma_wait3A_135] : memref<5x80x8xf32, #tpu.memory_space<vmem>> -> memref<1x80x8xf32, #tpu.memory_space<vmem>>
    %dma_wait3A_137 = tpu.memref_squeeze %dma_wait3A_136 : memref<1x80x8xf32, #tpu.memory_space<vmem>> -> memref<80x8xf32, #tpu.memory_space<vmem>>
    %dma_wait3A_138 = arith.constant 0 : i32
    %dma_wait3A_139 = tpu.memref_slice %arg10[%dma_wait3A_133, %dma_wait3A_138] : memref<250x80xi32, #tpu.memory_space<vmem>> -> memref<1x80xi32, #tpu.memory_space<vmem>>
    %dma_wait3A_140 = tpu.memref_squeeze %dma_wait3A_139 : memref<1x80xi32, #tpu.memory_space<vmem>> -> memref<80xi32, #tpu.memory_space<vmem>>
    %dma_wait3A_141 = arith.constant 0 : i32
    %dma_wait3A_142 = arith.constant 0 : i32
    %dma_wait3A_143 = tpu.memref_slice %arg12[%dma_wait3A_141, %dma_wait3A_142] : memref<10240x8xf32, #tpu.memory_space<vmem_shared>> -> memref<10240x8xf32, #tpu.memory_space<vmem_shared>>
    tpu.wait_indirect_dma semaphore(%arg20 : memref<!tpu.dma_semaphore, #tpu.memory_space<semaphore_mem>>) src(%dma_wait3A_137 : memref<80x8xf32, #tpu.memory_space<vmem>>) dst(%dma_wait3A_143 : memref<10240x8xf32, #tpu.memory_space<vmem_shared>>)
    %dma_wait3A_144 = arith.constant 3 : i32
    %dma_wait3A_145 = arith.constant 248 : i32
    %dma_wait3A_146 = arith.constant 0 : i32
    %dma_wait3A_147 = arith.constant 0 : i32
    %dma_wait3A_148 = tpu.memref_slice %arg11[%dma_wait3A_144, %dma_wait3A_146, %dma_wait3A_147] : memref<5x80x8xf32, #tpu.memory_space<vmem>> -> memref<1x80x8xf32, #tpu.memory_space<vmem>>
    %dma_wait3A_149 = tpu.memref_squeeze %dma_wait3A_148 : memref<1x80x8xf32, #tpu.memory_space<vmem>> -> memref<80x8xf32, #tpu.memory_space<vmem>>
    %dma_wait3A_150 = arith.constant 0 : i32
    %dma_wait3A_151 = tpu.memref_slice %arg10[%dma_wait3A_145, %dma_wait3A_150] : memref<250x80xi32, #tpu.memory_space<vmem>> -> memref<1x80xi32, #tpu.memory_space<vmem>>
    %dma_wait3A_152 = tpu.memref_squeeze %dma_wait3A_151 : memref<1x80xi32, #tpu.memory_space<vmem>> -> memref<80xi32, #tpu.memory_space<vmem>>
    %dma_wait3A_153 = arith.constant 0 : i32
    %dma_wait3A_154 = arith.constant 0 : i32
    %dma_wait3A_155 = tpu.memref_slice %arg12[%dma_wait3A_153, %dma_wait3A_154] : memref<10240x8xf32, #tpu.memory_space<vmem_shared>> -> memref<10240x8xf32, #tpu.memory_space<vmem_shared>>
    tpu.wait_indirect_dma semaphore(%arg21 : memref<!tpu.dma_semaphore, #tpu.memory_space<semaphore_mem>>) src(%dma_wait3A_149 : memref<80x8xf32, #tpu.memory_space<vmem>>) dst(%dma_wait3A_155 : memref<10240x8xf32, #tpu.memory_space<vmem_shared>>)
    %dma_wait3A_156 = arith.constant 4 : i32
    %dma_wait3A_157 = arith.constant 249 : i32
    %dma_wait3A_158 = arith.constant 0 : i32
    %dma_wait3A_159 = arith.constant 0 : i32
    %dma_wait3A_160 = tpu.memref_slice %arg11[%dma_wait3A_156, %dma_wait3A_158, %dma_wait3A_159] : memref<5x80x8xf32, #tpu.memory_space<vmem>> -> memref<1x80x8xf32, #tpu.memory_space<vmem>>
    %dma_wait3A_161 = tpu.memref_squeeze %dma_wait3A_160 : memref<1x80x8xf32, #tpu.memory_space<vmem>> -> memref<80x8xf32, #tpu.memory_space<vmem>>
    %dma_wait3A_162 = arith.constant 0 : i32
    %dma_wait3A_163 = tpu.memref_slice %arg10[%dma_wait3A_157, %dma_wait3A_162] : memref<250x80xi32, #tpu.memory_space<vmem>> -> memref<1x80xi32, #tpu.memory_space<vmem>>
    %dma_wait3A_164 = tpu.memref_squeeze %dma_wait3A_163 : memref<1x80xi32, #tpu.memory_space<vmem>> -> memref<80xi32, #tpu.memory_space<vmem>>
    %dma_wait3A_165 = arith.constant 0 : i32
    %dma_wait3A_166 = arith.constant 0 : i32
    %dma_wait3A_167 = tpu.memref_slice %arg12[%dma_wait3A_165, %dma_wait3A_166] : memref<10240x8xf32, #tpu.memory_space<vmem_shared>> -> memref<10240x8xf32, #tpu.memory_space<vmem_shared>>
    tpu.wait_indirect_dma semaphore(%arg22 : memref<!tpu.dma_semaphore, #tpu.memory_space<semaphore_mem>>) src(%dma_wait3A_161 : memref<80x8xf32, #tpu.memory_space<vmem>>) dst(%dma_wait3A_167 : memref<10240x8xf32, #tpu.memory_space<vmem_shared>>)
    %barrier3A_168 = arith.constant 0 : index
    tpu.barrier barrier_id(%barrier3A_168)
    %mul3A_169 = arith.constant 640 : i32
    %mul3A_170 = arith.muli %arg1, %mul3A_169 : i32
    %add3A_171 = arith.constant 0 : i32
    %add3A_172 = arith.addi %mul3A_170, %add3A_171 : i32
    %run_scoped3A_173 = arith.constant 0 : i32
    "tpu.region"() ({
      %run_scoped3A_249 = tpu.sem_alloc : memref<!tpu.dma_semaphore, #tpu.memory_space<semaphore_mem>>
      %dma_start3A_250 = arith.constant 0 : i32
      %dma_start3A_251 = arith.constant 0 : i32
      %dma_start3A_252 = tpu.memref_slice %arg11[%run_scoped3A_173, %dma_start3A_250, %dma_start3A_251] : memref<5x80x8xf32, #tpu.memory_space<vmem>> -> memref<1x80x8xf32, #tpu.memory_space<vmem>>
      %dma_start3A_253 = tpu.memref_squeeze %dma_start3A_252 : memref<1x80x8xf32, #tpu.memory_space<vmem>> -> memref<80x8xf32, #tpu.memory_space<vmem>>
      %dma_start3A_254 = arith.constant 0 : i32
      %dma_start3A_255 = tpu.memref_slice %arg12[%add3A_172, %dma_start3A_254] : memref<10240x8xf32, #tpu.memory_space<vmem_shared>> -> memref<80x8xf32, #tpu.memory_space<vmem_shared>>
      %dma_start3A_256 = arith.constant 0 : i32
      %dma_start3A_257 = arith.constant 0 : i32
      %dma_start3A_258 = tpu.memref_slice %arg11[%run_scoped3A_173, %dma_start3A_256, %dma_start3A_257] : memref<5x80x8xf32, #tpu.memory_space<vmem>> -> memref<1x80x8xf32, #tpu.memory_space<vmem>>
      %dma_start3A_259 = tpu.memref_squeeze %dma_start3A_258 : memref<1x80x8xf32, #tpu.memory_space<vmem>> -> memref<80x8xf32, #tpu.memory_space<vmem>>
      %dma_start3A_260 = arith.constant 0 : i32
      %dma_start3A_261 = tpu.memref_slice %arg12[%add3A_172, %dma_start3A_260] : memref<10240x8xf32, #tpu.memory_space<vmem_shared>> -> memref<80x8xf32, #tpu.memory_space<vmem_shared>>
      tpu.enqueue_dma source(%dma_start3A_261 : memref<80x8xf32, #tpu.memory_space<vmem_shared>>) target(%dma_start3A_259 : memref<80x8xf32, #tpu.memory_space<vmem>>) target_semaphore(%run_scoped3A_249 : memref<!tpu.dma_semaphore, #tpu.memory_space<semaphore_mem>>)
      %dma_wait3A_262 = arith.constant 0 : i32
      %dma_wait3A_263 = arith.constant 0 : i32
      %dma_wait3A_264 = tpu.memref_slice %arg11[%run_scoped3A_173, %dma_wait3A_262, %dma_wait3A_263] : memref<5x80x8xf32, #tpu.memory_space<vmem>> -> memref<1x80x8xf32, #tpu.memory_space<vmem>>
      %dma_wait3A_265 = tpu.memref_squeeze %dma_wait3A_264 : memref<1x80x8xf32, #tpu.memory_space<vmem>> -> memref<80x8xf32, #tpu.memory_space<vmem>>
      %dma_wait3A_266 = arith.constant 0 : i32
      %dma_wait3A_267 = tpu.memref_slice %arg12[%add3A_172, %dma_wait3A_266] : memref<10240x8xf32, #tpu.memory_space<vmem_shared>> -> memref<80x8xf32, #tpu.memory_space<vmem_shared>>
      %dma_wait3A_268 = arith.constant 0 : i32
      %dma_wait3A_269 = arith.constant 0 : i32
      %dma_wait3A_270 = tpu.memref_slice %arg11[%run_scoped3A_173, %dma_wait3A_268, %dma_wait3A_269] : memref<5x80x8xf32, #tpu.memory_space<vmem>> -> memref<1x80x8xf32, #tpu.memory_space<vmem>>
      %dma_wait3A_271 = tpu.memref_squeeze %dma_wait3A_270 : memref<1x80x8xf32, #tpu.memory_space<vmem>> -> memref<80x8xf32, #tpu.memory_space<vmem>>
      %dma_wait3A_272 = arith.constant 0 : i32
      %dma_wait3A_273 = tpu.memref_slice %arg12[%add3A_172, %dma_wait3A_272] : memref<10240x8xf32, #tpu.memory_space<vmem_shared>> -> memref<80x8xf32, #tpu.memory_space<vmem_shared>>
      tpu.wait_dma2 semaphore(%run_scoped3A_249 : memref<!tpu.dma_semaphore, #tpu.memory_space<semaphore_mem>>) src(%dma_wait3A_273 : memref<80x8xf32, #tpu.memory_space<vmem_shared>>) dst(%dma_wait3A_271 : memref<80x8xf32, #tpu.memory_space<vmem>>)
      tpu.yield
    }) : () -> ()
    %mul3A_174 = arith.constant 640 : i32
    %mul3A_175 = arith.muli %arg1, %mul3A_174 : i32
    %add3A_176 = arith.constant 0 : i32
    %add3A_177 = arith.addi %mul3A_175, %add3A_176 : i32
    %run_scoped3A_178 = arith.constant 0 : i32
    "tpu.region"() ({
      %run_scoped3A_249 = tpu.sem_alloc : memref<!tpu.dma_semaphore, #tpu.memory_space<semaphore_mem>>
      %dma_start3A_250 = arith.constant 0 : i32
      %dma_start3A_251 = arith.constant 0 : i32
      %dma_start3A_252 = tpu.memref_slice %arg11[%run_scoped3A_178, %dma_start3A_250, %dma_start3A_251] : memref<5x80x8xf32, #tpu.memory_space<vmem>> -> memref<1x80x8xf32, #tpu.memory_space<vmem>>
      %dma_start3A_253 = tpu.memref_squeeze %dma_start3A_252 : memref<1x80x8xf32, #tpu.memory_space<vmem>> -> memref<80x8xf32, #tpu.memory_space<vmem>>
      %dma_start3A_254 = arith.constant 0 : i32
      %dma_start3A_255 = tpu.memref_slice %arg7[%arg0, %add3A_177, %dma_start3A_254] : memref<2x10240x8xf32, #tpu.memory_space<hbm>> -> memref<1x80x8xf32, #tpu.memory_space<hbm>>
      %dma_start3A_256 = tpu.memref_squeeze %dma_start3A_255 : memref<1x80x8xf32, #tpu.memory_space<hbm>> -> memref<80x8xf32, #tpu.memory_space<hbm>>
      %dma_start3A_257 = arith.constant 0 : i32
      %dma_start3A_258 = tpu.memref_slice %arg7[%arg0, %add3A_177, %dma_start3A_257] : memref<2x10240x8xf32, #tpu.memory_space<hbm>> -> memref<1x80x8xf32, #tpu.memory_space<hbm>>
      %dma_start3A_259 = tpu.memref_squeeze %dma_start3A_258 : memref<1x80x8xf32, #tpu.memory_space<hbm>> -> memref<80x8xf32, #tpu.memory_space<hbm>>
      %dma_start3A_260 = arith.constant 0 : i32
      %dma_start3A_261 = arith.constant 0 : i32
      %dma_start3A_262 = tpu.memref_slice %arg11[%run_scoped3A_178, %dma_start3A_260, %dma_start3A_261] : memref<5x80x8xf32, #tpu.memory_space<vmem>> -> memref<1x80x8xf32, #tpu.memory_space<vmem>>
      %dma_start3A_263 = tpu.memref_squeeze %dma_start3A_262 : memref<1x80x8xf32, #tpu.memory_space<vmem>> -> memref<80x8xf32, #tpu.memory_space<vmem>>
      tpu.enqueue_dma source(%dma_start3A_263 : memref<80x8xf32, #tpu.memory_space<vmem>>) target(%dma_start3A_259 : memref<80x8xf32, #tpu.memory_space<hbm>>) target_semaphore(%run_scoped3A_249 : memref<!tpu.dma_semaphore, #tpu.memory_space<semaphore_mem>>)
      %dma_wait3A_264 = arith.constant 0 : i32
      %dma_wait3A_265 = arith.constant 0 : i32
      %dma_wait3A_266 = tpu.memref_slice %arg11[%run_scoped3A_178, %dma_wait3A_264, %dma_wait3A_265] : memref<5x80x8xf32, #tpu.memory_space<vmem>> -> memref<1x80x8xf32, #tpu.memory_space<vmem>>
      %dma_wait3A_267 = tpu.memref_squeeze %dma_wait3A_266 : memref<1x80x8xf32, #tpu.memory_space<vmem>> -> memref<80x8xf32, #tpu.memory_space<vmem>>
      %dma_wait3A_268 = arith.constant 0 : i32
      %dma_wait3A_269 = tpu.memref_slice %arg7[%arg0, %add3A_177, %dma_wait3A_268] : memref<2x10240x8xf32, #tpu.memory_space<hbm>> -> memref<1x80x8xf32, #tpu.memory_space<hbm>>
      %dma_wait3A_270 = tpu.memref_squeeze %dma_wait3A_269 : memref<1x80x8xf32, #tpu.memory_space<hbm>> -> memref<80x8xf32, #tpu.memory_space<hbm>>
      %dma_wait3A_271 = arith.constant 0 : i32
      %dma_wait3A_272 = tpu.memref_slice %arg7[%arg0, %add3A_177, %dma_wait3A_271] : memref<2x10240x8xf32, #tpu.memory_space<hbm>> -> memref<1x80x8xf32, #tpu.memory_space<hbm>>
      %dma_wait3A_273 = tpu.memref_squeeze %dma_wait3A_272 : memref<1x80x8xf32, #tpu.memory_space<hbm>> -> memref<80x8xf32, #tpu.memory_space<hbm>>
      %dma_wait3A_274 = arith.constant 0 : i32
      %dma_wait3A_275 = arith.constant 0 : i32
      %dma_wait3A_276 = tpu.memref_slice %arg11[%run_scoped3A_178, %dma_wait3A_274, %dma_wait3A_275] : memref<5x80x8xf32, #tpu.memory_space<vmem>> -> memref<1x80x8xf32, #tpu.memory_space<vmem>>
      %dma_wait3A_277 = tpu.memref_squeeze %dma_wait3A_276 : memref<1x80x8xf32, #tpu.memory_space<vmem>> -> memref<80x8xf32, #tpu.memory_space<vmem>>
      tpu.wait_dma2 semaphore(%run_scoped3A_249 : memref<!tpu.dma_semaphore, #tpu.memory_space<semaphore_mem>>) src(%dma_wait3A_277 : memref<80x8xf32, #tpu.memory_space<vmem>>) dst(%dma_wait3A_273 : memref<80x8xf32, #tpu.memory_space<hbm>>)
      tpu.yield
    }) : () -> ()
    %mul3A_179 = arith.constant 640 : i32
    %mul3A_180 = arith.muli %arg1, %mul3A_179 : i32
    %add3A_181 = arith.constant 80 : i32
    %add3A_182 = arith.addi %mul3A_180, %add3A_181 : i32
    %run_scoped3A_183 = arith.constant 1 : i32
    "tpu.region"() ({
      %run_scoped3A_249 = tpu.sem_alloc : memref<!tpu.dma_semaphore, #tpu.memory_space<semaphore_mem>>
      %dma_start3A_250 = arith.constant 0 : i32
      %dma_start3A_251 = arith.constant 0 : i32
      %dma_start3A_252 = tpu.memref_slice %arg11[%run_scoped3A_183, %dma_start3A_250, %dma_start3A_251] : memref<5x80x8xf32, #tpu.memory_space<vmem>> -> memref<1x80x8xf32, #tpu.memory_space<vmem>>
      %dma_start3A_253 = tpu.memref_squeeze %dma_start3A_252 : memref<1x80x8xf32, #tpu.memory_space<vmem>> -> memref<80x8xf32, #tpu.memory_space<vmem>>
      %dma_start3A_254 = arith.constant 0 : i32
      %dma_start3A_255 = tpu.memref_slice %arg12[%add3A_182, %dma_start3A_254] : memref<10240x8xf32, #tpu.memory_space<vmem_shared>> -> memref<80x8xf32, #tpu.memory_space<vmem_shared>>
      %dma_start3A_256 = arith.constant 0 : i32
      %dma_start3A_257 = arith.constant 0 : i32
      %dma_start3A_258 = tpu.memref_slice %arg11[%run_scoped3A_183, %dma_start3A_256, %dma_start3A_257] : memref<5x80x8xf32, #tpu.memory_space<vmem>> -> memref<1x80x8xf32, #tpu.memory_space<vmem>>
      %dma_start3A_259 = tpu.memref_squeeze %dma_start3A_258 : memref<1x80x8xf32, #tpu.memory_space<vmem>> -> memref<80x8xf32, #tpu.memory_space<vmem>>
      %dma_start3A_260 = arith.constant 0 : i32
      %dma_start3A_261 = tpu.memref_slice %arg12[%add3A_182, %dma_start3A_260] : memref<10240x8xf32, #tpu.memory_space<vmem_shared>> -> memref<80x8xf32, #tpu.memory_space<vmem_shared>>
      tpu.enqueue_dma source(%dma_start3A_261 : memref<80x8xf32, #tpu.memory_space<vmem_shared>>) target(%dma_start3A_259 : memref<80x8xf32, #tpu.memory_space<vmem>>) target_semaphore(%run_scoped3A_249 : memref<!tpu.dma_semaphore, #tpu.memory_space<semaphore_mem>>)
      %dma_wait3A_262 = arith.constant 0 : i32
      %dma_wait3A_263 = arith.constant 0 : i32
      %dma_wait3A_264 = tpu.memref_slice %arg11[%run_scoped3A_183, %dma_wait3A_262, %dma_wait3A_263] : memref<5x80x8xf32, #tpu.memory_space<vmem>> -> memref<1x80x8xf32, #tpu.memory_space<vmem>>
      %dma_wait3A_265 = tpu.memref_squeeze %dma_wait3A_264 : memref<1x80x8xf32, #tpu.memory_space<vmem>> -> memref<80x8xf32, #tpu.memory_space<vmem>>
      %dma_wait3A_266 = arith.constant 0 : i32
      %dma_wait3A_267 = tpu.memref_slice %arg12[%add3A_182, %dma_wait3A_266] : memref<10240x8xf32, #tpu.memory_space<vmem_shared>> -> memref<80x8xf32, #tpu.memory_space<vmem_shared>>
      %dma_wait3A_268 = arith.constant 0 : i32
      %dma_wait3A_269 = arith.constant 0 : i32
      %dma_wait3A_270 = tpu.memref_slice %arg11[%run_scoped3A_183, %dma_wait3A_268, %dma_wait3A_269] : memref<5x80x8xf32, #tpu.memory_space<vmem>> -> memref<1x80x8xf32, #tpu.memory_space<vmem>>
      %dma_wait3A_271 = tpu.memref_squeeze %dma_wait3A_270 : memref<1x80x8xf32, #tpu.memory_space<vmem>> -> memref<80x8xf32, #tpu.memory_space<vmem>>
      %dma_wait3A_272 = arith.constant 0 : i32
      %dma_wait3A_273 = tpu.memref_slice %arg12[%add3A_182, %dma_wait3A_272] : memref<10240x8xf32, #tpu.memory_space<vmem_shared>> -> memref<80x8xf32, #tpu.memory_space<vmem_shared>>
      tpu.wait_dma2 semaphore(%run_scoped3A_249 : memref<!tpu.dma_semaphore, #tpu.memory_space<semaphore_mem>>) src(%dma_wait3A_273 : memref<80x8xf32, #tpu.memory_space<vmem_shared>>) dst(%dma_wait3A_271 : memref<80x8xf32, #tpu.memory_space<vmem>>)
      tpu.yield
    }) : () -> ()
    %mul3A_184 = arith.constant 640 : i32
    %mul3A_185 = arith.muli %arg1, %mul3A_184 : i32
    %add3A_186 = arith.constant 80 : i32
    %add3A_187 = arith.addi %mul3A_185, %add3A_186 : i32
    %run_scoped3A_188 = arith.constant 1 : i32
    "tpu.region"() ({
      %run_scoped3A_249 = tpu.sem_alloc : memref<!tpu.dma_semaphore, #tpu.memory_space<semaphore_mem>>
      %dma_start3A_250 = arith.constant 0 : i32
      %dma_start3A_251 = arith.constant 0 : i32
      %dma_start3A_252 = tpu.memref_slice %arg11[%run_scoped3A_188, %dma_start3A_250, %dma_start3A_251] : memref<5x80x8xf32, #tpu.memory_space<vmem>> -> memref<1x80x8xf32, #tpu.memory_space<vmem>>
      %dma_start3A_253 = tpu.memref_squeeze %dma_start3A_252 : memref<1x80x8xf32, #tpu.memory_space<vmem>> -> memref<80x8xf32, #tpu.memory_space<vmem>>
      %dma_start3A_254 = arith.constant 0 : i32
      %dma_start3A_255 = tpu.memref_slice %arg7[%arg0, %add3A_187, %dma_start3A_254] : memref<2x10240x8xf32, #tpu.memory_space<hbm>> -> memref<1x80x8xf32, #tpu.memory_space<hbm>>
      %dma_start3A_256 = tpu.memref_squeeze %dma_start3A_255 : memref<1x80x8xf32, #tpu.memory_space<hbm>> -> memref<80x8xf32, #tpu.memory_space<hbm>>
      %dma_start3A_257 = arith.constant 0 : i32
      %dma_start3A_258 = tpu.memref_slice %arg7[%arg0, %add3A_187, %dma_start3A_257] : memref<2x10240x8xf32, #tpu.memory_space<hbm>> -> memref<1x80x8xf32, #tpu.memory_space<hbm>>
      %dma_start3A_259 = tpu.memref_squeeze %dma_start3A_258 : memref<1x80x8xf32, #tpu.memory_space<hbm>> -> memref<80x8xf32, #tpu.memory_space<hbm>>
      %dma_start3A_260 = arith.constant 0 : i32
      %dma_start3A_261 = arith.constant 0 : i32
      %dma_start3A_262 = tpu.memref_slice %arg11[%run_scoped3A_188, %dma_start3A_260, %dma_start3A_261] : memref<5x80x8xf32, #tpu.memory_space<vmem>> -> memref<1x80x8xf32, #tpu.memory_space<vmem>>
      %dma_start3A_263 = tpu.memref_squeeze %dma_start3A_262 : memref<1x80x8xf32, #tpu.memory_space<vmem>> -> memref<80x8xf32, #tpu.memory_space<vmem>>
      tpu.enqueue_dma source(%dma_start3A_263 : memref<80x8xf32, #tpu.memory_space<vmem>>) target(%dma_start3A_259 : memref<80x8xf32, #tpu.memory_space<hbm>>) target_semaphore(%run_scoped3A_249 : memref<!tpu.dma_semaphore, #tpu.memory_space<semaphore_mem>>)
      %dma_wait3A_264 = arith.constant 0 : i32
      %dma_wait3A_265 = arith.constant 0 : i32
      %dma_wait3A_266 = tpu.memref_slice %arg11[%run_scoped3A_188, %dma_wait3A_264, %dma_wait3A_265] : memref<5x80x8xf32, #tpu.memory_space<vmem>> -> memref<1x80x8xf32, #tpu.memory_space<vmem>>
      %dma_wait3A_267 = tpu.memref_squeeze %dma_wait3A_266 : memref<1x80x8xf32, #tpu.memory_space<vmem>> -> memref<80x8xf32, #tpu.memory_space<vmem>>
      %dma_wait3A_268 = arith.constant 0 : i32
      %dma_wait3A_269 = tpu.memref_slice %arg7[%arg0, %add3A_187, %dma_wait3A_268] : memref<2x10240x8xf32, #tpu.memory_space<hbm>> -> memref<1x80x8xf32, #tpu.memory_space<hbm>>
      %dma_wait3A_270 = tpu.memref_squeeze %dma_wait3A_269 : memref<1x80x8xf32, #tpu.memory_space<hbm>> -> memref<80x8xf32, #tpu.memory_space<hbm>>
      %dma_wait3A_271 = arith.constant 0 : i32
      %dma_wait3A_272 = tpu.memref_slice %arg7[%arg0, %add3A_187, %dma_wait3A_271] : memref<2x10240x8xf32, #tpu.memory_space<hbm>> -> memref<1x80x8xf32, #tpu.memory_space<hbm>>
      %dma_wait3A_273 = tpu.memref_squeeze %dma_wait3A_272 : memref<1x80x8xf32, #tpu.memory_space<hbm>> -> memref<80x8xf32, #tpu.memory_space<hbm>>
      %dma_wait3A_274 = arith.constant 0 : i32
      %dma_wait3A_275 = arith.constant 0 : i32
      %dma_wait3A_276 = tpu.memref_slice %arg11[%run_scoped3A_188, %dma_wait3A_274, %dma_wait3A_275] : memref<5x80x8xf32, #tpu.memory_space<vmem>> -> memref<1x80x8xf32, #tpu.memory_space<vmem>>
      %dma_wait3A_277 = tpu.memref_squeeze %dma_wait3A_276 : memref<1x80x8xf32, #tpu.memory_space<vmem>> -> memref<80x8xf32, #tpu.memory_space<vmem>>
      tpu.wait_dma2 semaphore(%run_scoped3A_249 : memref<!tpu.dma_semaphore, #tpu.memory_space<semaphore_mem>>) src(%dma_wait3A_277 : memref<80x8xf32, #tpu.memory_space<vmem>>) dst(%dma_wait3A_273 : memref<80x8xf32, #tpu.memory_space<hbm>>)
      tpu.yield
    }) : () -> ()
    %mul3A_189 = arith.constant 640 : i32
    %mul3A_190 = arith.muli %arg1, %mul3A_189 : i32
    %add3A_191 = arith.constant 160 : i32
    %add3A_192 = arith.addi %mul3A_190, %add3A_191 : i32
    %run_scoped3A_193 = arith.constant 2 : i32
    "tpu.region"() ({
      %run_scoped3A_249 = tpu.sem_alloc : memref<!tpu.dma_semaphore, #tpu.memory_space<semaphore_mem>>
      %dma_start3A_250 = arith.constant 0 : i32
      %dma_start3A_251 = arith.constant 0 : i32
      %dma_start3A_252 = tpu.memref_slice %arg11[%run_scoped3A_193, %dma_start3A_250, %dma_start3A_251] : memref<5x80x8xf32, #tpu.memory_space<vmem>> -> memref<1x80x8xf32, #tpu.memory_space<vmem>>
      %dma_start3A_253 = tpu.memref_squeeze %dma_start3A_252 : memref<1x80x8xf32, #tpu.memory_space<vmem>> -> memref<80x8xf32, #tpu.memory_space<vmem>>
      %dma_start3A_254 = arith.constant 0 : i32
      %dma_start3A_255 = tpu.memref_slice %arg12[%add3A_192, %dma_start3A_254] : memref<10240x8xf32, #tpu.memory_space<vmem_shared>> -> memref<80x8xf32, #tpu.memory_space<vmem_shared>>
      %dma_start3A_256 = arith.constant 0 : i32
      %dma_start3A_257 = arith.constant 0 : i32
      %dma_start3A_258 = tpu.memref_slice %arg11[%run_scoped3A_193, %dma_start3A_256, %dma_start3A_257] : memref<5x80x8xf32, #tpu.memory_space<vmem>> -> memref<1x80x8xf32, #tpu.memory_space<vmem>>
      %dma_start3A_259 = tpu.memref_squeeze %dma_start3A_258 : memref<1x80x8xf32, #tpu.memory_space<vmem>> -> memref<80x8xf32, #tpu.memory_space<vmem>>
      %dma_start3A_260 = arith.constant 0 : i32
      %dma_start3A_261 = tpu.memref_slice %arg12[%add3A_192, %dma_start3A_260] : memref<10240x8xf32, #tpu.memory_space<vmem_shared>> -> memref<80x8xf32, #tpu.memory_space<vmem_shared>>
      tpu.enqueue_dma source(%dma_start3A_261 : memref<80x8xf32, #tpu.memory_space<vmem_shared>>) target(%dma_start3A_259 : memref<80x8xf32, #tpu.memory_space<vmem>>) target_semaphore(%run_scoped3A_249 : memref<!tpu.dma_semaphore, #tpu.memory_space<semaphore_mem>>)
      %dma_wait3A_262 = arith.constant 0 : i32
      %dma_wait3A_263 = arith.constant 0 : i32
      %dma_wait3A_264 = tpu.memref_slice %arg11[%run_scoped3A_193, %dma_wait3A_262, %dma_wait3A_263] : memref<5x80x8xf32, #tpu.memory_space<vmem>> -> memref<1x80x8xf32, #tpu.memory_space<vmem>>
      %dma_wait3A_265 = tpu.memref_squeeze %dma_wait3A_264 : memref<1x80x8xf32, #tpu.memory_space<vmem>> -> memref<80x8xf32, #tpu.memory_space<vmem>>
      %dma_wait3A_266 = arith.constant 0 : i32
      %dma_wait3A_267 = tpu.memref_slice %arg12[%add3A_192, %dma_wait3A_266] : memref<10240x8xf32, #tpu.memory_space<vmem_shared>> -> memref<80x8xf32, #tpu.memory_space<vmem_shared>>
      %dma_wait3A_268 = arith.constant 0 : i32
      %dma_wait3A_269 = arith.constant 0 : i32
      %dma_wait3A_270 = tpu.memref_slice %arg11[%run_scoped3A_193, %dma_wait3A_268, %dma_wait3A_269] : memref<5x80x8xf32, #tpu.memory_space<vmem>> -> memref<1x80x8xf32, #tpu.memory_space<vmem>>
      %dma_wait3A_271 = tpu.memref_squeeze %dma_wait3A_270 : memref<1x80x8xf32, #tpu.memory_space<vmem>> -> memref<80x8xf32, #tpu.memory_space<vmem>>
      %dma_wait3A_272 = arith.constant 0 : i32
      %dma_wait3A_273 = tpu.memref_slice %arg12[%add3A_192, %dma_wait3A_272] : memref<10240x8xf32, #tpu.memory_space<vmem_shared>> -> memref<80x8xf32, #tpu.memory_space<vmem_shared>>
      tpu.wait_dma2 semaphore(%run_scoped3A_249 : memref<!tpu.dma_semaphore, #tpu.memory_space<semaphore_mem>>) src(%dma_wait3A_273 : memref<80x8xf32, #tpu.memory_space<vmem_shared>>) dst(%dma_wait3A_271 : memref<80x8xf32, #tpu.memory_space<vmem>>)
      tpu.yield
    }) : () -> ()
    %mul3A_194 = arith.constant 640 : i32
    %mul3A_195 = arith.muli %arg1, %mul3A_194 : i32
    %add3A_196 = arith.constant 160 : i32
    %add3A_197 = arith.addi %mul3A_195, %add3A_196 : i32
    %run_scoped3A_198 = arith.constant 2 : i32
    "tpu.region"() ({
      %run_scoped3A_249 = tpu.sem_alloc : memref<!tpu.dma_semaphore, #tpu.memory_space<semaphore_mem>>
      %dma_start3A_250 = arith.constant 0 : i32
      %dma_start3A_251 = arith.constant 0 : i32
      %dma_start3A_252 = tpu.memref_slice %arg11[%run_scoped3A_198, %dma_start3A_250, %dma_start3A_251] : memref<5x80x8xf32, #tpu.memory_space<vmem>> -> memref<1x80x8xf32, #tpu.memory_space<vmem>>
      %dma_start3A_253 = tpu.memref_squeeze %dma_start3A_252 : memref<1x80x8xf32, #tpu.memory_space<vmem>> -> memref<80x8xf32, #tpu.memory_space<vmem>>
      %dma_start3A_254 = arith.constant 0 : i32
      %dma_start3A_255 = tpu.memref_slice %arg7[%arg0, %add3A_197, %dma_start3A_254] : memref<2x10240x8xf32, #tpu.memory_space<hbm>> -> memref<1x80x8xf32, #tpu.memory_space<hbm>>
      %dma_start3A_256 = tpu.memref_squeeze %dma_start3A_255 : memref<1x80x8xf32, #tpu.memory_space<hbm>> -> memref<80x8xf32, #tpu.memory_space<hbm>>
      %dma_start3A_257 = arith.constant 0 : i32
      %dma_start3A_258 = tpu.memref_slice %arg7[%arg0, %add3A_197, %dma_start3A_257] : memref<2x10240x8xf32, #tpu.memory_space<hbm>> -> memref<1x80x8xf32, #tpu.memory_space<hbm>>
      %dma_start3A_259 = tpu.memref_squeeze %dma_start3A_258 : memref<1x80x8xf32, #tpu.memory_space<hbm>> -> memref<80x8xf32, #tpu.memory_space<hbm>>
      %dma_start3A_260 = arith.constant 0 : i32
      %dma_start3A_261 = arith.constant 0 : i32
      %dma_start3A_262 = tpu.memref_slice %arg11[%run_scoped3A_198, %dma_start3A_260, %dma_start3A_261] : memref<5x80x8xf32, #tpu.memory_space<vmem>> -> memref<1x80x8xf32, #tpu.memory_space<vmem>>
      %dma_start3A_263 = tpu.memref_squeeze %dma_start3A_262 : memref<1x80x8xf32, #tpu.memory_space<vmem>> -> memref<80x8xf32, #tpu.memory_space<vmem>>
      tpu.enqueue_dma source(%dma_start3A_263 : memref<80x8xf32, #tpu.memory_space<vmem>>) target(%dma_start3A_259 : memref<80x8xf32, #tpu.memory_space<hbm>>) target_semaphore(%run_scoped3A_249 : memref<!tpu.dma_semaphore, #tpu.memory_space<semaphore_mem>>)
      %dma_wait3A_264 = arith.constant 0 : i32
      %dma_wait3A_265 = arith.constant 0 : i32
      %dma_wait3A_266 = tpu.memref_slice %arg11[%run_scoped3A_198, %dma_wait3A_264, %dma_wait3A_265] : memref<5x80x8xf32, #tpu.memory_space<vmem>> -> memref<1x80x8xf32, #tpu.memory_space<vmem>>
      %dma_wait3A_267 = tpu.memref_squeeze %dma_wait3A_266 : memref<1x80x8xf32, #tpu.memory_space<vmem>> -> memref<80x8xf32, #tpu.memory_space<vmem>>
      %dma_wait3A_268 = arith.constant 0 : i32
      %dma_wait3A_269 = tpu.memref_slice %arg7[%arg0, %add3A_197, %dma_wait3A_268] : memref<2x10240x8xf32, #tpu.memory_space<hbm>> -> memref<1x80x8xf32, #tpu.memory_space<hbm>>
      %dma_wait3A_270 = tpu.memref_squeeze %dma_wait3A_269 : memref<1x80x8xf32, #tpu.memory_space<hbm>> -> memref<80x8xf32, #tpu.memory_space<hbm>>
      %dma_wait3A_271 = arith.constant 0 : i32
      %dma_wait3A_272 = tpu.memref_slice %arg7[%arg0, %add3A_197, %dma_wait3A_271] : memref<2x10240x8xf32, #tpu.memory_space<hbm>> -> memref<1x80x8xf32, #tpu.memory_space<hbm>>
      %dma_wait3A_273 = tpu.memref_squeeze %dma_wait3A_272 : memref<1x80x8xf32, #tpu.memory_space<hbm>> -> memref<80x8xf32, #tpu.memory_space<hbm>>
      %dma_wait3A_274 = arith.constant 0 : i32
      %dma_wait3A_275 = arith.constant 0 : i32
      %dma_wait3A_276 = tpu.memref_slice %arg11[%run_scoped3A_198, %dma_wait3A_274, %dma_wait3A_275] : memref<5x80x8xf32, #tpu.memory_space<vmem>> -> memref<1x80x8xf32, #tpu.memory_space<vmem>>
      %dma_wait3A_277 = tpu.memref_squeeze %dma_wait3A_276 : memref<1x80x8xf32, #tpu.memory_space<vmem>> -> memref<80x8xf32, #tpu.memory_space<vmem>>
      tpu.wait_dma2 semaphore(%run_scoped3A_249 : memref<!tpu.dma_semaphore, #tpu.memory_space<semaphore_mem>>) src(%dma_wait3A_277 : memref<80x8xf32, #tpu.memory_space<vmem>>) dst(%dma_wait3A_273 : memref<80x8xf32, #tpu.memory_space<hbm>>)
      tpu.yield
    }) : () -> ()
    %mul3A_199 = arith.constant 640 : i32
    %mul3A_200 = arith.muli %arg1, %mul3A_199 : i32
    %add3A_201 = arith.constant 240 : i32
    %add3A_202 = arith.addi %mul3A_200, %add3A_201 : i32
    %run_scoped3A_203 = arith.constant 3 : i32
    "tpu.region"() ({
      %run_scoped3A_249 = tpu.sem_alloc : memref<!tpu.dma_semaphore, #tpu.memory_space<semaphore_mem>>
      %dma_start3A_250 = arith.constant 0 : i32
      %dma_start3A_251 = arith.constant 0 : i32
      %dma_start3A_252 = tpu.memref_slice %arg11[%run_scoped3A_203, %dma_start3A_250, %dma_start3A_251] : memref<5x80x8xf32, #tpu.memory_space<vmem>> -> memref<1x80x8xf32, #tpu.memory_space<vmem>>
      %dma_start3A_253 = tpu.memref_squeeze %dma_start3A_252 : memref<1x80x8xf32, #tpu.memory_space<vmem>> -> memref<80x8xf32, #tpu.memory_space<vmem>>
      %dma_start3A_254 = arith.constant 0 : i32
      %dma_start3A_255 = tpu.memref_slice %arg12[%add3A_202, %dma_start3A_254] : memref<10240x8xf32, #tpu.memory_space<vmem_shared>> -> memref<80x8xf32, #tpu.memory_space<vmem_shared>>
      %dma_start3A_256 = arith.constant 0 : i32
      %dma_start3A_257 = arith.constant 0 : i32
      %dma_start3A_258 = tpu.memref_slice %arg11[%run_scoped3A_203, %dma_start3A_256, %dma_start3A_257] : memref<5x80x8xf32, #tpu.memory_space<vmem>> -> memref<1x80x8xf32, #tpu.memory_space<vmem>>
      %dma_start3A_259 = tpu.memref_squeeze %dma_start3A_258 : memref<1x80x8xf32, #tpu.memory_space<vmem>> -> memref<80x8xf32, #tpu.memory_space<vmem>>
      %dma_start3A_260 = arith.constant 0 : i32
      %dma_start3A_261 = tpu.memref_slice %arg12[%add3A_202, %dma_start3A_260] : memref<10240x8xf32, #tpu.memory_space<vmem_shared>> -> memref<80x8xf32, #tpu.memory_space<vmem_shared>>
      tpu.enqueue_dma source(%dma_start3A_261 : memref<80x8xf32, #tpu.memory_space<vmem_shared>>) target(%dma_start3A_259 : memref<80x8xf32, #tpu.memory_space<vmem>>) target_semaphore(%run_scoped3A_249 : memref<!tpu.dma_semaphore, #tpu.memory_space<semaphore_mem>>)
      %dma_wait3A_262 = arith.constant 0 : i32
      %dma_wait3A_263 = arith.constant 0 : i32
      %dma_wait3A_264 = tpu.memref_slice %arg11[%run_scoped3A_203, %dma_wait3A_262, %dma_wait3A_263] : memref<5x80x8xf32, #tpu.memory_space<vmem>> -> memref<1x80x8xf32, #tpu.memory_space<vmem>>
      %dma_wait3A_265 = tpu.memref_squeeze %dma_wait3A_264 : memref<1x80x8xf32, #tpu.memory_space<vmem>> -> memref<80x8xf32, #tpu.memory_space<vmem>>
      %dma_wait3A_266 = arith.constant 0 : i32
      %dma_wait3A_267 = tpu.memref_slice %arg12[%add3A_202, %dma_wait3A_266] : memref<10240x8xf32, #tpu.memory_space<vmem_shared>> -> memref<80x8xf32, #tpu.memory_space<vmem_shared>>
      %dma_wait3A_268 = arith.constant 0 : i32
      %dma_wait3A_269 = arith.constant 0 : i32
      %dma_wait3A_270 = tpu.memref_slice %arg11[%run_scoped3A_203, %dma_wait3A_268, %dma_wait3A_269] : memref<5x80x8xf32, #tpu.memory_space<vmem>> -> memref<1x80x8xf32, #tpu.memory_space<vmem>>
      %dma_wait3A_271 = tpu.memref_squeeze %dma_wait3A_270 : memref<1x80x8xf32, #tpu.memory_space<vmem>> -> memref<80x8xf32, #tpu.memory_space<vmem>>
      %dma_wait3A_272 = arith.constant 0 : i32
      %dma_wait3A_273 = tpu.memref_slice %arg12[%add3A_202, %dma_wait3A_272] : memref<10240x8xf32, #tpu.memory_space<vmem_shared>> -> memref<80x8xf32, #tpu.memory_space<vmem_shared>>
      tpu.wait_dma2 semaphore(%run_scoped3A_249 : memref<!tpu.dma_semaphore, #tpu.memory_space<semaphore_mem>>) src(%dma_wait3A_273 : memref<80x8xf32, #tpu.memory_space<vmem_shared>>) dst(%dma_wait3A_271 : memref<80x8xf32, #tpu.memory_space<vmem>>)
      tpu.yield
    }) : () -> ()
    %mul3A_204 = arith.constant 640 : i32
    %mul3A_205 = arith.muli %arg1, %mul3A_204 : i32
    %add3A_206 = arith.constant 240 : i32
    %add3A_207 = arith.addi %mul3A_205, %add3A_206 : i32
    %run_scoped3A_208 = arith.constant 3 : i32
    "tpu.region"() ({
      %run_scoped3A_249 = tpu.sem_alloc : memref<!tpu.dma_semaphore, #tpu.memory_space<semaphore_mem>>
      %dma_start3A_250 = arith.constant 0 : i32
      %dma_start3A_251 = arith.constant 0 : i32
      %dma_start3A_252 = tpu.memref_slice %arg11[%run_scoped3A_208, %dma_start3A_250, %dma_start3A_251] : memref<5x80x8xf32, #tpu.memory_space<vmem>> -> memref<1x80x8xf32, #tpu.memory_space<vmem>>
      %dma_start3A_253 = tpu.memref_squeeze %dma_start3A_252 : memref<1x80x8xf32, #tpu.memory_space<vmem>> -> memref<80x8xf32, #tpu.memory_space<vmem>>
      %dma_start3A_254 = arith.constant 0 : i32
      %dma_start3A_255 = tpu.memref_slice %arg7[%arg0, %add3A_207, %dma_start3A_254] : memref<2x10240x8xf32, #tpu.memory_space<hbm>> -> memref<1x80x8xf32, #tpu.memory_space<hbm>>
      %dma_start3A_256 = tpu.memref_squeeze %dma_start3A_255 : memref<1x80x8xf32, #tpu.memory_space<hbm>> -> memref<80x8xf32, #tpu.memory_space<hbm>>
      %dma_start3A_257 = arith.constant 0 : i32
      %dma_start3A_258 = tpu.memref_slice %arg7[%arg0, %add3A_207, %dma_start3A_257] : memref<2x10240x8xf32, #tpu.memory_space<hbm>> -> memref<1x80x8xf32, #tpu.memory_space<hbm>>
      %dma_start3A_259 = tpu.memref_squeeze %dma_start3A_258 : memref<1x80x8xf32, #tpu.memory_space<hbm>> -> memref<80x8xf32, #tpu.memory_space<hbm>>
      %dma_start3A_260 = arith.constant 0 : i32
      %dma_start3A_261 = arith.constant 0 : i32
      %dma_start3A_262 = tpu.memref_slice %arg11[%run_scoped3A_208, %dma_start3A_260, %dma_start3A_261] : memref<5x80x8xf32, #tpu.memory_space<vmem>> -> memref<1x80x8xf32, #tpu.memory_space<vmem>>
      %dma_start3A_263 = tpu.memref_squeeze %dma_start3A_262 : memref<1x80x8xf32, #tpu.memory_space<vmem>> -> memref<80x8xf32, #tpu.memory_space<vmem>>
      tpu.enqueue_dma source(%dma_start3A_263 : memref<80x8xf32, #tpu.memory_space<vmem>>) target(%dma_start3A_259 : memref<80x8xf32, #tpu.memory_space<hbm>>) target_semaphore(%run_scoped3A_249 : memref<!tpu.dma_semaphore, #tpu.memory_space<semaphore_mem>>)
      %dma_wait3A_264 = arith.constant 0 : i32
      %dma_wait3A_265 = arith.constant 0 : i32
      %dma_wait3A_266 = tpu.memref_slice %arg11[%run_scoped3A_208, %dma_wait3A_264, %dma_wait3A_265] : memref<5x80x8xf32, #tpu.memory_space<vmem>> -> memref<1x80x8xf32, #tpu.memory_space<vmem>>
      %dma_wait3A_267 = tpu.memref_squeeze %dma_wait3A_266 : memref<1x80x8xf32, #tpu.memory_space<vmem>> -> memref<80x8xf32, #tpu.memory_space<vmem>>
      %dma_wait3A_268 = arith.constant 0 : i32
      %dma_wait3A_269 = tpu.memref_slice %arg7[%arg0, %add3A_207, %dma_wait3A_268] : memref<2x10240x8xf32, #tpu.memory_space<hbm>> -> memref<1x80x8xf32, #tpu.memory_space<hbm>>
      %dma_wait3A_270 = tpu.memref_squeeze %dma_wait3A_269 : memref<1x80x8xf32, #tpu.memory_space<hbm>> -> memref<80x8xf32, #tpu.memory_space<hbm>>
      %dma_wait3A_271 = arith.constant 0 : i32
      %dma_wait3A_272 = tpu.memref_slice %arg7[%arg0, %add3A_207, %dma_wait3A_271] : memref<2x10240x8xf32, #tpu.memory_space<hbm>> -> memref<1x80x8xf32, #tpu.memory_space<hbm>>
      %dma_wait3A_273 = tpu.memref_squeeze %dma_wait3A_272 : memref<1x80x8xf32, #tpu.memory_space<hbm>> -> memref<80x8xf32, #tpu.memory_space<hbm>>
      %dma_wait3A_274 = arith.constant 0 : i32
      %dma_wait3A_275 = arith.constant 0 : i32
      %dma_wait3A_276 = tpu.memref_slice %arg11[%run_scoped3A_208, %dma_wait3A_274, %dma_wait3A_275] : memref<5x80x8xf32, #tpu.memory_space<vmem>> -> memref<1x80x8xf32, #tpu.memory_space<vmem>>
      %dma_wait3A_277 = tpu.memref_squeeze %dma_wait3A_276 : memref<1x80x8xf32, #tpu.memory_space<vmem>> -> memref<80x8xf32, #tpu.memory_space<vmem>>
      tpu.wait_dma2 semaphore(%run_scoped3A_249 : memref<!tpu.dma_semaphore, #tpu.memory_space<semaphore_mem>>) src(%dma_wait3A_277 : memref<80x8xf32, #tpu.memory_space<vmem>>) dst(%dma_wait3A_273 : memref<80x8xf32, #tpu.memory_space<hbm>>)
      tpu.yield
    }) : () -> ()
    %mul3A_209 = arith.constant 640 : i32
    %mul3A_210 = arith.muli %arg1, %mul3A_209 : i32
    %add3A_211 = arith.constant 320 : i32
    %add3A_212 = arith.addi %mul3A_210, %add3A_211 : i32
    %run_scoped3A_213 = arith.constant 4 : i32
    "tpu.region"() ({
      %run_scoped3A_249 = tpu.sem_alloc : memref<!tpu.dma_semaphore, #tpu.memory_space<semaphore_mem>>
      %dma_start3A_250 = arith.constant 0 : i32
      %dma_start3A_251 = arith.constant 0 : i32
      %dma_start3A_252 = tpu.memref_slice %arg11[%run_scoped3A_213, %dma_start3A_250, %dma_start3A_251] : memref<5x80x8xf32, #tpu.memory_space<vmem>> -> memref<1x80x8xf32, #tpu.memory_space<vmem>>
      %dma_start3A_253 = tpu.memref_squeeze %dma_start3A_252 : memref<1x80x8xf32, #tpu.memory_space<vmem>> -> memref<80x8xf32, #tpu.memory_space<vmem>>
      %dma_start3A_254 = arith.constant 0 : i32
      %dma_start3A_255 = tpu.memref_slice %arg12[%add3A_212, %dma_start3A_254] : memref<10240x8xf32, #tpu.memory_space<vmem_shared>> -> memref<80x8xf32, #tpu.memory_space<vmem_shared>>
      %dma_start3A_256 = arith.constant 0 : i32
      %dma_start3A_257 = arith.constant 0 : i32
      %dma_start3A_258 = tpu.memref_slice %arg11[%run_scoped3A_213, %dma_start3A_256, %dma_start3A_257] : memref<5x80x8xf32, #tpu.memory_space<vmem>> -> memref<1x80x8xf32, #tpu.memory_space<vmem>>
      %dma_start3A_259 = tpu.memref_squeeze %dma_start3A_258 : memref<1x80x8xf32, #tpu.memory_space<vmem>> -> memref<80x8xf32, #tpu.memory_space<vmem>>
      %dma_start3A_260 = arith.constant 0 : i32
      %dma_start3A_261 = tpu.memref_slice %arg12[%add3A_212, %dma_start3A_260] : memref<10240x8xf32, #tpu.memory_space<vmem_shared>> -> memref<80x8xf32, #tpu.memory_space<vmem_shared>>
      tpu.enqueue_dma source(%dma_start3A_261 : memref<80x8xf32, #tpu.memory_space<vmem_shared>>) target(%dma_start3A_259 : memref<80x8xf32, #tpu.memory_space<vmem>>) target_semaphore(%run_scoped3A_249 : memref<!tpu.dma_semaphore, #tpu.memory_space<semaphore_mem>>)
      %dma_wait3A_262 = arith.constant 0 : i32
      %dma_wait3A_263 = arith.constant 0 : i32
      %dma_wait3A_264 = tpu.memref_slice %arg11[%run_scoped3A_213, %dma_wait3A_262, %dma_wait3A_263] : memref<5x80x8xf32, #tpu.memory_space<vmem>> -> memref<1x80x8xf32, #tpu.memory_space<vmem>>
      %dma_wait3A_265 = tpu.memref_squeeze %dma_wait3A_264 : memref<1x80x8xf32, #tpu.memory_space<vmem>> -> memref<80x8xf32, #tpu.memory_space<vmem>>
      %dma_wait3A_266 = arith.constant 0 : i32
      %dma_wait3A_267 = tpu.memref_slice %arg12[%add3A_212, %dma_wait3A_266] : memref<10240x8xf32, #tpu.memory_space<vmem_shared>> -> memref<80x8xf32, #tpu.memory_space<vmem_shared>>
      %dma_wait3A_268 = arith.constant 0 : i32
      %dma_wait3A_269 = arith.constant 0 : i32
      %dma_wait3A_270 = tpu.memref_slice %arg11[%run_scoped3A_213, %dma_wait3A_268, %dma_wait3A_269] : memref<5x80x8xf32, #tpu.memory_space<vmem>> -> memref<1x80x8xf32, #tpu.memory_space<vmem>>
      %dma_wait3A_271 = tpu.memref_squeeze %dma_wait3A_270 : memref<1x80x8xf32, #tpu.memory_space<vmem>> -> memref<80x8xf32, #tpu.memory_space<vmem>>
      %dma_wait3A_272 = arith.constant 0 : i32
      %dma_wait3A_273 = tpu.memref_slice %arg12[%add3A_212, %dma_wait3A_272] : memref<10240x8xf32, #tpu.memory_space<vmem_shared>> -> memref<80x8xf32, #tpu.memory_space<vmem_shared>>
      tpu.wait_dma2 semaphore(%run_scoped3A_249 : memref<!tpu.dma_semaphore, #tpu.memory_space<semaphore_mem>>) src(%dma_wait3A_273 : memref<80x8xf32, #tpu.memory_space<vmem_shared>>) dst(%dma_wait3A_271 : memref<80x8xf32, #tpu.memory_space<vmem>>)
      tpu.yield
    }) : () -> ()
    %mul3A_214 = arith.constant 640 : i32
    %mul3A_215 = arith.muli %arg1, %mul3A_214 : i32
    %add3A_216 = arith.constant 320 : i32
    %add3A_217 = arith.addi %mul3A_215, %add3A_216 : i32
    %run_scoped3A_218 = arith.constant 4 : i32
    "tpu.region"() ({
      %run_scoped3A_249 = tpu.sem_alloc : memref<!tpu.dma_semaphore, #tpu.memory_space<semaphore_mem>>
      %dma_start3A_250 = arith.constant 0 : i32
      %dma_start3A_251 = arith.constant 0 : i32
      %dma_start3A_252 = tpu.memref_slice %arg11[%run_scoped3A_218, %dma_start3A_250, %dma_start3A_251] : memref<5x80x8xf32, #tpu.memory_space<vmem>> -> memref<1x80x8xf32, #tpu.memory_space<vmem>>
      %dma_start3A_253 = tpu.memref_squeeze %dma_start3A_252 : memref<1x80x8xf32, #tpu.memory_space<vmem>> -> memref<80x8xf32, #tpu.memory_space<vmem>>
      %dma_start3A_254 = arith.constant 0 : i32
      %dma_start3A_255 = tpu.memref_slice %arg7[%arg0, %add3A_217, %dma_start3A_254] : memref<2x10240x8xf32, #tpu.memory_space<hbm>> -> memref<1x80x8xf32, #tpu.memory_space<hbm>>
      %dma_start3A_256 = tpu.memref_squeeze %dma_start3A_255 : memref<1x80x8xf32, #tpu.memory_space<hbm>> -> memref<80x8xf32, #tpu.memory_space<hbm>>
      %dma_start3A_257 = arith.constant 0 : i32
      %dma_start3A_258 = tpu.memref_slice %arg7[%arg0, %add3A_217, %dma_start3A_257] : memref<2x10240x8xf32, #tpu.memory_space<hbm>> -> memref<1x80x8xf32, #tpu.memory_space<hbm>>
      %dma_start3A_259 = tpu.memref_squeeze %dma_start3A_258 : memref<1x80x8xf32, #tpu.memory_space<hbm>> -> memref<80x8xf32, #tpu.memory_space<hbm>>
      %dma_start3A_260 = arith.constant 0 : i32
      %dma_start3A_261 = arith.constant 0 : i32
      %dma_start3A_262 = tpu.memref_slice %arg11[%run_scoped3A_218, %dma_start3A_260, %dma_start3A_261] : memref<5x80x8xf32, #tpu.memory_space<vmem>> -> memref<1x80x8xf32, #tpu.memory_space<vmem>>
      %dma_start3A_263 = tpu.memref_squeeze %dma_start3A_262 : memref<1x80x8xf32, #tpu.memory_space<vmem>> -> memref<80x8xf32, #tpu.memory_space<vmem>>
      tpu.enqueue_dma source(%dma_start3A_263 : memref<80x8xf32, #tpu.memory_space<vmem>>) target(%dma_start3A_259 : memref<80x8xf32, #tpu.memory_space<hbm>>) target_semaphore(%run_scoped3A_249 : memref<!tpu.dma_semaphore, #tpu.memory_space<semaphore_mem>>)
      %dma_wait3A_264 = arith.constant 0 : i32
      %dma_wait3A_265 = arith.constant 0 : i32
      %dma_wait3A_266 = tpu.memref_slice %arg11[%run_scoped3A_218, %dma_wait3A_264, %dma_wait3A_265] : memref<5x80x8xf32, #tpu.memory_space<vmem>> -> memref<1x80x8xf32, #tpu.memory_space<vmem>>
      %dma_wait3A_267 = tpu.memref_squeeze %dma_wait3A_266 : memref<1x80x8xf32, #tpu.memory_space<vmem>> -> memref<80x8xf32, #tpu.memory_space<vmem>>
      %dma_wait3A_268 = arith.constant 0 : i32
      %dma_wait3A_269 = tpu.memref_slice %arg7[%arg0, %add3A_217, %dma_wait3A_268] : memref<2x10240x8xf32, #tpu.memory_space<hbm>> -> memref<1x80x8xf32, #tpu.memory_space<hbm>>
      %dma_wait3A_270 = tpu.memref_squeeze %dma_wait3A_269 : memref<1x80x8xf32, #tpu.memory_space<hbm>> -> memref<80x8xf32, #tpu.memory_space<hbm>>
      %dma_wait3A_271 = arith.constant 0 : i32
      %dma_wait3A_272 = tpu.memref_slice %arg7[%arg0, %add3A_217, %dma_wait3A_271] : memref<2x10240x8xf32, #tpu.memory_space<hbm>> -> memref<1x80x8xf32, #tpu.memory_space<hbm>>
      %dma_wait3A_273 = tpu.memref_squeeze %dma_wait3A_272 : memref<1x80x8xf32, #tpu.memory_space<hbm>> -> memref<80x8xf32, #tpu.memory_space<hbm>>
      %dma_wait3A_274 = arith.constant 0 : i32
      %dma_wait3A_275 = arith.constant 0 : i32
      %dma_wait3A_276 = tpu.memref_slice %arg11[%run_scoped3A_218, %dma_wait3A_274, %dma_wait3A_275] : memref<5x80x8xf32, #tpu.memory_space<vmem>> -> memref<1x80x8xf32, #tpu.memory_space<vmem>>
      %dma_wait3A_277 = tpu.memref_squeeze %dma_wait3A_276 : memref<1x80x8xf32, #tpu.memory_space<vmem>> -> memref<80x8xf32, #tpu.memory_space<vmem>>
      tpu.wait_dma2 semaphore(%run_scoped3A_249 : memref<!tpu.dma_semaphore, #tpu.memory_space<semaphore_mem>>) src(%dma_wait3A_277 : memref<80x8xf32, #tpu.memory_space<vmem>>) dst(%dma_wait3A_273 : memref<80x8xf32, #tpu.memory_space<hbm>>)
      tpu.yield
    }) : () -> ()
    %mul3A_219 = arith.constant 640 : i32
    %mul3A_220 = arith.muli %arg1, %mul3A_219 : i32
    %add3A_221 = arith.constant 400 : i32
    %add3A_222 = arith.addi %mul3A_220, %add3A_221 : i32
    %run_scoped3A_223 = arith.constant 0 : i32
    "tpu.region"() ({
      %run_scoped3A_249 = tpu.sem_alloc : memref<!tpu.dma_semaphore, #tpu.memory_space<semaphore_mem>>
      %dma_start3A_250 = arith.constant 0 : i32
      %dma_start3A_251 = arith.constant 0 : i32
      %dma_start3A_252 = tpu.memref_slice %arg11[%run_scoped3A_223, %dma_start3A_250, %dma_start3A_251] : memref<5x80x8xf32, #tpu.memory_space<vmem>> -> memref<1x80x8xf32, #tpu.memory_space<vmem>>
      %dma_start3A_253 = tpu.memref_squeeze %dma_start3A_252 : memref<1x80x8xf32, #tpu.memory_space<vmem>> -> memref<80x8xf32, #tpu.memory_space<vmem>>
      %dma_start3A_254 = arith.constant 0 : i32
      %dma_start3A_255 = tpu.memref_slice %arg12[%add3A_222, %dma_start3A_254] : memref<10240x8xf32, #tpu.memory_space<vmem_shared>> -> memref<80x8xf32, #tpu.memory_space<vmem_shared>>
      %dma_start3A_256 = arith.constant 0 : i32
      %dma_start3A_257 = arith.constant 0 : i32
      %dma_start3A_258 = tpu.memref_slice %arg11[%run_scoped3A_223, %dma_start3A_256, %dma_start3A_257] : memref<5x80x8xf32, #tpu.memory_space<vmem>> -> memref<1x80x8xf32, #tpu.memory_space<vmem>>
      %dma_start3A_259 = tpu.memref_squeeze %dma_start3A_258 : memref<1x80x8xf32, #tpu.memory_space<vmem>> -> memref<80x8xf32, #tpu.memory_space<vmem>>
      %dma_start3A_260 = arith.constant 0 : i32
      %dma_start3A_261 = tpu.memref_slice %arg12[%add3A_222, %dma_start3A_260] : memref<10240x8xf32, #tpu.memory_space<vmem_shared>> -> memref<80x8xf32, #tpu.memory_space<vmem_shared>>
      tpu.enqueue_dma source(%dma_start3A_261 : memref<80x8xf32, #tpu.memory_space<vmem_shared>>) target(%dma_start3A_259 : memref<80x8xf32, #tpu.memory_space<vmem>>) target_semaphore(%run_scoped3A_249 : memref<!tpu.dma_semaphore, #tpu.memory_space<semaphore_mem>>)
      %dma_wait3A_262 = arith.constant 0 : i32
      %dma_wait3A_263 = arith.constant 0 : i32
      %dma_wait3A_264 = tpu.memref_slice %arg11[%run_scoped3A_223, %dma_wait3A_262, %dma_wait3A_263] : memref<5x80x8xf32, #tpu.memory_space<vmem>> -> memref<1x80x8xf32, #tpu.memory_space<vmem>>
      %dma_wait3A_265 = tpu.memref_squeeze %dma_wait3A_264 : memref<1x80x8xf32, #tpu.memory_space<vmem>> -> memref<80x8xf32, #tpu.memory_space<vmem>>
      %dma_wait3A_266 = arith.constant 0 : i32
      %dma_wait3A_267 = tpu.memref_slice %arg12[%add3A_222, %dma_wait3A_266] : memref<10240x8xf32, #tpu.memory_space<vmem_shared>> -> memref<80x8xf32, #tpu.memory_space<vmem_shared>>
      %dma_wait3A_268 = arith.constant 0 : i32
      %dma_wait3A_269 = arith.constant 0 : i32
      %dma_wait3A_270 = tpu.memref_slice %arg11[%run_scoped3A_223, %dma_wait3A_268, %dma_wait3A_269] : memref<5x80x8xf32, #tpu.memory_space<vmem>> -> memref<1x80x8xf32, #tpu.memory_space<vmem>>
      %dma_wait3A_271 = tpu.memref_squeeze %dma_wait3A_270 : memref<1x80x8xf32, #tpu.memory_space<vmem>> -> memref<80x8xf32, #tpu.memory_space<vmem>>
      %dma_wait3A_272 = arith.constant 0 : i32
      %dma_wait3A_273 = tpu.memref_slice %arg12[%add3A_222, %dma_wait3A_272] : memref<10240x8xf32, #tpu.memory_space<vmem_shared>> -> memref<80x8xf32, #tpu.memory_space<vmem_shared>>
      tpu.wait_dma2 semaphore(%run_scoped3A_249 : memref<!tpu.dma_semaphore, #tpu.memory_space<semaphore_mem>>) src(%dma_wait3A_273 : memref<80x8xf32, #tpu.memory_space<vmem_shared>>) dst(%dma_wait3A_271 : memref<80x8xf32, #tpu.memory_space<vmem>>)
      tpu.yield
    }) : () -> ()
    %mul3A_224 = arith.constant 640 : i32
    %mul3A_225 = arith.muli %arg1, %mul3A_224 : i32
    %add3A_226 = arith.constant 400 : i32
    %add3A_227 = arith.addi %mul3A_225, %add3A_226 : i32
    %run_scoped3A_228 = arith.constant 0 : i32
    "tpu.region"() ({
      %run_scoped3A_249 = tpu.sem_alloc : memref<!tpu.dma_semaphore, #tpu.memory_space<semaphore_mem>>
      %dma_start3A_250 = arith.constant 0 : i32
      %dma_start3A_251 = arith.constant 0 : i32
      %dma_start3A_252 = tpu.memref_slice %arg11[%run_scoped3A_228, %dma_start3A_250, %dma_start3A_251] : memref<5x80x8xf32, #tpu.memory_space<vmem>> -> memref<1x80x8xf32, #tpu.memory_space<vmem>>
      %dma_start3A_253 = tpu.memref_squeeze %dma_start3A_252 : memref<1x80x8xf32, #tpu.memory_space<vmem>> -> memref<80x8xf32, #tpu.memory_space<vmem>>
      %dma_start3A_254 = arith.constant 0 : i32
      %dma_start3A_255 = tpu.memref_slice %arg7[%arg0, %add3A_227, %dma_start3A_254] : memref<2x10240x8xf32, #tpu.memory_space<hbm>> -> memref<1x80x8xf32, #tpu.memory_space<hbm>>
      %dma_start3A_256 = tpu.memref_squeeze %dma_start3A_255 : memref<1x80x8xf32, #tpu.memory_space<hbm>> -> memref<80x8xf32, #tpu.memory_space<hbm>>
      %dma_start3A_257 = arith.constant 0 : i32
      %dma_start3A_258 = tpu.memref_slice %arg7[%arg0, %add3A_227, %dma_start3A_257] : memref<2x10240x8xf32, #tpu.memory_space<hbm>> -> memref<1x80x8xf32, #tpu.memory_space<hbm>>
      %dma_start3A_259 = tpu.memref_squeeze %dma_start3A_258 : memref<1x80x8xf32, #tpu.memory_space<hbm>> -> memref<80x8xf32, #tpu.memory_space<hbm>>
      %dma_start3A_260 = arith.constant 0 : i32
      %dma_start3A_261 = arith.constant 0 : i32
      %dma_start3A_262 = tpu.memref_slice %arg11[%run_scoped3A_228, %dma_start3A_260, %dma_start3A_261] : memref<5x80x8xf32, #tpu.memory_space<vmem>> -> memref<1x80x8xf32, #tpu.memory_space<vmem>>
      %dma_start3A_263 = tpu.memref_squeeze %dma_start3A_262 : memref<1x80x8xf32, #tpu.memory_space<vmem>> -> memref<80x8xf32, #tpu.memory_space<vmem>>
      tpu.enqueue_dma source(%dma_start3A_263 : memref<80x8xf32, #tpu.memory_space<vmem>>) target(%dma_start3A_259 : memref<80x8xf32, #tpu.memory_space<hbm>>) target_semaphore(%run_scoped3A_249 : memref<!tpu.dma_semaphore, #tpu.memory_space<semaphore_mem>>)
      %dma_wait3A_264 = arith.constant 0 : i32
      %dma_wait3A_265 = arith.constant 0 : i32
      %dma_wait3A_266 = tpu.memref_slice %arg11[%run_scoped3A_228, %dma_wait3A_264, %dma_wait3A_265] : memref<5x80x8xf32, #tpu.memory_space<vmem>> -> memref<1x80x8xf32, #tpu.memory_space<vmem>>
      %dma_wait3A_267 = tpu.memref_squeeze %dma_wait3A_266 : memref<1x80x8xf32, #tpu.memory_space<vmem>> -> memref<80x8xf32, #tpu.memory_space<vmem>>
      %dma_wait3A_268 = arith.constant 0 : i32
      %dma_wait3A_269 = tpu.memref_slice %arg7[%arg0, %add3A_227, %dma_wait3A_268] : memref<2x10240x8xf32, #tpu.memory_space<hbm>> -> memref<1x80x8xf32, #tpu.memory_space<hbm>>
      %dma_wait3A_270 = tpu.memref_squeeze %dma_wait3A_269 : memref<1x80x8xf32, #tpu.memory_space<hbm>> -> memref<80x8xf32, #tpu.memory_space<hbm>>
      %dma_wait3A_271 = arith.constant 0 : i32
      %dma_wait3A_272 = tpu.memref_slice %arg7[%arg0, %add3A_227, %dma_wait3A_271] : memref<2x10240x8xf32, #tpu.memory_space<hbm>> -> memref<1x80x8xf32, #tpu.memory_space<hbm>>
      %dma_wait3A_273 = tpu.memref_squeeze %dma_wait3A_272 : memref<1x80x8xf32, #tpu.memory_space<hbm>> -> memref<80x8xf32, #tpu.memory_space<hbm>>
      %dma_wait3A_274 = arith.constant 0 : i32
      %dma_wait3A_275 = arith.constant 0 : i32
      %dma_wait3A_276 = tpu.memref_slice %arg11[%run_scoped3A_228, %dma_wait3A_274, %dma_wait3A_275] : memref<5x80x8xf32, #tpu.memory_space<vmem>> -> memref<1x80x8xf32, #tpu.memory_space<vmem>>
      %dma_wait3A_277 = tpu.memref_squeeze %dma_wait3A_276 : memref<1x80x8xf32, #tpu.memory_space<vmem>> -> memref<80x8xf32, #tpu.memory_space<vmem>>
      tpu.wait_dma2 semaphore(%run_scoped3A_249 : memref<!tpu.dma_semaphore, #tpu.memory_space<semaphore_mem>>) src(%dma_wait3A_277 : memref<80x8xf32, #tpu.memory_space<vmem>>) dst(%dma_wait3A_273 : memref<80x8xf32, #tpu.memory_space<hbm>>)
      tpu.yield
    }) : () -> ()
    %mul3A_229 = arith.constant 640 : i32
    %mul3A_230 = arith.muli %arg1, %mul3A_229 : i32
    %add3A_231 = arith.constant 480 : i32
    %add3A_232 = arith.addi %mul3A_230, %add3A_231 : i32
    %run_scoped3A_233 = arith.constant 1 : i32
    "tpu.region"() ({
      %run_scoped3A_249 = tpu.sem_alloc : memref<!tpu.dma_semaphore, #tpu.memory_space<semaphore_mem>>
      %dma_start3A_250 = arith.constant 0 : i32
      %dma_start3A_251 = arith.constant 0 : i32
      %dma_start3A_252 = tpu.memref_slice %arg11[%run_scoped3A_233, %dma_start3A_250, %dma_start3A_251] : memref<5x80x8xf32, #tpu.memory_space<vmem>> -> memref<1x80x8xf32, #tpu.memory_space<vmem>>
      %dma_start3A_253 = tpu.memref_squeeze %dma_start3A_252 : memref<1x80x8xf32, #tpu.memory_space<vmem>> -> memref<80x8xf32, #tpu.memory_space<vmem>>
      %dma_start3A_254 = arith.constant 0 : i32
      %dma_start3A_255 = tpu.memref_slice %arg12[%add3A_232, %dma_start3A_254] : memref<10240x8xf32, #tpu.memory_space<vmem_shared>> -> memref<80x8xf32, #tpu.memory_space<vmem_shared>>
      %dma_start3A_256 = arith.constant 0 : i32
      %dma_start3A_257 = arith.constant 0 : i32
      %dma_start3A_258 = tpu.memref_slice %arg11[%run_scoped3A_233, %dma_start3A_256, %dma_start3A_257] : memref<5x80x8xf32, #tpu.memory_space<vmem>> -> memref<1x80x8xf32, #tpu.memory_space<vmem>>
      %dma_start3A_259 = tpu.memref_squeeze %dma_start3A_258 : memref<1x80x8xf32, #tpu.memory_space<vmem>> -> memref<80x8xf32, #tpu.memory_space<vmem>>
      %dma_start3A_260 = arith.constant 0 : i32
      %dma_start3A_261 = tpu.memref_slice %arg12[%add3A_232, %dma_start3A_260] : memref<10240x8xf32, #tpu.memory_space<vmem_shared>> -> memref<80x8xf32, #tpu.memory_space<vmem_shared>>
      tpu.enqueue_dma source(%dma_start3A_261 : memref<80x8xf32, #tpu.memory_space<vmem_shared>>) target(%dma_start3A_259 : memref<80x8xf32, #tpu.memory_space<vmem>>) target_semaphore(%run_scoped3A_249 : memref<!tpu.dma_semaphore, #tpu.memory_space<semaphore_mem>>)
      %dma_wait3A_262 = arith.constant 0 : i32
      %dma_wait3A_263 = arith.constant 0 : i32
      %dma_wait3A_264 = tpu.memref_slice %arg11[%run_scoped3A_233, %dma_wait3A_262, %dma_wait3A_263] : memref<5x80x8xf32, #tpu.memory_space<vmem>> -> memref<1x80x8xf32, #tpu.memory_space<vmem>>
      %dma_wait3A_265 = tpu.memref_squeeze %dma_wait3A_264 : memref<1x80x8xf32, #tpu.memory_space<vmem>> -> memref<80x8xf32, #tpu.memory_space<vmem>>
      %dma_wait3A_266 = arith.constant 0 : i32
      %dma_wait3A_267 = tpu.memref_slice %arg12[%add3A_232, %dma_wait3A_266] : memref<10240x8xf32, #tpu.memory_space<vmem_shared>> -> memref<80x8xf32, #tpu.memory_space<vmem_shared>>
      %dma_wait3A_268 = arith.constant 0 : i32
      %dma_wait3A_269 = arith.constant 0 : i32
      %dma_wait3A_270 = tpu.memref_slice %arg11[%run_scoped3A_233, %dma_wait3A_268, %dma_wait3A_269] : memref<5x80x8xf32, #tpu.memory_space<vmem>> -> memref<1x80x8xf32, #tpu.memory_space<vmem>>
      %dma_wait3A_271 = tpu.memref_squeeze %dma_wait3A_270 : memref<1x80x8xf32, #tpu.memory_space<vmem>> -> memref<80x8xf32, #tpu.memory_space<vmem>>
      %dma_wait3A_272 = arith.constant 0 : i32
      %dma_wait3A_273 = tpu.memref_slice %arg12[%add3A_232, %dma_wait3A_272] : memref<10240x8xf32, #tpu.memory_space<vmem_shared>> -> memref<80x8xf32, #tpu.memory_space<vmem_shared>>
      tpu.wait_dma2 semaphore(%run_scoped3A_249 : memref<!tpu.dma_semaphore, #tpu.memory_space<semaphore_mem>>) src(%dma_wait3A_273 : memref<80x8xf32, #tpu.memory_space<vmem_shared>>) dst(%dma_wait3A_271 : memref<80x8xf32, #tpu.memory_space<vmem>>)
      tpu.yield
    }) : () -> ()
    %mul3A_234 = arith.constant 640 : i32
    %mul3A_235 = arith.muli %arg1, %mul3A_234 : i32
    %add3A_236 = arith.constant 480 : i32
    %add3A_237 = arith.addi %mul3A_235, %add3A_236 : i32
    %run_scoped3A_238 = arith.constant 1 : i32
    "tpu.region"() ({
      %run_scoped3A_249 = tpu.sem_alloc : memref<!tpu.dma_semaphore, #tpu.memory_space<semaphore_mem>>
      %dma_start3A_250 = arith.constant 0 : i32
      %dma_start3A_251 = arith.constant 0 : i32
      %dma_start3A_252 = tpu.memref_slice %arg11[%run_scoped3A_238, %dma_start3A_250, %dma_start3A_251] : memref<5x80x8xf32, #tpu.memory_space<vmem>> -> memref<1x80x8xf32, #tpu.memory_space<vmem>>
      %dma_start3A_253 = tpu.memref_squeeze %dma_start3A_252 : memref<1x80x8xf32, #tpu.memory_space<vmem>> -> memref<80x8xf32, #tpu.memory_space<vmem>>
      %dma_start3A_254 = arith.constant 0 : i32
      %dma_start3A_255 = tpu.memref_slice %arg7[%arg0, %add3A_237, %dma_start3A_254] : memref<2x10240x8xf32, #tpu.memory_space<hbm>> -> memref<1x80x8xf32, #tpu.memory_space<hbm>>
      %dma_start3A_256 = tpu.memref_squeeze %dma_start3A_255 : memref<1x80x8xf32, #tpu.memory_space<hbm>> -> memref<80x8xf32, #tpu.memory_space<hbm>>
      %dma_start3A_257 = arith.constant 0 : i32
      %dma_start3A_258 = tpu.memref_slice %arg7[%arg0, %add3A_237, %dma_start3A_257] : memref<2x10240x8xf32, #tpu.memory_space<hbm>> -> memref<1x80x8xf32, #tpu.memory_space<hbm>>
      %dma_start3A_259 = tpu.memref_squeeze %dma_start3A_258 : memref<1x80x8xf32, #tpu.memory_space<hbm>> -> memref<80x8xf32, #tpu.memory_space<hbm>>
      %dma_start3A_260 = arith.constant 0 : i32
      %dma_start3A_261 = arith.constant 0 : i32
      %dma_start3A_262 = tpu.memref_slice %arg11[%run_scoped3A_238, %dma_start3A_260, %dma_start3A_261] : memref<5x80x8xf32, #tpu.memory_space<vmem>> -> memref<1x80x8xf32, #tpu.memory_space<vmem>>
      %dma_start3A_263 = tpu.memref_squeeze %dma_start3A_262 : memref<1x80x8xf32, #tpu.memory_space<vmem>> -> memref<80x8xf32, #tpu.memory_space<vmem>>
      tpu.enqueue_dma source(%dma_start3A_263 : memref<80x8xf32, #tpu.memory_space<vmem>>) target(%dma_start3A_259 : memref<80x8xf32, #tpu.memory_space<hbm>>) target_semaphore(%run_scoped3A_249 : memref<!tpu.dma_semaphore, #tpu.memory_space<semaphore_mem>>)
      %dma_wait3A_264 = arith.constant 0 : i32
      %dma_wait3A_265 = arith.constant 0 : i32
      %dma_wait3A_266 = tpu.memref_slice %arg11[%run_scoped3A_238, %dma_wait3A_264, %dma_wait3A_265] : memref<5x80x8xf32, #tpu.memory_space<vmem>> -> memref<1x80x8xf32, #tpu.memory_space<vmem>>
      %dma_wait3A_267 = tpu.memref_squeeze %dma_wait3A_266 : memref<1x80x8xf32, #tpu.memory_space<vmem>> -> memref<80x8xf32, #tpu.memory_space<vmem>>
      %dma_wait3A_268 = arith.constant 0 : i32
      %dma_wait3A_269 = tpu.memref_slice %arg7[%arg0, %add3A_237, %dma_wait3A_268] : memref<2x10240x8xf32, #tpu.memory_space<hbm>> -> memref<1x80x8xf32, #tpu.memory_space<hbm>>
      %dma_wait3A_270 = tpu.memref_squeeze %dma_wait3A_269 : memref<1x80x8xf32, #tpu.memory_space<hbm>> -> memref<80x8xf32, #tpu.memory_space<hbm>>
      %dma_wait3A_271 = arith.constant 0 : i32
      %dma_wait3A_272 = tpu.memref_slice %arg7[%arg0, %add3A_237, %dma_wait3A_271] : memref<2x10240x8xf32, #tpu.memory_space<hbm>> -> memref<1x80x8xf32, #tpu.memory_space<hbm>>
      %dma_wait3A_273 = tpu.memref_squeeze %dma_wait3A_272 : memref<1x80x8xf32, #tpu.memory_space<hbm>> -> memref<80x8xf32, #tpu.memory_space<hbm>>
      %dma_wait3A_274 = arith.constant 0 : i32
      %dma_wait3A_275 = arith.constant 0 : i32
      %dma_wait3A_276 = tpu.memref_slice %arg11[%run_scoped3A_238, %dma_wait3A_274, %dma_wait3A_275] : memref<5x80x8xf32, #tpu.memory_space<vmem>> -> memref<1x80x8xf32, #tpu.memory_space<vmem>>
      %dma_wait3A_277 = tpu.memref_squeeze %dma_wait3A_276 : memref<1x80x8xf32, #tpu.memory_space<vmem>> -> memref<80x8xf32, #tpu.memory_space<vmem>>
      tpu.wait_dma2 semaphore(%run_scoped3A_249 : memref<!tpu.dma_semaphore, #tpu.memory_space<semaphore_mem>>) src(%dma_wait3A_277 : memref<80x8xf32, #tpu.memory_space<vmem>>) dst(%dma_wait3A_273 : memref<80x8xf32, #tpu.memory_space<hbm>>)
      tpu.yield
    }) : () -> ()
    %mul3A_239 = arith.constant 640 : i32
    %mul3A_240 = arith.muli %arg1, %mul3A_239 : i32
    %add3A_241 = arith.constant 560 : i32
    %add3A_242 = arith.addi %mul3A_240, %add3A_241 : i32
    %run_scoped3A_243 = arith.constant 2 : i32
    "tpu.region"() ({
      %run_scoped3A_249 = tpu.sem_alloc : memref<!tpu.dma_semaphore, #tpu.memory_space<semaphore_mem>>
      %dma_start3A_250 = arith.constant 0 : i32
      %dma_start3A_251 = arith.constant 0 : i32
      %dma_start3A_252 = tpu.memref_slice %arg11[%run_scoped3A_243, %dma_start3A_250, %dma_start3A_251] : memref<5x80x8xf32, #tpu.memory_space<vmem>> -> memref<1x80x8xf32, #tpu.memory_space<vmem>>
      %dma_start3A_253 = tpu.memref_squeeze %dma_start3A_252 : memref<1x80x8xf32, #tpu.memory_space<vmem>> -> memref<80x8xf32, #tpu.memory_space<vmem>>
      %dma_start3A_254 = arith.constant 0 : i32
      %dma_start3A_255 = tpu.memref_slice %arg12[%add3A_242, %dma_start3A_254] : memref<10240x8xf32, #tpu.memory_space<vmem_shared>> -> memref<80x8xf32, #tpu.memory_space<vmem_shared>>
      %dma_start3A_256 = arith.constant 0 : i32
      %dma_start3A_257 = arith.constant 0 : i32
      %dma_start3A_258 = tpu.memref_slice %arg11[%run_scoped3A_243, %dma_start3A_256, %dma_start3A_257] : memref<5x80x8xf32, #tpu.memory_space<vmem>> -> memref<1x80x8xf32, #tpu.memory_space<vmem>>
      %dma_start3A_259 = tpu.memref_squeeze %dma_start3A_258 : memref<1x80x8xf32, #tpu.memory_space<vmem>> -> memref<80x8xf32, #tpu.memory_space<vmem>>
      %dma_start3A_260 = arith.constant 0 : i32
      %dma_start3A_261 = tpu.memref_slice %arg12[%add3A_242, %dma_start3A_260] : memref<10240x8xf32, #tpu.memory_space<vmem_shared>> -> memref<80x8xf32, #tpu.memory_space<vmem_shared>>
      tpu.enqueue_dma source(%dma_start3A_261 : memref<80x8xf32, #tpu.memory_space<vmem_shared>>) target(%dma_start3A_259 : memref<80x8xf32, #tpu.memory_space<vmem>>) target_semaphore(%run_scoped3A_249 : memref<!tpu.dma_semaphore, #tpu.memory_space<semaphore_mem>>)
      %dma_wait3A_262 = arith.constant 0 : i32
      %dma_wait3A_263 = arith.constant 0 : i32
      %dma_wait3A_264 = tpu.memref_slice %arg11[%run_scoped3A_243, %dma_wait3A_262, %dma_wait3A_263] : memref<5x80x8xf32, #tpu.memory_space<vmem>> -> memref<1x80x8xf32, #tpu.memory_space<vmem>>
      %dma_wait3A_265 = tpu.memref_squeeze %dma_wait3A_264 : memref<1x80x8xf32, #tpu.memory_space<vmem>> -> memref<80x8xf32, #tpu.memory_space<vmem>>
      %dma_wait3A_266 = arith.constant 0 : i32
      %dma_wait3A_267 = tpu.memref_slice %arg12[%add3A_242, %dma_wait3A_266] : memref<10240x8xf32, #tpu.memory_space<vmem_shared>> -> memref<80x8xf32, #tpu.memory_space<vmem_shared>>
      %dma_wait3A_268 = arith.constant 0 : i32
      %dma_wait3A_269 = arith.constant 0 : i32
      %dma_wait3A_270 = tpu.memref_slice %arg11[%run_scoped3A_243, %dma_wait3A_268, %dma_wait3A_269] : memref<5x80x8xf32, #tpu.memory_space<vmem>> -> memref<1x80x8xf32, #tpu.memory_space<vmem>>
      %dma_wait3A_271 = tpu.memref_squeeze %dma_wait3A_270 : memref<1x80x8xf32, #tpu.memory_space<vmem>> -> memref<80x8xf32, #tpu.memory_space<vmem>>
      %dma_wait3A_272 = arith.constant 0 : i32
      %dma_wait3A_273 = tpu.memref_slice %arg12[%add3A_242, %dma_wait3A_272] : memref<10240x8xf32, #tpu.memory_space<vmem_shared>> -> memref<80x8xf32, #tpu.memory_space<vmem_shared>>
      tpu.wait_dma2 semaphore(%run_scoped3A_249 : memref<!tpu.dma_semaphore, #tpu.memory_space<semaphore_mem>>) src(%dma_wait3A_273 : memref<80x8xf32, #tpu.memory_space<vmem_shared>>) dst(%dma_wait3A_271 : memref<80x8xf32, #tpu.memory_space<vmem>>)
      tpu.yield
    }) : () -> ()
    %mul3A_244 = arith.constant 640 : i32
    %mul3A_245 = arith.muli %arg1, %mul3A_244 : i32
    %add3A_246 = arith.constant 560 : i32
    %add3A_247 = arith.addi %mul3A_245, %add3A_246 : i32
    %run_scoped3A_248 = arith.constant 2 : i32
    "tpu.region"() ({
      %run_scoped3A_249 = tpu.sem_alloc : memref<!tpu.dma_semaphore, #tpu.memory_space<semaphore_mem>>
      %dma_start3A_250 = arith.constant 0 : i32
      %dma_start3A_251 = arith.constant 0 : i32
      %dma_start3A_252 = tpu.memref_slice %arg11[%run_scoped3A_248, %dma_start3A_250, %dma_start3A_251] : memref<5x80x8xf32, #tpu.memory_space<vmem>> -> memref<1x80x8xf32, #tpu.memory_space<vmem>>
      %dma_start3A_253 = tpu.memref_squeeze %dma_start3A_252 : memref<1x80x8xf32, #tpu.memory_space<vmem>> -> memref<80x8xf32, #tpu.memory_space<vmem>>
      %dma_start3A_254 = arith.constant 0 : i32
      %dma_start3A_255 = tpu.memref_slice %arg7[%arg0, %add3A_247, %dma_start3A_254] : memref<2x10240x8xf32, #tpu.memory_space<hbm>> -> memref<1x80x8xf32, #tpu.memory_space<hbm>>
      %dma_start3A_256 = tpu.memref_squeeze %dma_start3A_255 : memref<1x80x8xf32, #tpu.memory_space<hbm>> -> memref<80x8xf32, #tpu.memory_space<hbm>>
      %dma_start3A_257 = arith.constant 0 : i32
      %dma_start3A_258 = tpu.memref_slice %arg7[%arg0, %add3A_247, %dma_start3A_257] : memref<2x10240x8xf32, #tpu.memory_space<hbm>> -> memref<1x80x8xf32, #tpu.memory_space<hbm>>
      %dma_start3A_259 = tpu.memref_squeeze %dma_start3A_258 : memref<1x80x8xf32, #tpu.memory_space<hbm>> -> memref<80x8xf32, #tpu.memory_space<hbm>>
      %dma_start3A_260 = arith.constant 0 : i32
      %dma_start3A_261 = arith.constant 0 : i32
      %dma_start3A_262 = tpu.memref_slice %arg11[%run_scoped3A_248, %dma_start3A_260, %dma_start3A_261] : memref<5x80x8xf32, #tpu.memory_space<vmem>> -> memref<1x80x8xf32, #tpu.memory_space<vmem>>
      %dma_start3A_263 = tpu.memref_squeeze %dma_start3A_262 : memref<1x80x8xf32, #tpu.memory_space<vmem>> -> memref<80x8xf32, #tpu.memory_space<vmem>>
      tpu.enqueue_dma source(%dma_start3A_263 : memref<80x8xf32, #tpu.memory_space<vmem>>) target(%dma_start3A_259 : memref<80x8xf32, #tpu.memory_space<hbm>>) target_semaphore(%run_scoped3A_249 : memref<!tpu.dma_semaphore, #tpu.memory_space<semaphore_mem>>)
      %dma_wait3A_264 = arith.constant 0 : i32
      %dma_wait3A_265 = arith.constant 0 : i32
      %dma_wait3A_266 = tpu.memref_slice %arg11[%run_scoped3A_248, %dma_wait3A_264, %dma_wait3A_265] : memref<5x80x8xf32, #tpu.memory_space<vmem>> -> memref<1x80x8xf32, #tpu.memory_space<vmem>>
      %dma_wait3A_267 = tpu.memref_squeeze %dma_wait3A_266 : memref<1x80x8xf32, #tpu.memory_space<vmem>> -> memref<80x8xf32, #tpu.memory_space<vmem>>
      %dma_wait3A_268 = arith.constant 0 : i32
      %dma_wait3A_269 = tpu.memref_slice %arg7[%arg0, %add3A_247, %dma_wait3A_268] : memref<2x10240x8xf32, #tpu.memory_space<hbm>> -> memref<1x80x8xf32, #tpu.memory_space<hbm>>
      %dma_wait3A_270 = tpu.memref_squeeze %dma_wait3A_269 : memref<1x80x8xf32, #tpu.memory_space<hbm>> -> memref<80x8xf32, #tpu.memory_space<hbm>>
      %dma_wait3A_271 = arith.constant 0 : i32
      %dma_wait3A_272 = tpu.memref_slice %arg7[%arg0, %add3A_247, %dma_wait3A_271] : memref<2x10240x8xf32, #tpu.memory_space<hbm>> -> memref<1x80x8xf32, #tpu.memory_space<hbm>>
      %dma_wait3A_273 = tpu.memref_squeeze %dma_wait3A_272 : memref<1x80x8xf32, #tpu.memory_space<hbm>> -> memref<80x8xf32, #tpu.memory_space<hbm>>
      %dma_wait3A_274 = arith.constant 0 : i32
      %dma_wait3A_275 = arith.constant 0 : i32
      %dma_wait3A_276 = tpu.memref_slice %arg11[%run_scoped3A_248, %dma_wait3A_274, %dma_wait3A_275] : memref<5x80x8xf32, #tpu.memory_space<vmem>> -> memref<1x80x8xf32, #tpu.memory_space<vmem>>
      %dma_wait3A_277 = tpu.memref_squeeze %dma_wait3A_276 : memref<1x80x8xf32, #tpu.memory_space<vmem>> -> memref<80x8xf32, #tpu.memory_space<vmem>>
      tpu.wait_dma2 semaphore(%run_scoped3A_249 : memref<!tpu.dma_semaphore, #tpu.memory_space<semaphore_mem>>) src(%dma_wait3A_277 : memref<80x8xf32, #tpu.memory_space<vmem>>) dst(%dma_wait3A_273 : memref<80x8xf32, #tpu.memory_space<hbm>>)
      tpu.yield
    }) : () -> ()
    return
  }
}

#map = affine_map<(d0, d1) -> (0, 0, 0)>
#map1 = affine_map<(d0, d1) -> (0, 0)>
module attributes {stable_mosaic.version = 14 : i64} {
  func.func @sc_layer(%arg0: i32, %arg1: i32, %arg2: memref<32x250x80xi32, #tpu.memory_space<hbm>>, %arg3: memref<32x250x80xi32, #tpu.memory_space<hbm>>, %arg4: memref<32x250x80xi32, #tpu.memory_space<hbm>>, %arg5: memref<80x64xf32, #tpu.memory_space<hbm>>, %arg6: memref<900000x64xf32, #tpu.memory_space<hbm>>, %arg7: memref<2x10240x64xf32, #tpu.memory_space<hbm>>, %arg8: memref<250x80xi32, #tpu.memory_space<vmem>>, %arg9: memref<250x80xi32, #tpu.memory_space<vmem>>, %arg10: memref<250x80xi32, #tpu.memory_space<vmem>>, %arg11: memref<5x80x64xf32, #tpu.memory_space<vmem>>, %arg12: memref<10240x64xf32, #tpu.memory_space<vmem_shared>>, %arg13: memref<!tpu.dma_semaphore, #tpu.memory_space<semaphore_mem>>, %arg14: memref<!tpu.dma_semaphore, #tpu.memory_space<semaphore_mem>>, %arg15: memref<!tpu.dma_semaphore, #tpu.memory_space<semaphore_mem>>, %arg16: memref<!tpu.dma_semaphore, #tpu.memory_space<semaphore_mem>>, %arg17: memref<!tpu.dma_semaphore, #tpu.memory_space<semaphore_mem>>, %arg18: memref<!tpu.dma_semaphore, #tpu.memory_space<semaphore_mem>>, %arg19: memref<!tpu.dma_semaphore, #tpu.memory_space<semaphore_mem>>, %arg20: memref<!tpu.dma_semaphore, #tpu.memory_space<semaphore_mem>>, %arg21: memref<!tpu.dma_semaphore, #tpu.memory_space<semaphore_mem>>, %arg22: memref<!tpu.dma_semaphore, #tpu.memory_space<semaphore_mem>>) attributes {dimension_semantics = [#tpu.dimension_semantics<core_parallel>, #tpu.dimension_semantics<subcore_parallel>], iteration_bounds = array<i64: 2, 16>, scalar_prefetch = 0 : i64, scratch_operands = 15 : i64, tpu.core_type = #tpu.core_type<sc_vector_subcore>, window_params = [{transform_indices = #map}, {transform_indices = #map}, {transform_indices = #map}, {transform_indices = #map1}, {transform_indices = #map1}, {transform_indices = #map}]} {
    %mul3A = arith.constant 16 : i32
    %mul3A_0 = arith.muli %arg0, %mul3A : i32
    %add3A = arith.addi %mul3A_0, %arg1 : i32
    %run_scoped3A = arith.constant 0 : i32
    "tpu.region"() ({
      %run_scoped3A_249 = tpu.sem_alloc : memref<!tpu.dma_semaphore, #tpu.memory_space<semaphore_mem>>
      %dma_start3A_250 = arith.constant 0 : i32
      %dma_start3A_251 = arith.constant 0 : i32
      %dma_start3A_252 = tpu.memref_slice %arg11[%run_scoped3A, %dma_start3A_250, %dma_start3A_251] : memref<5x80x64xf32, #tpu.memory_space<vmem>> -> memref<1x80x64xf32, #tpu.memory_space<vmem>>
      %dma_start3A_253 = tpu.memref_squeeze %dma_start3A_252 : memref<1x80x64xf32, #tpu.memory_space<vmem>> -> memref<80x64xf32, #tpu.memory_space<vmem>>
      %dma_start3A_254 = arith.constant 0 : i32
      %dma_start3A_255 = arith.constant 0 : i32
      %dma_start3A_256 = tpu.memref_slice %arg11[%run_scoped3A, %dma_start3A_254, %dma_start3A_255] : memref<5x80x64xf32, #tpu.memory_space<vmem>> -> memref<1x80x64xf32, #tpu.memory_space<vmem>>
      %dma_start3A_257 = tpu.memref_squeeze %dma_start3A_256 : memref<1x80x64xf32, #tpu.memory_space<vmem>> -> memref<80x64xf32, #tpu.memory_space<vmem>>
      tpu.enqueue_dma source(%arg5 : memref<80x64xf32, #tpu.memory_space<hbm>>) target(%dma_start3A_257 : memref<80x64xf32, #tpu.memory_space<vmem>>) target_semaphore(%run_scoped3A_249 : memref<!tpu.dma_semaphore, #tpu.memory_space<semaphore_mem>>)
      %dma_wait3A_258 = arith.constant 0 : i32
      %dma_wait3A_259 = arith.constant 0 : i32
      %dma_wait3A_260 = tpu.memref_slice %arg11[%run_scoped3A, %dma_wait3A_258, %dma_wait3A_259] : memref<5x80x64xf32, #tpu.memory_space<vmem>> -> memref<1x80x64xf32, #tpu.memory_space<vmem>>
      %dma_wait3A_261 = tpu.memref_squeeze %dma_wait3A_260 : memref<1x80x64xf32, #tpu.memory_space<vmem>> -> memref<80x64xf32, #tpu.memory_space<vmem>>
      %dma_wait3A_262 = arith.constant 0 : i32
      %dma_wait3A_263 = arith.constant 0 : i32
      %dma_wait3A_264 = tpu.memref_slice %arg11[%run_scoped3A, %dma_wait3A_262, %dma_wait3A_263] : memref<5x80x64xf32, #tpu.memory_space<vmem>> -> memref<1x80x64xf32, #tpu.memory_space<vmem>>
      %dma_wait3A_265 = tpu.memref_squeeze %dma_wait3A_264 : memref<1x80x64xf32, #tpu.memory_space<vmem>> -> memref<80x64xf32, #tpu.memory_space<vmem>>
      tpu.wait_dma2 semaphore(%run_scoped3A_249 : memref<!tpu.dma_semaphore, #tpu.memory_space<semaphore_mem>>) src(%arg5 : memref<80x64xf32, #tpu.memory_space<hbm>>) dst(%dma_wait3A_265 : memref<80x64xf32, #tpu.memory_space<vmem>>)
      tpu.yield
    }) : () -> ()
    %mul3A_1 = arith.constant 640 : i32
    %mul3A_2 = arith.muli %arg1, %mul3A_1 : i32
    %add3A_3 = arith.constant 0 : i32
    %add3A_4 = arith.addi %mul3A_2, %add3A_3 : i32
    %run_scoped3A_5 = arith.constant 0 : i32
    "tpu.region"() ({
      %run_scoped3A_249 = tpu.sem_alloc : memref<!tpu.dma_semaphore, #tpu.memory_space<semaphore_mem>>
      %dma_start3A_250 = arith.constant 0 : i32
      %dma_start3A_251 = arith.constant 0 : i32
      %dma_start3A_252 = tpu.memref_slice %arg11[%run_scoped3A_5, %dma_start3A_250, %dma_start3A_251] : memref<5x80x64xf32, #tpu.memory_space<vmem>> -> memref<1x80x64xf32, #tpu.memory_space<vmem>>
      %dma_start3A_253 = tpu.memref_squeeze %dma_start3A_252 : memref<1x80x64xf32, #tpu.memory_space<vmem>> -> memref<80x64xf32, #tpu.memory_space<vmem>>
      %dma_start3A_254 = arith.constant 0 : i32
      %dma_start3A_255 = tpu.memref_slice %arg12[%add3A_4, %dma_start3A_254] : memref<10240x64xf32, #tpu.memory_space<vmem_shared>> -> memref<80x64xf32, #tpu.memory_space<vmem_shared>>
      %dma_start3A_256 = arith.constant 0 : i32
      %dma_start3A_257 = tpu.memref_slice %arg12[%add3A_4, %dma_start3A_256] : memref<10240x64xf32, #tpu.memory_space<vmem_shared>> -> memref<80x64xf32, #tpu.memory_space<vmem_shared>>
      %dma_start3A_258 = arith.constant 0 : i32
      %dma_start3A_259 = arith.constant 0 : i32
      %dma_start3A_260 = tpu.memref_slice %arg11[%run_scoped3A_5, %dma_start3A_258, %dma_start3A_259] : memref<5x80x64xf32, #tpu.memory_space<vmem>> -> memref<1x80x64xf32, #tpu.memory_space<vmem>>
      %dma_start3A_261 = tpu.memref_squeeze %dma_start3A_260 : memref<1x80x64xf32, #tpu.memory_space<vmem>> -> memref<80x64xf32, #tpu.memory_space<vmem>>
      tpu.enqueue_dma source(%dma_start3A_261 : memref<80x64xf32, #tpu.memory_space<vmem>>) target(%dma_start3A_257 : memref<80x64xf32, #tpu.memory_space<vmem_shared>>) target_semaphore(%run_scoped3A_249 : memref<!tpu.dma_semaphore, #tpu.memory_space<semaphore_mem>>)
      %dma_wait3A_262 = arith.constant 0 : i32
      %dma_wait3A_263 = arith.constant 0 : i32
      %dma_wait3A_264 = tpu.memref_slice %arg11[%run_scoped3A_5, %dma_wait3A_262, %dma_wait3A_263] : memref<5x80x64xf32, #tpu.memory_space<vmem>> -> memref<1x80x64xf32, #tpu.memory_space<vmem>>
      %dma_wait3A_265 = tpu.memref_squeeze %dma_wait3A_264 : memref<1x80x64xf32, #tpu.memory_space<vmem>> -> memref<80x64xf32, #tpu.memory_space<vmem>>
      %dma_wait3A_266 = arith.constant 0 : i32
      %dma_wait3A_267 = tpu.memref_slice %arg12[%add3A_4, %dma_wait3A_266] : memref<10240x64xf32, #tpu.memory_space<vmem_shared>> -> memref<80x64xf32, #tpu.memory_space<vmem_shared>>
      %dma_wait3A_268 = arith.constant 0 : i32
      %dma_wait3A_269 = tpu.memref_slice %arg12[%add3A_4, %dma_wait3A_268] : memref<10240x64xf32, #tpu.memory_space<vmem_shared>> -> memref<80x64xf32, #tpu.memory_space<vmem_shared>>
      %dma_wait3A_270 = arith.constant 0 : i32
      %dma_wait3A_271 = arith.constant 0 : i32
      %dma_wait3A_272 = tpu.memref_slice %arg11[%run_scoped3A_5, %dma_wait3A_270, %dma_wait3A_271] : memref<5x80x64xf32, #tpu.memory_space<vmem>> -> memref<1x80x64xf32, #tpu.memory_space<vmem>>
      %dma_wait3A_273 = tpu.memref_squeeze %dma_wait3A_272 : memref<1x80x64xf32, #tpu.memory_space<vmem>> -> memref<80x64xf32, #tpu.memory_space<vmem>>
      tpu.wait_dma2 semaphore(%run_scoped3A_249 : memref<!tpu.dma_semaphore, #tpu.memory_space<semaphore_mem>>) src(%dma_wait3A_273 : memref<80x64xf32, #tpu.memory_space<vmem>>) dst(%dma_wait3A_269 : memref<80x64xf32, #tpu.memory_space<vmem_shared>>)
      tpu.yield
    }) : () -> ()
    %mul3A_6 = arith.constant 640 : i32
    %mul3A_7 = arith.muli %arg1, %mul3A_6 : i32
    %add3A_8 = arith.constant 80 : i32
    %add3A_9 = arith.addi %mul3A_7, %add3A_8 : i32
    %run_scoped3A_10 = arith.constant 0 : i32
    "tpu.region"() ({
      %run_scoped3A_249 = tpu.sem_alloc : memref<!tpu.dma_semaphore, #tpu.memory_space<semaphore_mem>>
      %dma_start3A_250 = arith.constant 0 : i32
      %dma_start3A_251 = arith.constant 0 : i32
      %dma_start3A_252 = tpu.memref_slice %arg11[%run_scoped3A_10, %dma_start3A_250, %dma_start3A_251] : memref<5x80x64xf32, #tpu.memory_space<vmem>> -> memref<1x80x64xf32, #tpu.memory_space<vmem>>
      %dma_start3A_253 = tpu.memref_squeeze %dma_start3A_252 : memref<1x80x64xf32, #tpu.memory_space<vmem>> -> memref<80x64xf32, #tpu.memory_space<vmem>>
      %dma_start3A_254 = arith.constant 0 : i32
      %dma_start3A_255 = tpu.memref_slice %arg12[%add3A_9, %dma_start3A_254] : memref<10240x64xf32, #tpu.memory_space<vmem_shared>> -> memref<80x64xf32, #tpu.memory_space<vmem_shared>>
      %dma_start3A_256 = arith.constant 0 : i32
      %dma_start3A_257 = tpu.memref_slice %arg12[%add3A_9, %dma_start3A_256] : memref<10240x64xf32, #tpu.memory_space<vmem_shared>> -> memref<80x64xf32, #tpu.memory_space<vmem_shared>>
      %dma_start3A_258 = arith.constant 0 : i32
      %dma_start3A_259 = arith.constant 0 : i32
      %dma_start3A_260 = tpu.memref_slice %arg11[%run_scoped3A_10, %dma_start3A_258, %dma_start3A_259] : memref<5x80x64xf32, #tpu.memory_space<vmem>> -> memref<1x80x64xf32, #tpu.memory_space<vmem>>
      %dma_start3A_261 = tpu.memref_squeeze %dma_start3A_260 : memref<1x80x64xf32, #tpu.memory_space<vmem>> -> memref<80x64xf32, #tpu.memory_space<vmem>>
      tpu.enqueue_dma source(%dma_start3A_261 : memref<80x64xf32, #tpu.memory_space<vmem>>) target(%dma_start3A_257 : memref<80x64xf32, #tpu.memory_space<vmem_shared>>) target_semaphore(%run_scoped3A_249 : memref<!tpu.dma_semaphore, #tpu.memory_space<semaphore_mem>>)
      %dma_wait3A_262 = arith.constant 0 : i32
      %dma_wait3A_263 = arith.constant 0 : i32
      %dma_wait3A_264 = tpu.memref_slice %arg11[%run_scoped3A_10, %dma_wait3A_262, %dma_wait3A_263] : memref<5x80x64xf32, #tpu.memory_space<vmem>> -> memref<1x80x64xf32, #tpu.memory_space<vmem>>
      %dma_wait3A_265 = tpu.memref_squeeze %dma_wait3A_264 : memref<1x80x64xf32, #tpu.memory_space<vmem>> -> memref<80x64xf32, #tpu.memory_space<vmem>>
      %dma_wait3A_266 = arith.constant 0 : i32
      %dma_wait3A_267 = tpu.memref_slice %arg12[%add3A_9, %dma_wait3A_266] : memref<10240x64xf32, #tpu.memory_space<vmem_shared>> -> memref<80x64xf32, #tpu.memory_space<vmem_shared>>
      %dma_wait3A_268 = arith.constant 0 : i32
      %dma_wait3A_269 = tpu.memref_slice %arg12[%add3A_9, %dma_wait3A_268] : memref<10240x64xf32, #tpu.memory_space<vmem_shared>> -> memref<80x64xf32, #tpu.memory_space<vmem_shared>>
      %dma_wait3A_270 = arith.constant 0 : i32
      %dma_wait3A_271 = arith.constant 0 : i32
      %dma_wait3A_272 = tpu.memref_slice %arg11[%run_scoped3A_10, %dma_wait3A_270, %dma_wait3A_271] : memref<5x80x64xf32, #tpu.memory_space<vmem>> -> memref<1x80x64xf32, #tpu.memory_space<vmem>>
      %dma_wait3A_273 = tpu.memref_squeeze %dma_wait3A_272 : memref<1x80x64xf32, #tpu.memory_space<vmem>> -> memref<80x64xf32, #tpu.memory_space<vmem>>
      tpu.wait_dma2 semaphore(%run_scoped3A_249 : memref<!tpu.dma_semaphore, #tpu.memory_space<semaphore_mem>>) src(%dma_wait3A_273 : memref<80x64xf32, #tpu.memory_space<vmem>>) dst(%dma_wait3A_269 : memref<80x64xf32, #tpu.memory_space<vmem_shared>>)
      tpu.yield
    }) : () -> ()
    %mul3A_11 = arith.constant 640 : i32
    %mul3A_12 = arith.muli %arg1, %mul3A_11 : i32
    %add3A_13 = arith.constant 160 : i32
    %add3A_14 = arith.addi %mul3A_12, %add3A_13 : i32
    %run_scoped3A_15 = arith.constant 0 : i32
    "tpu.region"() ({
      %run_scoped3A_249 = tpu.sem_alloc : memref<!tpu.dma_semaphore, #tpu.memory_space<semaphore_mem>>
      %dma_start3A_250 = arith.constant 0 : i32
      %dma_start3A_251 = arith.constant 0 : i32
      %dma_start3A_252 = tpu.memref_slice %arg11[%run_scoped3A_15, %dma_start3A_250, %dma_start3A_251] : memref<5x80x64xf32, #tpu.memory_space<vmem>> -> memref<1x80x64xf32, #tpu.memory_space<vmem>>
      %dma_start3A_253 = tpu.memref_squeeze %dma_start3A_252 : memref<1x80x64xf32, #tpu.memory_space<vmem>> -> memref<80x64xf32, #tpu.memory_space<vmem>>
      %dma_start3A_254 = arith.constant 0 : i32
      %dma_start3A_255 = tpu.memref_slice %arg12[%add3A_14, %dma_start3A_254] : memref<10240x64xf32, #tpu.memory_space<vmem_shared>> -> memref<80x64xf32, #tpu.memory_space<vmem_shared>>
      %dma_start3A_256 = arith.constant 0 : i32
      %dma_start3A_257 = tpu.memref_slice %arg12[%add3A_14, %dma_start3A_256] : memref<10240x64xf32, #tpu.memory_space<vmem_shared>> -> memref<80x64xf32, #tpu.memory_space<vmem_shared>>
      %dma_start3A_258 = arith.constant 0 : i32
      %dma_start3A_259 = arith.constant 0 : i32
      %dma_start3A_260 = tpu.memref_slice %arg11[%run_scoped3A_15, %dma_start3A_258, %dma_start3A_259] : memref<5x80x64xf32, #tpu.memory_space<vmem>> -> memref<1x80x64xf32, #tpu.memory_space<vmem>>
      %dma_start3A_261 = tpu.memref_squeeze %dma_start3A_260 : memref<1x80x64xf32, #tpu.memory_space<vmem>> -> memref<80x64xf32, #tpu.memory_space<vmem>>
      tpu.enqueue_dma source(%dma_start3A_261 : memref<80x64xf32, #tpu.memory_space<vmem>>) target(%dma_start3A_257 : memref<80x64xf32, #tpu.memory_space<vmem_shared>>) target_semaphore(%run_scoped3A_249 : memref<!tpu.dma_semaphore, #tpu.memory_space<semaphore_mem>>)
      %dma_wait3A_262 = arith.constant 0 : i32
      %dma_wait3A_263 = arith.constant 0 : i32
      %dma_wait3A_264 = tpu.memref_slice %arg11[%run_scoped3A_15, %dma_wait3A_262, %dma_wait3A_263] : memref<5x80x64xf32, #tpu.memory_space<vmem>> -> memref<1x80x64xf32, #tpu.memory_space<vmem>>
      %dma_wait3A_265 = tpu.memref_squeeze %dma_wait3A_264 : memref<1x80x64xf32, #tpu.memory_space<vmem>> -> memref<80x64xf32, #tpu.memory_space<vmem>>
      %dma_wait3A_266 = arith.constant 0 : i32
      %dma_wait3A_267 = tpu.memref_slice %arg12[%add3A_14, %dma_wait3A_266] : memref<10240x64xf32, #tpu.memory_space<vmem_shared>> -> memref<80x64xf32, #tpu.memory_space<vmem_shared>>
      %dma_wait3A_268 = arith.constant 0 : i32
      %dma_wait3A_269 = tpu.memref_slice %arg12[%add3A_14, %dma_wait3A_268] : memref<10240x64xf32, #tpu.memory_space<vmem_shared>> -> memref<80x64xf32, #tpu.memory_space<vmem_shared>>
      %dma_wait3A_270 = arith.constant 0 : i32
      %dma_wait3A_271 = arith.constant 0 : i32
      %dma_wait3A_272 = tpu.memref_slice %arg11[%run_scoped3A_15, %dma_wait3A_270, %dma_wait3A_271] : memref<5x80x64xf32, #tpu.memory_space<vmem>> -> memref<1x80x64xf32, #tpu.memory_space<vmem>>
      %dma_wait3A_273 = tpu.memref_squeeze %dma_wait3A_272 : memref<1x80x64xf32, #tpu.memory_space<vmem>> -> memref<80x64xf32, #tpu.memory_space<vmem>>
      tpu.wait_dma2 semaphore(%run_scoped3A_249 : memref<!tpu.dma_semaphore, #tpu.memory_space<semaphore_mem>>) src(%dma_wait3A_273 : memref<80x64xf32, #tpu.memory_space<vmem>>) dst(%dma_wait3A_269 : memref<80x64xf32, #tpu.memory_space<vmem_shared>>)
      tpu.yield
    }) : () -> ()
    %mul3A_16 = arith.constant 640 : i32
    %mul3A_17 = arith.muli %arg1, %mul3A_16 : i32
    %add3A_18 = arith.constant 240 : i32
    %add3A_19 = arith.addi %mul3A_17, %add3A_18 : i32
    %run_scoped3A_20 = arith.constant 0 : i32
    "tpu.region"() ({
      %run_scoped3A_249 = tpu.sem_alloc : memref<!tpu.dma_semaphore, #tpu.memory_space<semaphore_mem>>
      %dma_start3A_250 = arith.constant 0 : i32
      %dma_start3A_251 = arith.constant 0 : i32
      %dma_start3A_252 = tpu.memref_slice %arg11[%run_scoped3A_20, %dma_start3A_250, %dma_start3A_251] : memref<5x80x64xf32, #tpu.memory_space<vmem>> -> memref<1x80x64xf32, #tpu.memory_space<vmem>>
      %dma_start3A_253 = tpu.memref_squeeze %dma_start3A_252 : memref<1x80x64xf32, #tpu.memory_space<vmem>> -> memref<80x64xf32, #tpu.memory_space<vmem>>
      %dma_start3A_254 = arith.constant 0 : i32
      %dma_start3A_255 = tpu.memref_slice %arg12[%add3A_19, %dma_start3A_254] : memref<10240x64xf32, #tpu.memory_space<vmem_shared>> -> memref<80x64xf32, #tpu.memory_space<vmem_shared>>
      %dma_start3A_256 = arith.constant 0 : i32
      %dma_start3A_257 = tpu.memref_slice %arg12[%add3A_19, %dma_start3A_256] : memref<10240x64xf32, #tpu.memory_space<vmem_shared>> -> memref<80x64xf32, #tpu.memory_space<vmem_shared>>
      %dma_start3A_258 = arith.constant 0 : i32
      %dma_start3A_259 = arith.constant 0 : i32
      %dma_start3A_260 = tpu.memref_slice %arg11[%run_scoped3A_20, %dma_start3A_258, %dma_start3A_259] : memref<5x80x64xf32, #tpu.memory_space<vmem>> -> memref<1x80x64xf32, #tpu.memory_space<vmem>>
      %dma_start3A_261 = tpu.memref_squeeze %dma_start3A_260 : memref<1x80x64xf32, #tpu.memory_space<vmem>> -> memref<80x64xf32, #tpu.memory_space<vmem>>
      tpu.enqueue_dma source(%dma_start3A_261 : memref<80x64xf32, #tpu.memory_space<vmem>>) target(%dma_start3A_257 : memref<80x64xf32, #tpu.memory_space<vmem_shared>>) target_semaphore(%run_scoped3A_249 : memref<!tpu.dma_semaphore, #tpu.memory_space<semaphore_mem>>)
      %dma_wait3A_262 = arith.constant 0 : i32
      %dma_wait3A_263 = arith.constant 0 : i32
      %dma_wait3A_264 = tpu.memref_slice %arg11[%run_scoped3A_20, %dma_wait3A_262, %dma_wait3A_263] : memref<5x80x64xf32, #tpu.memory_space<vmem>> -> memref<1x80x64xf32, #tpu.memory_space<vmem>>
      %dma_wait3A_265 = tpu.memref_squeeze %dma_wait3A_264 : memref<1x80x64xf32, #tpu.memory_space<vmem>> -> memref<80x64xf32, #tpu.memory_space<vmem>>
      %dma_wait3A_266 = arith.constant 0 : i32
      %dma_wait3A_267 = tpu.memref_slice %arg12[%add3A_19, %dma_wait3A_266] : memref<10240x64xf32, #tpu.memory_space<vmem_shared>> -> memref<80x64xf32, #tpu.memory_space<vmem_shared>>
      %dma_wait3A_268 = arith.constant 0 : i32
      %dma_wait3A_269 = tpu.memref_slice %arg12[%add3A_19, %dma_wait3A_268] : memref<10240x64xf32, #tpu.memory_space<vmem_shared>> -> memref<80x64xf32, #tpu.memory_space<vmem_shared>>
      %dma_wait3A_270 = arith.constant 0 : i32
      %dma_wait3A_271 = arith.constant 0 : i32
      %dma_wait3A_272 = tpu.memref_slice %arg11[%run_scoped3A_20, %dma_wait3A_270, %dma_wait3A_271] : memref<5x80x64xf32, #tpu.memory_space<vmem>> -> memref<1x80x64xf32, #tpu.memory_space<vmem>>
      %dma_wait3A_273 = tpu.memref_squeeze %dma_wait3A_272 : memref<1x80x64xf32, #tpu.memory_space<vmem>> -> memref<80x64xf32, #tpu.memory_space<vmem>>
      tpu.wait_dma2 semaphore(%run_scoped3A_249 : memref<!tpu.dma_semaphore, #tpu.memory_space<semaphore_mem>>) src(%dma_wait3A_273 : memref<80x64xf32, #tpu.memory_space<vmem>>) dst(%dma_wait3A_269 : memref<80x64xf32, #tpu.memory_space<vmem_shared>>)
      tpu.yield
    }) : () -> ()
    %mul3A_21 = arith.constant 640 : i32
    %mul3A_22 = arith.muli %arg1, %mul3A_21 : i32
    %add3A_23 = arith.constant 320 : i32
    %add3A_24 = arith.addi %mul3A_22, %add3A_23 : i32
    %run_scoped3A_25 = arith.constant 0 : i32
    "tpu.region"() ({
      %run_scoped3A_249 = tpu.sem_alloc : memref<!tpu.dma_semaphore, #tpu.memory_space<semaphore_mem>>
      %dma_start3A_250 = arith.constant 0 : i32
      %dma_start3A_251 = arith.constant 0 : i32
      %dma_start3A_252 = tpu.memref_slice %arg11[%run_scoped3A_25, %dma_start3A_250, %dma_start3A_251] : memref<5x80x64xf32, #tpu.memory_space<vmem>> -> memref<1x80x64xf32, #tpu.memory_space<vmem>>
      %dma_start3A_253 = tpu.memref_squeeze %dma_start3A_252 : memref<1x80x64xf32, #tpu.memory_space<vmem>> -> memref<80x64xf32, #tpu.memory_space<vmem>>
      %dma_start3A_254 = arith.constant 0 : i32
      %dma_start3A_255 = tpu.memref_slice %arg12[%add3A_24, %dma_start3A_254] : memref<10240x64xf32, #tpu.memory_space<vmem_shared>> -> memref<80x64xf32, #tpu.memory_space<vmem_shared>>
      %dma_start3A_256 = arith.constant 0 : i32
      %dma_start3A_257 = tpu.memref_slice %arg12[%add3A_24, %dma_start3A_256] : memref<10240x64xf32, #tpu.memory_space<vmem_shared>> -> memref<80x64xf32, #tpu.memory_space<vmem_shared>>
      %dma_start3A_258 = arith.constant 0 : i32
      %dma_start3A_259 = arith.constant 0 : i32
      %dma_start3A_260 = tpu.memref_slice %arg11[%run_scoped3A_25, %dma_start3A_258, %dma_start3A_259] : memref<5x80x64xf32, #tpu.memory_space<vmem>> -> memref<1x80x64xf32, #tpu.memory_space<vmem>>
      %dma_start3A_261 = tpu.memref_squeeze %dma_start3A_260 : memref<1x80x64xf32, #tpu.memory_space<vmem>> -> memref<80x64xf32, #tpu.memory_space<vmem>>
      tpu.enqueue_dma source(%dma_start3A_261 : memref<80x64xf32, #tpu.memory_space<vmem>>) target(%dma_start3A_257 : memref<80x64xf32, #tpu.memory_space<vmem_shared>>) target_semaphore(%run_scoped3A_249 : memref<!tpu.dma_semaphore, #tpu.memory_space<semaphore_mem>>)
      %dma_wait3A_262 = arith.constant 0 : i32
      %dma_wait3A_263 = arith.constant 0 : i32
      %dma_wait3A_264 = tpu.memref_slice %arg11[%run_scoped3A_25, %dma_wait3A_262, %dma_wait3A_263] : memref<5x80x64xf32, #tpu.memory_space<vmem>> -> memref<1x80x64xf32, #tpu.memory_space<vmem>>
      %dma_wait3A_265 = tpu.memref_squeeze %dma_wait3A_264 : memref<1x80x64xf32, #tpu.memory_space<vmem>> -> memref<80x64xf32, #tpu.memory_space<vmem>>
      %dma_wait3A_266 = arith.constant 0 : i32
      %dma_wait3A_267 = tpu.memref_slice %arg12[%add3A_24, %dma_wait3A_266] : memref<10240x64xf32, #tpu.memory_space<vmem_shared>> -> memref<80x64xf32, #tpu.memory_space<vmem_shared>>
      %dma_wait3A_268 = arith.constant 0 : i32
      %dma_wait3A_269 = tpu.memref_slice %arg12[%add3A_24, %dma_wait3A_268] : memref<10240x64xf32, #tpu.memory_space<vmem_shared>> -> memref<80x64xf32, #tpu.memory_space<vmem_shared>>
      %dma_wait3A_270 = arith.constant 0 : i32
      %dma_wait3A_271 = arith.constant 0 : i32
      %dma_wait3A_272 = tpu.memref_slice %arg11[%run_scoped3A_25, %dma_wait3A_270, %dma_wait3A_271] : memref<5x80x64xf32, #tpu.memory_space<vmem>> -> memref<1x80x64xf32, #tpu.memory_space<vmem>>
      %dma_wait3A_273 = tpu.memref_squeeze %dma_wait3A_272 : memref<1x80x64xf32, #tpu.memory_space<vmem>> -> memref<80x64xf32, #tpu.memory_space<vmem>>
      tpu.wait_dma2 semaphore(%run_scoped3A_249 : memref<!tpu.dma_semaphore, #tpu.memory_space<semaphore_mem>>) src(%dma_wait3A_273 : memref<80x64xf32, #tpu.memory_space<vmem>>) dst(%dma_wait3A_269 : memref<80x64xf32, #tpu.memory_space<vmem_shared>>)
      tpu.yield
    }) : () -> ()
    %mul3A_26 = arith.constant 640 : i32
    %mul3A_27 = arith.muli %arg1, %mul3A_26 : i32
    %add3A_28 = arith.constant 400 : i32
    %add3A_29 = arith.addi %mul3A_27, %add3A_28 : i32
    %run_scoped3A_30 = arith.constant 0 : i32
    "tpu.region"() ({
      %run_scoped3A_249 = tpu.sem_alloc : memref<!tpu.dma_semaphore, #tpu.memory_space<semaphore_mem>>
      %dma_start3A_250 = arith.constant 0 : i32
      %dma_start3A_251 = arith.constant 0 : i32
      %dma_start3A_252 = tpu.memref_slice %arg11[%run_scoped3A_30, %dma_start3A_250, %dma_start3A_251] : memref<5x80x64xf32, #tpu.memory_space<vmem>> -> memref<1x80x64xf32, #tpu.memory_space<vmem>>
      %dma_start3A_253 = tpu.memref_squeeze %dma_start3A_252 : memref<1x80x64xf32, #tpu.memory_space<vmem>> -> memref<80x64xf32, #tpu.memory_space<vmem>>
      %dma_start3A_254 = arith.constant 0 : i32
      %dma_start3A_255 = tpu.memref_slice %arg12[%add3A_29, %dma_start3A_254] : memref<10240x64xf32, #tpu.memory_space<vmem_shared>> -> memref<80x64xf32, #tpu.memory_space<vmem_shared>>
      %dma_start3A_256 = arith.constant 0 : i32
      %dma_start3A_257 = tpu.memref_slice %arg12[%add3A_29, %dma_start3A_256] : memref<10240x64xf32, #tpu.memory_space<vmem_shared>> -> memref<80x64xf32, #tpu.memory_space<vmem_shared>>
      %dma_start3A_258 = arith.constant 0 : i32
      %dma_start3A_259 = arith.constant 0 : i32
      %dma_start3A_260 = tpu.memref_slice %arg11[%run_scoped3A_30, %dma_start3A_258, %dma_start3A_259] : memref<5x80x64xf32, #tpu.memory_space<vmem>> -> memref<1x80x64xf32, #tpu.memory_space<vmem>>
      %dma_start3A_261 = tpu.memref_squeeze %dma_start3A_260 : memref<1x80x64xf32, #tpu.memory_space<vmem>> -> memref<80x64xf32, #tpu.memory_space<vmem>>
      tpu.enqueue_dma source(%dma_start3A_261 : memref<80x64xf32, #tpu.memory_space<vmem>>) target(%dma_start3A_257 : memref<80x64xf32, #tpu.memory_space<vmem_shared>>) target_semaphore(%run_scoped3A_249 : memref<!tpu.dma_semaphore, #tpu.memory_space<semaphore_mem>>)
      %dma_wait3A_262 = arith.constant 0 : i32
      %dma_wait3A_263 = arith.constant 0 : i32
      %dma_wait3A_264 = tpu.memref_slice %arg11[%run_scoped3A_30, %dma_wait3A_262, %dma_wait3A_263] : memref<5x80x64xf32, #tpu.memory_space<vmem>> -> memref<1x80x64xf32, #tpu.memory_space<vmem>>
      %dma_wait3A_265 = tpu.memref_squeeze %dma_wait3A_264 : memref<1x80x64xf32, #tpu.memory_space<vmem>> -> memref<80x64xf32, #tpu.memory_space<vmem>>
      %dma_wait3A_266 = arith.constant 0 : i32
      %dma_wait3A_267 = tpu.memref_slice %arg12[%add3A_29, %dma_wait3A_266] : memref<10240x64xf32, #tpu.memory_space<vmem_shared>> -> memref<80x64xf32, #tpu.memory_space<vmem_shared>>
      %dma_wait3A_268 = arith.constant 0 : i32
      %dma_wait3A_269 = tpu.memref_slice %arg12[%add3A_29, %dma_wait3A_268] : memref<10240x64xf32, #tpu.memory_space<vmem_shared>> -> memref<80x64xf32, #tpu.memory_space<vmem_shared>>
      %dma_wait3A_270 = arith.constant 0 : i32
      %dma_wait3A_271 = arith.constant 0 : i32
      %dma_wait3A_272 = tpu.memref_slice %arg11[%run_scoped3A_30, %dma_wait3A_270, %dma_wait3A_271] : memref<5x80x64xf32, #tpu.memory_space<vmem>> -> memref<1x80x64xf32, #tpu.memory_space<vmem>>
      %dma_wait3A_273 = tpu.memref_squeeze %dma_wait3A_272 : memref<1x80x64xf32, #tpu.memory_space<vmem>> -> memref<80x64xf32, #tpu.memory_space<vmem>>
      tpu.wait_dma2 semaphore(%run_scoped3A_249 : memref<!tpu.dma_semaphore, #tpu.memory_space<semaphore_mem>>) src(%dma_wait3A_273 : memref<80x64xf32, #tpu.memory_space<vmem>>) dst(%dma_wait3A_269 : memref<80x64xf32, #tpu.memory_space<vmem_shared>>)
      tpu.yield
    }) : () -> ()
    %mul3A_31 = arith.constant 640 : i32
    %mul3A_32 = arith.muli %arg1, %mul3A_31 : i32
    %add3A_33 = arith.constant 480 : i32
    %add3A_34 = arith.addi %mul3A_32, %add3A_33 : i32
    %run_scoped3A_35 = arith.constant 0 : i32
    "tpu.region"() ({
      %run_scoped3A_249 = tpu.sem_alloc : memref<!tpu.dma_semaphore, #tpu.memory_space<semaphore_mem>>
      %dma_start3A_250 = arith.constant 0 : i32
      %dma_start3A_251 = arith.constant 0 : i32
      %dma_start3A_252 = tpu.memref_slice %arg11[%run_scoped3A_35, %dma_start3A_250, %dma_start3A_251] : memref<5x80x64xf32, #tpu.memory_space<vmem>> -> memref<1x80x64xf32, #tpu.memory_space<vmem>>
      %dma_start3A_253 = tpu.memref_squeeze %dma_start3A_252 : memref<1x80x64xf32, #tpu.memory_space<vmem>> -> memref<80x64xf32, #tpu.memory_space<vmem>>
      %dma_start3A_254 = arith.constant 0 : i32
      %dma_start3A_255 = tpu.memref_slice %arg12[%add3A_34, %dma_start3A_254] : memref<10240x64xf32, #tpu.memory_space<vmem_shared>> -> memref<80x64xf32, #tpu.memory_space<vmem_shared>>
      %dma_start3A_256 = arith.constant 0 : i32
      %dma_start3A_257 = tpu.memref_slice %arg12[%add3A_34, %dma_start3A_256] : memref<10240x64xf32, #tpu.memory_space<vmem_shared>> -> memref<80x64xf32, #tpu.memory_space<vmem_shared>>
      %dma_start3A_258 = arith.constant 0 : i32
      %dma_start3A_259 = arith.constant 0 : i32
      %dma_start3A_260 = tpu.memref_slice %arg11[%run_scoped3A_35, %dma_start3A_258, %dma_start3A_259] : memref<5x80x64xf32, #tpu.memory_space<vmem>> -> memref<1x80x64xf32, #tpu.memory_space<vmem>>
      %dma_start3A_261 = tpu.memref_squeeze %dma_start3A_260 : memref<1x80x64xf32, #tpu.memory_space<vmem>> -> memref<80x64xf32, #tpu.memory_space<vmem>>
      tpu.enqueue_dma source(%dma_start3A_261 : memref<80x64xf32, #tpu.memory_space<vmem>>) target(%dma_start3A_257 : memref<80x64xf32, #tpu.memory_space<vmem_shared>>) target_semaphore(%run_scoped3A_249 : memref<!tpu.dma_semaphore, #tpu.memory_space<semaphore_mem>>)
      %dma_wait3A_262 = arith.constant 0 : i32
      %dma_wait3A_263 = arith.constant 0 : i32
      %dma_wait3A_264 = tpu.memref_slice %arg11[%run_scoped3A_35, %dma_wait3A_262, %dma_wait3A_263] : memref<5x80x64xf32, #tpu.memory_space<vmem>> -> memref<1x80x64xf32, #tpu.memory_space<vmem>>
      %dma_wait3A_265 = tpu.memref_squeeze %dma_wait3A_264 : memref<1x80x64xf32, #tpu.memory_space<vmem>> -> memref<80x64xf32, #tpu.memory_space<vmem>>
      %dma_wait3A_266 = arith.constant 0 : i32
      %dma_wait3A_267 = tpu.memref_slice %arg12[%add3A_34, %dma_wait3A_266] : memref<10240x64xf32, #tpu.memory_space<vmem_shared>> -> memref<80x64xf32, #tpu.memory_space<vmem_shared>>
      %dma_wait3A_268 = arith.constant 0 : i32
      %dma_wait3A_269 = tpu.memref_slice %arg12[%add3A_34, %dma_wait3A_268] : memref<10240x64xf32, #tpu.memory_space<vmem_shared>> -> memref<80x64xf32, #tpu.memory_space<vmem_shared>>
      %dma_wait3A_270 = arith.constant 0 : i32
      %dma_wait3A_271 = arith.constant 0 : i32
      %dma_wait3A_272 = tpu.memref_slice %arg11[%run_scoped3A_35, %dma_wait3A_270, %dma_wait3A_271] : memref<5x80x64xf32, #tpu.memory_space<vmem>> -> memref<1x80x64xf32, #tpu.memory_space<vmem>>
      %dma_wait3A_273 = tpu.memref_squeeze %dma_wait3A_272 : memref<1x80x64xf32, #tpu.memory_space<vmem>> -> memref<80x64xf32, #tpu.memory_space<vmem>>
      tpu.wait_dma2 semaphore(%run_scoped3A_249 : memref<!tpu.dma_semaphore, #tpu.memory_space<semaphore_mem>>) src(%dma_wait3A_273 : memref<80x64xf32, #tpu.memory_space<vmem>>) dst(%dma_wait3A_269 : memref<80x64xf32, #tpu.memory_space<vmem_shared>>)
      tpu.yield
    }) : () -> ()
    %mul3A_36 = arith.constant 640 : i32
    %mul3A_37 = arith.muli %arg1, %mul3A_36 : i32
    %add3A_38 = arith.constant 560 : i32
    %add3A_39 = arith.addi %mul3A_37, %add3A_38 : i32
    %run_scoped3A_40 = arith.constant 0 : i32
    "tpu.region"() ({
      %run_scoped3A_249 = tpu.sem_alloc : memref<!tpu.dma_semaphore, #tpu.memory_space<semaphore_mem>>
      %dma_start3A_250 = arith.constant 0 : i32
      %dma_start3A_251 = arith.constant 0 : i32
      %dma_start3A_252 = tpu.memref_slice %arg11[%run_scoped3A_40, %dma_start3A_250, %dma_start3A_251] : memref<5x80x64xf32, #tpu.memory_space<vmem>> -> memref<1x80x64xf32, #tpu.memory_space<vmem>>
      %dma_start3A_253 = tpu.memref_squeeze %dma_start3A_252 : memref<1x80x64xf32, #tpu.memory_space<vmem>> -> memref<80x64xf32, #tpu.memory_space<vmem>>
      %dma_start3A_254 = arith.constant 0 : i32
      %dma_start3A_255 = tpu.memref_slice %arg12[%add3A_39, %dma_start3A_254] : memref<10240x64xf32, #tpu.memory_space<vmem_shared>> -> memref<80x64xf32, #tpu.memory_space<vmem_shared>>
      %dma_start3A_256 = arith.constant 0 : i32
      %dma_start3A_257 = tpu.memref_slice %arg12[%add3A_39, %dma_start3A_256] : memref<10240x64xf32, #tpu.memory_space<vmem_shared>> -> memref<80x64xf32, #tpu.memory_space<vmem_shared>>
      %dma_start3A_258 = arith.constant 0 : i32
      %dma_start3A_259 = arith.constant 0 : i32
      %dma_start3A_260 = tpu.memref_slice %arg11[%run_scoped3A_40, %dma_start3A_258, %dma_start3A_259] : memref<5x80x64xf32, #tpu.memory_space<vmem>> -> memref<1x80x64xf32, #tpu.memory_space<vmem>>
      %dma_start3A_261 = tpu.memref_squeeze %dma_start3A_260 : memref<1x80x64xf32, #tpu.memory_space<vmem>> -> memref<80x64xf32, #tpu.memory_space<vmem>>
      tpu.enqueue_dma source(%dma_start3A_261 : memref<80x64xf32, #tpu.memory_space<vmem>>) target(%dma_start3A_257 : memref<80x64xf32, #tpu.memory_space<vmem_shared>>) target_semaphore(%run_scoped3A_249 : memref<!tpu.dma_semaphore, #tpu.memory_space<semaphore_mem>>)
      %dma_wait3A_262 = arith.constant 0 : i32
      %dma_wait3A_263 = arith.constant 0 : i32
      %dma_wait3A_264 = tpu.memref_slice %arg11[%run_scoped3A_40, %dma_wait3A_262, %dma_wait3A_263] : memref<5x80x64xf32, #tpu.memory_space<vmem>> -> memref<1x80x64xf32, #tpu.memory_space<vmem>>
      %dma_wait3A_265 = tpu.memref_squeeze %dma_wait3A_264 : memref<1x80x64xf32, #tpu.memory_space<vmem>> -> memref<80x64xf32, #tpu.memory_space<vmem>>
      %dma_wait3A_266 = arith.constant 0 : i32
      %dma_wait3A_267 = tpu.memref_slice %arg12[%add3A_39, %dma_wait3A_266] : memref<10240x64xf32, #tpu.memory_space<vmem_shared>> -> memref<80x64xf32, #tpu.memory_space<vmem_shared>>
      %dma_wait3A_268 = arith.constant 0 : i32
      %dma_wait3A_269 = tpu.memref_slice %arg12[%add3A_39, %dma_wait3A_268] : memref<10240x64xf32, #tpu.memory_space<vmem_shared>> -> memref<80x64xf32, #tpu.memory_space<vmem_shared>>
      %dma_wait3A_270 = arith.constant 0 : i32
      %dma_wait3A_271 = arith.constant 0 : i32
      %dma_wait3A_272 = tpu.memref_slice %arg11[%run_scoped3A_40, %dma_wait3A_270, %dma_wait3A_271] : memref<5x80x64xf32, #tpu.memory_space<vmem>> -> memref<1x80x64xf32, #tpu.memory_space<vmem>>
      %dma_wait3A_273 = tpu.memref_squeeze %dma_wait3A_272 : memref<1x80x64xf32, #tpu.memory_space<vmem>> -> memref<80x64xf32, #tpu.memory_space<vmem>>
      tpu.wait_dma2 semaphore(%run_scoped3A_249 : memref<!tpu.dma_semaphore, #tpu.memory_space<semaphore_mem>>) src(%dma_wait3A_273 : memref<80x64xf32, #tpu.memory_space<vmem>>) dst(%dma_wait3A_269 : memref<80x64xf32, #tpu.memory_space<vmem_shared>>)
      tpu.yield
    }) : () -> ()
    "tpu.region"() ({
      %run_scoped3A_249 = tpu.sem_alloc : memref<!tpu.dma_semaphore, #tpu.memory_space<semaphore_mem>>
      %dma_start3A_250 = arith.constant 0 : i32
      %dma_start3A_251 = arith.constant 0 : i32
      %dma_start3A_252 = tpu.memref_slice %arg2[%add3A, %dma_start3A_250, %dma_start3A_251] : memref<32x250x80xi32, #tpu.memory_space<hbm>> -> memref<1x250x80xi32, #tpu.memory_space<hbm>>
      %dma_start3A_253 = tpu.memref_squeeze %dma_start3A_252 : memref<1x250x80xi32, #tpu.memory_space<hbm>> -> memref<250x80xi32, #tpu.memory_space<hbm>>
      %dma_start3A_254 = arith.constant 0 : i32
      %dma_start3A_255 = arith.constant 0 : i32
      %dma_start3A_256 = tpu.memref_slice %arg2[%add3A, %dma_start3A_254, %dma_start3A_255] : memref<32x250x80xi32, #tpu.memory_space<hbm>> -> memref<1x250x80xi32, #tpu.memory_space<hbm>>
      %dma_start3A_257 = tpu.memref_squeeze %dma_start3A_256 : memref<1x250x80xi32, #tpu.memory_space<hbm>> -> memref<250x80xi32, #tpu.memory_space<hbm>>
      tpu.enqueue_dma source(%dma_start3A_257 : memref<250x80xi32, #tpu.memory_space<hbm>>) target(%arg8 : memref<250x80xi32, #tpu.memory_space<vmem>>) target_semaphore(%run_scoped3A_249 : memref<!tpu.dma_semaphore, #tpu.memory_space<semaphore_mem>>)
      %dma_wait3A_258 = arith.constant 0 : i32
      %dma_wait3A_259 = arith.constant 0 : i32
      %dma_wait3A_260 = tpu.memref_slice %arg2[%add3A, %dma_wait3A_258, %dma_wait3A_259] : memref<32x250x80xi32, #tpu.memory_space<hbm>> -> memref<1x250x80xi32, #tpu.memory_space<hbm>>
      %dma_wait3A_261 = tpu.memref_squeeze %dma_wait3A_260 : memref<1x250x80xi32, #tpu.memory_space<hbm>> -> memref<250x80xi32, #tpu.memory_space<hbm>>
      %dma_wait3A_262 = arith.constant 0 : i32
      %dma_wait3A_263 = arith.constant 0 : i32
      %dma_wait3A_264 = tpu.memref_slice %arg2[%add3A, %dma_wait3A_262, %dma_wait3A_263] : memref<32x250x80xi32, #tpu.memory_space<hbm>> -> memref<1x250x80xi32, #tpu.memory_space<hbm>>
      %dma_wait3A_265 = tpu.memref_squeeze %dma_wait3A_264 : memref<1x250x80xi32, #tpu.memory_space<hbm>> -> memref<250x80xi32, #tpu.memory_space<hbm>>
      tpu.wait_dma2 semaphore(%run_scoped3A_249 : memref<!tpu.dma_semaphore, #tpu.memory_space<semaphore_mem>>) src(%dma_wait3A_265 : memref<250x80xi32, #tpu.memory_space<hbm>>) dst(%arg8 : memref<250x80xi32, #tpu.memory_space<vmem>>)
      tpu.yield
    }) : () -> ()
    "tpu.region"() ({
      %run_scoped3A_249 = tpu.sem_alloc : memref<!tpu.dma_semaphore, #tpu.memory_space<semaphore_mem>>
      %dma_start3A_250 = arith.constant 0 : i32
      %dma_start3A_251 = arith.constant 0 : i32
      %dma_start3A_252 = tpu.memref_slice %arg3[%add3A, %dma_start3A_250, %dma_start3A_251] : memref<32x250x80xi32, #tpu.memory_space<hbm>> -> memref<1x250x80xi32, #tpu.memory_space<hbm>>
      %dma_start3A_253 = tpu.memref_squeeze %dma_start3A_252 : memref<1x250x80xi32, #tpu.memory_space<hbm>> -> memref<250x80xi32, #tpu.memory_space<hbm>>
      %dma_start3A_254 = arith.constant 0 : i32
      %dma_start3A_255 = arith.constant 0 : i32
      %dma_start3A_256 = tpu.memref_slice %arg3[%add3A, %dma_start3A_254, %dma_start3A_255] : memref<32x250x80xi32, #tpu.memory_space<hbm>> -> memref<1x250x80xi32, #tpu.memory_space<hbm>>
      %dma_start3A_257 = tpu.memref_squeeze %dma_start3A_256 : memref<1x250x80xi32, #tpu.memory_space<hbm>> -> memref<250x80xi32, #tpu.memory_space<hbm>>
      tpu.enqueue_dma source(%dma_start3A_257 : memref<250x80xi32, #tpu.memory_space<hbm>>) target(%arg9 : memref<250x80xi32, #tpu.memory_space<vmem>>) target_semaphore(%run_scoped3A_249 : memref<!tpu.dma_semaphore, #tpu.memory_space<semaphore_mem>>)
      %dma_wait3A_258 = arith.constant 0 : i32
      %dma_wait3A_259 = arith.constant 0 : i32
      %dma_wait3A_260 = tpu.memref_slice %arg3[%add3A, %dma_wait3A_258, %dma_wait3A_259] : memref<32x250x80xi32, #tpu.memory_space<hbm>> -> memref<1x250x80xi32, #tpu.memory_space<hbm>>
      %dma_wait3A_261 = tpu.memref_squeeze %dma_wait3A_260 : memref<1x250x80xi32, #tpu.memory_space<hbm>> -> memref<250x80xi32, #tpu.memory_space<hbm>>
      %dma_wait3A_262 = arith.constant 0 : i32
      %dma_wait3A_263 = arith.constant 0 : i32
      %dma_wait3A_264 = tpu.memref_slice %arg3[%add3A, %dma_wait3A_262, %dma_wait3A_263] : memref<32x250x80xi32, #tpu.memory_space<hbm>> -> memref<1x250x80xi32, #tpu.memory_space<hbm>>
      %dma_wait3A_265 = tpu.memref_squeeze %dma_wait3A_264 : memref<1x250x80xi32, #tpu.memory_space<hbm>> -> memref<250x80xi32, #tpu.memory_space<hbm>>
      tpu.wait_dma2 semaphore(%run_scoped3A_249 : memref<!tpu.dma_semaphore, #tpu.memory_space<semaphore_mem>>) src(%dma_wait3A_265 : memref<250x80xi32, #tpu.memory_space<hbm>>) dst(%arg9 : memref<250x80xi32, #tpu.memory_space<vmem>>)
      tpu.yield
    }) : () -> ()
    "tpu.region"() ({
      %run_scoped3A_249 = tpu.sem_alloc : memref<!tpu.dma_semaphore, #tpu.memory_space<semaphore_mem>>
      %dma_start3A_250 = arith.constant 0 : i32
      %dma_start3A_251 = arith.constant 0 : i32
      %dma_start3A_252 = tpu.memref_slice %arg4[%add3A, %dma_start3A_250, %dma_start3A_251] : memref<32x250x80xi32, #tpu.memory_space<hbm>> -> memref<1x250x80xi32, #tpu.memory_space<hbm>>
      %dma_start3A_253 = tpu.memref_squeeze %dma_start3A_252 : memref<1x250x80xi32, #tpu.memory_space<hbm>> -> memref<250x80xi32, #tpu.memory_space<hbm>>
      %dma_start3A_254 = arith.constant 0 : i32
      %dma_start3A_255 = arith.constant 0 : i32
      %dma_start3A_256 = tpu.memref_slice %arg4[%add3A, %dma_start3A_254, %dma_start3A_255] : memref<32x250x80xi32, #tpu.memory_space<hbm>> -> memref<1x250x80xi32, #tpu.memory_space<hbm>>
      %dma_start3A_257 = tpu.memref_squeeze %dma_start3A_256 : memref<1x250x80xi32, #tpu.memory_space<hbm>> -> memref<250x80xi32, #tpu.memory_space<hbm>>
      tpu.enqueue_dma source(%dma_start3A_257 : memref<250x80xi32, #tpu.memory_space<hbm>>) target(%arg10 : memref<250x80xi32, #tpu.memory_space<vmem>>) target_semaphore(%run_scoped3A_249 : memref<!tpu.dma_semaphore, #tpu.memory_space<semaphore_mem>>)
      %dma_wait3A_258 = arith.constant 0 : i32
      %dma_wait3A_259 = arith.constant 0 : i32
      %dma_wait3A_260 = tpu.memref_slice %arg4[%add3A, %dma_wait3A_258, %dma_wait3A_259] : memref<32x250x80xi32, #tpu.memory_space<hbm>> -> memref<1x250x80xi32, #tpu.memory_space<hbm>>
      %dma_wait3A_261 = tpu.memref_squeeze %dma_wait3A_260 : memref<1x250x80xi32, #tpu.memory_space<hbm>> -> memref<250x80xi32, #tpu.memory_space<hbm>>
      %dma_wait3A_262 = arith.constant 0 : i32
      %dma_wait3A_263 = arith.constant 0 : i32
      %dma_wait3A_264 = tpu.memref_slice %arg4[%add3A, %dma_wait3A_262, %dma_wait3A_263] : memref<32x250x80xi32, #tpu.memory_space<hbm>> -> memref<1x250x80xi32, #tpu.memory_space<hbm>>
      %dma_wait3A_265 = tpu.memref_squeeze %dma_wait3A_264 : memref<1x250x80xi32, #tpu.memory_space<hbm>> -> memref<250x80xi32, #tpu.memory_space<hbm>>
      tpu.wait_dma2 semaphore(%run_scoped3A_249 : memref<!tpu.dma_semaphore, #tpu.memory_space<semaphore_mem>>) src(%dma_wait3A_265 : memref<250x80xi32, #tpu.memory_space<hbm>>) dst(%arg10 : memref<250x80xi32, #tpu.memory_space<vmem>>)
      tpu.yield
    }) : () -> ()
    %scan3A = arith.constant 0 : i32
    %scan3A_41 = arith.constant 250 : i32
    %scan3A_42 = arith.addi %scan3A, %scan3A_41 : i32
    %scan3A_43 = arith.constant 1 : i32
    scf.for %scan3A_249 = %scan3A to %scan3A_42 step %scan3A_43  : i32 {
      %mul3A_250 = arith.constant 1 : i32
      %mul3A_251 = arith.muli %scan3A_249, %mul3A_250 : i32
      %add3A_252 = arith.constant 0 : i32
      %add3A_253 = arith.addi %add3A_252, %mul3A_251 : i32
      %get3A = arith.index_cast %add3A_253 : i32 to index
      %get3A_254 = arith.constant 0 : index
      %get3A_255 = tpu.vector_load %arg8[%get3A, %get3A_254] {strides = array<i32>} : memref<250x80xi32, #tpu.memory_space<vmem>>, vector<1x16xi32>,
      %get3A_256 = vector.shape_cast %get3A_255 : vector<1x16xi32> to vector<16xi32>
      %get3A_257 = arith.index_cast %add3A_253 : i32 to index
      %get3A_258 = arith.constant 0 : index
      %get3A_259 = tpu.vector_load %arg9[%get3A_257, %get3A_258] {strides = array<i32>} : memref<250x80xi32, #tpu.memory_space<vmem>>, vector<1x16xi32>,
      %get3A_260 = vector.shape_cast %get3A_259 : vector<1x16xi32> to vector<16xi32>
      %ge3A = arith.constant 5000 : i32
      %ge3A_261 = vector.broadcast %ge3A : i32 to vector<16xi32>
      %ge3A_262 = arith.cmpi sge, %get3A_256, %ge3A_261 : vector<16xi32>
      %mul3A_263 = arith.constant 2 : i32
      %mul3A_264 = vector.broadcast %mul3A_263 : i32 to vector<16xi32>
      %mul3A_265 = arith.muli %mul3A_264, %get3A_256 : vector<16xi32>
      %sub3A = arith.constant 9999 : i32
      %sub3A_266 = vector.broadcast %sub3A : i32 to vector<16xi32>
      %sub3A_267 = arith.subi %mul3A_265, %sub3A_266 : vector<16xi32>
      %mul3A_268 = arith.constant 2 : i32
      %mul3A_269 = vector.broadcast %mul3A_268 : i32 to vector<16xi32>
      %mul3A_270 = arith.muli %mul3A_269, %get3A_256 : vector<16xi32>
      %select_n3A = arith.select %ge3A_262, %sub3A_267, %mul3A_270 : vector<16xi1>, vector<16xi32>
      %mul3A_271 = arith.constant 10000 : i32
      %mul3A_272 = vector.broadcast %mul3A_271 : i32 to vector<16xi32>
      %mul3A_273 = arith.muli %get3A_260, %mul3A_272 : vector<16xi32>
      %add3A_274 = arith.addi %select_n3A, %mul3A_273 : vector<16xi32>
      %swap3A = arith.index_cast %add3A_253 : i32 to index
      %swap3A_275 = arith.constant 0 : index
      %swap3A_276 = tpu.vector_load %arg8[%swap3A, %swap3A_275] {strides = array<i32>} : memref<250x80xi32, #tpu.memory_space<vmem>>, vector<1x16xi32>,
      %swap3A_277 = vector.shape_cast %swap3A_276 : vector<1x16xi32> to vector<16xi32>
      %swap3A_278 = vector.shape_cast %add3A_274 : vector<16xi32> to vector<1x16xi32>
      tpu.vector_store %arg8[%swap3A, %swap3A_275], %swap3A_278 {strides = array<i32>} : memref<250x80xi32, #tpu.memory_space<vmem>>, vector<1x16xi32>,
      %get3A_279 = arith.index_cast %add3A_253 : i32 to index
      %get3A_280 = arith.constant 16 : index
      %get3A_281 = tpu.vector_load %arg8[%get3A_279, %get3A_280] {strides = array<i32>} : memref<250x80xi32, #tpu.memory_space<vmem>>, vector<1x16xi32>,
      %get3A_282 = vector.shape_cast %get3A_281 : vector<1x16xi32> to vector<16xi32>
      %get3A_283 = arith.index_cast %add3A_253 : i32 to index
      %get3A_284 = arith.constant 16 : index
      %get3A_285 = tpu.vector_load %arg9[%get3A_283, %get3A_284] {strides = array<i32>} : memref<250x80xi32, #tpu.memory_space<vmem>>, vector<1x16xi32>,
      %get3A_286 = vector.shape_cast %get3A_285 : vector<1x16xi32> to vector<16xi32>
      %ge3A_287 = arith.constant 5000 : i32
      %ge3A_288 = vector.broadcast %ge3A_287 : i32 to vector<16xi32>
      %ge3A_289 = arith.cmpi sge, %get3A_282, %ge3A_288 : vector<16xi32>
      %mul3A_290 = arith.constant 2 : i32
      %mul3A_291 = vector.broadcast %mul3A_290 : i32 to vector<16xi32>
      %mul3A_292 = arith.muli %mul3A_291, %get3A_282 : vector<16xi32>
      %sub3A_293 = arith.constant 9999 : i32
      %sub3A_294 = vector.broadcast %sub3A_293 : i32 to vector<16xi32>
      %sub3A_295 = arith.subi %mul3A_292, %sub3A_294 : vector<16xi32>
      %mul3A_296 = arith.constant 2 : i32
      %mul3A_297 = vector.broadcast %mul3A_296 : i32 to vector<16xi32>
      %mul3A_298 = arith.muli %mul3A_297, %get3A_282 : vector<16xi32>
      %select_n3A_299 = arith.select %ge3A_289, %sub3A_295, %mul3A_298 : vector<16xi1>, vector<16xi32>
      %mul3A_300 = arith.constant 10000 : i32
      %mul3A_301 = vector.broadcast %mul3A_300 : i32 to vector<16xi32>
      %mul3A_302 = arith.muli %get3A_286, %mul3A_301 : vector<16xi32>
      %add3A_303 = arith.addi %select_n3A_299, %mul3A_302 : vector<16xi32>
      %swap3A_304 = arith.index_cast %add3A_253 : i32 to index
      %swap3A_305 = arith.constant 16 : index
      %swap3A_306 = tpu.vector_load %arg8[%swap3A_304, %swap3A_305] {strides = array<i32>} : memref<250x80xi32, #tpu.memory_space<vmem>>, vector<1x16xi32>,
      %swap3A_307 = vector.shape_cast %swap3A_306 : vector<1x16xi32> to vector<16xi32>
      %swap3A_308 = vector.shape_cast %add3A_303 : vector<16xi32> to vector<1x16xi32>
      tpu.vector_store %arg8[%swap3A_304, %swap3A_305], %swap3A_308 {strides = array<i32>} : memref<250x80xi32, #tpu.memory_space<vmem>>, vector<1x16xi32>,
      %get3A_309 = arith.index_cast %add3A_253 : i32 to index
      %get3A_310 = arith.constant 32 : index
      %get3A_311 = tpu.vector_load %arg8[%get3A_309, %get3A_310] {strides = array<i32>} : memref<250x80xi32, #tpu.memory_space<vmem>>, vector<1x16xi32>,
      %get3A_312 = vector.shape_cast %get3A_311 : vector<1x16xi32> to vector<16xi32>
      %get3A_313 = arith.index_cast %add3A_253 : i32 to index
      %get3A_314 = arith.constant 32 : index
      %get3A_315 = tpu.vector_load %arg9[%get3A_313, %get3A_314] {strides = array<i32>} : memref<250x80xi32, #tpu.memory_space<vmem>>, vector<1x16xi32>,
      %get3A_316 = vector.shape_cast %get3A_315 : vector<1x16xi32> to vector<16xi32>
      %ge3A_317 = arith.constant 5000 : i32
      %ge3A_318 = vector.broadcast %ge3A_317 : i32 to vector<16xi32>
      %ge3A_319 = arith.cmpi sge, %get3A_312, %ge3A_318 : vector<16xi32>
      %mul3A_320 = arith.constant 2 : i32
      %mul3A_321 = vector.broadcast %mul3A_320 : i32 to vector<16xi32>
      %mul3A_322 = arith.muli %mul3A_321, %get3A_312 : vector<16xi32>
      %sub3A_323 = arith.constant 9999 : i32
      %sub3A_324 = vector.broadcast %sub3A_323 : i32 to vector<16xi32>
      %sub3A_325 = arith.subi %mul3A_322, %sub3A_324 : vector<16xi32>
      %mul3A_326 = arith.constant 2 : i32
      %mul3A_327 = vector.broadcast %mul3A_326 : i32 to vector<16xi32>
      %mul3A_328 = arith.muli %mul3A_327, %get3A_312 : vector<16xi32>
      %select_n3A_329 = arith.select %ge3A_319, %sub3A_325, %mul3A_328 : vector<16xi1>, vector<16xi32>
      %mul3A_330 = arith.constant 10000 : i32
      %mul3A_331 = vector.broadcast %mul3A_330 : i32 to vector<16xi32>
      %mul3A_332 = arith.muli %get3A_316, %mul3A_331 : vector<16xi32>
      %add3A_333 = arith.addi %select_n3A_329, %mul3A_332 : vector<16xi32>
      %swap3A_334 = arith.index_cast %add3A_253 : i32 to index
      %swap3A_335 = arith.constant 32 : index
      %swap3A_336 = tpu.vector_load %arg8[%swap3A_334, %swap3A_335] {strides = array<i32>} : memref<250x80xi32, #tpu.memory_space<vmem>>, vector<1x16xi32>,
      %swap3A_337 = vector.shape_cast %swap3A_336 : vector<1x16xi32> to vector<16xi32>
      %swap3A_338 = vector.shape_cast %add3A_333 : vector<16xi32> to vector<1x16xi32>
      tpu.vector_store %arg8[%swap3A_334, %swap3A_335], %swap3A_338 {strides = array<i32>} : memref<250x80xi32, #tpu.memory_space<vmem>>, vector<1x16xi32>,
      %get3A_339 = arith.index_cast %add3A_253 : i32 to index
      %get3A_340 = arith.constant 48 : index
      %get3A_341 = tpu.vector_load %arg8[%get3A_339, %get3A_340] {strides = array<i32>} : memref<250x80xi32, #tpu.memory_space<vmem>>, vector<1x16xi32>,
      %get3A_342 = vector.shape_cast %get3A_341 : vector<1x16xi32> to vector<16xi32>
      %get3A_343 = arith.index_cast %add3A_253 : i32 to index
      %get3A_344 = arith.constant 48 : index
      %get3A_345 = tpu.vector_load %arg9[%get3A_343, %get3A_344] {strides = array<i32>} : memref<250x80xi32, #tpu.memory_space<vmem>>, vector<1x16xi32>,
      %get3A_346 = vector.shape_cast %get3A_345 : vector<1x16xi32> to vector<16xi32>
      %ge3A_347 = arith.constant 5000 : i32
      %ge3A_348 = vector.broadcast %ge3A_347 : i32 to vector<16xi32>
      %ge3A_349 = arith.cmpi sge, %get3A_342, %ge3A_348 : vector<16xi32>
      %mul3A_350 = arith.constant 2 : i32
      %mul3A_351 = vector.broadcast %mul3A_350 : i32 to vector<16xi32>
      %mul3A_352 = arith.muli %mul3A_351, %get3A_342 : vector<16xi32>
      %sub3A_353 = arith.constant 9999 : i32
      %sub3A_354 = vector.broadcast %sub3A_353 : i32 to vector<16xi32>
      %sub3A_355 = arith.subi %mul3A_352, %sub3A_354 : vector<16xi32>
      %mul3A_356 = arith.constant 2 : i32
      %mul3A_357 = vector.broadcast %mul3A_356 : i32 to vector<16xi32>
      %mul3A_358 = arith.muli %mul3A_357, %get3A_342 : vector<16xi32>
      %select_n3A_359 = arith.select %ge3A_349, %sub3A_355, %mul3A_358 : vector<16xi1>, vector<16xi32>
      %mul3A_360 = arith.constant 10000 : i32
      %mul3A_361 = vector.broadcast %mul3A_360 : i32 to vector<16xi32>
      %mul3A_362 = arith.muli %get3A_346, %mul3A_361 : vector<16xi32>
      %add3A_363 = arith.addi %select_n3A_359, %mul3A_362 : vector<16xi32>
      %swap3A_364 = arith.index_cast %add3A_253 : i32 to index
      %swap3A_365 = arith.constant 48 : index
      %swap3A_366 = tpu.vector_load %arg8[%swap3A_364, %swap3A_365] {strides = array<i32>} : memref<250x80xi32, #tpu.memory_space<vmem>>, vector<1x16xi32>,
      %swap3A_367 = vector.shape_cast %swap3A_366 : vector<1x16xi32> to vector<16xi32>
      %swap3A_368 = vector.shape_cast %add3A_363 : vector<16xi32> to vector<1x16xi32>
      tpu.vector_store %arg8[%swap3A_364, %swap3A_365], %swap3A_368 {strides = array<i32>} : memref<250x80xi32, #tpu.memory_space<vmem>>, vector<1x16xi32>,
      %get3A_369 = arith.index_cast %add3A_253 : i32 to index
      %get3A_370 = arith.constant 64 : index
      %get3A_371 = tpu.vector_load %arg8[%get3A_369, %get3A_370] {strides = array<i32>} : memref<250x80xi32, #tpu.memory_space<vmem>>, vector<1x16xi32>,
      %get3A_372 = vector.shape_cast %get3A_371 : vector<1x16xi32> to vector<16xi32>
      %get3A_373 = arith.index_cast %add3A_253 : i32 to index
      %get3A_374 = arith.constant 64 : index
      %get3A_375 = tpu.vector_load %arg9[%get3A_373, %get3A_374] {strides = array<i32>} : memref<250x80xi32, #tpu.memory_space<vmem>>, vector<1x16xi32>,
      %get3A_376 = vector.shape_cast %get3A_375 : vector<1x16xi32> to vector<16xi32>
      %ge3A_377 = arith.constant 5000 : i32
      %ge3A_378 = vector.broadcast %ge3A_377 : i32 to vector<16xi32>
      %ge3A_379 = arith.cmpi sge, %get3A_372, %ge3A_378 : vector<16xi32>
      %mul3A_380 = arith.constant 2 : i32
      %mul3A_381 = vector.broadcast %mul3A_380 : i32 to vector<16xi32>
      %mul3A_382 = arith.muli %mul3A_381, %get3A_372 : vector<16xi32>
      %sub3A_383 = arith.constant 9999 : i32
      %sub3A_384 = vector.broadcast %sub3A_383 : i32 to vector<16xi32>
      %sub3A_385 = arith.subi %mul3A_382, %sub3A_384 : vector<16xi32>
      %mul3A_386 = arith.constant 2 : i32
      %mul3A_387 = vector.broadcast %mul3A_386 : i32 to vector<16xi32>
      %mul3A_388 = arith.muli %mul3A_387, %get3A_372 : vector<16xi32>
      %select_n3A_389 = arith.select %ge3A_379, %sub3A_385, %mul3A_388 : vector<16xi1>, vector<16xi32>
      %mul3A_390 = arith.constant 10000 : i32
      %mul3A_391 = vector.broadcast %mul3A_390 : i32 to vector<16xi32>
      %mul3A_392 = arith.muli %get3A_376, %mul3A_391 : vector<16xi32>
      %add3A_393 = arith.addi %select_n3A_389, %mul3A_392 : vector<16xi32>
      %swap3A_394 = arith.index_cast %add3A_253 : i32 to index
      %swap3A_395 = arith.constant 64 : index
      %swap3A_396 = tpu.vector_load %arg8[%swap3A_394, %swap3A_395] {strides = array<i32>} : memref<250x80xi32, #tpu.memory_space<vmem>>, vector<1x16xi32>,
      %swap3A_397 = vector.shape_cast %swap3A_396 : vector<1x16xi32> to vector<16xi32>
      %swap3A_398 = vector.shape_cast %add3A_393 : vector<16xi32> to vector<1x16xi32>
      tpu.vector_store %arg8[%swap3A_394, %swap3A_395], %swap3A_398 {strides = array<i32>} : memref<250x80xi32, #tpu.memory_space<vmem>>, vector<1x16xi32>,
    }
    %scan3A_44 = arith.constant 250 : i32
    %barrier3A = arith.constant 0 : index
    tpu.barrier barrier_id(%barrier3A)
    %dma_start3A = arith.constant 0 : i32
    %dma_start3A_45 = arith.constant 0 : i32
    %dma_start3A_46 = arith.constant 0 : i32
    %dma_start3A_47 = arith.constant 0 : i32
    %dma_start3A_48 = tpu.memref_slice %arg11[%dma_start3A_45, %dma_start3A_46, %dma_start3A_47] : memref<5x80x64xf32, #tpu.memory_space<vmem>> -> memref<1x80x64xf32, #tpu.memory_space<vmem>>
    %dma_start3A_49 = tpu.memref_squeeze %dma_start3A_48 : memref<1x80x64xf32, #tpu.memory_space<vmem>> -> memref<80x64xf32, #tpu.memory_space<vmem>>
    %dma_start3A_50 = arith.constant 0 : i32
    %dma_start3A_51 = tpu.memref_slice %arg8[%dma_start3A, %dma_start3A_50] : memref<250x80xi32, #tpu.memory_space<vmem>> -> memref<1x80xi32, #tpu.memory_space<vmem>>
    %dma_start3A_52 = tpu.memref_squeeze %dma_start3A_51 : memref<1x80xi32, #tpu.memory_space<vmem>> -> memref<80xi32, #tpu.memory_space<vmem>>
    %dma_start3A_53 = arith.constant 0 : i32
    %dma_start3A_54 = arith.constant 0 : i32
    %dma_start3A_55 = tpu.memref_slice %arg6[%dma_start3A_53, %dma_start3A_54] : memref<900000x64xf32, #tpu.memory_space<hbm>> -> memref<900000x64xf32, #tpu.memory_space<hbm>>
    tpu.enqueue_indirect_dma source(%dma_start3A_55 : memref<900000x64xf32, #tpu.memory_space<hbm>>) target(%dma_start3A_49 : memref<80x64xf32, #tpu.memory_space<vmem>>) offsets(%dma_start3A_52 : memref<80xi32, #tpu.memory_space<vmem>>) semaphore(%arg13 : memref<!tpu.dma_semaphore, #tpu.memory_space<semaphore_mem>>)
    %dma_start3A_56 = arith.constant 1 : i32
    %dma_start3A_57 = arith.constant 1 : i32
    %dma_start3A_58 = arith.constant 0 : i32
    %dma_start3A_59 = arith.constant 0 : i32
    %dma_start3A_60 = tpu.memref_slice %arg11[%dma_start3A_57, %dma_start3A_58, %dma_start3A_59] : memref<5x80x64xf32, #tpu.memory_space<vmem>> -> memref<1x80x64xf32, #tpu.memory_space<vmem>>
    %dma_start3A_61 = tpu.memref_squeeze %dma_start3A_60 : memref<1x80x64xf32, #tpu.memory_space<vmem>> -> memref<80x64xf32, #tpu.memory_space<vmem>>
    %dma_start3A_62 = arith.constant 0 : i32
    %dma_start3A_63 = tpu.memref_slice %arg8[%dma_start3A_56, %dma_start3A_62] : memref<250x80xi32, #tpu.memory_space<vmem>> -> memref<1x80xi32, #tpu.memory_space<vmem>>
    %dma_start3A_64 = tpu.memref_squeeze %dma_start3A_63 : memref<1x80xi32, #tpu.memory_space<vmem>> -> memref<80xi32, #tpu.memory_space<vmem>>
    %dma_start3A_65 = arith.constant 0 : i32
    %dma_start3A_66 = arith.constant 0 : i32
    %dma_start3A_67 = tpu.memref_slice %arg6[%dma_start3A_65, %dma_start3A_66] : memref<900000x64xf32, #tpu.memory_space<hbm>> -> memref<900000x64xf32, #tpu.memory_space<hbm>>
    tpu.enqueue_indirect_dma source(%dma_start3A_67 : memref<900000x64xf32, #tpu.memory_space<hbm>>) target(%dma_start3A_61 : memref<80x64xf32, #tpu.memory_space<vmem>>) offsets(%dma_start3A_64 : memref<80xi32, #tpu.memory_space<vmem>>) semaphore(%arg14 : memref<!tpu.dma_semaphore, #tpu.memory_space<semaphore_mem>>)
    %dma_start3A_68 = arith.constant 2 : i32
    %dma_start3A_69 = arith.constant 2 : i32
    %dma_start3A_70 = arith.constant 0 : i32
    %dma_start3A_71 = arith.constant 0 : i32
    %dma_start3A_72 = tpu.memref_slice %arg11[%dma_start3A_69, %dma_start3A_70, %dma_start3A_71] : memref<5x80x64xf32, #tpu.memory_space<vmem>> -> memref<1x80x64xf32, #tpu.memory_space<vmem>>
    %dma_start3A_73 = tpu.memref_squeeze %dma_start3A_72 : memref<1x80x64xf32, #tpu.memory_space<vmem>> -> memref<80x64xf32, #tpu.memory_space<vmem>>
    %dma_start3A_74 = arith.constant 0 : i32
    %dma_start3A_75 = tpu.memref_slice %arg8[%dma_start3A_68, %dma_start3A_74] : memref<250x80xi32, #tpu.memory_space<vmem>> -> memref<1x80xi32, #tpu.memory_space<vmem>>
    %dma_start3A_76 = tpu.memref_squeeze %dma_start3A_75 : memref<1x80xi32, #tpu.memory_space<vmem>> -> memref<80xi32, #tpu.memory_space<vmem>>
    %dma_start3A_77 = arith.constant 0 : i32
    %dma_start3A_78 = arith.constant 0 : i32
    %dma_start3A_79 = tpu.memref_slice %arg6[%dma_start3A_77, %dma_start3A_78] : memref<900000x64xf32, #tpu.memory_space<hbm>> -> memref<900000x64xf32, #tpu.memory_space<hbm>>
    tpu.enqueue_indirect_dma source(%dma_start3A_79 : memref<900000x64xf32, #tpu.memory_space<hbm>>) target(%dma_start3A_73 : memref<80x64xf32, #tpu.memory_space<vmem>>) offsets(%dma_start3A_76 : memref<80xi32, #tpu.memory_space<vmem>>) semaphore(%arg15 : memref<!tpu.dma_semaphore, #tpu.memory_space<semaphore_mem>>)
    %dma_start3A_80 = arith.constant 3 : i32
    %dma_start3A_81 = arith.constant 3 : i32
    %dma_start3A_82 = arith.constant 0 : i32
    %dma_start3A_83 = arith.constant 0 : i32
    %dma_start3A_84 = tpu.memref_slice %arg11[%dma_start3A_81, %dma_start3A_82, %dma_start3A_83] : memref<5x80x64xf32, #tpu.memory_space<vmem>> -> memref<1x80x64xf32, #tpu.memory_space<vmem>>
    %dma_start3A_85 = tpu.memref_squeeze %dma_start3A_84 : memref<1x80x64xf32, #tpu.memory_space<vmem>> -> memref<80x64xf32, #tpu.memory_space<vmem>>
    %dma_start3A_86 = arith.constant 0 : i32
    %dma_start3A_87 = tpu.memref_slice %arg8[%dma_start3A_80, %dma_start3A_86] : memref<250x80xi32, #tpu.memory_space<vmem>> -> memref<1x80xi32, #tpu.memory_space<vmem>>
    %dma_start3A_88 = tpu.memref_squeeze %dma_start3A_87 : memref<1x80xi32, #tpu.memory_space<vmem>> -> memref<80xi32, #tpu.memory_space<vmem>>
    %dma_start3A_89 = arith.constant 0 : i32
    %dma_start3A_90 = arith.constant 0 : i32
    %dma_start3A_91 = tpu.memref_slice %arg6[%dma_start3A_89, %dma_start3A_90] : memref<900000x64xf32, #tpu.memory_space<hbm>> -> memref<900000x64xf32, #tpu.memory_space<hbm>>
    tpu.enqueue_indirect_dma source(%dma_start3A_91 : memref<900000x64xf32, #tpu.memory_space<hbm>>) target(%dma_start3A_85 : memref<80x64xf32, #tpu.memory_space<vmem>>) offsets(%dma_start3A_88 : memref<80xi32, #tpu.memory_space<vmem>>) semaphore(%arg16 : memref<!tpu.dma_semaphore, #tpu.memory_space<semaphore_mem>>)
    %dma_start3A_92 = arith.constant 4 : i32
    %dma_start3A_93 = arith.constant 4 : i32
    %dma_start3A_94 = arith.constant 0 : i32
    %dma_start3A_95 = arith.constant 0 : i32
    %dma_start3A_96 = tpu.memref_slice %arg11[%dma_start3A_93, %dma_start3A_94, %dma_start3A_95] : memref<5x80x64xf32, #tpu.memory_space<vmem>> -> memref<1x80x64xf32, #tpu.memory_space<vmem>>
    %dma_start3A_97 = tpu.memref_squeeze %dma_start3A_96 : memref<1x80x64xf32, #tpu.memory_space<vmem>> -> memref<80x64xf32, #tpu.memory_space<vmem>>
    %dma_start3A_98 = arith.constant 0 : i32
    %dma_start3A_99 = tpu.memref_slice %arg8[%dma_start3A_92, %dma_start3A_98] : memref<250x80xi32, #tpu.memory_space<vmem>> -> memref<1x80xi32, #tpu.memory_space<vmem>>
    %dma_start3A_100 = tpu.memref_squeeze %dma_start3A_99 : memref<1x80xi32, #tpu.memory_space<vmem>> -> memref<80xi32, #tpu.memory_space<vmem>>
    %dma_start3A_101 = arith.constant 0 : i32
    %dma_start3A_102 = arith.constant 0 : i32
    %dma_start3A_103 = tpu.memref_slice %arg6[%dma_start3A_101, %dma_start3A_102] : memref<900000x64xf32, #tpu.memory_space<hbm>> -> memref<900000x64xf32, #tpu.memory_space<hbm>>
    tpu.enqueue_indirect_dma source(%dma_start3A_103 : memref<900000x64xf32, #tpu.memory_space<hbm>>) target(%dma_start3A_97 : memref<80x64xf32, #tpu.memory_space<vmem>>) offsets(%dma_start3A_100 : memref<80xi32, #tpu.memory_space<vmem>>) semaphore(%arg17 : memref<!tpu.dma_semaphore, #tpu.memory_space<semaphore_mem>>)
    %scan3A_104 = arith.constant 0 : i32
    %scan3A_105 = arith.constant 50 : i32
    %scan3A_106 = arith.addi %scan3A_104, %scan3A_105 : i32
    %scan3A_107 = arith.constant 1 : i32
    scf.for %scan3A_249 = %scan3A_104 to %scan3A_106 step %scan3A_107  : i32 {
      %mul3A_250 = arith.constant 5 : i32
      %mul3A_251 = arith.muli %scan3A_249, %mul3A_250 : i32
      %add3A_252 = arith.constant 0 : i32
      %add3A_253 = arith.addi %add3A_252, %mul3A_251 : i32
      %add3A_254 = arith.constant 0 : i32
      %add3A_255 = arith.addi %add3A_253, %add3A_254 : i32
      %dma_wait3A_256 = arith.constant 0 : i32
      %dma_wait3A_257 = arith.constant 0 : i32
      %dma_wait3A_258 = arith.constant 0 : i32
      %dma_wait3A_259 = tpu.memref_slice %arg11[%dma_wait3A_256, %dma_wait3A_257, %dma_wait3A_258] : memref<5x80x64xf32, #tpu.memory_space<vmem>> -> memref<1x80x64xf32, #tpu.memory_space<vmem>>
      %dma_wait3A_260 = tpu.memref_squeeze %dma_wait3A_259 : memref<1x80x64xf32, #tpu.memory_space<vmem>> -> memref<80x64xf32, #tpu.memory_space<vmem>>
      %dma_wait3A_261 = arith.constant 0 : i32
      %dma_wait3A_262 = tpu.memref_slice %arg8[%add3A_255, %dma_wait3A_261] : memref<250x80xi32, #tpu.memory_space<vmem>> -> memref<1x80xi32, #tpu.memory_space<vmem>>
      %dma_wait3A_263 = tpu.memref_squeeze %dma_wait3A_262 : memref<1x80xi32, #tpu.memory_space<vmem>> -> memref<80xi32, #tpu.memory_space<vmem>>
      %dma_wait3A_264 = arith.constant 0 : i32
      %dma_wait3A_265 = arith.constant 0 : i32
      %dma_wait3A_266 = tpu.memref_slice %arg6[%dma_wait3A_264, %dma_wait3A_265] : memref<900000x64xf32, #tpu.memory_space<hbm>> -> memref<900000x64xf32, #tpu.memory_space<hbm>>
      tpu.wait_indirect_dma semaphore(%arg13 : memref<!tpu.dma_semaphore, #tpu.memory_space<semaphore_mem>>) src(%dma_wait3A_266 : memref<900000x64xf32, #tpu.memory_space<hbm>>) dst(%dma_wait3A_260 : memref<80x64xf32, #tpu.memory_space<vmem>>)
      %add3A_267 = arith.constant 0 : i32
      %add3A_268 = arith.addi %add3A_253, %add3A_267 : i32
      %dma_start3A_269 = arith.constant 0 : i32
      %dma_start3A_270 = arith.constant 0 : i32
      %dma_start3A_271 = arith.constant 0 : i32
      %dma_start3A_272 = tpu.memref_slice %arg11[%dma_start3A_269, %dma_start3A_270, %dma_start3A_271] : memref<5x80x64xf32, #tpu.memory_space<vmem>> -> memref<1x80x64xf32, #tpu.memory_space<vmem>>
      %dma_start3A_273 = tpu.memref_squeeze %dma_start3A_272 : memref<1x80x64xf32, #tpu.memory_space<vmem>> -> memref<80x64xf32, #tpu.memory_space<vmem>>
      %dma_start3A_274 = arith.constant 0 : i32
      %dma_start3A_275 = tpu.memref_slice %arg10[%add3A_268, %dma_start3A_274] : memref<250x80xi32, #tpu.memory_space<vmem>> -> memref<1x80xi32, #tpu.memory_space<vmem>>
      %dma_start3A_276 = tpu.memref_squeeze %dma_start3A_275 : memref<1x80xi32, #tpu.memory_space<vmem>> -> memref<80xi32, #tpu.memory_space<vmem>>
      %dma_start3A_277 = arith.constant 0 : i32
      %dma_start3A_278 = arith.constant 0 : i32
      %dma_start3A_279 = tpu.memref_slice %arg12[%dma_start3A_277, %dma_start3A_278] : memref<10240x64xf32, #tpu.memory_space<vmem_shared>> -> memref<10240x64xf32, #tpu.memory_space<vmem_shared>>
      tpu.enqueue_indirect_dma source(%dma_start3A_273 : memref<80x64xf32, #tpu.memory_space<vmem>>) target(%dma_start3A_279 : memref<10240x64xf32, #tpu.memory_space<vmem_shared>>) offsets(%dma_start3A_276 : memref<80xi32, #tpu.memory_space<vmem>>) semaphore(%arg18 : memref<!tpu.dma_semaphore, #tpu.memory_space<semaphore_mem>>) {add = true}
      %add3A_280 = arith.constant 0 : i32
      %add3A_281 = arith.addi %add3A_253, %add3A_280 : i32
      %add3A_282 = arith.constant 5 : i32
      %add3A_283 = arith.addi %add3A_281, %add3A_282 : i32
      %lt3A = arith.constant 250 : i32
      %lt3A_284 = arith.cmpi slt, %add3A_283, %lt3A : i32
      %convert_element_type3A = arith.extui %lt3A_284 : i1 to i32
      %cond3A = arith.constant 0 : i32
      %cond3A_285 = arith.cmpi ne, %convert_element_type3A, %cond3A : i32
      scf.if %cond3A_285 {
        %add3A_426 = arith.constant 0 : i32
        %add3A_427 = arith.addi %add3A_253, %add3A_426 : i32
        %dma_wait3A_428 = arith.constant 0 : i32
        %dma_wait3A_429 = arith.constant 0 : i32
        %dma_wait3A_430 = arith.constant 0 : i32
        %dma_wait3A_431 = tpu.memref_slice %arg11[%dma_wait3A_428, %dma_wait3A_429, %dma_wait3A_430] : memref<5x80x64xf32, #tpu.memory_space<vmem>> -> memref<1x80x64xf32, #tpu.memory_space<vmem>>
        %dma_wait3A_432 = tpu.memref_squeeze %dma_wait3A_431 : memref<1x80x64xf32, #tpu.memory_space<vmem>> -> memref<80x64xf32, #tpu.memory_space<vmem>>
        %dma_wait3A_433 = arith.constant 0 : i32
        %dma_wait3A_434 = tpu.memref_slice %arg10[%add3A_427, %dma_wait3A_433] : memref<250x80xi32, #tpu.memory_space<vmem>> -> memref<1x80xi32, #tpu.memory_space<vmem>>
        %dma_wait3A_435 = tpu.memref_squeeze %dma_wait3A_434 : memref<1x80xi32, #tpu.memory_space<vmem>> -> memref<80xi32, #tpu.memory_space<vmem>>
        %dma_wait3A_436 = arith.constant 0 : i32
        %dma_wait3A_437 = arith.constant 0 : i32
        %dma_wait3A_438 = tpu.memref_slice %arg12[%dma_wait3A_436, %dma_wait3A_437] : memref<10240x64xf32, #tpu.memory_space<vmem_shared>> -> memref<10240x64xf32, #tpu.memory_space<vmem_shared>>
        tpu.wait_indirect_dma semaphore(%arg18 : memref<!tpu.dma_semaphore, #tpu.memory_space<semaphore_mem>>) src(%dma_wait3A_432 : memref<80x64xf32, #tpu.memory_space<vmem>>) dst(%dma_wait3A_438 : memref<10240x64xf32, #tpu.memory_space<vmem_shared>>)
        %add3A_439 = arith.constant 0 : i32
        %add3A_440 = arith.addi %add3A_253, %add3A_439 : i32
        %add3A_441 = arith.constant 5 : i32
        %add3A_442 = arith.addi %add3A_440, %add3A_441 : i32
        %dma_start3A_443 = arith.constant 0 : i32
        %dma_start3A_444 = arith.constant 0 : i32
        %dma_start3A_445 = arith.constant 0 : i32
        %dma_start3A_446 = tpu.memref_slice %arg11[%dma_start3A_443, %dma_start3A_444, %dma_start3A_445] : memref<5x80x64xf32, #tpu.memory_space<vmem>> -> memref<1x80x64xf32, #tpu.memory_space<vmem>>
        %dma_start3A_447 = tpu.memref_squeeze %dma_start3A_446 : memref<1x80x64xf32, #tpu.memory_space<vmem>> -> memref<80x64xf32, #tpu.memory_space<vmem>>
        %dma_start3A_448 = arith.constant 0 : i32
        %dma_start3A_449 = tpu.memref_slice %arg8[%add3A_442, %dma_start3A_448] : memref<250x80xi32, #tpu.memory_space<vmem>> -> memref<1x80xi32, #tpu.memory_space<vmem>>
        %dma_start3A_450 = tpu.memref_squeeze %dma_start3A_449 : memref<1x80xi32, #tpu.memory_space<vmem>> -> memref<80xi32, #tpu.memory_space<vmem>>
        %dma_start3A_451 = arith.constant 0 : i32
        %dma_start3A_452 = arith.constant 0 : i32
        %dma_start3A_453 = tpu.memref_slice %arg6[%dma_start3A_451, %dma_start3A_452] : memref<900000x64xf32, #tpu.memory_space<hbm>> -> memref<900000x64xf32, #tpu.memory_space<hbm>>
        tpu.enqueue_indirect_dma source(%dma_start3A_453 : memref<900000x64xf32, #tpu.memory_space<hbm>>) target(%dma_start3A_447 : memref<80x64xf32, #tpu.memory_space<vmem>>) offsets(%dma_start3A_450 : memref<80xi32, #tpu.memory_space<vmem>>) semaphore(%arg13 : memref<!tpu.dma_semaphore, #tpu.memory_space<semaphore_mem>>)
      } else {
      }
      %add3A_286 = arith.constant 1 : i32
      %add3A_287 = arith.addi %add3A_253, %add3A_286 : i32
      %dma_wait3A_288 = arith.constant 1 : i32
      %dma_wait3A_289 = arith.constant 0 : i32
      %dma_wait3A_290 = arith.constant 0 : i32
      %dma_wait3A_291 = tpu.memref_slice %arg11[%dma_wait3A_288, %dma_wait3A_289, %dma_wait3A_290] : memref<5x80x64xf32, #tpu.memory_space<vmem>> -> memref<1x80x64xf32, #tpu.memory_space<vmem>>
      %dma_wait3A_292 = tpu.memref_squeeze %dma_wait3A_291 : memref<1x80x64xf32, #tpu.memory_space<vmem>> -> memref<80x64xf32, #tpu.memory_space<vmem>>
      %dma_wait3A_293 = arith.constant 0 : i32
      %dma_wait3A_294 = tpu.memref_slice %arg8[%add3A_287, %dma_wait3A_293] : memref<250x80xi32, #tpu.memory_space<vmem>> -> memref<1x80xi32, #tpu.memory_space<vmem>>
      %dma_wait3A_295 = tpu.memref_squeeze %dma_wait3A_294 : memref<1x80xi32, #tpu.memory_space<vmem>> -> memref<80xi32, #tpu.memory_space<vmem>>
      %dma_wait3A_296 = arith.constant 0 : i32
      %dma_wait3A_297 = arith.constant 0 : i32
      %dma_wait3A_298 = tpu.memref_slice %arg6[%dma_wait3A_296, %dma_wait3A_297] : memref<900000x64xf32, #tpu.memory_space<hbm>> -> memref<900000x64xf32, #tpu.memory_space<hbm>>
      tpu.wait_indirect_dma semaphore(%arg14 : memref<!tpu.dma_semaphore, #tpu.memory_space<semaphore_mem>>) src(%dma_wait3A_298 : memref<900000x64xf32, #tpu.memory_space<hbm>>) dst(%dma_wait3A_292 : memref<80x64xf32, #tpu.memory_space<vmem>>)
      %add3A_299 = arith.constant 1 : i32
      %add3A_300 = arith.addi %add3A_253, %add3A_299 : i32
      %dma_start3A_301 = arith.constant 1 : i32
      %dma_start3A_302 = arith.constant 0 : i32
      %dma_start3A_303 = arith.constant 0 : i32
      %dma_start3A_304 = tpu.memref_slice %arg11[%dma_start3A_301, %dma_start3A_302, %dma_start3A_303] : memref<5x80x64xf32, #tpu.memory_space<vmem>> -> memref<1x80x64xf32, #tpu.memory_space<vmem>>
      %dma_start3A_305 = tpu.memref_squeeze %dma_start3A_304 : memref<1x80x64xf32, #tpu.memory_space<vmem>> -> memref<80x64xf32, #tpu.memory_space<vmem>>
      %dma_start3A_306 = arith.constant 0 : i32
      %dma_start3A_307 = tpu.memref_slice %arg10[%add3A_300, %dma_start3A_306] : memref<250x80xi32, #tpu.memory_space<vmem>> -> memref<1x80xi32, #tpu.memory_space<vmem>>
      %dma_start3A_308 = tpu.memref_squeeze %dma_start3A_307 : memref<1x80xi32, #tpu.memory_space<vmem>> -> memref<80xi32, #tpu.memory_space<vmem>>
      %dma_start3A_309 = arith.constant 0 : i32
      %dma_start3A_310 = arith.constant 0 : i32
      %dma_start3A_311 = tpu.memref_slice %arg12[%dma_start3A_309, %dma_start3A_310] : memref<10240x64xf32, #tpu.memory_space<vmem_shared>> -> memref<10240x64xf32, #tpu.memory_space<vmem_shared>>
      tpu.enqueue_indirect_dma source(%dma_start3A_305 : memref<80x64xf32, #tpu.memory_space<vmem>>) target(%dma_start3A_311 : memref<10240x64xf32, #tpu.memory_space<vmem_shared>>) offsets(%dma_start3A_308 : memref<80xi32, #tpu.memory_space<vmem>>) semaphore(%arg19 : memref<!tpu.dma_semaphore, #tpu.memory_space<semaphore_mem>>) {add = true}
      %add3A_312 = arith.constant 1 : i32
      %add3A_313 = arith.addi %add3A_253, %add3A_312 : i32
      %add3A_314 = arith.constant 5 : i32
      %add3A_315 = arith.addi %add3A_313, %add3A_314 : i32
      %lt3A_316 = arith.constant 250 : i32
      %lt3A_317 = arith.cmpi slt, %add3A_315, %lt3A_316 : i32
      %convert_element_type3A_318 = arith.extui %lt3A_317 : i1 to i32
      %cond3A_319 = arith.constant 0 : i32
      %cond3A_320 = arith.cmpi ne, %convert_element_type3A_318, %cond3A_319 : i32
      scf.if %cond3A_320 {
        %add3A_426 = arith.constant 1 : i32
        %add3A_427 = arith.addi %add3A_253, %add3A_426 : i32
        %dma_wait3A_428 = arith.constant 1 : i32
        %dma_wait3A_429 = arith.constant 0 : i32
        %dma_wait3A_430 = arith.constant 0 : i32
        %dma_wait3A_431 = tpu.memref_slice %arg11[%dma_wait3A_428, %dma_wait3A_429, %dma_wait3A_430] : memref<5x80x64xf32, #tpu.memory_space<vmem>> -> memref<1x80x64xf32, #tpu.memory_space<vmem>>
        %dma_wait3A_432 = tpu.memref_squeeze %dma_wait3A_431 : memref<1x80x64xf32, #tpu.memory_space<vmem>> -> memref<80x64xf32, #tpu.memory_space<vmem>>
        %dma_wait3A_433 = arith.constant 0 : i32
        %dma_wait3A_434 = tpu.memref_slice %arg10[%add3A_427, %dma_wait3A_433] : memref<250x80xi32, #tpu.memory_space<vmem>> -> memref<1x80xi32, #tpu.memory_space<vmem>>
        %dma_wait3A_435 = tpu.memref_squeeze %dma_wait3A_434 : memref<1x80xi32, #tpu.memory_space<vmem>> -> memref<80xi32, #tpu.memory_space<vmem>>
        %dma_wait3A_436 = arith.constant 0 : i32
        %dma_wait3A_437 = arith.constant 0 : i32
        %dma_wait3A_438 = tpu.memref_slice %arg12[%dma_wait3A_436, %dma_wait3A_437] : memref<10240x64xf32, #tpu.memory_space<vmem_shared>> -> memref<10240x64xf32, #tpu.memory_space<vmem_shared>>
        tpu.wait_indirect_dma semaphore(%arg19 : memref<!tpu.dma_semaphore, #tpu.memory_space<semaphore_mem>>) src(%dma_wait3A_432 : memref<80x64xf32, #tpu.memory_space<vmem>>) dst(%dma_wait3A_438 : memref<10240x64xf32, #tpu.memory_space<vmem_shared>>)
        %add3A_439 = arith.constant 1 : i32
        %add3A_440 = arith.addi %add3A_253, %add3A_439 : i32
        %add3A_441 = arith.constant 5 : i32
        %add3A_442 = arith.addi %add3A_440, %add3A_441 : i32
        %dma_start3A_443 = arith.constant 1 : i32
        %dma_start3A_444 = arith.constant 0 : i32
        %dma_start3A_445 = arith.constant 0 : i32
        %dma_start3A_446 = tpu.memref_slice %arg11[%dma_start3A_443, %dma_start3A_444, %dma_start3A_445] : memref<5x80x64xf32, #tpu.memory_space<vmem>> -> memref<1x80x64xf32, #tpu.memory_space<vmem>>
        %dma_start3A_447 = tpu.memref_squeeze %dma_start3A_446 : memref<1x80x64xf32, #tpu.memory_space<vmem>> -> memref<80x64xf32, #tpu.memory_space<vmem>>
        %dma_start3A_448 = arith.constant 0 : i32
        %dma_start3A_449 = tpu.memref_slice %arg8[%add3A_442, %dma_start3A_448] : memref<250x80xi32, #tpu.memory_space<vmem>> -> memref<1x80xi32, #tpu.memory_space<vmem>>
        %dma_start3A_450 = tpu.memref_squeeze %dma_start3A_449 : memref<1x80xi32, #tpu.memory_space<vmem>> -> memref<80xi32, #tpu.memory_space<vmem>>
        %dma_start3A_451 = arith.constant 0 : i32
        %dma_start3A_452 = arith.constant 0 : i32
        %dma_start3A_453 = tpu.memref_slice %arg6[%dma_start3A_451, %dma_start3A_452] : memref<900000x64xf32, #tpu.memory_space<hbm>> -> memref<900000x64xf32, #tpu.memory_space<hbm>>
        tpu.enqueue_indirect_dma source(%dma_start3A_453 : memref<900000x64xf32, #tpu.memory_space<hbm>>) target(%dma_start3A_447 : memref<80x64xf32, #tpu.memory_space<vmem>>) offsets(%dma_start3A_450 : memref<80xi32, #tpu.memory_space<vmem>>) semaphore(%arg14 : memref<!tpu.dma_semaphore, #tpu.memory_space<semaphore_mem>>)
      } else {
      }
      %add3A_321 = arith.constant 2 : i32
      %add3A_322 = arith.addi %add3A_253, %add3A_321 : i32
      %dma_wait3A_323 = arith.constant 2 : i32
      %dma_wait3A_324 = arith.constant 0 : i32
      %dma_wait3A_325 = arith.constant 0 : i32
      %dma_wait3A_326 = tpu.memref_slice %arg11[%dma_wait3A_323, %dma_wait3A_324, %dma_wait3A_325] : memref<5x80x64xf32, #tpu.memory_space<vmem>> -> memref<1x80x64xf32, #tpu.memory_space<vmem>>
      %dma_wait3A_327 = tpu.memref_squeeze %dma_wait3A_326 : memref<1x80x64xf32, #tpu.memory_space<vmem>> -> memref<80x64xf32, #tpu.memory_space<vmem>>
      %dma_wait3A_328 = arith.constant 0 : i32
      %dma_wait3A_329 = tpu.memref_slice %arg8[%add3A_322, %dma_wait3A_328] : memref<250x80xi32, #tpu.memory_space<vmem>> -> memref<1x80xi32, #tpu.memory_space<vmem>>
      %dma_wait3A_330 = tpu.memref_squeeze %dma_wait3A_329 : memref<1x80xi32, #tpu.memory_space<vmem>> -> memref<80xi32, #tpu.memory_space<vmem>>
      %dma_wait3A_331 = arith.constant 0 : i32
      %dma_wait3A_332 = arith.constant 0 : i32
      %dma_wait3A_333 = tpu.memref_slice %arg6[%dma_wait3A_331, %dma_wait3A_332] : memref<900000x64xf32, #tpu.memory_space<hbm>> -> memref<900000x64xf32, #tpu.memory_space<hbm>>
      tpu.wait_indirect_dma semaphore(%arg15 : memref<!tpu.dma_semaphore, #tpu.memory_space<semaphore_mem>>) src(%dma_wait3A_333 : memref<900000x64xf32, #tpu.memory_space<hbm>>) dst(%dma_wait3A_327 : memref<80x64xf32, #tpu.memory_space<vmem>>)
      %add3A_334 = arith.constant 2 : i32
      %add3A_335 = arith.addi %add3A_253, %add3A_334 : i32
      %dma_start3A_336 = arith.constant 2 : i32
      %dma_start3A_337 = arith.constant 0 : i32
      %dma_start3A_338 = arith.constant 0 : i32
      %dma_start3A_339 = tpu.memref_slice %arg11[%dma_start3A_336, %dma_start3A_337, %dma_start3A_338] : memref<5x80x64xf32, #tpu.memory_space<vmem>> -> memref<1x80x64xf32, #tpu.memory_space<vmem>>
      %dma_start3A_340 = tpu.memref_squeeze %dma_start3A_339 : memref<1x80x64xf32, #tpu.memory_space<vmem>> -> memref<80x64xf32, #tpu.memory_space<vmem>>
      %dma_start3A_341 = arith.constant 0 : i32
      %dma_start3A_342 = tpu.memref_slice %arg10[%add3A_335, %dma_start3A_341] : memref<250x80xi32, #tpu.memory_space<vmem>> -> memref<1x80xi32, #tpu.memory_space<vmem>>
      %dma_start3A_343 = tpu.memref_squeeze %dma_start3A_342 : memref<1x80xi32, #tpu.memory_space<vmem>> -> memref<80xi32, #tpu.memory_space<vmem>>
      %dma_start3A_344 = arith.constant 0 : i32
      %dma_start3A_345 = arith.constant 0 : i32
      %dma_start3A_346 = tpu.memref_slice %arg12[%dma_start3A_344, %dma_start3A_345] : memref<10240x64xf32, #tpu.memory_space<vmem_shared>> -> memref<10240x64xf32, #tpu.memory_space<vmem_shared>>
      tpu.enqueue_indirect_dma source(%dma_start3A_340 : memref<80x64xf32, #tpu.memory_space<vmem>>) target(%dma_start3A_346 : memref<10240x64xf32, #tpu.memory_space<vmem_shared>>) offsets(%dma_start3A_343 : memref<80xi32, #tpu.memory_space<vmem>>) semaphore(%arg20 : memref<!tpu.dma_semaphore, #tpu.memory_space<semaphore_mem>>) {add = true}
      %add3A_347 = arith.constant 2 : i32
      %add3A_348 = arith.addi %add3A_253, %add3A_347 : i32
      %add3A_349 = arith.constant 5 : i32
      %add3A_350 = arith.addi %add3A_348, %add3A_349 : i32
      %lt3A_351 = arith.constant 250 : i32
      %lt3A_352 = arith.cmpi slt, %add3A_350, %lt3A_351 : i32
      %convert_element_type3A_353 = arith.extui %lt3A_352 : i1 to i32
      %cond3A_354 = arith.constant 0 : i32
      %cond3A_355 = arith.cmpi ne, %convert_element_type3A_353, %cond3A_354 : i32
      scf.if %cond3A_355 {
        %add3A_426 = arith.constant 2 : i32
        %add3A_427 = arith.addi %add3A_253, %add3A_426 : i32
        %dma_wait3A_428 = arith.constant 2 : i32
        %dma_wait3A_429 = arith.constant 0 : i32
        %dma_wait3A_430 = arith.constant 0 : i32
        %dma_wait3A_431 = tpu.memref_slice %arg11[%dma_wait3A_428, %dma_wait3A_429, %dma_wait3A_430] : memref<5x80x64xf32, #tpu.memory_space<vmem>> -> memref<1x80x64xf32, #tpu.memory_space<vmem>>
        %dma_wait3A_432 = tpu.memref_squeeze %dma_wait3A_431 : memref<1x80x64xf32, #tpu.memory_space<vmem>> -> memref<80x64xf32, #tpu.memory_space<vmem>>
        %dma_wait3A_433 = arith.constant 0 : i32
        %dma_wait3A_434 = tpu.memref_slice %arg10[%add3A_427, %dma_wait3A_433] : memref<250x80xi32, #tpu.memory_space<vmem>> -> memref<1x80xi32, #tpu.memory_space<vmem>>
        %dma_wait3A_435 = tpu.memref_squeeze %dma_wait3A_434 : memref<1x80xi32, #tpu.memory_space<vmem>> -> memref<80xi32, #tpu.memory_space<vmem>>
        %dma_wait3A_436 = arith.constant 0 : i32
        %dma_wait3A_437 = arith.constant 0 : i32
        %dma_wait3A_438 = tpu.memref_slice %arg12[%dma_wait3A_436, %dma_wait3A_437] : memref<10240x64xf32, #tpu.memory_space<vmem_shared>> -> memref<10240x64xf32, #tpu.memory_space<vmem_shared>>
        tpu.wait_indirect_dma semaphore(%arg20 : memref<!tpu.dma_semaphore, #tpu.memory_space<semaphore_mem>>) src(%dma_wait3A_432 : memref<80x64xf32, #tpu.memory_space<vmem>>) dst(%dma_wait3A_438 : memref<10240x64xf32, #tpu.memory_space<vmem_shared>>)
        %add3A_439 = arith.constant 2 : i32
        %add3A_440 = arith.addi %add3A_253, %add3A_439 : i32
        %add3A_441 = arith.constant 5 : i32
        %add3A_442 = arith.addi %add3A_440, %add3A_441 : i32
        %dma_start3A_443 = arith.constant 2 : i32
        %dma_start3A_444 = arith.constant 0 : i32
        %dma_start3A_445 = arith.constant 0 : i32
        %dma_start3A_446 = tpu.memref_slice %arg11[%dma_start3A_443, %dma_start3A_444, %dma_start3A_445] : memref<5x80x64xf32, #tpu.memory_space<vmem>> -> memref<1x80x64xf32, #tpu.memory_space<vmem>>
        %dma_start3A_447 = tpu.memref_squeeze %dma_start3A_446 : memref<1x80x64xf32, #tpu.memory_space<vmem>> -> memref<80x64xf32, #tpu.memory_space<vmem>>
        %dma_start3A_448 = arith.constant 0 : i32
        %dma_start3A_449 = tpu.memref_slice %arg8[%add3A_442, %dma_start3A_448] : memref<250x80xi32, #tpu.memory_space<vmem>> -> memref<1x80xi32, #tpu.memory_space<vmem>>
        %dma_start3A_450 = tpu.memref_squeeze %dma_start3A_449 : memref<1x80xi32, #tpu.memory_space<vmem>> -> memref<80xi32, #tpu.memory_space<vmem>>
        %dma_start3A_451 = arith.constant 0 : i32
        %dma_start3A_452 = arith.constant 0 : i32
        %dma_start3A_453 = tpu.memref_slice %arg6[%dma_start3A_451, %dma_start3A_452] : memref<900000x64xf32, #tpu.memory_space<hbm>> -> memref<900000x64xf32, #tpu.memory_space<hbm>>
        tpu.enqueue_indirect_dma source(%dma_start3A_453 : memref<900000x64xf32, #tpu.memory_space<hbm>>) target(%dma_start3A_447 : memref<80x64xf32, #tpu.memory_space<vmem>>) offsets(%dma_start3A_450 : memref<80xi32, #tpu.memory_space<vmem>>) semaphore(%arg15 : memref<!tpu.dma_semaphore, #tpu.memory_space<semaphore_mem>>)
      } else {
      }
      %add3A_356 = arith.constant 3 : i32
      %add3A_357 = arith.addi %add3A_253, %add3A_356 : i32
      %dma_wait3A_358 = arith.constant 3 : i32
      %dma_wait3A_359 = arith.constant 0 : i32
      %dma_wait3A_360 = arith.constant 0 : i32
      %dma_wait3A_361 = tpu.memref_slice %arg11[%dma_wait3A_358, %dma_wait3A_359, %dma_wait3A_360] : memref<5x80x64xf32, #tpu.memory_space<vmem>> -> memref<1x80x64xf32, #tpu.memory_space<vmem>>
      %dma_wait3A_362 = tpu.memref_squeeze %dma_wait3A_361 : memref<1x80x64xf32, #tpu.memory_space<vmem>> -> memref<80x64xf32, #tpu.memory_space<vmem>>
      %dma_wait3A_363 = arith.constant 0 : i32
      %dma_wait3A_364 = tpu.memref_slice %arg8[%add3A_357, %dma_wait3A_363] : memref<250x80xi32, #tpu.memory_space<vmem>> -> memref<1x80xi32, #tpu.memory_space<vmem>>
      %dma_wait3A_365 = tpu.memref_squeeze %dma_wait3A_364 : memref<1x80xi32, #tpu.memory_space<vmem>> -> memref<80xi32, #tpu.memory_space<vmem>>
      %dma_wait3A_366 = arith.constant 0 : i32
      %dma_wait3A_367 = arith.constant 0 : i32
      %dma_wait3A_368 = tpu.memref_slice %arg6[%dma_wait3A_366, %dma_wait3A_367] : memref<900000x64xf32, #tpu.memory_space<hbm>> -> memref<900000x64xf32, #tpu.memory_space<hbm>>
      tpu.wait_indirect_dma semaphore(%arg16 : memref<!tpu.dma_semaphore, #tpu.memory_space<semaphore_mem>>) src(%dma_wait3A_368 : memref<900000x64xf32, #tpu.memory_space<hbm>>) dst(%dma_wait3A_362 : memref<80x64xf32, #tpu.memory_space<vmem>>)
      %add3A_369 = arith.constant 3 : i32
      %add3A_370 = arith.addi %add3A_253, %add3A_369 : i32
      %dma_start3A_371 = arith.constant 3 : i32
      %dma_start3A_372 = arith.constant 0 : i32
      %dma_start3A_373 = arith.constant 0 : i32
      %dma_start3A_374 = tpu.memref_slice %arg11[%dma_start3A_371, %dma_start3A_372, %dma_start3A_373] : memref<5x80x64xf32, #tpu.memory_space<vmem>> -> memref<1x80x64xf32, #tpu.memory_space<vmem>>
      %dma_start3A_375 = tpu.memref_squeeze %dma_start3A_374 : memref<1x80x64xf32, #tpu.memory_space<vmem>> -> memref<80x64xf32, #tpu.memory_space<vmem>>
      %dma_start3A_376 = arith.constant 0 : i32
      %dma_start3A_377 = tpu.memref_slice %arg10[%add3A_370, %dma_start3A_376] : memref<250x80xi32, #tpu.memory_space<vmem>> -> memref<1x80xi32, #tpu.memory_space<vmem>>
      %dma_start3A_378 = tpu.memref_squeeze %dma_start3A_377 : memref<1x80xi32, #tpu.memory_space<vmem>> -> memref<80xi32, #tpu.memory_space<vmem>>
      %dma_start3A_379 = arith.constant 0 : i32
      %dma_start3A_380 = arith.constant 0 : i32
      %dma_start3A_381 = tpu.memref_slice %arg12[%dma_start3A_379, %dma_start3A_380] : memref<10240x64xf32, #tpu.memory_space<vmem_shared>> -> memref<10240x64xf32, #tpu.memory_space<vmem_shared>>
      tpu.enqueue_indirect_dma source(%dma_start3A_375 : memref<80x64xf32, #tpu.memory_space<vmem>>) target(%dma_start3A_381 : memref<10240x64xf32, #tpu.memory_space<vmem_shared>>) offsets(%dma_start3A_378 : memref<80xi32, #tpu.memory_space<vmem>>) semaphore(%arg21 : memref<!tpu.dma_semaphore, #tpu.memory_space<semaphore_mem>>) {add = true}
      %add3A_382 = arith.constant 3 : i32
      %add3A_383 = arith.addi %add3A_253, %add3A_382 : i32
      %add3A_384 = arith.constant 5 : i32
      %add3A_385 = arith.addi %add3A_383, %add3A_384 : i32
      %lt3A_386 = arith.constant 250 : i32
      %lt3A_387 = arith.cmpi slt, %add3A_385, %lt3A_386 : i32
      %convert_element_type3A_388 = arith.extui %lt3A_387 : i1 to i32
      %cond3A_389 = arith.constant 0 : i32
      %cond3A_390 = arith.cmpi ne, %convert_element_type3A_388, %cond3A_389 : i32
      scf.if %cond3A_390 {
        %add3A_426 = arith.constant 3 : i32
        %add3A_427 = arith.addi %add3A_253, %add3A_426 : i32
        %dma_wait3A_428 = arith.constant 3 : i32
        %dma_wait3A_429 = arith.constant 0 : i32
        %dma_wait3A_430 = arith.constant 0 : i32
        %dma_wait3A_431 = tpu.memref_slice %arg11[%dma_wait3A_428, %dma_wait3A_429, %dma_wait3A_430] : memref<5x80x64xf32, #tpu.memory_space<vmem>> -> memref<1x80x64xf32, #tpu.memory_space<vmem>>
        %dma_wait3A_432 = tpu.memref_squeeze %dma_wait3A_431 : memref<1x80x64xf32, #tpu.memory_space<vmem>> -> memref<80x64xf32, #tpu.memory_space<vmem>>
        %dma_wait3A_433 = arith.constant 0 : i32
        %dma_wait3A_434 = tpu.memref_slice %arg10[%add3A_427, %dma_wait3A_433] : memref<250x80xi32, #tpu.memory_space<vmem>> -> memref<1x80xi32, #tpu.memory_space<vmem>>
        %dma_wait3A_435 = tpu.memref_squeeze %dma_wait3A_434 : memref<1x80xi32, #tpu.memory_space<vmem>> -> memref<80xi32, #tpu.memory_space<vmem>>
        %dma_wait3A_436 = arith.constant 0 : i32
        %dma_wait3A_437 = arith.constant 0 : i32
        %dma_wait3A_438 = tpu.memref_slice %arg12[%dma_wait3A_436, %dma_wait3A_437] : memref<10240x64xf32, #tpu.memory_space<vmem_shared>> -> memref<10240x64xf32, #tpu.memory_space<vmem_shared>>
        tpu.wait_indirect_dma semaphore(%arg21 : memref<!tpu.dma_semaphore, #tpu.memory_space<semaphore_mem>>) src(%dma_wait3A_432 : memref<80x64xf32, #tpu.memory_space<vmem>>) dst(%dma_wait3A_438 : memref<10240x64xf32, #tpu.memory_space<vmem_shared>>)
        %add3A_439 = arith.constant 3 : i32
        %add3A_440 = arith.addi %add3A_253, %add3A_439 : i32
        %add3A_441 = arith.constant 5 : i32
        %add3A_442 = arith.addi %add3A_440, %add3A_441 : i32
        %dma_start3A_443 = arith.constant 3 : i32
        %dma_start3A_444 = arith.constant 0 : i32
        %dma_start3A_445 = arith.constant 0 : i32
        %dma_start3A_446 = tpu.memref_slice %arg11[%dma_start3A_443, %dma_start3A_444, %dma_start3A_445] : memref<5x80x64xf32, #tpu.memory_space<vmem>> -> memref<1x80x64xf32, #tpu.memory_space<vmem>>
        %dma_start3A_447 = tpu.memref_squeeze %dma_start3A_446 : memref<1x80x64xf32, #tpu.memory_space<vmem>> -> memref<80x64xf32, #tpu.memory_space<vmem>>
        %dma_start3A_448 = arith.constant 0 : i32
        %dma_start3A_449 = tpu.memref_slice %arg8[%add3A_442, %dma_start3A_448] : memref<250x80xi32, #tpu.memory_space<vmem>> -> memref<1x80xi32, #tpu.memory_space<vmem>>
        %dma_start3A_450 = tpu.memref_squeeze %dma_start3A_449 : memref<1x80xi32, #tpu.memory_space<vmem>> -> memref<80xi32, #tpu.memory_space<vmem>>
        %dma_start3A_451 = arith.constant 0 : i32
        %dma_start3A_452 = arith.constant 0 : i32
        %dma_start3A_453 = tpu.memref_slice %arg6[%dma_start3A_451, %dma_start3A_452] : memref<900000x64xf32, #tpu.memory_space<hbm>> -> memref<900000x64xf32, #tpu.memory_space<hbm>>
        tpu.enqueue_indirect_dma source(%dma_start3A_453 : memref<900000x64xf32, #tpu.memory_space<hbm>>) target(%dma_start3A_447 : memref<80x64xf32, #tpu.memory_space<vmem>>) offsets(%dma_start3A_450 : memref<80xi32, #tpu.memory_space<vmem>>) semaphore(%arg16 : memref<!tpu.dma_semaphore, #tpu.memory_space<semaphore_mem>>)
      } else {
      }
      %add3A_391 = arith.constant 4 : i32
      %add3A_392 = arith.addi %add3A_253, %add3A_391 : i32
      %dma_wait3A_393 = arith.constant 4 : i32
      %dma_wait3A_394 = arith.constant 0 : i32
      %dma_wait3A_395 = arith.constant 0 : i32
      %dma_wait3A_396 = tpu.memref_slice %arg11[%dma_wait3A_393, %dma_wait3A_394, %dma_wait3A_395] : memref<5x80x64xf32, #tpu.memory_space<vmem>> -> memref<1x80x64xf32, #tpu.memory_space<vmem>>
      %dma_wait3A_397 = tpu.memref_squeeze %dma_wait3A_396 : memref<1x80x64xf32, #tpu.memory_space<vmem>> -> memref<80x64xf32, #tpu.memory_space<vmem>>
      %dma_wait3A_398 = arith.constant 0 : i32
      %dma_wait3A_399 = tpu.memref_slice %arg8[%add3A_392, %dma_wait3A_398] : memref<250x80xi32, #tpu.memory_space<vmem>> -> memref<1x80xi32, #tpu.memory_space<vmem>>
      %dma_wait3A_400 = tpu.memref_squeeze %dma_wait3A_399 : memref<1x80xi32, #tpu.memory_space<vmem>> -> memref<80xi32, #tpu.memory_space<vmem>>
      %dma_wait3A_401 = arith.constant 0 : i32
      %dma_wait3A_402 = arith.constant 0 : i32
      %dma_wait3A_403 = tpu.memref_slice %arg6[%dma_wait3A_401, %dma_wait3A_402] : memref<900000x64xf32, #tpu.memory_space<hbm>> -> memref<900000x64xf32, #tpu.memory_space<hbm>>
      tpu.wait_indirect_dma semaphore(%arg17 : memref<!tpu.dma_semaphore, #tpu.memory_space<semaphore_mem>>) src(%dma_wait3A_403 : memref<900000x64xf32, #tpu.memory_space<hbm>>) dst(%dma_wait3A_397 : memref<80x64xf32, #tpu.memory_space<vmem>>)
      %add3A_404 = arith.constant 4 : i32
      %add3A_405 = arith.addi %add3A_253, %add3A_404 : i32
      %dma_start3A_406 = arith.constant 4 : i32
      %dma_start3A_407 = arith.constant 0 : i32
      %dma_start3A_408 = arith.constant 0 : i32
      %dma_start3A_409 = tpu.memref_slice %arg11[%dma_start3A_406, %dma_start3A_407, %dma_start3A_408] : memref<5x80x64xf32, #tpu.memory_space<vmem>> -> memref<1x80x64xf32, #tpu.memory_space<vmem>>
      %dma_start3A_410 = tpu.memref_squeeze %dma_start3A_409 : memref<1x80x64xf32, #tpu.memory_space<vmem>> -> memref<80x64xf32, #tpu.memory_space<vmem>>
      %dma_start3A_411 = arith.constant 0 : i32
      %dma_start3A_412 = tpu.memref_slice %arg10[%add3A_405, %dma_start3A_411] : memref<250x80xi32, #tpu.memory_space<vmem>> -> memref<1x80xi32, #tpu.memory_space<vmem>>
      %dma_start3A_413 = tpu.memref_squeeze %dma_start3A_412 : memref<1x80xi32, #tpu.memory_space<vmem>> -> memref<80xi32, #tpu.memory_space<vmem>>
      %dma_start3A_414 = arith.constant 0 : i32
      %dma_start3A_415 = arith.constant 0 : i32
      %dma_start3A_416 = tpu.memref_slice %arg12[%dma_start3A_414, %dma_start3A_415] : memref<10240x64xf32, #tpu.memory_space<vmem_shared>> -> memref<10240x64xf32, #tpu.memory_space<vmem_shared>>
      tpu.enqueue_indirect_dma source(%dma_start3A_410 : memref<80x64xf32, #tpu.memory_space<vmem>>) target(%dma_start3A_416 : memref<10240x64xf32, #tpu.memory_space<vmem_shared>>) offsets(%dma_start3A_413 : memref<80xi32, #tpu.memory_space<vmem>>) semaphore(%arg22 : memref<!tpu.dma_semaphore, #tpu.memory_space<semaphore_mem>>) {add = true}
      %add3A_417 = arith.constant 4 : i32
      %add3A_418 = arith.addi %add3A_253, %add3A_417 : i32
      %add3A_419 = arith.constant 5 : i32
      %add3A_420 = arith.addi %add3A_418, %add3A_419 : i32
      %lt3A_421 = arith.constant 250 : i32
      %lt3A_422 = arith.cmpi slt, %add3A_420, %lt3A_421 : i32
      %convert_element_type3A_423 = arith.extui %lt3A_422 : i1 to i32
      %cond3A_424 = arith.constant 0 : i32
      %cond3A_425 = arith.cmpi ne, %convert_element_type3A_423, %cond3A_424 : i32
      scf.if %cond3A_425 {
        %add3A_426 = arith.constant 4 : i32
        %add3A_427 = arith.addi %add3A_253, %add3A_426 : i32
        %dma_wait3A_428 = arith.constant 4 : i32
        %dma_wait3A_429 = arith.constant 0 : i32
        %dma_wait3A_430 = arith.constant 0 : i32
        %dma_wait3A_431 = tpu.memref_slice %arg11[%dma_wait3A_428, %dma_wait3A_429, %dma_wait3A_430] : memref<5x80x64xf32, #tpu.memory_space<vmem>> -> memref<1x80x64xf32, #tpu.memory_space<vmem>>
        %dma_wait3A_432 = tpu.memref_squeeze %dma_wait3A_431 : memref<1x80x64xf32, #tpu.memory_space<vmem>> -> memref<80x64xf32, #tpu.memory_space<vmem>>
        %dma_wait3A_433 = arith.constant 0 : i32
        %dma_wait3A_434 = tpu.memref_slice %arg10[%add3A_427, %dma_wait3A_433] : memref<250x80xi32, #tpu.memory_space<vmem>> -> memref<1x80xi32, #tpu.memory_space<vmem>>
        %dma_wait3A_435 = tpu.memref_squeeze %dma_wait3A_434 : memref<1x80xi32, #tpu.memory_space<vmem>> -> memref<80xi32, #tpu.memory_space<vmem>>
        %dma_wait3A_436 = arith.constant 0 : i32
        %dma_wait3A_437 = arith.constant 0 : i32
        %dma_wait3A_438 = tpu.memref_slice %arg12[%dma_wait3A_436, %dma_wait3A_437] : memref<10240x64xf32, #tpu.memory_space<vmem_shared>> -> memref<10240x64xf32, #tpu.memory_space<vmem_shared>>
        tpu.wait_indirect_dma semaphore(%arg22 : memref<!tpu.dma_semaphore, #tpu.memory_space<semaphore_mem>>) src(%dma_wait3A_432 : memref<80x64xf32, #tpu.memory_space<vmem>>) dst(%dma_wait3A_438 : memref<10240x64xf32, #tpu.memory_space<vmem_shared>>)
        %add3A_439 = arith.constant 4 : i32
        %add3A_440 = arith.addi %add3A_253, %add3A_439 : i32
        %add3A_441 = arith.constant 5 : i32
        %add3A_442 = arith.addi %add3A_440, %add3A_441 : i32
        %dma_start3A_443 = arith.constant 4 : i32
        %dma_start3A_444 = arith.constant 0 : i32
        %dma_start3A_445 = arith.constant 0 : i32
        %dma_start3A_446 = tpu.memref_slice %arg11[%dma_start3A_443, %dma_start3A_444, %dma_start3A_445] : memref<5x80x64xf32, #tpu.memory_space<vmem>> -> memref<1x80x64xf32, #tpu.memory_space<vmem>>
        %dma_start3A_447 = tpu.memref_squeeze %dma_start3A_446 : memref<1x80x64xf32, #tpu.memory_space<vmem>> -> memref<80x64xf32, #tpu.memory_space<vmem>>
        %dma_start3A_448 = arith.constant 0 : i32
        %dma_start3A_449 = tpu.memref_slice %arg8[%add3A_442, %dma_start3A_448] : memref<250x80xi32, #tpu.memory_space<vmem>> -> memref<1x80xi32, #tpu.memory_space<vmem>>
        %dma_start3A_450 = tpu.memref_squeeze %dma_start3A_449 : memref<1x80xi32, #tpu.memory_space<vmem>> -> memref<80xi32, #tpu.memory_space<vmem>>
        %dma_start3A_451 = arith.constant 0 : i32
        %dma_start3A_452 = arith.constant 0 : i32
        %dma_start3A_453 = tpu.memref_slice %arg6[%dma_start3A_451, %dma_start3A_452] : memref<900000x64xf32, #tpu.memory_space<hbm>> -> memref<900000x64xf32, #tpu.memory_space<hbm>>
        tpu.enqueue_indirect_dma source(%dma_start3A_453 : memref<900000x64xf32, #tpu.memory_space<hbm>>) target(%dma_start3A_447 : memref<80x64xf32, #tpu.memory_space<vmem>>) offsets(%dma_start3A_450 : memref<80xi32, #tpu.memory_space<vmem>>) semaphore(%arg17 : memref<!tpu.dma_semaphore, #tpu.memory_space<semaphore_mem>>)
      } else {
      }
    }
    %scan3A_108 = arith.constant 50 : i32
    %dma_wait3A = arith.constant 0 : i32
    %dma_wait3A_109 = arith.constant 245 : i32
    %dma_wait3A_110 = arith.constant 0 : i32
    %dma_wait3A_111 = arith.constant 0 : i32
    %dma_wait3A_112 = tpu.memref_slice %arg11[%dma_wait3A, %dma_wait3A_110, %dma_wait3A_111] : memref<5x80x64xf32, #tpu.memory_space<vmem>> -> memref<1x80x64xf32, #tpu.memory_space<vmem>>
    %dma_wait3A_113 = tpu.memref_squeeze %dma_wait3A_112 : memref<1x80x64xf32, #tpu.memory_space<vmem>> -> memref<80x64xf32, #tpu.memory_space<vmem>>
    %dma_wait3A_114 = arith.constant 0 : i32
    %dma_wait3A_115 = tpu.memref_slice %arg10[%dma_wait3A_109, %dma_wait3A_114] : memref<250x80xi32, #tpu.memory_space<vmem>> -> memref<1x80xi32, #tpu.memory_space<vmem>>
    %dma_wait3A_116 = tpu.memref_squeeze %dma_wait3A_115 : memref<1x80xi32, #tpu.memory_space<vmem>> -> memref<80xi32, #tpu.memory_space<vmem>>
    %dma_wait3A_117 = arith.constant 0 : i32
    %dma_wait3A_118 = arith.constant 0 : i32
    %dma_wait3A_119 = tpu.memref_slice %arg12[%dma_wait3A_117, %dma_wait3A_118] : memref<10240x64xf32, #tpu.memory_space<vmem_shared>> -> memref<10240x64xf32, #tpu.memory_space<vmem_shared>>
    tpu.wait_indirect_dma semaphore(%arg18 : memref<!tpu.dma_semaphore, #tpu.memory_space<semaphore_mem>>) src(%dma_wait3A_113 : memref<80x64xf32, #tpu.memory_space<vmem>>) dst(%dma_wait3A_119 : memref<10240x64xf32, #tpu.memory_space<vmem_shared>>)
    %dma_wait3A_120 = arith.constant 1 : i32
    %dma_wait3A_121 = arith.constant 246 : i32
    %dma_wait3A_122 = arith.constant 0 : i32
    %dma_wait3A_123 = arith.constant 0 : i32
    %dma_wait3A_124 = tpu.memref_slice %arg11[%dma_wait3A_120, %dma_wait3A_122, %dma_wait3A_123] : memref<5x80x64xf32, #tpu.memory_space<vmem>> -> memref<1x80x64xf32, #tpu.memory_space<vmem>>
    %dma_wait3A_125 = tpu.memref_squeeze %dma_wait3A_124 : memref<1x80x64xf32, #tpu.memory_space<vmem>> -> memref<80x64xf32, #tpu.memory_space<vmem>>
    %dma_wait3A_126 = arith.constant 0 : i32
    %dma_wait3A_127 = tpu.memref_slice %arg10[%dma_wait3A_121, %dma_wait3A_126] : memref<250x80xi32, #tpu.memory_space<vmem>> -> memref<1x80xi32, #tpu.memory_space<vmem>>
    %dma_wait3A_128 = tpu.memref_squeeze %dma_wait3A_127 : memref<1x80xi32, #tpu.memory_space<vmem>> -> memref<80xi32, #tpu.memory_space<vmem>>
    %dma_wait3A_129 = arith.constant 0 : i32
    %dma_wait3A_130 = arith.constant 0 : i32
    %dma_wait3A_131 = tpu.memref_slice %arg12[%dma_wait3A_129, %dma_wait3A_130] : memref<10240x64xf32, #tpu.memory_space<vmem_shared>> -> memref<10240x64xf32, #tpu.memory_space<vmem_shared>>
    tpu.wait_indirect_dma semaphore(%arg19 : memref<!tpu.dma_semaphore, #tpu.memory_space<semaphore_mem>>) src(%dma_wait3A_125 : memref<80x64xf32, #tpu.memory_space<vmem>>) dst(%dma_wait3A_131 : memref<10240x64xf32, #tpu.memory_space<vmem_shared>>)
    %dma_wait3A_132 = arith.constant 2 : i32
    %dma_wait3A_133 = arith.constant 247 : i32
    %dma_wait3A_134 = arith.constant 0 : i32
    %dma_wait3A_135 = arith.constant 0 : i32
    %dma_wait3A_136 = tpu.memref_slice %arg11[%dma_wait3A_132, %dma_wait3A_134, %dma_wait3A_135] : memref<5x80x64xf32, #tpu.memory_space<vmem>> -> memref<1x80x64xf32, #tpu.memory_space<vmem>>
    %dma_wait3A_137 = tpu.memref_squeeze %dma_wait3A_136 : memref<1x80x64xf32, #tpu.memory_space<vmem>> -> memref<80x64xf32, #tpu.memory_space<vmem>>
    %dma_wait3A_138 = arith.constant 0 : i32
    %dma_wait3A_139 = tpu.memref_slice %arg10[%dma_wait3A_133, %dma_wait3A_138] : memref<250x80xi32, #tpu.memory_space<vmem>> -> memref<1x80xi32, #tpu.memory_space<vmem>>
    %dma_wait3A_140 = tpu.memref_squeeze %dma_wait3A_139 : memref<1x80xi32, #tpu.memory_space<vmem>> -> memref<80xi32, #tpu.memory_space<vmem>>
    %dma_wait3A_141 = arith.constant 0 : i32
    %dma_wait3A_142 = arith.constant 0 : i32
    %dma_wait3A_143 = tpu.memref_slice %arg12[%dma_wait3A_141, %dma_wait3A_142] : memref<10240x64xf32, #tpu.memory_space<vmem_shared>> -> memref<10240x64xf32, #tpu.memory_space<vmem_shared>>
    tpu.wait_indirect_dma semaphore(%arg20 : memref<!tpu.dma_semaphore, #tpu.memory_space<semaphore_mem>>) src(%dma_wait3A_137 : memref<80x64xf32, #tpu.memory_space<vmem>>) dst(%dma_wait3A_143 : memref<10240x64xf32, #tpu.memory_space<vmem_shared>>)
    %dma_wait3A_144 = arith.constant 3 : i32
    %dma_wait3A_145 = arith.constant 248 : i32
    %dma_wait3A_146 = arith.constant 0 : i32
    %dma_wait3A_147 = arith.constant 0 : i32
    %dma_wait3A_148 = tpu.memref_slice %arg11[%dma_wait3A_144, %dma_wait3A_146, %dma_wait3A_147] : memref<5x80x64xf32, #tpu.memory_space<vmem>> -> memref<1x80x64xf32, #tpu.memory_space<vmem>>
    %dma_wait3A_149 = tpu.memref_squeeze %dma_wait3A_148 : memref<1x80x64xf32, #tpu.memory_space<vmem>> -> memref<80x64xf32, #tpu.memory_space<vmem>>
    %dma_wait3A_150 = arith.constant 0 : i32
    %dma_wait3A_151 = tpu.memref_slice %arg10[%dma_wait3A_145, %dma_wait3A_150] : memref<250x80xi32, #tpu.memory_space<vmem>> -> memref<1x80xi32, #tpu.memory_space<vmem>>
    %dma_wait3A_152 = tpu.memref_squeeze %dma_wait3A_151 : memref<1x80xi32, #tpu.memory_space<vmem>> -> memref<80xi32, #tpu.memory_space<vmem>>
    %dma_wait3A_153 = arith.constant 0 : i32
    %dma_wait3A_154 = arith.constant 0 : i32
    %dma_wait3A_155 = tpu.memref_slice %arg12[%dma_wait3A_153, %dma_wait3A_154] : memref<10240x64xf32, #tpu.memory_space<vmem_shared>> -> memref<10240x64xf32, #tpu.memory_space<vmem_shared>>
    tpu.wait_indirect_dma semaphore(%arg21 : memref<!tpu.dma_semaphore, #tpu.memory_space<semaphore_mem>>) src(%dma_wait3A_149 : memref<80x64xf32, #tpu.memory_space<vmem>>) dst(%dma_wait3A_155 : memref<10240x64xf32, #tpu.memory_space<vmem_shared>>)
    %dma_wait3A_156 = arith.constant 4 : i32
    %dma_wait3A_157 = arith.constant 249 : i32
    %dma_wait3A_158 = arith.constant 0 : i32
    %dma_wait3A_159 = arith.constant 0 : i32
    %dma_wait3A_160 = tpu.memref_slice %arg11[%dma_wait3A_156, %dma_wait3A_158, %dma_wait3A_159] : memref<5x80x64xf32, #tpu.memory_space<vmem>> -> memref<1x80x64xf32, #tpu.memory_space<vmem>>
    %dma_wait3A_161 = tpu.memref_squeeze %dma_wait3A_160 : memref<1x80x64xf32, #tpu.memory_space<vmem>> -> memref<80x64xf32, #tpu.memory_space<vmem>>
    %dma_wait3A_162 = arith.constant 0 : i32
    %dma_wait3A_163 = tpu.memref_slice %arg10[%dma_wait3A_157, %dma_wait3A_162] : memref<250x80xi32, #tpu.memory_space<vmem>> -> memref<1x80xi32, #tpu.memory_space<vmem>>
    %dma_wait3A_164 = tpu.memref_squeeze %dma_wait3A_163 : memref<1x80xi32, #tpu.memory_space<vmem>> -> memref<80xi32, #tpu.memory_space<vmem>>
    %dma_wait3A_165 = arith.constant 0 : i32
    %dma_wait3A_166 = arith.constant 0 : i32
    %dma_wait3A_167 = tpu.memref_slice %arg12[%dma_wait3A_165, %dma_wait3A_166] : memref<10240x64xf32, #tpu.memory_space<vmem_shared>> -> memref<10240x64xf32, #tpu.memory_space<vmem_shared>>
    tpu.wait_indirect_dma semaphore(%arg22 : memref<!tpu.dma_semaphore, #tpu.memory_space<semaphore_mem>>) src(%dma_wait3A_161 : memref<80x64xf32, #tpu.memory_space<vmem>>) dst(%dma_wait3A_167 : memref<10240x64xf32, #tpu.memory_space<vmem_shared>>)
    %barrier3A_168 = arith.constant 0 : index
    tpu.barrier barrier_id(%barrier3A_168)
    %mul3A_169 = arith.constant 640 : i32
    %mul3A_170 = arith.muli %arg1, %mul3A_169 : i32
    %add3A_171 = arith.constant 0 : i32
    %add3A_172 = arith.addi %mul3A_170, %add3A_171 : i32
    %run_scoped3A_173 = arith.constant 0 : i32
    "tpu.region"() ({
      %run_scoped3A_249 = tpu.sem_alloc : memref<!tpu.dma_semaphore, #tpu.memory_space<semaphore_mem>>
      %dma_start3A_250 = arith.constant 0 : i32
      %dma_start3A_251 = arith.constant 0 : i32
      %dma_start3A_252 = tpu.memref_slice %arg11[%run_scoped3A_173, %dma_start3A_250, %dma_start3A_251] : memref<5x80x64xf32, #tpu.memory_space<vmem>> -> memref<1x80x64xf32, #tpu.memory_space<vmem>>
      %dma_start3A_253 = tpu.memref_squeeze %dma_start3A_252 : memref<1x80x64xf32, #tpu.memory_space<vmem>> -> memref<80x64xf32, #tpu.memory_space<vmem>>
      %dma_start3A_254 = arith.constant 0 : i32
      %dma_start3A_255 = tpu.memref_slice %arg12[%add3A_172, %dma_start3A_254] : memref<10240x64xf32, #tpu.memory_space<vmem_shared>> -> memref<80x64xf32, #tpu.memory_space<vmem_shared>>
      %dma_start3A_256 = arith.constant 0 : i32
      %dma_start3A_257 = arith.constant 0 : i32
      %dma_start3A_258 = tpu.memref_slice %arg11[%run_scoped3A_173, %dma_start3A_256, %dma_start3A_257] : memref<5x80x64xf32, #tpu.memory_space<vmem>> -> memref<1x80x64xf32, #tpu.memory_space<vmem>>
      %dma_start3A_259 = tpu.memref_squeeze %dma_start3A_258 : memref<1x80x64xf32, #tpu.memory_space<vmem>> -> memref<80x64xf32, #tpu.memory_space<vmem>>
      %dma_start3A_260 = arith.constant 0 : i32
      %dma_start3A_261 = tpu.memref_slice %arg12[%add3A_172, %dma_start3A_260] : memref<10240x64xf32, #tpu.memory_space<vmem_shared>> -> memref<80x64xf32, #tpu.memory_space<vmem_shared>>
      tpu.enqueue_dma source(%dma_start3A_261 : memref<80x64xf32, #tpu.memory_space<vmem_shared>>) target(%dma_start3A_259 : memref<80x64xf32, #tpu.memory_space<vmem>>) target_semaphore(%run_scoped3A_249 : memref<!tpu.dma_semaphore, #tpu.memory_space<semaphore_mem>>)
      %dma_wait3A_262 = arith.constant 0 : i32
      %dma_wait3A_263 = arith.constant 0 : i32
      %dma_wait3A_264 = tpu.memref_slice %arg11[%run_scoped3A_173, %dma_wait3A_262, %dma_wait3A_263] : memref<5x80x64xf32, #tpu.memory_space<vmem>> -> memref<1x80x64xf32, #tpu.memory_space<vmem>>
      %dma_wait3A_265 = tpu.memref_squeeze %dma_wait3A_264 : memref<1x80x64xf32, #tpu.memory_space<vmem>> -> memref<80x64xf32, #tpu.memory_space<vmem>>
      %dma_wait3A_266 = arith.constant 0 : i32
      %dma_wait3A_267 = tpu.memref_slice %arg12[%add3A_172, %dma_wait3A_266] : memref<10240x64xf32, #tpu.memory_space<vmem_shared>> -> memref<80x64xf32, #tpu.memory_space<vmem_shared>>
      %dma_wait3A_268 = arith.constant 0 : i32
      %dma_wait3A_269 = arith.constant 0 : i32
      %dma_wait3A_270 = tpu.memref_slice %arg11[%run_scoped3A_173, %dma_wait3A_268, %dma_wait3A_269] : memref<5x80x64xf32, #tpu.memory_space<vmem>> -> memref<1x80x64xf32, #tpu.memory_space<vmem>>
      %dma_wait3A_271 = tpu.memref_squeeze %dma_wait3A_270 : memref<1x80x64xf32, #tpu.memory_space<vmem>> -> memref<80x64xf32, #tpu.memory_space<vmem>>
      %dma_wait3A_272 = arith.constant 0 : i32
      %dma_wait3A_273 = tpu.memref_slice %arg12[%add3A_172, %dma_wait3A_272] : memref<10240x64xf32, #tpu.memory_space<vmem_shared>> -> memref<80x64xf32, #tpu.memory_space<vmem_shared>>
      tpu.wait_dma2 semaphore(%run_scoped3A_249 : memref<!tpu.dma_semaphore, #tpu.memory_space<semaphore_mem>>) src(%dma_wait3A_273 : memref<80x64xf32, #tpu.memory_space<vmem_shared>>) dst(%dma_wait3A_271 : memref<80x64xf32, #tpu.memory_space<vmem>>)
      tpu.yield
    }) : () -> ()
    %mul3A_174 = arith.constant 640 : i32
    %mul3A_175 = arith.muli %arg1, %mul3A_174 : i32
    %add3A_176 = arith.constant 0 : i32
    %add3A_177 = arith.addi %mul3A_175, %add3A_176 : i32
    %run_scoped3A_178 = arith.constant 0 : i32
    "tpu.region"() ({
      %run_scoped3A_249 = tpu.sem_alloc : memref<!tpu.dma_semaphore, #tpu.memory_space<semaphore_mem>>
      %dma_start3A_250 = arith.constant 0 : i32
      %dma_start3A_251 = arith.constant 0 : i32
      %dma_start3A_252 = tpu.memref_slice %arg11[%run_scoped3A_178, %dma_start3A_250, %dma_start3A_251] : memref<5x80x64xf32, #tpu.memory_space<vmem>> -> memref<1x80x64xf32, #tpu.memory_space<vmem>>
      %dma_start3A_253 = tpu.memref_squeeze %dma_start3A_252 : memref<1x80x64xf32, #tpu.memory_space<vmem>> -> memref<80x64xf32, #tpu.memory_space<vmem>>
      %dma_start3A_254 = arith.constant 0 : i32
      %dma_start3A_255 = tpu.memref_slice %arg7[%arg0, %add3A_177, %dma_start3A_254] : memref<2x10240x64xf32, #tpu.memory_space<hbm>> -> memref<1x80x64xf32, #tpu.memory_space<hbm>>
      %dma_start3A_256 = tpu.memref_squeeze %dma_start3A_255 : memref<1x80x64xf32, #tpu.memory_space<hbm>> -> memref<80x64xf32, #tpu.memory_space<hbm>>
      %dma_start3A_257 = arith.constant 0 : i32
      %dma_start3A_258 = tpu.memref_slice %arg7[%arg0, %add3A_177, %dma_start3A_257] : memref<2x10240x64xf32, #tpu.memory_space<hbm>> -> memref<1x80x64xf32, #tpu.memory_space<hbm>>
      %dma_start3A_259 = tpu.memref_squeeze %dma_start3A_258 : memref<1x80x64xf32, #tpu.memory_space<hbm>> -> memref<80x64xf32, #tpu.memory_space<hbm>>
      %dma_start3A_260 = arith.constant 0 : i32
      %dma_start3A_261 = arith.constant 0 : i32
      %dma_start3A_262 = tpu.memref_slice %arg11[%run_scoped3A_178, %dma_start3A_260, %dma_start3A_261] : memref<5x80x64xf32, #tpu.memory_space<vmem>> -> memref<1x80x64xf32, #tpu.memory_space<vmem>>
      %dma_start3A_263 = tpu.memref_squeeze %dma_start3A_262 : memref<1x80x64xf32, #tpu.memory_space<vmem>> -> memref<80x64xf32, #tpu.memory_space<vmem>>
      tpu.enqueue_dma source(%dma_start3A_263 : memref<80x64xf32, #tpu.memory_space<vmem>>) target(%dma_start3A_259 : memref<80x64xf32, #tpu.memory_space<hbm>>) target_semaphore(%run_scoped3A_249 : memref<!tpu.dma_semaphore, #tpu.memory_space<semaphore_mem>>)
      %dma_wait3A_264 = arith.constant 0 : i32
      %dma_wait3A_265 = arith.constant 0 : i32
      %dma_wait3A_266 = tpu.memref_slice %arg11[%run_scoped3A_178, %dma_wait3A_264, %dma_wait3A_265] : memref<5x80x64xf32, #tpu.memory_space<vmem>> -> memref<1x80x64xf32, #tpu.memory_space<vmem>>
      %dma_wait3A_267 = tpu.memref_squeeze %dma_wait3A_266 : memref<1x80x64xf32, #tpu.memory_space<vmem>> -> memref<80x64xf32, #tpu.memory_space<vmem>>
      %dma_wait3A_268 = arith.constant 0 : i32
      %dma_wait3A_269 = tpu.memref_slice %arg7[%arg0, %add3A_177, %dma_wait3A_268] : memref<2x10240x64xf32, #tpu.memory_space<hbm>> -> memref<1x80x64xf32, #tpu.memory_space<hbm>>
      %dma_wait3A_270 = tpu.memref_squeeze %dma_wait3A_269 : memref<1x80x64xf32, #tpu.memory_space<hbm>> -> memref<80x64xf32, #tpu.memory_space<hbm>>
      %dma_wait3A_271 = arith.constant 0 : i32
      %dma_wait3A_272 = tpu.memref_slice %arg7[%arg0, %add3A_177, %dma_wait3A_271] : memref<2x10240x64xf32, #tpu.memory_space<hbm>> -> memref<1x80x64xf32, #tpu.memory_space<hbm>>
      %dma_wait3A_273 = tpu.memref_squeeze %dma_wait3A_272 : memref<1x80x64xf32, #tpu.memory_space<hbm>> -> memref<80x64xf32, #tpu.memory_space<hbm>>
      %dma_wait3A_274 = arith.constant 0 : i32
      %dma_wait3A_275 = arith.constant 0 : i32
      %dma_wait3A_276 = tpu.memref_slice %arg11[%run_scoped3A_178, %dma_wait3A_274, %dma_wait3A_275] : memref<5x80x64xf32, #tpu.memory_space<vmem>> -> memref<1x80x64xf32, #tpu.memory_space<vmem>>
      %dma_wait3A_277 = tpu.memref_squeeze %dma_wait3A_276 : memref<1x80x64xf32, #tpu.memory_space<vmem>> -> memref<80x64xf32, #tpu.memory_space<vmem>>
      tpu.wait_dma2 semaphore(%run_scoped3A_249 : memref<!tpu.dma_semaphore, #tpu.memory_space<semaphore_mem>>) src(%dma_wait3A_277 : memref<80x64xf32, #tpu.memory_space<vmem>>) dst(%dma_wait3A_273 : memref<80x64xf32, #tpu.memory_space<hbm>>)
      tpu.yield
    }) : () -> ()
    %mul3A_179 = arith.constant 640 : i32
    %mul3A_180 = arith.muli %arg1, %mul3A_179 : i32
    %add3A_181 = arith.constant 80 : i32
    %add3A_182 = arith.addi %mul3A_180, %add3A_181 : i32
    %run_scoped3A_183 = arith.constant 1 : i32
    "tpu.region"() ({
      %run_scoped3A_249 = tpu.sem_alloc : memref<!tpu.dma_semaphore, #tpu.memory_space<semaphore_mem>>
      %dma_start3A_250 = arith.constant 0 : i32
      %dma_start3A_251 = arith.constant 0 : i32
      %dma_start3A_252 = tpu.memref_slice %arg11[%run_scoped3A_183, %dma_start3A_250, %dma_start3A_251] : memref<5x80x64xf32, #tpu.memory_space<vmem>> -> memref<1x80x64xf32, #tpu.memory_space<vmem>>
      %dma_start3A_253 = tpu.memref_squeeze %dma_start3A_252 : memref<1x80x64xf32, #tpu.memory_space<vmem>> -> memref<80x64xf32, #tpu.memory_space<vmem>>
      %dma_start3A_254 = arith.constant 0 : i32
      %dma_start3A_255 = tpu.memref_slice %arg12[%add3A_182, %dma_start3A_254] : memref<10240x64xf32, #tpu.memory_space<vmem_shared>> -> memref<80x64xf32, #tpu.memory_space<vmem_shared>>
      %dma_start3A_256 = arith.constant 0 : i32
      %dma_start3A_257 = arith.constant 0 : i32
      %dma_start3A_258 = tpu.memref_slice %arg11[%run_scoped3A_183, %dma_start3A_256, %dma_start3A_257] : memref<5x80x64xf32, #tpu.memory_space<vmem>> -> memref<1x80x64xf32, #tpu.memory_space<vmem>>
      %dma_start3A_259 = tpu.memref_squeeze %dma_start3A_258 : memref<1x80x64xf32, #tpu.memory_space<vmem>> -> memref<80x64xf32, #tpu.memory_space<vmem>>
      %dma_start3A_260 = arith.constant 0 : i32
      %dma_start3A_261 = tpu.memref_slice %arg12[%add3A_182, %dma_start3A_260] : memref<10240x64xf32, #tpu.memory_space<vmem_shared>> -> memref<80x64xf32, #tpu.memory_space<vmem_shared>>
      tpu.enqueue_dma source(%dma_start3A_261 : memref<80x64xf32, #tpu.memory_space<vmem_shared>>) target(%dma_start3A_259 : memref<80x64xf32, #tpu.memory_space<vmem>>) target_semaphore(%run_scoped3A_249 : memref<!tpu.dma_semaphore, #tpu.memory_space<semaphore_mem>>)
      %dma_wait3A_262 = arith.constant 0 : i32
      %dma_wait3A_263 = arith.constant 0 : i32
      %dma_wait3A_264 = tpu.memref_slice %arg11[%run_scoped3A_183, %dma_wait3A_262, %dma_wait3A_263] : memref<5x80x64xf32, #tpu.memory_space<vmem>> -> memref<1x80x64xf32, #tpu.memory_space<vmem>>
      %dma_wait3A_265 = tpu.memref_squeeze %dma_wait3A_264 : memref<1x80x64xf32, #tpu.memory_space<vmem>> -> memref<80x64xf32, #tpu.memory_space<vmem>>
      %dma_wait3A_266 = arith.constant 0 : i32
      %dma_wait3A_267 = tpu.memref_slice %arg12[%add3A_182, %dma_wait3A_266] : memref<10240x64xf32, #tpu.memory_space<vmem_shared>> -> memref<80x64xf32, #tpu.memory_space<vmem_shared>>
      %dma_wait3A_268 = arith.constant 0 : i32
      %dma_wait3A_269 = arith.constant 0 : i32
      %dma_wait3A_270 = tpu.memref_slice %arg11[%run_scoped3A_183, %dma_wait3A_268, %dma_wait3A_269] : memref<5x80x64xf32, #tpu.memory_space<vmem>> -> memref<1x80x64xf32, #tpu.memory_space<vmem>>
      %dma_wait3A_271 = tpu.memref_squeeze %dma_wait3A_270 : memref<1x80x64xf32, #tpu.memory_space<vmem>> -> memref<80x64xf32, #tpu.memory_space<vmem>>
      %dma_wait3A_272 = arith.constant 0 : i32
      %dma_wait3A_273 = tpu.memref_slice %arg12[%add3A_182, %dma_wait3A_272] : memref<10240x64xf32, #tpu.memory_space<vmem_shared>> -> memref<80x64xf32, #tpu.memory_space<vmem_shared>>
      tpu.wait_dma2 semaphore(%run_scoped3A_249 : memref<!tpu.dma_semaphore, #tpu.memory_space<semaphore_mem>>) src(%dma_wait3A_273 : memref<80x64xf32, #tpu.memory_space<vmem_shared>>) dst(%dma_wait3A_271 : memref<80x64xf32, #tpu.memory_space<vmem>>)
      tpu.yield
    }) : () -> ()
    %mul3A_184 = arith.constant 640 : i32
    %mul3A_185 = arith.muli %arg1, %mul3A_184 : i32
    %add3A_186 = arith.constant 80 : i32
    %add3A_187 = arith.addi %mul3A_185, %add3A_186 : i32
    %run_scoped3A_188 = arith.constant 1 : i32
    "tpu.region"() ({
      %run_scoped3A_249 = tpu.sem_alloc : memref<!tpu.dma_semaphore, #tpu.memory_space<semaphore_mem>>
      %dma_start3A_250 = arith.constant 0 : i32
      %dma_start3A_251 = arith.constant 0 : i32
      %dma_start3A_252 = tpu.memref_slice %arg11[%run_scoped3A_188, %dma_start3A_250, %dma_start3A_251] : memref<5x80x64xf32, #tpu.memory_space<vmem>> -> memref<1x80x64xf32, #tpu.memory_space<vmem>>
      %dma_start3A_253 = tpu.memref_squeeze %dma_start3A_252 : memref<1x80x64xf32, #tpu.memory_space<vmem>> -> memref<80x64xf32, #tpu.memory_space<vmem>>
      %dma_start3A_254 = arith.constant 0 : i32
      %dma_start3A_255 = tpu.memref_slice %arg7[%arg0, %add3A_187, %dma_start3A_254] : memref<2x10240x64xf32, #tpu.memory_space<hbm>> -> memref<1x80x64xf32, #tpu.memory_space<hbm>>
      %dma_start3A_256 = tpu.memref_squeeze %dma_start3A_255 : memref<1x80x64xf32, #tpu.memory_space<hbm>> -> memref<80x64xf32, #tpu.memory_space<hbm>>
      %dma_start3A_257 = arith.constant 0 : i32
      %dma_start3A_258 = tpu.memref_slice %arg7[%arg0, %add3A_187, %dma_start3A_257] : memref<2x10240x64xf32, #tpu.memory_space<hbm>> -> memref<1x80x64xf32, #tpu.memory_space<hbm>>
      %dma_start3A_259 = tpu.memref_squeeze %dma_start3A_258 : memref<1x80x64xf32, #tpu.memory_space<hbm>> -> memref<80x64xf32, #tpu.memory_space<hbm>>
      %dma_start3A_260 = arith.constant 0 : i32
      %dma_start3A_261 = arith.constant 0 : i32
      %dma_start3A_262 = tpu.memref_slice %arg11[%run_scoped3A_188, %dma_start3A_260, %dma_start3A_261] : memref<5x80x64xf32, #tpu.memory_space<vmem>> -> memref<1x80x64xf32, #tpu.memory_space<vmem>>
      %dma_start3A_263 = tpu.memref_squeeze %dma_start3A_262 : memref<1x80x64xf32, #tpu.memory_space<vmem>> -> memref<80x64xf32, #tpu.memory_space<vmem>>
      tpu.enqueue_dma source(%dma_start3A_263 : memref<80x64xf32, #tpu.memory_space<vmem>>) target(%dma_start3A_259 : memref<80x64xf32, #tpu.memory_space<hbm>>) target_semaphore(%run_scoped3A_249 : memref<!tpu.dma_semaphore, #tpu.memory_space<semaphore_mem>>)
      %dma_wait3A_264 = arith.constant 0 : i32
      %dma_wait3A_265 = arith.constant 0 : i32
      %dma_wait3A_266 = tpu.memref_slice %arg11[%run_scoped3A_188, %dma_wait3A_264, %dma_wait3A_265] : memref<5x80x64xf32, #tpu.memory_space<vmem>> -> memref<1x80x64xf32, #tpu.memory_space<vmem>>
      %dma_wait3A_267 = tpu.memref_squeeze %dma_wait3A_266 : memref<1x80x64xf32, #tpu.memory_space<vmem>> -> memref<80x64xf32, #tpu.memory_space<vmem>>
      %dma_wait3A_268 = arith.constant 0 : i32
      %dma_wait3A_269 = tpu.memref_slice %arg7[%arg0, %add3A_187, %dma_wait3A_268] : memref<2x10240x64xf32, #tpu.memory_space<hbm>> -> memref<1x80x64xf32, #tpu.memory_space<hbm>>
      %dma_wait3A_270 = tpu.memref_squeeze %dma_wait3A_269 : memref<1x80x64xf32, #tpu.memory_space<hbm>> -> memref<80x64xf32, #tpu.memory_space<hbm>>
      %dma_wait3A_271 = arith.constant 0 : i32
      %dma_wait3A_272 = tpu.memref_slice %arg7[%arg0, %add3A_187, %dma_wait3A_271] : memref<2x10240x64xf32, #tpu.memory_space<hbm>> -> memref<1x80x64xf32, #tpu.memory_space<hbm>>
      %dma_wait3A_273 = tpu.memref_squeeze %dma_wait3A_272 : memref<1x80x64xf32, #tpu.memory_space<hbm>> -> memref<80x64xf32, #tpu.memory_space<hbm>>
      %dma_wait3A_274 = arith.constant 0 : i32
      %dma_wait3A_275 = arith.constant 0 : i32
      %dma_wait3A_276 = tpu.memref_slice %arg11[%run_scoped3A_188, %dma_wait3A_274, %dma_wait3A_275] : memref<5x80x64xf32, #tpu.memory_space<vmem>> -> memref<1x80x64xf32, #tpu.memory_space<vmem>>
      %dma_wait3A_277 = tpu.memref_squeeze %dma_wait3A_276 : memref<1x80x64xf32, #tpu.memory_space<vmem>> -> memref<80x64xf32, #tpu.memory_space<vmem>>
      tpu.wait_dma2 semaphore(%run_scoped3A_249 : memref<!tpu.dma_semaphore, #tpu.memory_space<semaphore_mem>>) src(%dma_wait3A_277 : memref<80x64xf32, #tpu.memory_space<vmem>>) dst(%dma_wait3A_273 : memref<80x64xf32, #tpu.memory_space<hbm>>)
      tpu.yield
    }) : () -> ()
    %mul3A_189 = arith.constant 640 : i32
    %mul3A_190 = arith.muli %arg1, %mul3A_189 : i32
    %add3A_191 = arith.constant 160 : i32
    %add3A_192 = arith.addi %mul3A_190, %add3A_191 : i32
    %run_scoped3A_193 = arith.constant 2 : i32
    "tpu.region"() ({
      %run_scoped3A_249 = tpu.sem_alloc : memref<!tpu.dma_semaphore, #tpu.memory_space<semaphore_mem>>
      %dma_start3A_250 = arith.constant 0 : i32
      %dma_start3A_251 = arith.constant 0 : i32
      %dma_start3A_252 = tpu.memref_slice %arg11[%run_scoped3A_193, %dma_start3A_250, %dma_start3A_251] : memref<5x80x64xf32, #tpu.memory_space<vmem>> -> memref<1x80x64xf32, #tpu.memory_space<vmem>>
      %dma_start3A_253 = tpu.memref_squeeze %dma_start3A_252 : memref<1x80x64xf32, #tpu.memory_space<vmem>> -> memref<80x64xf32, #tpu.memory_space<vmem>>
      %dma_start3A_254 = arith.constant 0 : i32
      %dma_start3A_255 = tpu.memref_slice %arg12[%add3A_192, %dma_start3A_254] : memref<10240x64xf32, #tpu.memory_space<vmem_shared>> -> memref<80x64xf32, #tpu.memory_space<vmem_shared>>
      %dma_start3A_256 = arith.constant 0 : i32
      %dma_start3A_257 = arith.constant 0 : i32
      %dma_start3A_258 = tpu.memref_slice %arg11[%run_scoped3A_193, %dma_start3A_256, %dma_start3A_257] : memref<5x80x64xf32, #tpu.memory_space<vmem>> -> memref<1x80x64xf32, #tpu.memory_space<vmem>>
      %dma_start3A_259 = tpu.memref_squeeze %dma_start3A_258 : memref<1x80x64xf32, #tpu.memory_space<vmem>> -> memref<80x64xf32, #tpu.memory_space<vmem>>
      %dma_start3A_260 = arith.constant 0 : i32
      %dma_start3A_261 = tpu.memref_slice %arg12[%add3A_192, %dma_start3A_260] : memref<10240x64xf32, #tpu.memory_space<vmem_shared>> -> memref<80x64xf32, #tpu.memory_space<vmem_shared>>
      tpu.enqueue_dma source(%dma_start3A_261 : memref<80x64xf32, #tpu.memory_space<vmem_shared>>) target(%dma_start3A_259 : memref<80x64xf32, #tpu.memory_space<vmem>>) target_semaphore(%run_scoped3A_249 : memref<!tpu.dma_semaphore, #tpu.memory_space<semaphore_mem>>)
      %dma_wait3A_262 = arith.constant 0 : i32
      %dma_wait3A_263 = arith.constant 0 : i32
      %dma_wait3A_264 = tpu.memref_slice %arg11[%run_scoped3A_193, %dma_wait3A_262, %dma_wait3A_263] : memref<5x80x64xf32, #tpu.memory_space<vmem>> -> memref<1x80x64xf32, #tpu.memory_space<vmem>>
      %dma_wait3A_265 = tpu.memref_squeeze %dma_wait3A_264 : memref<1x80x64xf32, #tpu.memory_space<vmem>> -> memref<80x64xf32, #tpu.memory_space<vmem>>
      %dma_wait3A_266 = arith.constant 0 : i32
      %dma_wait3A_267 = tpu.memref_slice %arg12[%add3A_192, %dma_wait3A_266] : memref<10240x64xf32, #tpu.memory_space<vmem_shared>> -> memref<80x64xf32, #tpu.memory_space<vmem_shared>>
      %dma_wait3A_268 = arith.constant 0 : i32
      %dma_wait3A_269 = arith.constant 0 : i32
      %dma_wait3A_270 = tpu.memref_slice %arg11[%run_scoped3A_193, %dma_wait3A_268, %dma_wait3A_269] : memref<5x80x64xf32, #tpu.memory_space<vmem>> -> memref<1x80x64xf32, #tpu.memory_space<vmem>>
      %dma_wait3A_271 = tpu.memref_squeeze %dma_wait3A_270 : memref<1x80x64xf32, #tpu.memory_space<vmem>> -> memref<80x64xf32, #tpu.memory_space<vmem>>
      %dma_wait3A_272 = arith.constant 0 : i32
      %dma_wait3A_273 = tpu.memref_slice %arg12[%add3A_192, %dma_wait3A_272] : memref<10240x64xf32, #tpu.memory_space<vmem_shared>> -> memref<80x64xf32, #tpu.memory_space<vmem_shared>>
      tpu.wait_dma2 semaphore(%run_scoped3A_249 : memref<!tpu.dma_semaphore, #tpu.memory_space<semaphore_mem>>) src(%dma_wait3A_273 : memref<80x64xf32, #tpu.memory_space<vmem_shared>>) dst(%dma_wait3A_271 : memref<80x64xf32, #tpu.memory_space<vmem>>)
      tpu.yield
    }) : () -> ()
    %mul3A_194 = arith.constant 640 : i32
    %mul3A_195 = arith.muli %arg1, %mul3A_194 : i32
    %add3A_196 = arith.constant 160 : i32
    %add3A_197 = arith.addi %mul3A_195, %add3A_196 : i32
    %run_scoped3A_198 = arith.constant 2 : i32
    "tpu.region"() ({
      %run_scoped3A_249 = tpu.sem_alloc : memref<!tpu.dma_semaphore, #tpu.memory_space<semaphore_mem>>
      %dma_start3A_250 = arith.constant 0 : i32
      %dma_start3A_251 = arith.constant 0 : i32
      %dma_start3A_252 = tpu.memref_slice %arg11[%run_scoped3A_198, %dma_start3A_250, %dma_start3A_251] : memref<5x80x64xf32, #tpu.memory_space<vmem>> -> memref<1x80x64xf32, #tpu.memory_space<vmem>>
      %dma_start3A_253 = tpu.memref_squeeze %dma_start3A_252 : memref<1x80x64xf32, #tpu.memory_space<vmem>> -> memref<80x64xf32, #tpu.memory_space<vmem>>
      %dma_start3A_254 = arith.constant 0 : i32
      %dma_start3A_255 = tpu.memref_slice %arg7[%arg0, %add3A_197, %dma_start3A_254] : memref<2x10240x64xf32, #tpu.memory_space<hbm>> -> memref<1x80x64xf32, #tpu.memory_space<hbm>>
      %dma_start3A_256 = tpu.memref_squeeze %dma_start3A_255 : memref<1x80x64xf32, #tpu.memory_space<hbm>> -> memref<80x64xf32, #tpu.memory_space<hbm>>
      %dma_start3A_257 = arith.constant 0 : i32
      %dma_start3A_258 = tpu.memref_slice %arg7[%arg0, %add3A_197, %dma_start3A_257] : memref<2x10240x64xf32, #tpu.memory_space<hbm>> -> memref<1x80x64xf32, #tpu.memory_space<hbm>>
      %dma_start3A_259 = tpu.memref_squeeze %dma_start3A_258 : memref<1x80x64xf32, #tpu.memory_space<hbm>> -> memref<80x64xf32, #tpu.memory_space<hbm>>
      %dma_start3A_260 = arith.constant 0 : i32
      %dma_start3A_261 = arith.constant 0 : i32
      %dma_start3A_262 = tpu.memref_slice %arg11[%run_scoped3A_198, %dma_start3A_260, %dma_start3A_261] : memref<5x80x64xf32, #tpu.memory_space<vmem>> -> memref<1x80x64xf32, #tpu.memory_space<vmem>>
      %dma_start3A_263 = tpu.memref_squeeze %dma_start3A_262 : memref<1x80x64xf32, #tpu.memory_space<vmem>> -> memref<80x64xf32, #tpu.memory_space<vmem>>
      tpu.enqueue_dma source(%dma_start3A_263 : memref<80x64xf32, #tpu.memory_space<vmem>>) target(%dma_start3A_259 : memref<80x64xf32, #tpu.memory_space<hbm>>) target_semaphore(%run_scoped3A_249 : memref<!tpu.dma_semaphore, #tpu.memory_space<semaphore_mem>>)
      %dma_wait3A_264 = arith.constant 0 : i32
      %dma_wait3A_265 = arith.constant 0 : i32
      %dma_wait3A_266 = tpu.memref_slice %arg11[%run_scoped3A_198, %dma_wait3A_264, %dma_wait3A_265] : memref<5x80x64xf32, #tpu.memory_space<vmem>> -> memref<1x80x64xf32, #tpu.memory_space<vmem>>
      %dma_wait3A_267 = tpu.memref_squeeze %dma_wait3A_266 : memref<1x80x64xf32, #tpu.memory_space<vmem>> -> memref<80x64xf32, #tpu.memory_space<vmem>>
      %dma_wait3A_268 = arith.constant 0 : i32
      %dma_wait3A_269 = tpu.memref_slice %arg7[%arg0, %add3A_197, %dma_wait3A_268] : memref<2x10240x64xf32, #tpu.memory_space<hbm>> -> memref<1x80x64xf32, #tpu.memory_space<hbm>>
      %dma_wait3A_270 = tpu.memref_squeeze %dma_wait3A_269 : memref<1x80x64xf32, #tpu.memory_space<hbm>> -> memref<80x64xf32, #tpu.memory_space<hbm>>
      %dma_wait3A_271 = arith.constant 0 : i32
      %dma_wait3A_272 = tpu.memref_slice %arg7[%arg0, %add3A_197, %dma_wait3A_271] : memref<2x10240x64xf32, #tpu.memory_space<hbm>> -> memref<1x80x64xf32, #tpu.memory_space<hbm>>
      %dma_wait3A_273 = tpu.memref_squeeze %dma_wait3A_272 : memref<1x80x64xf32, #tpu.memory_space<hbm>> -> memref<80x64xf32, #tpu.memory_space<hbm>>
      %dma_wait3A_274 = arith.constant 0 : i32
      %dma_wait3A_275 = arith.constant 0 : i32
      %dma_wait3A_276 = tpu.memref_slice %arg11[%run_scoped3A_198, %dma_wait3A_274, %dma_wait3A_275] : memref<5x80x64xf32, #tpu.memory_space<vmem>> -> memref<1x80x64xf32, #tpu.memory_space<vmem>>
      %dma_wait3A_277 = tpu.memref_squeeze %dma_wait3A_276 : memref<1x80x64xf32, #tpu.memory_space<vmem>> -> memref<80x64xf32, #tpu.memory_space<vmem>>
      tpu.wait_dma2 semaphore(%run_scoped3A_249 : memref<!tpu.dma_semaphore, #tpu.memory_space<semaphore_mem>>) src(%dma_wait3A_277 : memref<80x64xf32, #tpu.memory_space<vmem>>) dst(%dma_wait3A_273 : memref<80x64xf32, #tpu.memory_space<hbm>>)
      tpu.yield
    }) : () -> ()
    %mul3A_199 = arith.constant 640 : i32
    %mul3A_200 = arith.muli %arg1, %mul3A_199 : i32
    %add3A_201 = arith.constant 240 : i32
    %add3A_202 = arith.addi %mul3A_200, %add3A_201 : i32
    %run_scoped3A_203 = arith.constant 3 : i32
    "tpu.region"() ({
      %run_scoped3A_249 = tpu.sem_alloc : memref<!tpu.dma_semaphore, #tpu.memory_space<semaphore_mem>>
      %dma_start3A_250 = arith.constant 0 : i32
      %dma_start3A_251 = arith.constant 0 : i32
      %dma_start3A_252 = tpu.memref_slice %arg11[%run_scoped3A_203, %dma_start3A_250, %dma_start3A_251] : memref<5x80x64xf32, #tpu.memory_space<vmem>> -> memref<1x80x64xf32, #tpu.memory_space<vmem>>
      %dma_start3A_253 = tpu.memref_squeeze %dma_start3A_252 : memref<1x80x64xf32, #tpu.memory_space<vmem>> -> memref<80x64xf32, #tpu.memory_space<vmem>>
      %dma_start3A_254 = arith.constant 0 : i32
      %dma_start3A_255 = tpu.memref_slice %arg12[%add3A_202, %dma_start3A_254] : memref<10240x64xf32, #tpu.memory_space<vmem_shared>> -> memref<80x64xf32, #tpu.memory_space<vmem_shared>>
      %dma_start3A_256 = arith.constant 0 : i32
      %dma_start3A_257 = arith.constant 0 : i32
      %dma_start3A_258 = tpu.memref_slice %arg11[%run_scoped3A_203, %dma_start3A_256, %dma_start3A_257] : memref<5x80x64xf32, #tpu.memory_space<vmem>> -> memref<1x80x64xf32, #tpu.memory_space<vmem>>
      %dma_start3A_259 = tpu.memref_squeeze %dma_start3A_258 : memref<1x80x64xf32, #tpu.memory_space<vmem>> -> memref<80x64xf32, #tpu.memory_space<vmem>>
      %dma_start3A_260 = arith.constant 0 : i32
      %dma_start3A_261 = tpu.memref_slice %arg12[%add3A_202, %dma_start3A_260] : memref<10240x64xf32, #tpu.memory_space<vmem_shared>> -> memref<80x64xf32, #tpu.memory_space<vmem_shared>>
      tpu.enqueue_dma source(%dma_start3A_261 : memref<80x64xf32, #tpu.memory_space<vmem_shared>>) target(%dma_start3A_259 : memref<80x64xf32, #tpu.memory_space<vmem>>) target_semaphore(%run_scoped3A_249 : memref<!tpu.dma_semaphore, #tpu.memory_space<semaphore_mem>>)
      %dma_wait3A_262 = arith.constant 0 : i32
      %dma_wait3A_263 = arith.constant 0 : i32
      %dma_wait3A_264 = tpu.memref_slice %arg11[%run_scoped3A_203, %dma_wait3A_262, %dma_wait3A_263] : memref<5x80x64xf32, #tpu.memory_space<vmem>> -> memref<1x80x64xf32, #tpu.memory_space<vmem>>
      %dma_wait3A_265 = tpu.memref_squeeze %dma_wait3A_264 : memref<1x80x64xf32, #tpu.memory_space<vmem>> -> memref<80x64xf32, #tpu.memory_space<vmem>>
      %dma_wait3A_266 = arith.constant 0 : i32
      %dma_wait3A_267 = tpu.memref_slice %arg12[%add3A_202, %dma_wait3A_266] : memref<10240x64xf32, #tpu.memory_space<vmem_shared>> -> memref<80x64xf32, #tpu.memory_space<vmem_shared>>
      %dma_wait3A_268 = arith.constant 0 : i32
      %dma_wait3A_269 = arith.constant 0 : i32
      %dma_wait3A_270 = tpu.memref_slice %arg11[%run_scoped3A_203, %dma_wait3A_268, %dma_wait3A_269] : memref<5x80x64xf32, #tpu.memory_space<vmem>> -> memref<1x80x64xf32, #tpu.memory_space<vmem>>
      %dma_wait3A_271 = tpu.memref_squeeze %dma_wait3A_270 : memref<1x80x64xf32, #tpu.memory_space<vmem>> -> memref<80x64xf32, #tpu.memory_space<vmem>>
      %dma_wait3A_272 = arith.constant 0 : i32
      %dma_wait3A_273 = tpu.memref_slice %arg12[%add3A_202, %dma_wait3A_272] : memref<10240x64xf32, #tpu.memory_space<vmem_shared>> -> memref<80x64xf32, #tpu.memory_space<vmem_shared>>
      tpu.wait_dma2 semaphore(%run_scoped3A_249 : memref<!tpu.dma_semaphore, #tpu.memory_space<semaphore_mem>>) src(%dma_wait3A_273 : memref<80x64xf32, #tpu.memory_space<vmem_shared>>) dst(%dma_wait3A_271 : memref<80x64xf32, #tpu.memory_space<vmem>>)
      tpu.yield
    }) : () -> ()
    %mul3A_204 = arith.constant 640 : i32
    %mul3A_205 = arith.muli %arg1, %mul3A_204 : i32
    %add3A_206 = arith.constant 240 : i32
    %add3A_207 = arith.addi %mul3A_205, %add3A_206 : i32
    %run_scoped3A_208 = arith.constant 3 : i32
    "tpu.region"() ({
      %run_scoped3A_249 = tpu.sem_alloc : memref<!tpu.dma_semaphore, #tpu.memory_space<semaphore_mem>>
      %dma_start3A_250 = arith.constant 0 : i32
      %dma_start3A_251 = arith.constant 0 : i32
      %dma_start3A_252 = tpu.memref_slice %arg11[%run_scoped3A_208, %dma_start3A_250, %dma_start3A_251] : memref<5x80x64xf32, #tpu.memory_space<vmem>> -> memref<1x80x64xf32, #tpu.memory_space<vmem>>
      %dma_start3A_253 = tpu.memref_squeeze %dma_start3A_252 : memref<1x80x64xf32, #tpu.memory_space<vmem>> -> memref<80x64xf32, #tpu.memory_space<vmem>>
      %dma_start3A_254 = arith.constant 0 : i32
      %dma_start3A_255 = tpu.memref_slice %arg7[%arg0, %add3A_207, %dma_start3A_254] : memref<2x10240x64xf32, #tpu.memory_space<hbm>> -> memref<1x80x64xf32, #tpu.memory_space<hbm>>
      %dma_start3A_256 = tpu.memref_squeeze %dma_start3A_255 : memref<1x80x64xf32, #tpu.memory_space<hbm>> -> memref<80x64xf32, #tpu.memory_space<hbm>>
      %dma_start3A_257 = arith.constant 0 : i32
      %dma_start3A_258 = tpu.memref_slice %arg7[%arg0, %add3A_207, %dma_start3A_257] : memref<2x10240x64xf32, #tpu.memory_space<hbm>> -> memref<1x80x64xf32, #tpu.memory_space<hbm>>
      %dma_start3A_259 = tpu.memref_squeeze %dma_start3A_258 : memref<1x80x64xf32, #tpu.memory_space<hbm>> -> memref<80x64xf32, #tpu.memory_space<hbm>>
      %dma_start3A_260 = arith.constant 0 : i32
      %dma_start3A_261 = arith.constant 0 : i32
      %dma_start3A_262 = tpu.memref_slice %arg11[%run_scoped3A_208, %dma_start3A_260, %dma_start3A_261] : memref<5x80x64xf32, #tpu.memory_space<vmem>> -> memref<1x80x64xf32, #tpu.memory_space<vmem>>
      %dma_start3A_263 = tpu.memref_squeeze %dma_start3A_262 : memref<1x80x64xf32, #tpu.memory_space<vmem>> -> memref<80x64xf32, #tpu.memory_space<vmem>>
      tpu.enqueue_dma source(%dma_start3A_263 : memref<80x64xf32, #tpu.memory_space<vmem>>) target(%dma_start3A_259 : memref<80x64xf32, #tpu.memory_space<hbm>>) target_semaphore(%run_scoped3A_249 : memref<!tpu.dma_semaphore, #tpu.memory_space<semaphore_mem>>)
      %dma_wait3A_264 = arith.constant 0 : i32
      %dma_wait3A_265 = arith.constant 0 : i32
      %dma_wait3A_266 = tpu.memref_slice %arg11[%run_scoped3A_208, %dma_wait3A_264, %dma_wait3A_265] : memref<5x80x64xf32, #tpu.memory_space<vmem>> -> memref<1x80x64xf32, #tpu.memory_space<vmem>>
      %dma_wait3A_267 = tpu.memref_squeeze %dma_wait3A_266 : memref<1x80x64xf32, #tpu.memory_space<vmem>> -> memref<80x64xf32, #tpu.memory_space<vmem>>
      %dma_wait3A_268 = arith.constant 0 : i32
      %dma_wait3A_269 = tpu.memref_slice %arg7[%arg0, %add3A_207, %dma_wait3A_268] : memref<2x10240x64xf32, #tpu.memory_space<hbm>> -> memref<1x80x64xf32, #tpu.memory_space<hbm>>
      %dma_wait3A_270 = tpu.memref_squeeze %dma_wait3A_269 : memref<1x80x64xf32, #tpu.memory_space<hbm>> -> memref<80x64xf32, #tpu.memory_space<hbm>>
      %dma_wait3A_271 = arith.constant 0 : i32
      %dma_wait3A_272 = tpu.memref_slice %arg7[%arg0, %add3A_207, %dma_wait3A_271] : memref<2x10240x64xf32, #tpu.memory_space<hbm>> -> memref<1x80x64xf32, #tpu.memory_space<hbm>>
      %dma_wait3A_273 = tpu.memref_squeeze %dma_wait3A_272 : memref<1x80x64xf32, #tpu.memory_space<hbm>> -> memref<80x64xf32, #tpu.memory_space<hbm>>
      %dma_wait3A_274 = arith.constant 0 : i32
      %dma_wait3A_275 = arith.constant 0 : i32
      %dma_wait3A_276 = tpu.memref_slice %arg11[%run_scoped3A_208, %dma_wait3A_274, %dma_wait3A_275] : memref<5x80x64xf32, #tpu.memory_space<vmem>> -> memref<1x80x64xf32, #tpu.memory_space<vmem>>
      %dma_wait3A_277 = tpu.memref_squeeze %dma_wait3A_276 : memref<1x80x64xf32, #tpu.memory_space<vmem>> -> memref<80x64xf32, #tpu.memory_space<vmem>>
      tpu.wait_dma2 semaphore(%run_scoped3A_249 : memref<!tpu.dma_semaphore, #tpu.memory_space<semaphore_mem>>) src(%dma_wait3A_277 : memref<80x64xf32, #tpu.memory_space<vmem>>) dst(%dma_wait3A_273 : memref<80x64xf32, #tpu.memory_space<hbm>>)
      tpu.yield
    }) : () -> ()
    %mul3A_209 = arith.constant 640 : i32
    %mul3A_210 = arith.muli %arg1, %mul3A_209 : i32
    %add3A_211 = arith.constant 320 : i32
    %add3A_212 = arith.addi %mul3A_210, %add3A_211 : i32
    %run_scoped3A_213 = arith.constant 4 : i32
    "tpu.region"() ({
      %run_scoped3A_249 = tpu.sem_alloc : memref<!tpu.dma_semaphore, #tpu.memory_space<semaphore_mem>>
      %dma_start3A_250 = arith.constant 0 : i32
      %dma_start3A_251 = arith.constant 0 : i32
      %dma_start3A_252 = tpu.memref_slice %arg11[%run_scoped3A_213, %dma_start3A_250, %dma_start3A_251] : memref<5x80x64xf32, #tpu.memory_space<vmem>> -> memref<1x80x64xf32, #tpu.memory_space<vmem>>
      %dma_start3A_253 = tpu.memref_squeeze %dma_start3A_252 : memref<1x80x64xf32, #tpu.memory_space<vmem>> -> memref<80x64xf32, #tpu.memory_space<vmem>>
      %dma_start3A_254 = arith.constant 0 : i32
      %dma_start3A_255 = tpu.memref_slice %arg12[%add3A_212, %dma_start3A_254] : memref<10240x64xf32, #tpu.memory_space<vmem_shared>> -> memref<80x64xf32, #tpu.memory_space<vmem_shared>>
      %dma_start3A_256 = arith.constant 0 : i32
      %dma_start3A_257 = arith.constant 0 : i32
      %dma_start3A_258 = tpu.memref_slice %arg11[%run_scoped3A_213, %dma_start3A_256, %dma_start3A_257] : memref<5x80x64xf32, #tpu.memory_space<vmem>> -> memref<1x80x64xf32, #tpu.memory_space<vmem>>
      %dma_start3A_259 = tpu.memref_squeeze %dma_start3A_258 : memref<1x80x64xf32, #tpu.memory_space<vmem>> -> memref<80x64xf32, #tpu.memory_space<vmem>>
      %dma_start3A_260 = arith.constant 0 : i32
      %dma_start3A_261 = tpu.memref_slice %arg12[%add3A_212, %dma_start3A_260] : memref<10240x64xf32, #tpu.memory_space<vmem_shared>> -> memref<80x64xf32, #tpu.memory_space<vmem_shared>>
      tpu.enqueue_dma source(%dma_start3A_261 : memref<80x64xf32, #tpu.memory_space<vmem_shared>>) target(%dma_start3A_259 : memref<80x64xf32, #tpu.memory_space<vmem>>) target_semaphore(%run_scoped3A_249 : memref<!tpu.dma_semaphore, #tpu.memory_space<semaphore_mem>>)
      %dma_wait3A_262 = arith.constant 0 : i32
      %dma_wait3A_263 = arith.constant 0 : i32
      %dma_wait3A_264 = tpu.memref_slice %arg11[%run_scoped3A_213, %dma_wait3A_262, %dma_wait3A_263] : memref<5x80x64xf32, #tpu.memory_space<vmem>> -> memref<1x80x64xf32, #tpu.memory_space<vmem>>
      %dma_wait3A_265 = tpu.memref_squeeze %dma_wait3A_264 : memref<1x80x64xf32, #tpu.memory_space<vmem>> -> memref<80x64xf32, #tpu.memory_space<vmem>>
      %dma_wait3A_266 = arith.constant 0 : i32
      %dma_wait3A_267 = tpu.memref_slice %arg12[%add3A_212, %dma_wait3A_266] : memref<10240x64xf32, #tpu.memory_space<vmem_shared>> -> memref<80x64xf32, #tpu.memory_space<vmem_shared>>
      %dma_wait3A_268 = arith.constant 0 : i32
      %dma_wait3A_269 = arith.constant 0 : i32
      %dma_wait3A_270 = tpu.memref_slice %arg11[%run_scoped3A_213, %dma_wait3A_268, %dma_wait3A_269] : memref<5x80x64xf32, #tpu.memory_space<vmem>> -> memref<1x80x64xf32, #tpu.memory_space<vmem>>
      %dma_wait3A_271 = tpu.memref_squeeze %dma_wait3A_270 : memref<1x80x64xf32, #tpu.memory_space<vmem>> -> memref<80x64xf32, #tpu.memory_space<vmem>>
      %dma_wait3A_272 = arith.constant 0 : i32
      %dma_wait3A_273 = tpu.memref_slice %arg12[%add3A_212, %dma_wait3A_272] : memref<10240x64xf32, #tpu.memory_space<vmem_shared>> -> memref<80x64xf32, #tpu.memory_space<vmem_shared>>
      tpu.wait_dma2 semaphore(%run_scoped3A_249 : memref<!tpu.dma_semaphore, #tpu.memory_space<semaphore_mem>>) src(%dma_wait3A_273 : memref<80x64xf32, #tpu.memory_space<vmem_shared>>) dst(%dma_wait3A_271 : memref<80x64xf32, #tpu.memory_space<vmem>>)
      tpu.yield
    }) : () -> ()
    %mul3A_214 = arith.constant 640 : i32
    %mul3A_215 = arith.muli %arg1, %mul3A_214 : i32
    %add3A_216 = arith.constant 320 : i32
    %add3A_217 = arith.addi %mul3A_215, %add3A_216 : i32
    %run_scoped3A_218 = arith.constant 4 : i32
    "tpu.region"() ({
      %run_scoped3A_249 = tpu.sem_alloc : memref<!tpu.dma_semaphore, #tpu.memory_space<semaphore_mem>>
      %dma_start3A_250 = arith.constant 0 : i32
      %dma_start3A_251 = arith.constant 0 : i32
      %dma_start3A_252 = tpu.memref_slice %arg11[%run_scoped3A_218, %dma_start3A_250, %dma_start3A_251] : memref<5x80x64xf32, #tpu.memory_space<vmem>> -> memref<1x80x64xf32, #tpu.memory_space<vmem>>
      %dma_start3A_253 = tpu.memref_squeeze %dma_start3A_252 : memref<1x80x64xf32, #tpu.memory_space<vmem>> -> memref<80x64xf32, #tpu.memory_space<vmem>>
      %dma_start3A_254 = arith.constant 0 : i32
      %dma_start3A_255 = tpu.memref_slice %arg7[%arg0, %add3A_217, %dma_start3A_254] : memref<2x10240x64xf32, #tpu.memory_space<hbm>> -> memref<1x80x64xf32, #tpu.memory_space<hbm>>
      %dma_start3A_256 = tpu.memref_squeeze %dma_start3A_255 : memref<1x80x64xf32, #tpu.memory_space<hbm>> -> memref<80x64xf32, #tpu.memory_space<hbm>>
      %dma_start3A_257 = arith.constant 0 : i32
      %dma_start3A_258 = tpu.memref_slice %arg7[%arg0, %add3A_217, %dma_start3A_257] : memref<2x10240x64xf32, #tpu.memory_space<hbm>> -> memref<1x80x64xf32, #tpu.memory_space<hbm>>
      %dma_start3A_259 = tpu.memref_squeeze %dma_start3A_258 : memref<1x80x64xf32, #tpu.memory_space<hbm>> -> memref<80x64xf32, #tpu.memory_space<hbm>>
      %dma_start3A_260 = arith.constant 0 : i32
      %dma_start3A_261 = arith.constant 0 : i32
      %dma_start3A_262 = tpu.memref_slice %arg11[%run_scoped3A_218, %dma_start3A_260, %dma_start3A_261] : memref<5x80x64xf32, #tpu.memory_space<vmem>> -> memref<1x80x64xf32, #tpu.memory_space<vmem>>
      %dma_start3A_263 = tpu.memref_squeeze %dma_start3A_262 : memref<1x80x64xf32, #tpu.memory_space<vmem>> -> memref<80x64xf32, #tpu.memory_space<vmem>>
      tpu.enqueue_dma source(%dma_start3A_263 : memref<80x64xf32, #tpu.memory_space<vmem>>) target(%dma_start3A_259 : memref<80x64xf32, #tpu.memory_space<hbm>>) target_semaphore(%run_scoped3A_249 : memref<!tpu.dma_semaphore, #tpu.memory_space<semaphore_mem>>)
      %dma_wait3A_264 = arith.constant 0 : i32
      %dma_wait3A_265 = arith.constant 0 : i32
      %dma_wait3A_266 = tpu.memref_slice %arg11[%run_scoped3A_218, %dma_wait3A_264, %dma_wait3A_265] : memref<5x80x64xf32, #tpu.memory_space<vmem>> -> memref<1x80x64xf32, #tpu.memory_space<vmem>>
      %dma_wait3A_267 = tpu.memref_squeeze %dma_wait3A_266 : memref<1x80x64xf32, #tpu.memory_space<vmem>> -> memref<80x64xf32, #tpu.memory_space<vmem>>
      %dma_wait3A_268 = arith.constant 0 : i32
      %dma_wait3A_269 = tpu.memref_slice %arg7[%arg0, %add3A_217, %dma_wait3A_268] : memref<2x10240x64xf32, #tpu.memory_space<hbm>> -> memref<1x80x64xf32, #tpu.memory_space<hbm>>
      %dma_wait3A_270 = tpu.memref_squeeze %dma_wait3A_269 : memref<1x80x64xf32, #tpu.memory_space<hbm>> -> memref<80x64xf32, #tpu.memory_space<hbm>>
      %dma_wait3A_271 = arith.constant 0 : i32
      %dma_wait3A_272 = tpu.memref_slice %arg7[%arg0, %add3A_217, %dma_wait3A_271] : memref<2x10240x64xf32, #tpu.memory_space<hbm>> -> memref<1x80x64xf32, #tpu.memory_space<hbm>>
      %dma_wait3A_273 = tpu.memref_squeeze %dma_wait3A_272 : memref<1x80x64xf32, #tpu.memory_space<hbm>> -> memref<80x64xf32, #tpu.memory_space<hbm>>
      %dma_wait3A_274 = arith.constant 0 : i32
      %dma_wait3A_275 = arith.constant 0 : i32
      %dma_wait3A_276 = tpu.memref_slice %arg11[%run_scoped3A_218, %dma_wait3A_274, %dma_wait3A_275] : memref<5x80x64xf32, #tpu.memory_space<vmem>> -> memref<1x80x64xf32, #tpu.memory_space<vmem>>
      %dma_wait3A_277 = tpu.memref_squeeze %dma_wait3A_276 : memref<1x80x64xf32, #tpu.memory_space<vmem>> -> memref<80x64xf32, #tpu.memory_space<vmem>>
      tpu.wait_dma2 semaphore(%run_scoped3A_249 : memref<!tpu.dma_semaphore, #tpu.memory_space<semaphore_mem>>) src(%dma_wait3A_277 : memref<80x64xf32, #tpu.memory_space<vmem>>) dst(%dma_wait3A_273 : memref<80x64xf32, #tpu.memory_space<hbm>>)
      tpu.yield
    }) : () -> ()
    %mul3A_219 = arith.constant 640 : i32
    %mul3A_220 = arith.muli %arg1, %mul3A_219 : i32
    %add3A_221 = arith.constant 400 : i32
    %add3A_222 = arith.addi %mul3A_220, %add3A_221 : i32
    %run_scoped3A_223 = arith.constant 0 : i32
    "tpu.region"() ({
      %run_scoped3A_249 = tpu.sem_alloc : memref<!tpu.dma_semaphore, #tpu.memory_space<semaphore_mem>>
      %dma_start3A_250 = arith.constant 0 : i32
      %dma_start3A_251 = arith.constant 0 : i32
      %dma_start3A_252 = tpu.memref_slice %arg11[%run_scoped3A_223, %dma_start3A_250, %dma_start3A_251] : memref<5x80x64xf32, #tpu.memory_space<vmem>> -> memref<1x80x64xf32, #tpu.memory_space<vmem>>
      %dma_start3A_253 = tpu.memref_squeeze %dma_start3A_252 : memref<1x80x64xf32, #tpu.memory_space<vmem>> -> memref<80x64xf32, #tpu.memory_space<vmem>>
      %dma_start3A_254 = arith.constant 0 : i32
      %dma_start3A_255 = tpu.memref_slice %arg12[%add3A_222, %dma_start3A_254] : memref<10240x64xf32, #tpu.memory_space<vmem_shared>> -> memref<80x64xf32, #tpu.memory_space<vmem_shared>>
      %dma_start3A_256 = arith.constant 0 : i32
      %dma_start3A_257 = arith.constant 0 : i32
      %dma_start3A_258 = tpu.memref_slice %arg11[%run_scoped3A_223, %dma_start3A_256, %dma_start3A_257] : memref<5x80x64xf32, #tpu.memory_space<vmem>> -> memref<1x80x64xf32, #tpu.memory_space<vmem>>
      %dma_start3A_259 = tpu.memref_squeeze %dma_start3A_258 : memref<1x80x64xf32, #tpu.memory_space<vmem>> -> memref<80x64xf32, #tpu.memory_space<vmem>>
      %dma_start3A_260 = arith.constant 0 : i32
      %dma_start3A_261 = tpu.memref_slice %arg12[%add3A_222, %dma_start3A_260] : memref<10240x64xf32, #tpu.memory_space<vmem_shared>> -> memref<80x64xf32, #tpu.memory_space<vmem_shared>>
      tpu.enqueue_dma source(%dma_start3A_261 : memref<80x64xf32, #tpu.memory_space<vmem_shared>>) target(%dma_start3A_259 : memref<80x64xf32, #tpu.memory_space<vmem>>) target_semaphore(%run_scoped3A_249 : memref<!tpu.dma_semaphore, #tpu.memory_space<semaphore_mem>>)
      %dma_wait3A_262 = arith.constant 0 : i32
      %dma_wait3A_263 = arith.constant 0 : i32
      %dma_wait3A_264 = tpu.memref_slice %arg11[%run_scoped3A_223, %dma_wait3A_262, %dma_wait3A_263] : memref<5x80x64xf32, #tpu.memory_space<vmem>> -> memref<1x80x64xf32, #tpu.memory_space<vmem>>
      %dma_wait3A_265 = tpu.memref_squeeze %dma_wait3A_264 : memref<1x80x64xf32, #tpu.memory_space<vmem>> -> memref<80x64xf32, #tpu.memory_space<vmem>>
      %dma_wait3A_266 = arith.constant 0 : i32
      %dma_wait3A_267 = tpu.memref_slice %arg12[%add3A_222, %dma_wait3A_266] : memref<10240x64xf32, #tpu.memory_space<vmem_shared>> -> memref<80x64xf32, #tpu.memory_space<vmem_shared>>
      %dma_wait3A_268 = arith.constant 0 : i32
      %dma_wait3A_269 = arith.constant 0 : i32
      %dma_wait3A_270 = tpu.memref_slice %arg11[%run_scoped3A_223, %dma_wait3A_268, %dma_wait3A_269] : memref<5x80x64xf32, #tpu.memory_space<vmem>> -> memref<1x80x64xf32, #tpu.memory_space<vmem>>
      %dma_wait3A_271 = tpu.memref_squeeze %dma_wait3A_270 : memref<1x80x64xf32, #tpu.memory_space<vmem>> -> memref<80x64xf32, #tpu.memory_space<vmem>>
      %dma_wait3A_272 = arith.constant 0 : i32
      %dma_wait3A_273 = tpu.memref_slice %arg12[%add3A_222, %dma_wait3A_272] : memref<10240x64xf32, #tpu.memory_space<vmem_shared>> -> memref<80x64xf32, #tpu.memory_space<vmem_shared>>
      tpu.wait_dma2 semaphore(%run_scoped3A_249 : memref<!tpu.dma_semaphore, #tpu.memory_space<semaphore_mem>>) src(%dma_wait3A_273 : memref<80x64xf32, #tpu.memory_space<vmem_shared>>) dst(%dma_wait3A_271 : memref<80x64xf32, #tpu.memory_space<vmem>>)
      tpu.yield
    }) : () -> ()
    %mul3A_224 = arith.constant 640 : i32
    %mul3A_225 = arith.muli %arg1, %mul3A_224 : i32
    %add3A_226 = arith.constant 400 : i32
    %add3A_227 = arith.addi %mul3A_225, %add3A_226 : i32
    %run_scoped3A_228 = arith.constant 0 : i32
    "tpu.region"() ({
      %run_scoped3A_249 = tpu.sem_alloc : memref<!tpu.dma_semaphore, #tpu.memory_space<semaphore_mem>>
      %dma_start3A_250 = arith.constant 0 : i32
      %dma_start3A_251 = arith.constant 0 : i32
      %dma_start3A_252 = tpu.memref_slice %arg11[%run_scoped3A_228, %dma_start3A_250, %dma_start3A_251] : memref<5x80x64xf32, #tpu.memory_space<vmem>> -> memref<1x80x64xf32, #tpu.memory_space<vmem>>
      %dma_start3A_253 = tpu.memref_squeeze %dma_start3A_252 : memref<1x80x64xf32, #tpu.memory_space<vmem>> -> memref<80x64xf32, #tpu.memory_space<vmem>>
      %dma_start3A_254 = arith.constant 0 : i32
      %dma_start3A_255 = tpu.memref_slice %arg7[%arg0, %add3A_227, %dma_start3A_254] : memref<2x10240x64xf32, #tpu.memory_space<hbm>> -> memref<1x80x64xf32, #tpu.memory_space<hbm>>
      %dma_start3A_256 = tpu.memref_squeeze %dma_start3A_255 : memref<1x80x64xf32, #tpu.memory_space<hbm>> -> memref<80x64xf32, #tpu.memory_space<hbm>>
      %dma_start3A_257 = arith.constant 0 : i32
      %dma_start3A_258 = tpu.memref_slice %arg7[%arg0, %add3A_227, %dma_start3A_257] : memref<2x10240x64xf32, #tpu.memory_space<hbm>> -> memref<1x80x64xf32, #tpu.memory_space<hbm>>
      %dma_start3A_259 = tpu.memref_squeeze %dma_start3A_258 : memref<1x80x64xf32, #tpu.memory_space<hbm>> -> memref<80x64xf32, #tpu.memory_space<hbm>>
      %dma_start3A_260 = arith.constant 0 : i32
      %dma_start3A_261 = arith.constant 0 : i32
      %dma_start3A_262 = tpu.memref_slice %arg11[%run_scoped3A_228, %dma_start3A_260, %dma_start3A_261] : memref<5x80x64xf32, #tpu.memory_space<vmem>> -> memref<1x80x64xf32, #tpu.memory_space<vmem>>
      %dma_start3A_263 = tpu.memref_squeeze %dma_start3A_262 : memref<1x80x64xf32, #tpu.memory_space<vmem>> -> memref<80x64xf32, #tpu.memory_space<vmem>>
      tpu.enqueue_dma source(%dma_start3A_263 : memref<80x64xf32, #tpu.memory_space<vmem>>) target(%dma_start3A_259 : memref<80x64xf32, #tpu.memory_space<hbm>>) target_semaphore(%run_scoped3A_249 : memref<!tpu.dma_semaphore, #tpu.memory_space<semaphore_mem>>)
      %dma_wait3A_264 = arith.constant 0 : i32
      %dma_wait3A_265 = arith.constant 0 : i32
      %dma_wait3A_266 = tpu.memref_slice %arg11[%run_scoped3A_228, %dma_wait3A_264, %dma_wait3A_265] : memref<5x80x64xf32, #tpu.memory_space<vmem>> -> memref<1x80x64xf32, #tpu.memory_space<vmem>>
      %dma_wait3A_267 = tpu.memref_squeeze %dma_wait3A_266 : memref<1x80x64xf32, #tpu.memory_space<vmem>> -> memref<80x64xf32, #tpu.memory_space<vmem>>
      %dma_wait3A_268 = arith.constant 0 : i32
      %dma_wait3A_269 = tpu.memref_slice %arg7[%arg0, %add3A_227, %dma_wait3A_268] : memref<2x10240x64xf32, #tpu.memory_space<hbm>> -> memref<1x80x64xf32, #tpu.memory_space<hbm>>
      %dma_wait3A_270 = tpu.memref_squeeze %dma_wait3A_269 : memref<1x80x64xf32, #tpu.memory_space<hbm>> -> memref<80x64xf32, #tpu.memory_space<hbm>>
      %dma_wait3A_271 = arith.constant 0 : i32
      %dma_wait3A_272 = tpu.memref_slice %arg7[%arg0, %add3A_227, %dma_wait3A_271] : memref<2x10240x64xf32, #tpu.memory_space<hbm>> -> memref<1x80x64xf32, #tpu.memory_space<hbm>>
      %dma_wait3A_273 = tpu.memref_squeeze %dma_wait3A_272 : memref<1x80x64xf32, #tpu.memory_space<hbm>> -> memref<80x64xf32, #tpu.memory_space<hbm>>
      %dma_wait3A_274 = arith.constant 0 : i32
      %dma_wait3A_275 = arith.constant 0 : i32
      %dma_wait3A_276 = tpu.memref_slice %arg11[%run_scoped3A_228, %dma_wait3A_274, %dma_wait3A_275] : memref<5x80x64xf32, #tpu.memory_space<vmem>> -> memref<1x80x64xf32, #tpu.memory_space<vmem>>
      %dma_wait3A_277 = tpu.memref_squeeze %dma_wait3A_276 : memref<1x80x64xf32, #tpu.memory_space<vmem>> -> memref<80x64xf32, #tpu.memory_space<vmem>>
      tpu.wait_dma2 semaphore(%run_scoped3A_249 : memref<!tpu.dma_semaphore, #tpu.memory_space<semaphore_mem>>) src(%dma_wait3A_277 : memref<80x64xf32, #tpu.memory_space<vmem>>) dst(%dma_wait3A_273 : memref<80x64xf32, #tpu.memory_space<hbm>>)
      tpu.yield
    }) : () -> ()
    %mul3A_229 = arith.constant 640 : i32
    %mul3A_230 = arith.muli %arg1, %mul3A_229 : i32
    %add3A_231 = arith.constant 480 : i32
    %add3A_232 = arith.addi %mul3A_230, %add3A_231 : i32
    %run_scoped3A_233 = arith.constant 1 : i32
    "tpu.region"() ({
      %run_scoped3A_249 = tpu.sem_alloc : memref<!tpu.dma_semaphore, #tpu.memory_space<semaphore_mem>>
      %dma_start3A_250 = arith.constant 0 : i32
      %dma_start3A_251 = arith.constant 0 : i32
      %dma_start3A_252 = tpu.memref_slice %arg11[%run_scoped3A_233, %dma_start3A_250, %dma_start3A_251] : memref<5x80x64xf32, #tpu.memory_space<vmem>> -> memref<1x80x64xf32, #tpu.memory_space<vmem>>
      %dma_start3A_253 = tpu.memref_squeeze %dma_start3A_252 : memref<1x80x64xf32, #tpu.memory_space<vmem>> -> memref<80x64xf32, #tpu.memory_space<vmem>>
      %dma_start3A_254 = arith.constant 0 : i32
      %dma_start3A_255 = tpu.memref_slice %arg12[%add3A_232, %dma_start3A_254] : memref<10240x64xf32, #tpu.memory_space<vmem_shared>> -> memref<80x64xf32, #tpu.memory_space<vmem_shared>>
      %dma_start3A_256 = arith.constant 0 : i32
      %dma_start3A_257 = arith.constant 0 : i32
      %dma_start3A_258 = tpu.memref_slice %arg11[%run_scoped3A_233, %dma_start3A_256, %dma_start3A_257] : memref<5x80x64xf32, #tpu.memory_space<vmem>> -> memref<1x80x64xf32, #tpu.memory_space<vmem>>
      %dma_start3A_259 = tpu.memref_squeeze %dma_start3A_258 : memref<1x80x64xf32, #tpu.memory_space<vmem>> -> memref<80x64xf32, #tpu.memory_space<vmem>>
      %dma_start3A_260 = arith.constant 0 : i32
      %dma_start3A_261 = tpu.memref_slice %arg12[%add3A_232, %dma_start3A_260] : memref<10240x64xf32, #tpu.memory_space<vmem_shared>> -> memref<80x64xf32, #tpu.memory_space<vmem_shared>>
      tpu.enqueue_dma source(%dma_start3A_261 : memref<80x64xf32, #tpu.memory_space<vmem_shared>>) target(%dma_start3A_259 : memref<80x64xf32, #tpu.memory_space<vmem>>) target_semaphore(%run_scoped3A_249 : memref<!tpu.dma_semaphore, #tpu.memory_space<semaphore_mem>>)
      %dma_wait3A_262 = arith.constant 0 : i32
      %dma_wait3A_263 = arith.constant 0 : i32
      %dma_wait3A_264 = tpu.memref_slice %arg11[%run_scoped3A_233, %dma_wait3A_262, %dma_wait3A_263] : memref<5x80x64xf32, #tpu.memory_space<vmem>> -> memref<1x80x64xf32, #tpu.memory_space<vmem>>
      %dma_wait3A_265 = tpu.memref_squeeze %dma_wait3A_264 : memref<1x80x64xf32, #tpu.memory_space<vmem>> -> memref<80x64xf32, #tpu.memory_space<vmem>>
      %dma_wait3A_266 = arith.constant 0 : i32
      %dma_wait3A_267 = tpu.memref_slice %arg12[%add3A_232, %dma_wait3A_266] : memref<10240x64xf32, #tpu.memory_space<vmem_shared>> -> memref<80x64xf32, #tpu.memory_space<vmem_shared>>
      %dma_wait3A_268 = arith.constant 0 : i32
      %dma_wait3A_269 = arith.constant 0 : i32
      %dma_wait3A_270 = tpu.memref_slice %arg11[%run_scoped3A_233, %dma_wait3A_268, %dma_wait3A_269] : memref<5x80x64xf32, #tpu.memory_space<vmem>> -> memref<1x80x64xf32, #tpu.memory_space<vmem>>
      %dma_wait3A_271 = tpu.memref_squeeze %dma_wait3A_270 : memref<1x80x64xf32, #tpu.memory_space<vmem>> -> memref<80x64xf32, #tpu.memory_space<vmem>>
      %dma_wait3A_272 = arith.constant 0 : i32
      %dma_wait3A_273 = tpu.memref_slice %arg12[%add3A_232, %dma_wait3A_272] : memref<10240x64xf32, #tpu.memory_space<vmem_shared>> -> memref<80x64xf32, #tpu.memory_space<vmem_shared>>
      tpu.wait_dma2 semaphore(%run_scoped3A_249 : memref<!tpu.dma_semaphore, #tpu.memory_space<semaphore_mem>>) src(%dma_wait3A_273 : memref<80x64xf32, #tpu.memory_space<vmem_shared>>) dst(%dma_wait3A_271 : memref<80x64xf32, #tpu.memory_space<vmem>>)
      tpu.yield
    }) : () -> ()
    %mul3A_234 = arith.constant 640 : i32
    %mul3A_235 = arith.muli %arg1, %mul3A_234 : i32
    %add3A_236 = arith.constant 480 : i32
    %add3A_237 = arith.addi %mul3A_235, %add3A_236 : i32
    %run_scoped3A_238 = arith.constant 1 : i32
    "tpu.region"() ({
      %run_scoped3A_249 = tpu.sem_alloc : memref<!tpu.dma_semaphore, #tpu.memory_space<semaphore_mem>>
      %dma_start3A_250 = arith.constant 0 : i32
      %dma_start3A_251 = arith.constant 0 : i32
      %dma_start3A_252 = tpu.memref_slice %arg11[%run_scoped3A_238, %dma_start3A_250, %dma_start3A_251] : memref<5x80x64xf32, #tpu.memory_space<vmem>> -> memref<1x80x64xf32, #tpu.memory_space<vmem>>
      %dma_start3A_253 = tpu.memref_squeeze %dma_start3A_252 : memref<1x80x64xf32, #tpu.memory_space<vmem>> -> memref<80x64xf32, #tpu.memory_space<vmem>>
      %dma_start3A_254 = arith.constant 0 : i32
      %dma_start3A_255 = tpu.memref_slice %arg7[%arg0, %add3A_237, %dma_start3A_254] : memref<2x10240x64xf32, #tpu.memory_space<hbm>> -> memref<1x80x64xf32, #tpu.memory_space<hbm>>
      %dma_start3A_256 = tpu.memref_squeeze %dma_start3A_255 : memref<1x80x64xf32, #tpu.memory_space<hbm>> -> memref<80x64xf32, #tpu.memory_space<hbm>>
      %dma_start3A_257 = arith.constant 0 : i32
      %dma_start3A_258 = tpu.memref_slice %arg7[%arg0, %add3A_237, %dma_start3A_257] : memref<2x10240x64xf32, #tpu.memory_space<hbm>> -> memref<1x80x64xf32, #tpu.memory_space<hbm>>
      %dma_start3A_259 = tpu.memref_squeeze %dma_start3A_258 : memref<1x80x64xf32, #tpu.memory_space<hbm>> -> memref<80x64xf32, #tpu.memory_space<hbm>>
      %dma_start3A_260 = arith.constant 0 : i32
      %dma_start3A_261 = arith.constant 0 : i32
      %dma_start3A_262 = tpu.memref_slice %arg11[%run_scoped3A_238, %dma_start3A_260, %dma_start3A_261] : memref<5x80x64xf32, #tpu.memory_space<vmem>> -> memref<1x80x64xf32, #tpu.memory_space<vmem>>
      %dma_start3A_263 = tpu.memref_squeeze %dma_start3A_262 : memref<1x80x64xf32, #tpu.memory_space<vmem>> -> memref<80x64xf32, #tpu.memory_space<vmem>>
      tpu.enqueue_dma source(%dma_start3A_263 : memref<80x64xf32, #tpu.memory_space<vmem>>) target(%dma_start3A_259 : memref<80x64xf32, #tpu.memory_space<hbm>>) target_semaphore(%run_scoped3A_249 : memref<!tpu.dma_semaphore, #tpu.memory_space<semaphore_mem>>)
      %dma_wait3A_264 = arith.constant 0 : i32
      %dma_wait3A_265 = arith.constant 0 : i32
      %dma_wait3A_266 = tpu.memref_slice %arg11[%run_scoped3A_238, %dma_wait3A_264, %dma_wait3A_265] : memref<5x80x64xf32, #tpu.memory_space<vmem>> -> memref<1x80x64xf32, #tpu.memory_space<vmem>>
      %dma_wait3A_267 = tpu.memref_squeeze %dma_wait3A_266 : memref<1x80x64xf32, #tpu.memory_space<vmem>> -> memref<80x64xf32, #tpu.memory_space<vmem>>
      %dma_wait3A_268 = arith.constant 0 : i32
      %dma_wait3A_269 = tpu.memref_slice %arg7[%arg0, %add3A_237, %dma_wait3A_268] : memref<2x10240x64xf32, #tpu.memory_space<hbm>> -> memref<1x80x64xf32, #tpu.memory_space<hbm>>
      %dma_wait3A_270 = tpu.memref_squeeze %dma_wait3A_269 : memref<1x80x64xf32, #tpu.memory_space<hbm>> -> memref<80x64xf32, #tpu.memory_space<hbm>>
      %dma_wait3A_271 = arith.constant 0 : i32
      %dma_wait3A_272 = tpu.memref_slice %arg7[%arg0, %add3A_237, %dma_wait3A_271] : memref<2x10240x64xf32, #tpu.memory_space<hbm>> -> memref<1x80x64xf32, #tpu.memory_space<hbm>>
      %dma_wait3A_273 = tpu.memref_squeeze %dma_wait3A_272 : memref<1x80x64xf32, #tpu.memory_space<hbm>> -> memref<80x64xf32, #tpu.memory_space<hbm>>
      %dma_wait3A_274 = arith.constant 0 : i32
      %dma_wait3A_275 = arith.constant 0 : i32
      %dma_wait3A_276 = tpu.memref_slice %arg11[%run_scoped3A_238, %dma_wait3A_274, %dma_wait3A_275] : memref<5x80x64xf32, #tpu.memory_space<vmem>> -> memref<1x80x64xf32, #tpu.memory_space<vmem>>
      %dma_wait3A_277 = tpu.memref_squeeze %dma_wait3A_276 : memref<1x80x64xf32, #tpu.memory_space<vmem>> -> memref<80x64xf32, #tpu.memory_space<vmem>>
      tpu.wait_dma2 semaphore(%run_scoped3A_249 : memref<!tpu.dma_semaphore, #tpu.memory_space<semaphore_mem>>) src(%dma_wait3A_277 : memref<80x64xf32, #tpu.memory_space<vmem>>) dst(%dma_wait3A_273 : memref<80x64xf32, #tpu.memory_space<hbm>>)
      tpu.yield
    }) : () -> ()
    %mul3A_239 = arith.constant 640 : i32
    %mul3A_240 = arith.muli %arg1, %mul3A_239 : i32
    %add3A_241 = arith.constant 560 : i32
    %add3A_242 = arith.addi %mul3A_240, %add3A_241 : i32
    %run_scoped3A_243 = arith.constant 2 : i32
    "tpu.region"() ({
      %run_scoped3A_249 = tpu.sem_alloc : memref<!tpu.dma_semaphore, #tpu.memory_space<semaphore_mem>>
      %dma_start3A_250 = arith.constant 0 : i32
      %dma_start3A_251 = arith.constant 0 : i32
      %dma_start3A_252 = tpu.memref_slice %arg11[%run_scoped3A_243, %dma_start3A_250, %dma_start3A_251] : memref<5x80x64xf32, #tpu.memory_space<vmem>> -> memref<1x80x64xf32, #tpu.memory_space<vmem>>
      %dma_start3A_253 = tpu.memref_squeeze %dma_start3A_252 : memref<1x80x64xf32, #tpu.memory_space<vmem>> -> memref<80x64xf32, #tpu.memory_space<vmem>>
      %dma_start3A_254 = arith.constant 0 : i32
      %dma_start3A_255 = tpu.memref_slice %arg12[%add3A_242, %dma_start3A_254] : memref<10240x64xf32, #tpu.memory_space<vmem_shared>> -> memref<80x64xf32, #tpu.memory_space<vmem_shared>>
      %dma_start3A_256 = arith.constant 0 : i32
      %dma_start3A_257 = arith.constant 0 : i32
      %dma_start3A_258 = tpu.memref_slice %arg11[%run_scoped3A_243, %dma_start3A_256, %dma_start3A_257] : memref<5x80x64xf32, #tpu.memory_space<vmem>> -> memref<1x80x64xf32, #tpu.memory_space<vmem>>
      %dma_start3A_259 = tpu.memref_squeeze %dma_start3A_258 : memref<1x80x64xf32, #tpu.memory_space<vmem>> -> memref<80x64xf32, #tpu.memory_space<vmem>>
      %dma_start3A_260 = arith.constant 0 : i32
      %dma_start3A_261 = tpu.memref_slice %arg12[%add3A_242, %dma_start3A_260] : memref<10240x64xf32, #tpu.memory_space<vmem_shared>> -> memref<80x64xf32, #tpu.memory_space<vmem_shared>>
      tpu.enqueue_dma source(%dma_start3A_261 : memref<80x64xf32, #tpu.memory_space<vmem_shared>>) target(%dma_start3A_259 : memref<80x64xf32, #tpu.memory_space<vmem>>) target_semaphore(%run_scoped3A_249 : memref<!tpu.dma_semaphore, #tpu.memory_space<semaphore_mem>>)
      %dma_wait3A_262 = arith.constant 0 : i32
      %dma_wait3A_263 = arith.constant 0 : i32
      %dma_wait3A_264 = tpu.memref_slice %arg11[%run_scoped3A_243, %dma_wait3A_262, %dma_wait3A_263] : memref<5x80x64xf32, #tpu.memory_space<vmem>> -> memref<1x80x64xf32, #tpu.memory_space<vmem>>
      %dma_wait3A_265 = tpu.memref_squeeze %dma_wait3A_264 : memref<1x80x64xf32, #tpu.memory_space<vmem>> -> memref<80x64xf32, #tpu.memory_space<vmem>>
      %dma_wait3A_266 = arith.constant 0 : i32
      %dma_wait3A_267 = tpu.memref_slice %arg12[%add3A_242, %dma_wait3A_266] : memref<10240x64xf32, #tpu.memory_space<vmem_shared>> -> memref<80x64xf32, #tpu.memory_space<vmem_shared>>
      %dma_wait3A_268 = arith.constant 0 : i32
      %dma_wait3A_269 = arith.constant 0 : i32
      %dma_wait3A_270 = tpu.memref_slice %arg11[%run_scoped3A_243, %dma_wait3A_268, %dma_wait3A_269] : memref<5x80x64xf32, #tpu.memory_space<vmem>> -> memref<1x80x64xf32, #tpu.memory_space<vmem>>
      %dma_wait3A_271 = tpu.memref_squeeze %dma_wait3A_270 : memref<1x80x64xf32, #tpu.memory_space<vmem>> -> memref<80x64xf32, #tpu.memory_space<vmem>>
      %dma_wait3A_272 = arith.constant 0 : i32
      %dma_wait3A_273 = tpu.memref_slice %arg12[%add3A_242, %dma_wait3A_272] : memref<10240x64xf32, #tpu.memory_space<vmem_shared>> -> memref<80x64xf32, #tpu.memory_space<vmem_shared>>
      tpu.wait_dma2 semaphore(%run_scoped3A_249 : memref<!tpu.dma_semaphore, #tpu.memory_space<semaphore_mem>>) src(%dma_wait3A_273 : memref<80x64xf32, #tpu.memory_space<vmem_shared>>) dst(%dma_wait3A_271 : memref<80x64xf32, #tpu.memory_space<vmem>>)
      tpu.yield
    }) : () -> ()
    %mul3A_244 = arith.constant 640 : i32
    %mul3A_245 = arith.muli %arg1, %mul3A_244 : i32
    %add3A_246 = arith.constant 560 : i32
    %add3A_247 = arith.addi %mul3A_245, %add3A_246 : i32
    %run_scoped3A_248 = arith.constant 2 : i32
    "tpu.region"() ({
      %run_scoped3A_249 = tpu.sem_alloc : memref<!tpu.dma_semaphore, #tpu.memory_space<semaphore_mem>>
      %dma_start3A_250 = arith.constant 0 : i32
      %dma_start3A_251 = arith.constant 0 : i32
      %dma_start3A_252 = tpu.memref_slice %arg11[%run_scoped3A_248, %dma_start3A_250, %dma_start3A_251] : memref<5x80x64xf32, #tpu.memory_space<vmem>> -> memref<1x80x64xf32, #tpu.memory_space<vmem>>
      %dma_start3A_253 = tpu.memref_squeeze %dma_start3A_252 : memref<1x80x64xf32, #tpu.memory_space<vmem>> -> memref<80x64xf32, #tpu.memory_space<vmem>>
      %dma_start3A_254 = arith.constant 0 : i32
      %dma_start3A_255 = tpu.memref_slice %arg7[%arg0, %add3A_247, %dma_start3A_254] : memref<2x10240x64xf32, #tpu.memory_space<hbm>> -> memref<1x80x64xf32, #tpu.memory_space<hbm>>
      %dma_start3A_256 = tpu.memref_squeeze %dma_start3A_255 : memref<1x80x64xf32, #tpu.memory_space<hbm>> -> memref<80x64xf32, #tpu.memory_space<hbm>>
      %dma_start3A_257 = arith.constant 0 : i32
      %dma_start3A_258 = tpu.memref_slice %arg7[%arg0, %add3A_247, %dma_start3A_257] : memref<2x10240x64xf32, #tpu.memory_space<hbm>> -> memref<1x80x64xf32, #tpu.memory_space<hbm>>
      %dma_start3A_259 = tpu.memref_squeeze %dma_start3A_258 : memref<1x80x64xf32, #tpu.memory_space<hbm>> -> memref<80x64xf32, #tpu.memory_space<hbm>>
      %dma_start3A_260 = arith.constant 0 : i32
      %dma_start3A_261 = arith.constant 0 : i32
      %dma_start3A_262 = tpu.memref_slice %arg11[%run_scoped3A_248, %dma_start3A_260, %dma_start3A_261] : memref<5x80x64xf32, #tpu.memory_space<vmem>> -> memref<1x80x64xf32, #tpu.memory_space<vmem>>
      %dma_start3A_263 = tpu.memref_squeeze %dma_start3A_262 : memref<1x80x64xf32, #tpu.memory_space<vmem>> -> memref<80x64xf32, #tpu.memory_space<vmem>>
      tpu.enqueue_dma source(%dma_start3A_263 : memref<80x64xf32, #tpu.memory_space<vmem>>) target(%dma_start3A_259 : memref<80x64xf32, #tpu.memory_space<hbm>>) target_semaphore(%run_scoped3A_249 : memref<!tpu.dma_semaphore, #tpu.memory_space<semaphore_mem>>)
      %dma_wait3A_264 = arith.constant 0 : i32
      %dma_wait3A_265 = arith.constant 0 : i32
      %dma_wait3A_266 = tpu.memref_slice %arg11[%run_scoped3A_248, %dma_wait3A_264, %dma_wait3A_265] : memref<5x80x64xf32, #tpu.memory_space<vmem>> -> memref<1x80x64xf32, #tpu.memory_space<vmem>>
      %dma_wait3A_267 = tpu.memref_squeeze %dma_wait3A_266 : memref<1x80x64xf32, #tpu.memory_space<vmem>> -> memref<80x64xf32, #tpu.memory_space<vmem>>
      %dma_wait3A_268 = arith.constant 0 : i32
      %dma_wait3A_269 = tpu.memref_slice %arg7[%arg0, %add3A_247, %dma_wait3A_268] : memref<2x10240x64xf32, #tpu.memory_space<hbm>> -> memref<1x80x64xf32, #tpu.memory_space<hbm>>
      %dma_wait3A_270 = tpu.memref_squeeze %dma_wait3A_269 : memref<1x80x64xf32, #tpu.memory_space<hbm>> -> memref<80x64xf32, #tpu.memory_space<hbm>>
      %dma_wait3A_271 = arith.constant 0 : i32
      %dma_wait3A_272 = tpu.memref_slice %arg7[%arg0, %add3A_247, %dma_wait3A_271] : memref<2x10240x64xf32, #tpu.memory_space<hbm>> -> memref<1x80x64xf32, #tpu.memory_space<hbm>>
      %dma_wait3A_273 = tpu.memref_squeeze %dma_wait3A_272 : memref<1x80x64xf32, #tpu.memory_space<hbm>> -> memref<80x64xf32, #tpu.memory_space<hbm>>
      %dma_wait3A_274 = arith.constant 0 : i32
      %dma_wait3A_275 = arith.constant 0 : i32
      %dma_wait3A_276 = tpu.memref_slice %arg11[%run_scoped3A_248, %dma_wait3A_274, %dma_wait3A_275] : memref<5x80x64xf32, #tpu.memory_space<vmem>> -> memref<1x80x64xf32, #tpu.memory_space<vmem>>
      %dma_wait3A_277 = tpu.memref_squeeze %dma_wait3A_276 : memref<1x80x64xf32, #tpu.memory_space<vmem>> -> memref<80x64xf32, #tpu.memory_space<vmem>>
      tpu.wait_dma2 semaphore(%run_scoped3A_249 : memref<!tpu.dma_semaphore, #tpu.memory_space<semaphore_mem>>) src(%dma_wait3A_277 : memref<80x64xf32, #tpu.memory_space<vmem>>) dst(%dma_wait3A_273 : memref<80x64xf32, #tpu.memory_space<hbm>>)
      tpu.yield
    }) : () -> ()
    return
  }
}

module attributes {stable_mosaic.version = 14 : i64} {
  func.func @body(%arg0: i32, %arg1: memref<2x64x10000xf32, #tpu.memory_space<vmem>>, %arg2: memref<2x5000x128xf32, #tpu.memory_space<vmem>>) attributes {dimension_semantics = [#tpu.dimension_semantics<arbitrary>], iteration_bounds = array<i64: 45>, scalar_prefetch = 0 : i64, scratch_operands = 0 : i64, tpu.core_type = #tpu.core_type<tc>, window_params = [{transform_indices = @transform_0, window_bounds = array<i64: 2, 64, 10000>}, {transform_indices = @transform_1, window_bounds = array<i64: 2, 5000, 128>}]} {
    %get3A = arith.constant 0 : index
    %get3A_0 = arith.constant 0 : index
    %get3A_1 = arith.constant 0 : index
    %get3A_2 = vector.load %arg1[%get3A, %get3A_0, %get3A_1] : memref<2x64x10000xf32, #tpu.memory_space<vmem>>, vector<1x64x10000xf32>
    %get3A_3 = vector.shape_cast %get3A_2 : vector<1x64x10000xf32> to vector<64x10000xf32>
    %transpose3A = tpu.transpose %get3A_3, [1, 0] : vector<64x10000xf32> -> vector<10000x64xf32>
    %slice3A = vector.extract_strided_slice %transpose3A {offsets = [0, 0], sizes = [5000, 64], strides = [1, 1]} : vector<10000x64xf32> to vector<5000x64xf32>
    %slice3A_4 = vector.extract_strided_slice %transpose3A {offsets = [5000, 0], sizes = [5000, 64], strides = [1, 1]} : vector<10000x64xf32> to vector<5000x64xf32>
    %concatenate3A = tpu.concatenate %slice3A, %slice3A_4 in 1 : vector<5000x64xf32>, vector<5000x64xf32> -> vector<5000x128xf32>
    %swap3A = arith.constant 0 : index
    %swap3A_5 = arith.constant 0 : index
    %swap3A_6 = arith.constant 0 : index
    %swap3A_7 = vector.load %arg2[%swap3A, %swap3A_5, %swap3A_6] : memref<2x5000x128xf32, #tpu.memory_space<vmem>>, vector<1x5000x128xf32>
    %swap3A_8 = vector.shape_cast %swap3A_7 : vector<1x5000x128xf32> to vector<5000x128xf32>
    %swap3A_9 = vector.shape_cast %concatenate3A : vector<5000x128xf32> to vector<1x5000x128xf32>
    tpu.vector_store %arg2[%swap3A, %swap3A_5, %swap3A_6], %swap3A_9 {strides = array<i32>} : memref<2x5000x128xf32, #tpu.memory_space<vmem>>, vector<1x5000x128xf32>,
    %get3A_10 = arith.constant 1 : index
    %get3A_11 = arith.constant 0 : index
    %get3A_12 = arith.constant 0 : index
    %get3A_13 = vector.load %arg1[%get3A_10, %get3A_11, %get3A_12] : memref<2x64x10000xf32, #tpu.memory_space<vmem>>, vector<1x64x10000xf32>
    %get3A_14 = vector.shape_cast %get3A_13 : vector<1x64x10000xf32> to vector<64x10000xf32>
    %transpose3A_15 = tpu.transpose %get3A_14, [1, 0] : vector<64x10000xf32> -> vector<10000x64xf32>
    %slice3A_16 = vector.extract_strided_slice %transpose3A_15 {offsets = [0, 0], sizes = [5000, 64], strides = [1, 1]} : vector<10000x64xf32> to vector<5000x64xf32>
    %slice3A_17 = vector.extract_strided_slice %transpose3A_15 {offsets = [5000, 0], sizes = [5000, 64], strides = [1, 1]} : vector<10000x64xf32> to vector<5000x64xf32>
    %concatenate3A_18 = tpu.concatenate %slice3A_16, %slice3A_17 in 1 : vector<5000x64xf32>, vector<5000x64xf32> -> vector<5000x128xf32>
    %swap3A_19 = arith.constant 1 : index
    %swap3A_20 = arith.constant 0 : index
    %swap3A_21 = arith.constant 0 : index
    %swap3A_22 = vector.load %arg2[%swap3A_19, %swap3A_20, %swap3A_21] : memref<2x5000x128xf32, #tpu.memory_space<vmem>>, vector<1x5000x128xf32>
    %swap3A_23 = vector.shape_cast %swap3A_22 : vector<1x5000x128xf32> to vector<5000x128xf32>
    %swap3A_24 = vector.shape_cast %concatenate3A_18 : vector<5000x128xf32> to vector<1x5000x128xf32>
    tpu.vector_store %arg2[%swap3A_19, %swap3A_20, %swap3A_21], %swap3A_24 {strides = array<i32>} : memref<2x5000x128xf32, #tpu.memory_space<vmem>>, vector<1x5000x128xf32>,
    return
  }
  func.func @transform_0(%arg0: i32) -> (i32, i32, i32) {
    %c0_i32 = arith.constant 0 : i32
    %c0_i32_0 = arith.constant 0 : i32
    %c0_i32_1 = arith.constant 0 : i32
    return %arg0, %c0_i32, %c0_i32_0 : i32, i32, i32
  }
  func.func @transform_1(%arg0: i32) -> (i32, i32, i32) {
    %c0_i32 = arith.constant 0 : i32
    %c0_i32_0 = arith.constant 0 : i32
    %c0_i32_1 = arith.constant 0 : i32
    return %arg0, %c0_i32, %c0_i32_0 : i32, i32, i32
  }
}

module attributes {stable_mosaic.version = 14 : i64} {
  func.func @body(%arg0: i32, %arg1: memref<2x1000x64xf32, #tpu.memory_space<vmem>>, %arg2: memref<1000x64xf32, #tpu.memory_space<vmem>>, %arg3: memref<1x64xf32, #tpu.memory_space<vmem>>, %arg4: memref<64x768xf32, #tpu.memory_space<vmem>>, %arg5: memref<64x4xf32, #tpu.memory_space<vmem>>, %arg6: memref<6x1000x128xf32, #tpu.memory_space<vmem>>, %arg7: memref<1000x4xf32, #tpu.memory_space<vmem>>) attributes {dimension_semantics = [#tpu.dimension_semantics<arbitrary>], iteration_bounds = array<i64: 10>, scalar_prefetch = 0 : i64, scratch_operands = 0 : i64, tpu.core_type = #tpu.core_type<tc>, window_params = [{transform_indices = @transform_0, window_bounds = array<i64: 2, 1000, 64>}, {transform_indices = @transform_1, window_bounds = array<i64: 1000, 64>}, {pipeline_mode = #tpu.pipeline_mode<synchronous>, transform_indices = @transform_2, window_bounds = array<i64: 1, 64>}, {pipeline_mode = #tpu.pipeline_mode<synchronous>, transform_indices = @transform_3, window_bounds = array<i64: 64, 768>}, {pipeline_mode = #tpu.pipeline_mode<synchronous>, transform_indices = @transform_4, window_bounds = array<i64: 64, 4>}, {transform_indices = @transform_5, window_bounds = array<i64: 6, 1000, 128>}, {transform_indices = @transform_6, window_bounds = array<i64: 1000, 4>}]} {
    %get3A = arith.constant 0 : index
    %get3A_0 = arith.constant 0 : index
    %get3A_1 = arith.constant 0 : index
    %get3A_2 = vector.load %arg1[%get3A, %get3A_0, %get3A_1] : memref<2x1000x64xf32, #tpu.memory_space<vmem>>, vector<1x1000x64xf32>
    %get3A_3 = vector.shape_cast %get3A_2 : vector<1x1000x64xf32> to vector<1000x64xf32>
    %get3A_4 = arith.constant 1 : index
    %get3A_5 = arith.constant 0 : index
    %get3A_6 = arith.constant 0 : index
    %get3A_7 = vector.load %arg1[%get3A_4, %get3A_5, %get3A_6] : memref<2x1000x64xf32, #tpu.memory_space<vmem>>, vector<1x1000x64xf32>
    %get3A_8 = vector.shape_cast %get3A_7 : vector<1x1000x64xf32> to vector<1000x64xf32>
    %add3A = arith.addf %get3A_3, %get3A_8 : vector<1000x64xf32>
    %get3A_9 = arith.constant 0 : index
    %get3A_10 = arith.constant 0 : index
    %get3A_11 = vector.load %arg2[%get3A_9, %get3A_10] : memref<1000x64xf32, #tpu.memory_space<vmem>>, vector<1000x64xf32>
    %add3A_12 = arith.addf %add3A, %get3A_11 : vector<1000x64xf32>
    %get3A_13 = arith.constant 0 : index
    %get3A_14 = arith.constant 0 : index
    %get3A_15 = vector.load %arg3[%get3A_13, %get3A_14] : memref<1x64xf32, #tpu.memory_space<vmem>>, vector<1x64xf32>
    %add3A_16 = vector.broadcast %get3A_15 : vector<1x64xf32> to vector<1000x64xf32>
    %add3A_17 = arith.addf %add3A_12, %add3A_16 : vector<1000x64xf32>
    %max3A = arith.constant 0.000000e+00 : f32
    %max3A_18 = vector.broadcast %max3A : f32 to vector<1000x64xf32>
    %max3A_19 = arith.maximumf %add3A_17, %max3A_18 : vector<1000x64xf32>
    %get3A_20 = arith.constant 0 : index
    %get3A_21 = arith.constant 0 : index
    %get3A_22 = vector.load %arg4[%get3A_20, %get3A_21] : memref<64x768xf32, #tpu.memory_space<vmem>>, vector<64x768xf32>
    %dot_general3A = arith.constant dense<0.000000e+00> : vector<1000x768xf32>
    %dot_general3A_23 = tpu.matmul %max3A_19, %get3A_22, %dot_general3A {dimension_numbers = #tpu.dot_dimension_numbers<[1], [0], [0], [1], [0, 0, 1, 1], [], []>, transpose_lhs_hint = false} : vector<1000x64xf32>, vector<64x768xf32>, vector<1000x768xf32> -> vector<1000x768xf32>
    %slice3A = vector.extract_strided_slice %dot_general3A_23 {offsets = [0, 0], sizes = [1000, 128], strides = [1, 1]} : vector<1000x768xf32> to vector<1000x128xf32>
    %swap3A = arith.constant 0 : index
    %swap3A_24 = arith.constant 0 : index
    %swap3A_25 = arith.constant 0 : index
    %swap3A_26 = vector.load %arg6[%swap3A, %swap3A_24, %swap3A_25] : memref<6x1000x128xf32, #tpu.memory_space<vmem>>, vector<1x1000x128xf32>
    %swap3A_27 = vector.shape_cast %swap3A_26 : vector<1x1000x128xf32> to vector<1000x128xf32>
    %swap3A_28 = vector.shape_cast %slice3A : vector<1000x128xf32> to vector<1x1000x128xf32>
    tpu.vector_store %arg6[%swap3A, %swap3A_24, %swap3A_25], %swap3A_28 {strides = array<i32>} : memref<6x1000x128xf32, #tpu.memory_space<vmem>>, vector<1x1000x128xf32>,
    %slice3A_29 = vector.extract_strided_slice %dot_general3A_23 {offsets = [0, 128], sizes = [1000, 128], strides = [1, 1]} : vector<1000x768xf32> to vector<1000x128xf32>
    %swap3A_30 = arith.constant 1 : index
    %swap3A_31 = arith.constant 0 : index
    %swap3A_32 = arith.constant 0 : index
    %swap3A_33 = vector.load %arg6[%swap3A_30, %swap3A_31, %swap3A_32] : memref<6x1000x128xf32, #tpu.memory_space<vmem>>, vector<1x1000x128xf32>
    %swap3A_34 = vector.shape_cast %swap3A_33 : vector<1x1000x128xf32> to vector<1000x128xf32>
    %swap3A_35 = vector.shape_cast %slice3A_29 : vector<1000x128xf32> to vector<1x1000x128xf32>
    tpu.vector_store %arg6[%swap3A_30, %swap3A_31, %swap3A_32], %swap3A_35 {strides = array<i32>} : memref<6x1000x128xf32, #tpu.memory_space<vmem>>, vector<1x1000x128xf32>,
    %slice3A_36 = vector.extract_strided_slice %dot_general3A_23 {offsets = [0, 256], sizes = [1000, 128], strides = [1, 1]} : vector<1000x768xf32> to vector<1000x128xf32>
    %swap3A_37 = arith.constant 2 : index
    %swap3A_38 = arith.constant 0 : index
    %swap3A_39 = arith.constant 0 : index
    %swap3A_40 = vector.load %arg6[%swap3A_37, %swap3A_38, %swap3A_39] : memref<6x1000x128xf32, #tpu.memory_space<vmem>>, vector<1x1000x128xf32>
    %swap3A_41 = vector.shape_cast %swap3A_40 : vector<1x1000x128xf32> to vector<1000x128xf32>
    %swap3A_42 = vector.shape_cast %slice3A_36 : vector<1000x128xf32> to vector<1x1000x128xf32>
    tpu.vector_store %arg6[%swap3A_37, %swap3A_38, %swap3A_39], %swap3A_42 {strides = array<i32>} : memref<6x1000x128xf32, #tpu.memory_space<vmem>>, vector<1x1000x128xf32>,
    %slice3A_43 = vector.extract_strided_slice %dot_general3A_23 {offsets = [0, 384], sizes = [1000, 128], strides = [1, 1]} : vector<1000x768xf32> to vector<1000x128xf32>
    %swap3A_44 = arith.constant 3 : index
    %swap3A_45 = arith.constant 0 : index
    %swap3A_46 = arith.constant 0 : index
    %swap3A_47 = vector.load %arg6[%swap3A_44, %swap3A_45, %swap3A_46] : memref<6x1000x128xf32, #tpu.memory_space<vmem>>, vector<1x1000x128xf32>
    %swap3A_48 = vector.shape_cast %swap3A_47 : vector<1x1000x128xf32> to vector<1000x128xf32>
    %swap3A_49 = vector.shape_cast %slice3A_43 : vector<1000x128xf32> to vector<1x1000x128xf32>
    tpu.vector_store %arg6[%swap3A_44, %swap3A_45, %swap3A_46], %swap3A_49 {strides = array<i32>} : memref<6x1000x128xf32, #tpu.memory_space<vmem>>, vector<1x1000x128xf32>,
    %slice3A_50 = vector.extract_strided_slice %dot_general3A_23 {offsets = [0, 512], sizes = [1000, 128], strides = [1, 1]} : vector<1000x768xf32> to vector<1000x128xf32>
    %swap3A_51 = arith.constant 4 : index
    %swap3A_52 = arith.constant 0 : index
    %swap3A_53 = arith.constant 0 : index
    %swap3A_54 = vector.load %arg6[%swap3A_51, %swap3A_52, %swap3A_53] : memref<6x1000x128xf32, #tpu.memory_space<vmem>>, vector<1x1000x128xf32>
    %swap3A_55 = vector.shape_cast %swap3A_54 : vector<1x1000x128xf32> to vector<1000x128xf32>
    %swap3A_56 = vector.shape_cast %slice3A_50 : vector<1000x128xf32> to vector<1x1000x128xf32>
    tpu.vector_store %arg6[%swap3A_51, %swap3A_52, %swap3A_53], %swap3A_56 {strides = array<i32>} : memref<6x1000x128xf32, #tpu.memory_space<vmem>>, vector<1x1000x128xf32>,
    %slice3A_57 = vector.extract_strided_slice %dot_general3A_23 {offsets = [0, 640], sizes = [1000, 128], strides = [1, 1]} : vector<1000x768xf32> to vector<1000x128xf32>
    %swap3A_58 = arith.constant 5 : index
    %swap3A_59 = arith.constant 0 : index
    %swap3A_60 = arith.constant 0 : index
    %swap3A_61 = vector.load %arg6[%swap3A_58, %swap3A_59, %swap3A_60] : memref<6x1000x128xf32, #tpu.memory_space<vmem>>, vector<1x1000x128xf32>
    %swap3A_62 = vector.shape_cast %swap3A_61 : vector<1x1000x128xf32> to vector<1000x128xf32>
    %swap3A_63 = vector.shape_cast %slice3A_57 : vector<1000x128xf32> to vector<1x1000x128xf32>
    tpu.vector_store %arg6[%swap3A_58, %swap3A_59, %swap3A_60], %swap3A_63 {strides = array<i32>} : memref<6x1000x128xf32, #tpu.memory_space<vmem>>, vector<1x1000x128xf32>,
    %get3A_64 = arith.constant 0 : index
    %get3A_65 = arith.constant 0 : index
    %get3A_66 = vector.load %arg5[%get3A_64, %get3A_65] : memref<64x4xf32, #tpu.memory_space<vmem>>, vector<64x4xf32>
    %dot_general3A_67 = arith.constant dense<0.000000e+00> : vector<1000x4xf32>
    %dot_general3A_68 = tpu.matmul %max3A_19, %get3A_66, %dot_general3A_67 {dimension_numbers = #tpu.dot_dimension_numbers<[1], [0], [0], [1], [0, 0, 1, 1], [], []>, transpose_lhs_hint = false} : vector<1000x64xf32>, vector<64x4xf32>, vector<1000x4xf32> -> vector<1000x4xf32>
    %swap3A_69 = arith.constant 0 : index
    %swap3A_70 = arith.constant 0 : index
    %swap3A_71 = vector.load %arg7[%swap3A_69, %swap3A_70] : memref<1000x4xf32, #tpu.memory_space<vmem>>, vector<1000x4xf32>
    tpu.vector_store %arg7[%swap3A_69, %swap3A_70], %dot_general3A_68 {strides = array<i32>} : memref<1000x4xf32, #tpu.memory_space<vmem>>, vector<1000x4xf32>,
    return
  }
  func.func @transform_0(%arg0: i32) -> (i32, i32, i32) {
    %c0_i32 = arith.constant 0 : i32
    %c0_i32_0 = arith.constant 0 : i32
    %c0_i32_1 = arith.constant 0 : i32
    return %c0_i32, %arg0, %c0_i32_0 : i32, i32, i32
  }
  func.func @transform_1(%arg0: i32) -> (i32, i32) {
    %c0_i32 = arith.constant 0 : i32
    %c0_i32_0 = arith.constant 0 : i32
    return %arg0, %c0_i32 : i32, i32
  }
  func.func @transform_2(%arg0: i32) -> (i32, i32) {
    %c0_i32 = arith.constant 0 : i32
    %c0_i32_0 = arith.constant 0 : i32
    %c0_i32_1 = arith.constant 0 : i32
    return %c0_i32, %c0_i32_0 : i32, i32
  }
  func.func @transform_3(%arg0: i32) -> (i32, i32) {
    %c0_i32 = arith.constant 0 : i32
    %c0_i32_0 = arith.constant 0 : i32
    %c0_i32_1 = arith.constant 0 : i32
    return %c0_i32, %c0_i32_0 : i32, i32
  }
  func.func @transform_4(%arg0: i32) -> (i32, i32) {
    %c0_i32 = arith.constant 0 : i32
    %c0_i32_0 = arith.constant 0 : i32
    %c0_i32_1 = arith.constant 0 : i32
    return %c0_i32, %c0_i32_0 : i32, i32
  }
  func.func @transform_5(%arg0: i32) -> (i32, i32, i32) {
    %c0_i32 = arith.constant 0 : i32
    %c0_i32_0 = arith.constant 0 : i32
    %c0_i32_1 = arith.constant 0 : i32
    return %c0_i32, %arg0, %c0_i32_0 : i32, i32, i32
  }
  func.func @transform_6(%arg0: i32) -> (i32, i32) {
    %c0_i32 = arith.constant 0 : i32
    %c0_i32_0 = arith.constant 0 : i32
    return %arg0, %c0_i32 : i32, i32
  }
}

module attributes {stable_mosaic.version = 14 : i64} {
  func.func @body(%arg0: i32, %arg1: memref<2x10000x8xf32, #tpu.memory_space<vmem>>, %arg2: memref<10000x4xf32, #tpu.memory_space<vmem>>, %arg3: memref<1x4xf32, #tpu.memory_space<vmem>>, %arg4: memref<10000x4xf32, #tpu.memory_space<vmem>>) attributes {dimension_semantics = [#tpu.dimension_semantics<arbitrary>], iteration_bounds = array<i64: 1>, scalar_prefetch = 0 : i64, scratch_operands = 0 : i64, tpu.core_type = #tpu.core_type<tc>, window_params = [{transform_indices = @transform_0, window_bounds = array<i64: 2, 10000, 8>}, {pipeline_mode = #tpu.pipeline_mode<synchronous>, transform_indices = @transform_1, window_bounds = array<i64: 10000, 4>}, {pipeline_mode = #tpu.pipeline_mode<synchronous>, transform_indices = @transform_2, window_bounds = array<i64: 1, 4>}, {pipeline_mode = #tpu.pipeline_mode<synchronous>, transform_indices = @transform_3, window_bounds = array<i64: 10000, 4>}]} {
    %get3A = arith.constant 0 : index
    %get3A_0 = arith.constant 0 : index
    %get3A_1 = arith.constant 0 : index
    %get3A_2 = vector.load %arg1[%get3A, %get3A_0, %get3A_1] : memref<2x10000x8xf32, #tpu.memory_space<vmem>>, vector<1x10000x8xf32>
    %get3A_3 = vector.shape_cast %get3A_2 : vector<1x10000x8xf32> to vector<10000x8xf32>
    %get3A_4 = arith.constant 1 : index
    %get3A_5 = arith.constant 0 : index
    %get3A_6 = arith.constant 0 : index
    %get3A_7 = vector.load %arg1[%get3A_4, %get3A_5, %get3A_6] : memref<2x10000x8xf32, #tpu.memory_space<vmem>>, vector<1x10000x8xf32>
    %get3A_8 = vector.shape_cast %get3A_7 : vector<1x10000x8xf32> to vector<10000x8xf32>
    %add3A = arith.addf %get3A_3, %get3A_8 : vector<10000x8xf32>
    %slice3A = vector.extract_strided_slice %add3A {offsets = [0, 0], sizes = [10000, 4], strides = [1, 1]} : vector<10000x8xf32> to vector<10000x4xf32>
    %get3A_9 = arith.constant 0 : index
    %get3A_10 = arith.constant 0 : index
    %get3A_11 = vector.load %arg2[%get3A_9, %get3A_10] : memref<10000x4xf32, #tpu.memory_space<vmem>>, vector<10000x4xf32>
    %add3A_12 = arith.addf %slice3A, %get3A_11 : vector<10000x4xf32>
    %get3A_13 = arith.constant 0 : index
    %get3A_14 = arith.constant 0 : index
    %get3A_15 = vector.load %arg3[%get3A_13, %get3A_14] : memref<1x4xf32, #tpu.memory_space<vmem>>, vector<1x4xf32>
    %add3A_16 = vector.broadcast %get3A_15 : vector<1x4xf32> to vector<10000x4xf32>
    %add3A_17 = arith.addf %add3A_12, %add3A_16 : vector<10000x4xf32>
    %reduce_max3A = arith.constant dense<0xFF800000> : vector<10000xf32>
    %reduce_max3A_18 = vector.multi_reduction <maximumf>, %add3A_17, %reduce_max3A [1] : vector<10000x4xf32> to vector<10000xf32>
    %broadcast_in_dim3A = vector.shape_cast %reduce_max3A_18 : vector<10000xf32> to vector<10000x1xf32>
    %sub3A = vector.broadcast %broadcast_in_dim3A : vector<10000x1xf32> to vector<10000x4xf32>
    %sub3A_19 = arith.subf %add3A_17, %sub3A : vector<10000x4xf32>
    %exp3A = math.exp %sub3A_19 : vector<10000x4xf32>
    %reduce_sum3A = arith.constant dense<0.000000e+00> : vector<10000xf32>
    %reduce_sum3A_20 = vector.multi_reduction <add>, %exp3A, %reduce_sum3A [1] : vector<10000x4xf32> to vector<10000xf32>
    %broadcast_in_dim3A_21 = vector.shape_cast %reduce_sum3A_20 : vector<10000xf32> to vector<10000x1xf32>
    %log3A = math.log %broadcast_in_dim3A_21 : vector<10000x1xf32>
    %add3A_22 = arith.addf %log3A, %broadcast_in_dim3A : vector<10000x1xf32>
    %sub3A_23 = vector.broadcast %add3A_22 : vector<10000x1xf32> to vector<10000x4xf32>
    %sub3A_24 = arith.subf %add3A_17, %sub3A_23 : vector<10000x4xf32>
    %swap3A = arith.constant 0 : index
    %swap3A_25 = arith.constant 0 : index
    %swap3A_26 = vector.load %arg4[%swap3A, %swap3A_25] : memref<10000x4xf32, #tpu.memory_space<vmem>>, vector<10000x4xf32>
    tpu.vector_store %arg4[%swap3A, %swap3A_25], %sub3A_24 {strides = array<i32>} : memref<10000x4xf32, #tpu.memory_space<vmem>>, vector<10000x4xf32>,
    return
  }
  func.func @transform_0(%arg0: i32) -> (i32, i32, i32) {
    %c0_i32 = arith.constant 0 : i32
    %c0_i32_0 = arith.constant 0 : i32
    %c0_i32_1 = arith.constant 0 : i32
    %c0_i32_2 = arith.constant 0 : i32
    return %c0_i32, %c0_i32_0, %c0_i32_1 : i32, i32, i32
  }
  func.func @transform_1(%arg0: i32) -> (i32, i32) {
    %c0_i32 = arith.constant 0 : i32
    %c0_i32_0 = arith.constant 0 : i32
    %c0_i32_1 = arith.constant 0 : i32
    return %c0_i32, %c0_i32_0 : i32, i32
  }
  func.func @transform_2(%arg0: i32) -> (i32, i32) {
    %c0_i32 = arith.constant 0 : i32
    %c0_i32_0 = arith.constant 0 : i32
    %c0_i32_1 = arith.constant 0 : i32
    return %c0_i32, %c0_i32_0 : i32, i32
  }
  func.func @transform_3(%arg0: i32) -> (i32, i32) {
    %c0_i32 = arith.constant 0 : i32
    %c0_i32_0 = arith.constant 0 : i32
    %c0_i32_1 = arith.constant 0 : i32
    return %c0_i32, %c0_i32_0 : i32, i32
  }
}

</mosaic_0001>

<sc_bundles>
// kernel: kernel.10.cloned.1.call-start
scs
__scs_entry_jumppad:
0x0: {  	(pc) =	sbr.rel $0x88, $3  }
0x1: {  	(tag) =	ssettag $0x0;
	lr =	simm.s32 $0x1  }
0x2: {  	[smem:$0x3F99] =	sst lr;
	_ =	strace $0xD0000000  }
0x3: {  	_ = 	snop  }
0x4: {  	_ = 	snop  }
0x5: {  	_ = 	snop  }
0x6: {  	_ = 	snop  }
0x7: {  	_ = 	snop  }
__scs_overlays_trampoline_lowered:
0x8: {  	[smem:$0x3FA8] =	sst s0  }
0x9: {  	[smem:$0x3FA9] =	sst s1  }
0xa: {  	[smem:$0x3FAA] =	sst s2  }
0xb: {  	[smem:$0x3FAB] =	sst s3  }
0xc: {  	[smem:$0x3FAC] =	sst s4  }
0xd: {  	[smem:$0x3FAD] =	sst s5  }
0xe: {  	[smem:$0x3FAE] =	sst s6  }
0xf: {  	[smem:$0x3FAF] =	sst s7  }
0x10: {  	[smem:$0x3FB0] =	sst s8  }
0x11: {  	[smem:$0x3FB1] =	sst s9;
	s0 =	simm.s32 @!p0 $0x0  }
0x12: {  	s1 =	sld [smem:$0x3F97];
	s0 =	simm.s32 @p0 $0x1  }
0x13: {  	[smem:$0x3FB2] =	sst s0;
	s0 =	simm.s32 @!p1 $0x0  }
0x14: {  	s2 =	sld [smem:$0x3F96];
	s0 =	simm.s32 @p1 $0x1  }
0x15: {  	[smem:$0x3FB3] =	sst s0;
	s0 =	simm.s32 @!p2 $0x0  }
0x16: {  	s3 =	sld [smem:$0x3FDB];
	s0 =	simm.s32 @p2 $0x1  }
0x17: {  	s4 =	simm.s32 $0x1BF5;
	[smem:$0x3FB5] =	sst s0  }
0x18: {  	s0 =	sld [smem:$0x3F98];
	_ =	swait.ge [sflag:s4], $0x0  }
0x19: {  	s7 =	sld [smem:$0x3F99]  }
0x1a: {  	s8 =	sadd.s32 $0xFFFFE003, lr  }
0x1b: {  	s9 =	sadd.s32 $0xFFFFFEF7, lr;
	s5 =	simm.s32 $0xFFFFFFFF;
	p2 =	slt.u32 s8, $0xFFFFF086  }
0x1c: {  	p1 =	slt.u32 s9, $0xF7A;
	s5 =	simm.s32 @!p2 $0x0  }
0x1d: {  	s5 =	simm.s32 @p1 $0x1;
	p0 =	seq.s32 s7, s2  }
0x1e: {  	s7 =	smul.u32 @!p0 $0xF7A, s2;
	p2 =	seq.s32 @!p0 s5, $0x0  }
0x1f: {  	s9 =	smul.u32 $0xF7A, s1;
	s8 =	simm.s32 @!p0 $0x1BF5;
	p2 =	por !p2, p0  }
0x20: {  	[sflag:s8] =	ssyncset.s32 @!p0 $0xFFFFF086;
	s6 =	sadd.s32 @!p0 s3, s7;
	s7 =	simm.s32 @!p0 $0x108  }
0x21: {  	s3 =	sadd.s32 s3, s9;
	s6 =	sadd.s32 @!p0 $0x88, s6;
	s7 =	simm.s32 @p2 $0x1082  }
0x22: {  	[simem:s7], [sflag:s8] =	dma.local @!p0 [hbm:s6], $0xF7A  }
0x23: {  	s9 =	sor.u32 $0xD0000000, s2;
	s6 =	simm.s32 $0x108;
	_ =	swait.ge @!p0 [sflag:s8], $0x0  }
0x24: {  	s3 =	sadd.s32 $0x88, s3;
	s6 =	simm.s32 @!p1 $0x1082;
	[sflag:s4] =	ssyncset.s32 $0xFFFFF086  }
0x25: {  	[simem:s6], [sflag:s4] =	dma.local [hbm:s3], $0xF7A  }
0x26: {  	[smem:$0x3F99] =	sst s1;
	(tag) =	ssettag s2;
	_ =	strace s9  }
0x27: {  	s1 =	sld [smem:$0x3FA9]  }
0x28: {  	s2 =	sld [smem:$0x3FAA]  }
0x29: {  	s4 =	sld [smem:$0x3FAC]  }
0x2a: {  	p0 =	seq.s32 s5, $0x0;
	s5 =	sld [smem:$0x3FAD]  }
0x2b: {  	s6 =	sld [smem:$0x3FAE]  }
0x2c: {  	s7 =	sld [smem:$0x3FAF]  }
0x2d: {  	s3 =	simm.s32 $0x108;
	s8 =	sld [smem:$0x3FB0]  }
0x2e: {  	s3 =	simm.s32 @!p0 $0x1082;
	s9 =	sld [smem:$0x3FB1]  }
0x2f: {  	lr =	sadd.s32 s0, s3;
	s0 =	sld [smem:$0x3FA8]  }
0x30: {  	s3 =	sld [smem:$0x3FAB]  }
0x31: {  	[smem:$0x3FB4] =	sst s10  }
0x32: {  	s10 =	sld [smem:$0x3FB2];
	_ =	sdelay $0x3  }
0x33: {  	p0 =	seq.s32 s10, $0x1;
	s10 =	sld [smem:$0x3FB4];
	_ =	sdelay $0x3  }
0x34: {  	[smem:$0x3FB4] =	sst s10  }
0x35: {  	s10 =	sld [smem:$0x3FB3];
	_ =	sdelay $0x3  }
0x36: {  	p1 =	seq.s32 s10, $0x1;
	s10 =	sld [smem:$0x3FB4];
	_ =	sdelay $0x3  }
0x37: {  	[smem:$0x3FB4] =	sst s10  }
0x38: {  	s10 =	sld [smem:$0x3FB5]  }
0x39: {  	_ = 	snop;
	(pc) =	sbr.ind lr, $3  }
0x3a: {  	_ = 	snop  }
0x3b: {  	_ = 	snop  }
0x3c: {  	p2 =	seq.s32 s10, $0x1;
	s10 =	sld [smem:$0x3FB4]  }
0x3d: {  	_ =	shalt  }
0x3e: {  	_ =	shalt  }
0x3f: {  	_ =	shalt  }
0x40: {  	_ =	shalt  }
0x41: {  	_ =	shalt  }
0x42: {  	_ =	shalt  }
0x43: {  	_ =	shalt  }
0x44: {  	_ =	shalt  }
0x45: {  	_ =	shalt  }
0x46: {  	_ =	shalt  }
0x47: {  	_ =	shalt  }
0x48: {  	_ =	shalt  }
0x49: {  	_ =	shalt  }
0x4a: {  	_ =	shalt  }
0x4b: {  	_ =	shalt  }
0x4c: {  	_ =	shalt  }
0x4d: {  	_ =	shalt  }
0x4e: {  	_ =	shalt  }
0x4f: {  	_ =	shalt  }
0x50: {  	_ =	shalt  }
0x51: {  	_ =	shalt  }
0x52: {  	_ =	shalt  }
0x53: {  	_ =	shalt  }
0x54: {  	_ =	shalt  }
0x55: {  	_ =	shalt  }
0x56: {  	_ =	shalt  }
0x57: {  	_ =	shalt  }
0x58: {  	_ =	shalt  }
0x59: {  	_ =	shalt  }
0x5a: {  	_ =	shalt  }
0x5b: {  	_ =	shalt  }
0x5c: {  	_ =	shalt  }
0x5d: {  	_ =	shalt  }
0x5e: {  	_ =	shalt  }
0x5f: {  	_ =	shalt  }
0x60: {  	_ =	shalt  }
0x61: {  	_ =	shalt  }
0x62: {  	_ =	shalt  }
0x63: {  	_ =	shalt  }
0x64: {  	_ =	shalt  }
0x65: {  	_ =	shalt  }
0x66: {  	_ =	shalt  }
0x67: {  	_ =	shalt  }
0x68: {  	_ =	shalt  }
0x69: {  	_ =	shalt  }
0x6a: {  	_ =	shalt  }
0x6b: {  	_ =	shalt  }
0x6c: {  	_ =	shalt  }
0x6d: {  	_ =	shalt  }
0x6e: {  	_ =	shalt  }
0x6f: {  	_ =	shalt  }
0x70: {  	_ =	shalt  }
0x71: {  	_ =	shalt  }
0x72: {  	_ =	shalt  }
0x73: {  	_ =	shalt  }
0x74: {  	_ =	shalt  }
0x75: {  	_ =	shalt  }
0x76: {  	_ =	shalt  }
0x77: {  	_ =	shalt  }
0x78: {  	_ =	shalt  }
0x79: {  	_ =	shalt  }
0x7a: {  	_ =	shalt  }
0x7b: {  	_ =	shalt  }
0x7c: {  	_ =	shalt  }
0x7d: {  	_ =	shalt  }
0x7e: {  	_ =	shalt  }
0x7f: {  	_ =	shalt  }
0x80: {  	_ =	shalt  }
0x81: {  	_ =	shalt  }
0x82: {  	_ =	shalt  }
0x83: {  	_ =	shalt  }
0x84: {  	_ =	shalt  }
0x85: {  	_ =	shalt  }
0x86: {  	_ =	shalt  }
0x87: {  	_ =	shalt  }
.Lfunc_end0:
.L_simem_size_0:
called_computation.1_lowered:
.L_overlay_start_0:
0x88: {  	s2 =	sld [smem:$0x3FD9]  }
0x89: {  	s3 =	sld [smem:$0x3FFE];
	_ =	sdelay $0x1  }
0x8a: {  	s1 =	srdreg.scid  }
0x8b: {  	s0 =	sand.u32 $0x1, s1  }
0x8c: {  	s17 =	sshll.u32 s0, $0xA;
	s2 =	sadd.s32 s3, s2  }
0x8d: {  	s2 =	sadd.s32 s2, s17  }
0x8e: {  	[smem:$0x3FC0] =	sst s2  }
0x8f: {  	_ = 	snop  }
0x90: {  	s2 =	sld [smem:$0x3FC8]  }
0x91: {  	s18 =	sld [smem:$0x3FD0];
	(tm) =	ssettm $0x1  }
0x92: {  	s4 =	sld [smem:$0x3FFB];
	_ =	sdelay $0x3  }
0x93: {  	_ =	strace s4  }
0x94: {  	s4 =	sld [smem:$0x3FFC];
	_ =	sdelay $0x3  }
0x95: {  	_ =	strace s4  }
0x96: {  	s4 =	sld [smem:$0x3FFD];
	_ =	sdelay $0x3  }
0x97: {  	_ =	strace s4  }
0x98: {  	_ =	strace $0x8FFFFFFF  }
0x99: {  	s19 =	sld [smem:$0x3FDB];
	_ =	sdelay $0x1  }
0x9a: {  	s5 =	simm.s32 $_scs_section_size  }
0x9b: {  	s6 =	simm.s32 $_size__tile_overlayer_lowered;
	s7 =	simm.s32 $_tile_overlayer_lowered  }
0x9c: {  	s22 =	simm.s32 $0x1BFF;
	s21 =	sshll.u32 s7, $0x1;
	s4 =	sadd.s32 s5, s19  }
0x9d: {  	s8 =	simm.s32 $0x0;
	s20 =	sshll.u32 s6, $0x1;
	s6 =	sadd.s32 s21, s4  }
0x9e: {  	[timem:s8], [sflag:s22] =	dma.local [hbm:s6], s20  }
0x9f: {  	_ =	swait.ge [sflag:s22], s20  }
0xa0: {  	s5 =	ssub.s32 $0x0, s20;
	[sflag:s22] =	ssyncset.done $0x0  }
0xa1: {  	[sflag:s22] =	ssyncadd.s32 s5;
	_ =	sdelay $0x1  }
0xa2: {  	s23 =	simm.s32 $0x1B8B  }
0xa3: {  	_ =	swait.ge [sflag:s23], $0x1  }
0xa4: {  	[sflag:s23] =	ssyncset.done $0x0  }
0xa5: {  	s25 =	simm.s32 $0x1B8E;
	s24 =	sld [smem:$0x3FFE];
	[sflag:s23] =	ssyncadd.s32 $0xFFFFFFFF  }
0xa6: {  	s26 =	simm.s32 $execute0_lowered;
	[smem:$0x3FD2] =	sst s25  }
0xa7: {  	s6 =	sshll.u32 s26, $0x1;
	_ =	strace $0x80000049;
	[dreg:$0x1] =	wrdreg $0xFFFFFFFF  }
0xa8: {  	s28 =	simm.s32 $_size_execute0_lowered;
	s4 =	sadd.s32 s4, s6;
	[dreg:$0x0] =	wrdreg $0x0  }
0xa9: {  	s6 =	sshll.u32 s28, $0x1;
	[dreg:$0x2] =	wrdreg s4  }
0xaa: {  	[dreg:$0x3] =	wrdreg s6  }
0xab: {  	[dreg:$0x4] =	wrdreg $0xC0  }
0xac: {  	_ =	task [dreg:s8], $0x5FFFF  }
0xad: {  	[dreg:$0x1] =	wrdreg $0xFFFFFFFF  }
0xae: {  	[dreg:$0x0] =	wrdreg $0x60  }
0xaf: {  	[dreg:$0x2] =	wrdreg s24  }
0xb0: {  	[dreg:$0x3] =	wrdreg s2  }
0xb1: {  	[dreg:$0x4] =	wrdreg s18  }
0xb2: {  	[dreg:$0x5] =	wrdreg $0xF6E00  }
0xb3: {  	[dreg:$0x6] =	wrdreg $0x9  }
0xb4: {  	_ =	task.clear_ibuf [dreg:s8], $0x7FFFF;
	_ =	strace $0x90000049  }
0xb5: {  	s29 =	simm.s32 $0x9;
	_ =	strace $0x8000004B  }
0xb6: {  	_ =	swait.ge [sflag:s29], $0x1  }
0xb7: {  	[sflag:s29] =	ssyncadd.s32 $0xFFFFFFFF  }
0xb8: {  	_ =	strace $0x9000004B  }
0xb9: {  	_ =	sfence  }
0xba: {  	s30 =	sld [smem:$0x0];
	_ =	sdelay $0x2  }
0xbb: {  	s31 =	sshll.u32 s1, $0xD;
	s1 =	sshrl.u32 s1, $0x2  }
0xbc: {  	s3 =	sand.u32 $0x4000, s31;
	s1 =	sadd.s32 s1, s30  }
0xbd: {  	s0 =	sor.u32 s3, s0;
	s1 =	sshll.u32 s1, $0x11  }
0xbe: {  	s0 =	sor.u32 s1, s0  }
0xbf: {  	s0 =	sadd.s32 $0x8F2B, s0  }
0xc0: {  	[sflag:s0] =	ssyncadd.remote.s32 $0x1  }
0xc1: {  	_ =	sfence.sel $0xFFFF  }
0xc2: {  	[dreg:$0x0] =	wrdreg $0xFFFFFFFF;
	(pc) =	sbr.abs _section_cstart, $3  }
0xc3: {  	[dreg:$0x1] =	wrdreg $0xFFFFFFFF  }
0xc4: {  	_ =	task.clear_ibuf [dreg:s8], $0x2FFFF;
	_ =	strace $0x9FFFFFFF  }
0xc5: {  	(tm) =	ssettm $0x7FFFFFFF  }
tec
execute0_lowered:
.L_overlay_start_1:
0x0: {  	(tag) =	ssettag $0x1  }
0x1: {  	s0 =	rddreg [dreg:$0x0]  }
0x2: {  	s1 =	rddreg [dreg:$0x1]  }
0x3: {  	s2 =	srdreg.scid;
	s3 =	rddreg [dreg:$0x3]  }
0x4: {  	s7 =	stileid.u32;
	s4 =	simm.s32 $0x0;
	s28 =	simm.s32 $0xB  }
0x5: {  	s31 =	simm.s32 $0x50;
	s30 =	simm.s32 $0xF1E0;
	s29 =	simm.s32 $0xF460  }
0x6: {  	s2 =	sand.u32 $0x1, s2;
	[smem:$0x7FF] =	sst s4;
	s13 =	smul.u32 $0x1400, s7  }
0x7: {  	s5 =	sshll.u32 s2, $0x4;
	_ =	strace $0x8000004A;
	s9 =	ssub.s32 $0x2, s2  }
0x8: {  	s2 =	smul.u32 $0x14000, s2;
	s5 =	sor.u32 s7, s5;
	s8 =	sshrl.u32 s9, $0x1  }
0x9: {  	s14 =	sor.u32 $0x280, s13;
	s7 =	sadd.s32 s13, s3;
	s17 =	sadd.s32 $0x500, s13  }
0xa: {  	s18 =	sadd.s32 $0x780, s13;
	s19 =	sadd.s32 $0xA00, s13;
	s20 =	sadd.s32 $0xC80, s13  }
0xb: {  	s21 =	sadd.s32 $0xF00, s13;
	s10 =	sadd.s32 $0x1180, s13;
	s6 =	smul.u32 $0x9C4, s5  }
0xc: {  	s5 =	sadd.s32 $0x28A00, s0;
	s16 =	ssub.s32 s9, s8;
	s24 =	sadd.s32 s14, s3  }
0xd: {  	s25 =	sadd.s32 s17, s3;
	s11 =	sadd.s32 s18, s3;
	s12 =	sadd.s32 s19, s3  }
0xe: {  	s8 =	sadd.s32 s20, s3;
	s9 =	sadd.s32 s21, s3;
	s13 =	sadd.s32 s13, s2  }
0xf: {  	s22 =	sadd.s32 s2, s14;
	s17 =	sadd.s32 s2, s17;
	s18 =	sadd.s32 s2, s18  }
0x10: {  	s19 =	sadd.s32 s2, s19;
	s20 =	sadd.s32 s2, s20;
	s21 =	sadd.s32 s2, s21  }
0x11: {  	s2 =	sadd.s32 s2, s10;
	s10 =	sadd.s32 s10, s3;
	[dreg:$0x5] =	wrdreg s8  }
0x12: {  	s23 =	sshrl.u32 s13, $0x3;
	s26 =	sshrl.u32 s22, $0x3;
	[dreg:$0x6] =	wrdreg s12  }
0x13: {  	s14 =	sshrl.u32 s17, $0x3;
	s17 =	sshrl.u32 s18, $0x3;
	[dreg:$0x7] =	wrdreg s9  }
0x14: {  	s18 =	sshrl.u32 s19, $0x3;
	s20 =	sshrl.u32 s20, $0x3;
	[dreg:$0x9] =	wrdreg s10  }
0x15: {  	s15 =	sadd.s32 s6, s0;
	s0 =	sadd.s32 $0x113000, s0;
	s1 =	sadd.s32 s1, s6  }
0x16: {  	s21 =	sshrl.u32 s21, $0x3;
	[dreg:$0x8] =	wrdreg s1;
	s1 =	sadd.s32 s0, s23  }
0x17: {  	s2 =	sshrl.u32 s2, $0x3;
	s13 =	sadd.s32 s0, s26;
	[dreg:$0xa] =	wrdreg s1  }
0x18: {  	s19 =	sadd.s32 s0, s18;
	s22 =	sadd.s32 $0x15000, s15;
	[dreg:$0xb] =	wrdreg s13  }
0x19: {  	s23 =	sadd.s32 $0x1600, s15;
	s26 =	smax.u32 s16, $0x1;
	[dreg:$0xe] =	wrdreg s19  }
0x1a: {  	s15 =	simm.s32 $0x2;
	s16 =	simm.s32 $0x7;
	[dreg:$0x12] =	wrdreg s22  }
0x1b: {  	s18 =	simm.s32 $0x8;
	s1 =	sadd.s32 s0, s14;
	[dreg:$0x13] =	wrdreg s23  }
0x1c: {  	[dreg:$0x14] =	wrdreg s26;
	s26 =	simm.s32 $0xEA60;
	s13 =	simm.s32 $0x6  }
0x1d: {  	s19 =	simm.s32 $0x4;
	s22 =	simm.s32 $0xA;
	s23 =	simm.s32 $0x0  }
0x1e: {  	[dreg:$0xc] =	wrdreg s1;
	s1 =	sadd.s32 s0, s17;
	s17 =	simm.s32 $0x3  }
0x1f: {  	[dreg:$0xd] =	wrdreg s1;
	s1 =	sadd.s32 s0, s20;
	s20 =	simm.s32 $0x9  }
0x20: {  	[dreg:$0xf] =	wrdreg s1;
	s1 =	sadd.s32 s0, s21;
	s0 =	sadd.s32 s0, s2  }
0x21: {  	s2 =	simm.s32 $0xEF60;
	s21 =	simm.s32 $0x5;
	[dreg:$0x10] =	wrdreg s1  }
0x22: {  	[dreg:$0x11] =	wrdreg s0;
	s0 =	simm.s32 $0xECE0;
	s1 =	simm.s32 $0x1  }
.LBB2_1:
0x23: {  	s6 =	rddreg [dreg:$0x2]  }
0x24: {  	[tilespmem:s26], [sflag:$0xB] =	stream.linear.gather [hbm4b:s6+s4], $0x280, $0x38;
	[tilespmem:$0x10AE0] =	vst v63  }
0x25: {  	_ =	swait.ge [sflag:s28], $0x280  }
0x26: {  	[sflag:s28] =	ssyncset.done $0x0  }
0x27: {  	[sflag:s28] =	ssyncadd.s32 $0xFFFFFD80  }
0x28: {  	[spmem:s7] =	stream.linear.scatter [tilespmem:s26], [sflag:$0xB], $0x280, $0x38;
	[tilespmem:$0x10AE0] =	vst v63  }
0x29: {  	_ =	swait.ge [sflag:s28], $0x280  }
0x2a: {  	[sflag:s28] =	ssyncset.done $0x0  }
0x2b: {  	[sflag:s28] =	ssyncadd.s32 $0xFFFFFD80  }
0x2c: {  	[spmem:s24] =	stream.linear.scatter [tilespmem:s26], [sflag:$0xB], $0x280, $0x38;
	[tilespmem:$0x10AE0] =	vst v63  }
0x2d: {  	_ =	swait.ge [sflag:s28], $0x280  }
0x2e: {  	[sflag:s28] =	ssyncset.done $0x0  }
0x2f: {  	[sflag:s28] =	ssyncadd.s32 $0xFFFFFD80  }
0x30: {  	[spmem:s25] =	stream.linear.scatter [tilespmem:s26], [sflag:$0xB], $0x280, $0x38;
	[tilespmem:$0x10AE0] =	vst v63  }
0x31: {  	_ =	swait.ge [sflag:s28], $0x280  }
0x32: {  	[sflag:s28] =	ssyncset.done $0x0  }
0x33: {  	[sflag:s28] =	ssyncadd.s32 $0xFFFFFD80  }
0x34: {  	[spmem:s11] =	stream.linear.scatter [tilespmem:s26], [sflag:$0xB], $0x280, $0x38;
	[tilespmem:$0x10AE0] =	vst v63  }
0x35: {  	_ =	swait.ge [sflag:s28], $0x280  }
0x36: {  	[sflag:s28] =	ssyncset.done $0x0  }
0x37: {  	[sflag:s28] =	ssyncadd.s32 $0xFFFFFD80  }
0x38: {  	[spmem:s12] =	stream.linear.scatter [tilespmem:s26], [sflag:$0xB], $0x280, $0x38;
	[tilespmem:$0x10AE0] =	vst v63  }
0x39: {  	_ =	swait.ge [sflag:s28], $0x280  }
0x3a: {  	[sflag:s28] =	ssyncset.done $0x0  }
0x3b: {  	[sflag:s28] =	ssyncadd.s32 $0xFFFFFD80  }
0x3c: {  	[spmem:s8] =	stream.linear.scatter [tilespmem:s26], [sflag:$0xB], $0x280, $0x38;
	[tilespmem:$0x10AE0] =	vst v63  }
0x3d: {  	_ =	swait.ge [sflag:s28], $0x280  }
0x3e: {  	[sflag:s28] =	ssyncset.done $0x0  }
0x3f: {  	s14 =	smov.u32 s7;
	s7 =	smov.u32 s9;
	[sflag:s28] =	ssyncadd.s32 $0xFFFFFD80  }
0x40: {  	[spmem:s7] =	stream.linear.scatter [tilespmem:s26], [sflag:$0xB], $0x280, $0x38;
	[tilespmem:$0x10AE0] =	vst v63  }
0x41: {  	_ =	swait.ge [sflag:s28], $0x280  }
0x42: {  	[sflag:s28] =	ssyncset.done $0x0  }
0x43: {  	s6 =	smov.u32 s10;
	[sflag:s28] =	ssyncadd.s32 $0xFFFFFD80  }
0x44: {  	[spmem:s6] =	stream.linear.scatter [tilespmem:s26], [sflag:$0xB], $0x280, $0x38;
	[tilespmem:$0x10AE0] =	vst v63  }
0x45: {  	_ =	swait.ge [sflag:s28], $0x280  }
0x46: {  	[sflag:s28] =	ssyncset.done $0x0  }
0x47: {  	s7 =	rddreg [dreg:$0x12];
	[sflag:s28] =	ssyncadd.s32 $0xFFFFFD80  }
0x48: {  	[tilespmem:s4], [sflag:$0xB] =	stream.linear.gather [hbm4b:s7+s4], $0x4E20, $0x38;
	[tilespmem:$0x10AE0] =	vst v63  }
0x49: {  	_ =	swait.ge [sflag:s28], $0x4E20  }
0x4a: {  	[sflag:s28] =	ssyncset.done $0x0  }
0x4b: {  	s12 =	simm.s32 $0x4E20;
	s8 =	rddreg [dreg:$0x8];
	[sflag:s28] =	ssyncadd.s32 $0xFFFFB1E0  }
0x4c: {  	[tilespmem:s12], [sflag:$0xB] =	stream.linear.gather [hbm4b:s8+s4], $0x4E20, $0x38;
	[tilespmem:$0x10AE0] =	vst v63  }
0x4d: {  	_ =	swait.ge [sflag:s28], $0x4E20  }
0x4e: {  	s10 =	smov.u32 s25;
	s9 =	smov.u32 s24;
	[sflag:s28] =	ssyncset.done $0x0  }
0x4f: {  	s25 =	simm.s32 $0x9C40;
	s24 =	rddreg [dreg:$0x13];
	[sflag:s28] =	ssyncadd.s32 $0xFFFFB1E0  }
0x50: {  	[tilespmem:s25], [sflag:$0xB] =	stream.linear.gather [hbm4b:s24+s4], $0x4E20, $0x38;
	[tilespmem:$0x10AE0] =	vst v63  }
0x51: {  	_ =	swait.ge [sflag:s28], $0x4E20  }
0x52: {  	[sflag:s28] =	ssyncset.done $0x0  }
0x53: {  	s25 =	simm.s32 $0x0;
	[sflag:s28] =	ssyncadd.s32 $0xFFFFB1E0  }
0x54: {  	v3 =	vld [tilespmem:s25+$0x4E40]  }
0x55: {  	v4 =	vld [tilespmem:s25+$0x4E20]  }
0x56: {  	v2 =	vld [tilespmem:s25+$0x4E50]  }
0x57: {  	v5 =	vld [tilespmem:s25+$0x4E60]  }
0x58: {  	s24 =	simm.s32 $0x50;
	v12 =	vld [tilespmem:s25+$0x20]  }
0x59: {  	v0 =	vld [tilespmem:s24+$0x4E20]  }
0x5a: {  	v8 =	vld [tilespmem:s24+$0x4E40]  }
0x5b: {  	v9 =	vld [tilespmem:s25+$0x4E30]  }
0x5c: {  	v1 =	vld [tilespmem:s24+$0x4E50];
	v6 =	vshrl.u32 v4, $0x4;
	v7 =	vshrl.u32 v3, $0x4  }
0x5d: {  	v10 =	vld [tilespmem:s25+$0x40];
	v18 =	vand.u32 $0xF, v3;
	v3 =	vshrl.u32 v5, $0x4;
	v17 =	vshll.u32 v12, $0x4  }
0x5e: {  	v13 =	vld [tilespmem:s25+$0x10];
	v12 =	vand.u32 $0xF, v5;
	v16 =	vshrl.u32 v0, $0x4;
	v15 =	vmul.u32 $0x27100, v7  }
0x5f: {  	v14 =	vld [tilespmem:s25+$0x0];
	v5 =	vshrl.u32 v8, $0x4;
	v6 =	vmul.u32 $0x27100, v6;
	v7 =	vshrl.u32 v2, $0x4  }
0x60: {  	v11 =	vmul.u32 $0x27100, v3;
	v3 =	vld [tilespmem:s24+$0x4E60];
	v5 =	vmul.u32 $0x27100, v5;
	v15 =	vadd.s32 v17, v15  }
0x61: {  	s6 =	simm.s32 $0x280;
	v7 =	vmul.u32 $0x27100, v7;
	v17 =	vshrl.u32 v9, $0x4;
	v18 =	vor.u32 v18, v15;
	v15 =	vld [tilespmem:s25+$0x30]  }
.LBB2_2:
0x62: {  	s7 =	sshra.s32 s6, $0x2;
	p0 =	sne.s32 s6, $0x13740;
	s6 =	sadd.s32 $0x140, s6;
	v16 =	vmul.u32 $0x27100, v16;
	v19 =	vld [tilespmem:s24+$0x4E30];
	v17 =	vmul.u32 $0x27100, v17;
	[tilespmem:s25+$0x20] =	vst v18;
	v18 =	vand.u32 $0xF, v2;
	v2 =	vmovc v1  }
0x63: {  	v21 =	vand.u32 $0xF, v4;
	v10 =	vshll.u32 v10, $0x4;
	v4 =	vmovc v0;
	v20 =	vld [tilespmem:s7+$0x4E40];
	v1 =	vshll.u32 v13, $0x4  }
0x64: {  	v23 =	vand.u32 $0xF, v8;
	v8 =	vand.u32 $0xF, v9;
	v9 =	vadd.s32 v10, v11;
	v22 =	vld [tilespmem:s24+$0x20]  }
0x65: {  	v11 =	vadd.s32 v1, v17;
	v13 =	vor.u32 v12, v9;
	v0 =	vld [tilespmem:s7+$0x4E20];
	v10 =	vshll.u32 v14, $0x4  }
0x66: {  	v17 =	vor.u32 v8, v11;
	v1 =	vld [tilespmem:s7+$0x4E50];
	v12 =	vadd.s32 v10, v6;
	v11 =	vshll.u32 v15, $0x4;
	[tilespmem:s25+$0x40] =	vst v13;
	v6 =	vmovc v16  }
.Ltmp0:
0x67: {  	v14 =	vshrl.u32 v2, $0x4;
	v15 =	vshrl.u32 v3, $0x4;
	v10 =	vld [tilespmem:s24+$0x40];
	[tilespmem:s25+$0x10] =	vst v17;
	v16 =	vadd.s32 v11, v7;
	v9 =	vmovc v19;
	(pc) =	sbr.rel @p0 .LBB2_2-.Ltmp0, $4  }
0x68: {  	v7 =	vmul.u32 $0x27100, v14;
	v11 =	vmul.u32 $0x27100, v15;
	v14 =	vor.u32 v21, v12;
	v13 =	vld [tilespmem:s24+$0x10];
	v8 =	vmovc v20  }
0x69: {  	v12 =	vand.u32 $0xF, v3;
	v17 =	vor.u32 v18, v16;
	v15 =	vshll.u32 v22, $0x4;
	v3 =	vld [tilespmem:s7+$0x4E60];
	[tilespmem:s25+$0x0] =	vst v14  }
0x6a: {  	v18 =	vshrl.u32 v8, $0x4;
	v16 =	vshrl.u32 v0, $0x4;
	v14 =	vld [tilespmem:s24+$0x0];
	v15 =	vadd.s32 v15, v5;
	[tilespmem:s25+$0x30] =	vst v17;
	s25 =	smov.u32 s24;
	s24 =	smov.u32 s7  }
0x6b: {  	v5 =	vmul.u32 $0x27100, v18;
	v17 =	vshrl.u32 v9, $0x4;
	v18 =	vor.u32 v23, v15;
	v15 =	vld [tilespmem:s25+$0x30]  }
0x6c: {  	_ = 	snop  }
0x6d: {  	v10 =	vshll.u32 v10, $0x4;
	v17 =	vmul.u32 $0x27100, v17;
	v9 =	vand.u32 $0xF, v9  }
0x6e: {  	v4 =	vand.u32 $0xF, v4;
	v10 =	vadd.s32 v10, v11;
	v38 =	vshll.u32 v13, $0x4  }
0x6f: {  	v19 =	vld [tilespmem:s24+$0x4E30];
	[tilespmem:s25+$0x20] =	vst v18;
	v10 =	vor.u32 v12, v10;
	v11 =	vadd.s32 v38, v17;
	v40 =	vshll.u32 v14, $0x4  }
0x70: {  	v39 =	vld [tilespmem:s24+$0x20];
	[tilespmem:s25+$0x40] =	vst v10;
	v9 =	vor.u32 v9, v11;
	v6 =	vadd.s32 v40, v6;
	v42 =	vshll.u32 v15, $0x4  }
0x71: {  	v2 =	vand.u32 $0xF, v2;
	v41 =	vld [tilespmem:s24+$0x40];
	[tilespmem:s25+$0x10] =	vst v9;
	v4 =	vor.u32 v4, v6;
	v44 =	vadd.s32 v42, v7  }
0x72: {  	v45 =	vmul.u32 $0x27100, v16;
	v46 =	vand.u32 $0xF, v8;
	v43 =	vld [tilespmem:s24+$0x10];
	[tilespmem:s25+$0x0] =	vst v4;
	v2 =	vor.u32 v2, v44  }
0x73: {  	v48 =	vshrl.u32 v1, $0x4;
	v0 =	vand.u32 $0xF, v0;
	v49 =	vshrl.u32 v3, $0x4;
	v47 =	vld [tilespmem:s24+$0x0];
	[tilespmem:s25+$0x30] =	vst v2  }
0x74: {  	v51 =	vmul.u32 $0x27100, v48;
	v54 =	vand.u32 $0xF, v3;
	v52 =	vmul.u32 $0x27100, v49;
	v53 =	vld [tilespmem:s24+$0x30]  }
0x75: {  	v55 =	vshrl.u32 v19, $0x4;
	v57 =	vand.u32 $0xF, v19;
	v50 =	vshll.u32 v39, $0x4  }
0x76: {  	v56 =	vmul.u32 $0x27100, v55;
	v5 =	vadd.s32 v50, v5;
	v11 =	vshll.u32 v41, $0x4  }
0x77: {  	v5 =	vor.u32 v46, v5;
	v10 =	vshll.u32 v43, $0x4;
	v8 =	vadd.s32 v11, v52  }
0x78: {  	[tilespmem:s24+$0x20] =	vst v5;
	v59 =	vadd.s32 v10, v56;
	v3 =	vor.u32 v54, v8;
	v58 =	vshll.u32 v47, $0x4  }
0x79: {  	v60 =	vor.u32 v57, v59;
	[tilespmem:s24+$0x40] =	vst v3;
	v4 =	vadd.s32 v58, v45;
	v61 =	vshll.u32 v53, $0x4  }
0x7a: {  	v62 =	vand.u32 $0xF, v1;
	[tilespmem:s24+$0x10] =	vst v60;
	v2 =	vadd.s32 v61, v51;
	v0 =	vor.u32 v0, v4  }
0x7b: {  	[tilespmem:s24+$0x0] =	vst v0;
	v63 =	vor.u32 v62, v2  }
0x7c: {  	[tilespmem:s24+$0x30] =	vst v63  }
0x7d: {  	s6 =	simm.s32 $0x0;
	[bflag:$0x0] =	sbarrier.arrive $0xFFFF  }
0x7e: {  	[tilespmem:s26], [sflag:$0x1] =	stream.indirect.gather [hbm4b:s5+s31], $0x8, s6, s31, $0xb8;
	[tilespmem:$0x10AE0] =	vst v63  }
0x7f: {  	_ = 	snop  }
0x80: {  	[tilespmem:s0], [sflag:$0x2] =	stream.indirect.gather [hbm4b:s5+s31], $0x8, s31, s31, $0xb8;
	[tilespmem:$0x10AE0] =	vst v63  }
0x81: {  	s24 =	simm.s32 $0xA0  }
0x82: {  	[tilespmem:s2], [sflag:$0x3] =	stream.indirect.gather [hbm4b:s5+s31], $0x8, s24, s31, $0xb8;
	[tilespmem:$0x10AE0] =	vst v63  }
0x83: {  	s25 =	simm.s32 $0xF0  }
0x84: {  	[tilespmem:s30], [sflag:$0x4] =	stream.indirect.gather [hbm4b:s5+s31], $0x8, s25, s31, $0xb8;
	[tilespmem:$0x10AE0] =	vst v63  }
0x85: {  	s7 =	simm.s32 $0x140  }
0x86: {  	[tilespmem:s29], [sflag:$0x5] =	stream.indirect.gather [hbm4b:s5+s31], $0x8, s7, s31, $0xb8;
	[tilespmem:$0x10AE0] =	vst v63  }
0x87: {  	_ =	swait.ge [sflag:s1], $0x280  }
0x88: {  	[sflag:s1] =	ssyncset.done $0x0  }
0x89: {  	s8 =	simm.s32 $0x9C40;
	[sflag:s1] =	ssyncadd.s32 $0xFFFFFD80  }
0x8a: {  	[spmem:s3] =	stream.indirect.scatter.add.f32 [tilespmem:s26], [sflag:$0x6], $0x8, s8, s31, $0xb8;
	[tilespmem:$0x10AE0] =	vst v63  }
0x8b: {  	_ =	swait.ge [sflag:s13], $0x280  }
0x8c: {  	[sflag:s13] =	ssyncset.done $0x0  }
0x8d: {  	s12 =	simm.s32 $0x190;
	[sflag:s13] =	ssyncadd.s32 $0xFFFFFD80  }
0x8e: {  	[tilespmem:s26], [sflag:$0x1] =	stream.indirect.gather [hbm4b:s5+s31], $0x8, s12, s31, $0xb8;
	[tilespmem:$0x10AE0] =	vst v63  }
0x8f: {  	_ =	swait.ge [sflag:s15], $0x280  }
0x90: {  	[sflag:s15] =	ssyncset.done $0x0  }
0x91: {  	s24 =	simm.s32 $0x9C90;
	[sflag:s15] =	ssyncadd.s32 $0xFFFFFD80  }
0x92: {  	[spmem:s3] =	stream.indirect.scatter.add.f32 [tilespmem:s0], [sflag:$0x7], $0x8, s24, s31, $0xb8;
	[tilespmem:$0x10AE0] =	vst v63  }
0x93: {  	_ =	swait.ge [sflag:s16], $0x280  }
0x94: {  	[sflag:s16] =	ssyncset.done $0x0  }
0x95: {  	s25 =	simm.s32 $0x1E0;
	[sflag:s16] =	ssyncadd.s32 $0xFFFFFD80  }
0x96: {  	[tilespmem:s0], [sflag:$0x2] =	stream.indirect.gather [hbm4b:s5+s31], $0x8, s25, s31, $0xb8;
	[tilespmem:$0x10AE0] =	vst v63  }
0x97: {  	_ =	swait.ge [sflag:s17], $0x280  }
0x98: {  	[sflag:s17] =	ssyncset.done $0x0  }
0x99: {  	s7 =	simm.s32 $0x9CE0;
	[sflag:s17] =	ssyncadd.s32 $0xFFFFFD80  }
0x9a: {  	[spmem:s3] =	stream.indirect.scatter.add.f32 [tilespmem:s2], [sflag:$0x8], $0x8, s7, s31, $0xb8;
	[tilespmem:$0x10AE0] =	vst v63  }
0x9b: {  	_ =	swait.ge [sflag:s18], $0x280  }
0x9c: {  	[sflag:s18] =	ssyncset.done $0x0  }
0x9d: {  	s8 =	simm.s32 $0x230;
	[sflag:s18] =	ssyncadd.s32 $0xFFFFFD80  }
0x9e: {  	[tilespmem:s2], [sflag:$0x3] =	stream.indirect.gather [hbm4b:s5+s31], $0x8, s8, s31, $0xb8;
	[tilespmem:$0x10AE0] =	vst v63  }
0x9f: {  	_ =	swait.ge [sflag:s19], $0x280  }
0xa0: {  	[sflag:s19] =	ssyncset.done $0x0  }
0xa1: {  	s12 =	simm.s32 $0x9D30;
	[sflag:s19] =	ssyncadd.s32 $0xFFFFFD80  }
0xa2: {  	[spmem:s3] =	stream.indirect.scatter.add.f32 [tilespmem:s30], [sflag:$0x9], $0x8, s12, s31, $0xb8;
	[tilespmem:$0x10AE0] =	vst v63  }
0xa3: {  	_ =	swait.ge [sflag:s20], $0x280  }
0xa4: {  	[sflag:s20] =	ssyncset.done $0x0  }
0xa5: {  	s24 =	simm.s32 $0x280;
	[sflag:s20] =	ssyncadd.s32 $0xFFFFFD80  }
0xa6: {  	[tilespmem:s30], [sflag:$0x4] =	stream.indirect.gather [hbm4b:s5+s31], $0x8, s24, s31, $0xb8;
	[tilespmem:$0x10AE0] =	vst v63  }
0xa7: {  	_ =	swait.ge [sflag:s21], $0x280  }
0xa8: {  	[sflag:s21] =	ssyncset.done $0x0  }
0xa9: {  	s25 =	simm.s32 $0x9D80;
	[sflag:s21] =	ssyncadd.s32 $0xFFFFFD80  }
0xaa: {  	[spmem:s3] =	stream.indirect.scatter.add.f32 [tilespmem:s29], [sflag:$0xA], $0x8, s25, s31, $0xb8;
	[tilespmem:$0x10AE0] =	vst v63  }
0xab: {  	_ =	swait.ge [sflag:s22], $0x280  }
0xac: {  	[sflag:s22] =	ssyncset.done $0x0  }
0xad: {  	s6 =	simm.s32 $0x2D0;
	s24 =	simm.s32 $0x640;
	[sflag:s22] =	ssyncadd.s32 $0xFFFFFD80  }
.LBB2_4:
0xae: {  	[tilespmem:s29], [sflag:$0x5] =	stream.indirect.gather [hbm4b:s5+s31], $0x8, s6, s31, $0xb8;
	[tilespmem:$0x10AE0] =	vst v63  }
0xaf: {  	s6 =	smov.u32 s24  }
0xb0: {  	p0 =	sne.s32 s24, $0x12C00;
	s24 =	sadd.s32 $0x640, s24;
	_ =	swait.ge [sflag:s1], $0x280  }
0xb1: {  	s25 =	sshra.s32 s6, $0x2;
	[sflag:s1] =	ssyncset.done $0x0  }
0xb2: {  	s6 =	sadd.s32 $0x9C40, s25;
	[sflag:s1] =	ssyncadd.s32 $0xFFFFFD80  }
0xb3: {  	[spmem:s3] =	stream.indirect.scatter.add.f32 [tilespmem:s26], [sflag:$0x6], $0x8, s6, s31, $0xb8;
	[tilespmem:$0x10AE0] =	vst v63  }
0xb4: {  	_ =	swait.ge [sflag:s13], $0x280  }
0xb5: {  	[sflag:s13] =	ssyncset.done $0x0  }
0xb6: {  	s6 =	sadd.s32 $0x190, s25;
	[sflag:s13] =	ssyncadd.s32 $0xFFFFFD80  }
0xb7: {  	[tilespmem:s26], [sflag:$0x1] =	stream.indirect.gather [hbm4b:s5+s31], $0x8, s6, s31, $0xb8;
	[tilespmem:$0x10AE0] =	vst v63  }
0xb8: {  	_ =	swait.ge [sflag:s15], $0x280  }
0xb9: {  	[sflag:s15] =	ssyncset.done $0x0  }
0xba: {  	s6 =	sadd.s32 $0x9C90, s25;
	[sflag:s15] =	ssyncadd.s32 $0xFFFFFD80  }
0xbb: {  	[spmem:s3] =	stream.indirect.scatter.add.f32 [tilespmem:s0], [sflag:$0x7], $0x8, s6, s31, $0xb8;
	[tilespmem:$0x10AE0] =	vst v63  }
0xbc: {  	_ =	swait.ge [sflag:s16], $0x280  }
0xbd: {  	[sflag:s16] =	ssyncset.done $0x0  }
0xbe: {  	s6 =	sadd.s32 $0x1E0, s25;
	[sflag:s16] =	ssyncadd.s32 $0xFFFFFD80  }
0xbf: {  	[tilespmem:s0], [sflag:$0x2] =	stream.indirect.gather [hbm4b:s5+s31], $0x8, s6, s31, $0xb8;
	[tilespmem:$0x10AE0] =	vst v63  }
0xc0: {  	_ =	swait.ge [sflag:s17], $0x280  }
0xc1: {  	[sflag:s17] =	ssyncset.done $0x0  }
0xc2: {  	s6 =	sadd.s32 $0x9CE0, s25;
	[sflag:s17] =	ssyncadd.s32 $0xFFFFFD80  }
0xc3: {  	[spmem:s3] =	stream.indirect.scatter.add.f32 [tilespmem:s2], [sflag:$0x8], $0x8, s6, s31, $0xb8;
	[tilespmem:$0x10AE0] =	vst v63  }
0xc4: {  	_ =	swait.ge [sflag:s18], $0x280  }
0xc5: {  	[sflag:s18] =	ssyncset.done $0x0  }
0xc6: {  	s6 =	sadd.s32 $0x230, s25;
	[sflag:s18] =	ssyncadd.s32 $0xFFFFFD80  }
0xc7: {  	[tilespmem:s2], [sflag:$0x3] =	stream.indirect.gather [hbm4b:s5+s31], $0x8, s6, s31, $0xb8;
	[tilespmem:$0x10AE0] =	vst v63  }
0xc8: {  	_ =	swait.ge [sflag:s19], $0x280  }
0xc9: {  	[sflag:s19] =	ssyncset.done $0x0  }
0xca: {  	s6 =	sadd.s32 $0x9D30, s25;
	[sflag:s19] =	ssyncadd.s32 $0xFFFFFD80  }
0xcb: {  	[spmem:s3] =	stream.indirect.scatter.add.f32 [tilespmem:s30], [sflag:$0x9], $0x8, s6, s31, $0xb8;
	[tilespmem:$0x10AE0] =	vst v63  }
0xcc: {  	_ =	swait.ge [sflag:s20], $0x280  }
0xcd: {  	[sflag:s20] =	ssyncset.done $0x0  }
0xce: {  	s6 =	sadd.s32 $0x280, s25;
	[sflag:s20] =	ssyncadd.s32 $0xFFFFFD80  }
0xcf: {  	[tilespmem:s30], [sflag:$0x4] =	stream.indirect.gather [hbm4b:s5+s31], $0x8, s6, s31, $0xb8;
	[tilespmem:$0x10AE0] =	vst v63  }
0xd0: {  	_ =	swait.ge [sflag:s21], $0x280  }
0xd1: {  	[sflag:s21] =	ssyncset.done $0x0  }
.Ltmp1:
0xd2: {  	s6 =	sadd.s32 $0x9D80, s25;
	[sflag:s21] =	ssyncadd.s32 $0xFFFFFD80;
	(pc) =	sbr.rel @p0 .LBB2_4-.Ltmp1, $4  }
0xd3: {  	[spmem:s3] =	stream.indirect.scatter.add.f32 [tilespmem:s29], [sflag:$0xA], $0x8, s6, s31, $0xb8;
	[tilespmem:$0x10AE0] =	vst v63  }
0xd4: {  	_ =	swait.ge [sflag:s22], $0x280  }
0xd5: {  	[sflag:s22] =	ssyncset.done $0x0  }
0xd6: {  	s6 =	sadd.s32 $0x2D0, s25;
	[sflag:s22] =	ssyncadd.s32 $0xFFFFFD80  }
0xd7: {  	[tilespmem:s29], [sflag:$0x5] =	stream.indirect.gather [hbm4b:s5+s31], $0x8, s6, s31, $0xb8;
	[tilespmem:$0x10AE0] =	vst v63  }
0xd8: {  	_ =	swait.ge [sflag:s1], $0x280  }
0xd9: {  	[sflag:s1] =	ssyncset.done $0x0  }
0xda: {  	s8 =	simm.s32 $0xE8D0;
	[sflag:s1] =	ssyncadd.s32 $0xFFFFFD80  }
0xdb: {  	[spmem:s3] =	stream.indirect.scatter.add.f32 [tilespmem:s26], [sflag:$0x6], $0x8, s8, s31, $0xb8;
	[tilespmem:$0x10AE0] =	vst v63  }
0xdc: {  	_ =	swait.ge [sflag:s15], $0x280  }
0xdd: {  	[sflag:s15] =	ssyncset.done $0x0  }
0xde: {  	s12 =	simm.s32 $0xE920;
	[sflag:s15] =	ssyncadd.s32 $0xFFFFFD80  }
0xdf: {  	[spmem:s3] =	stream.indirect.scatter.add.f32 [tilespmem:s0], [sflag:$0x7], $0x8, s12, s31, $0xb8;
	[tilespmem:$0x10AE0] =	vst v63  }
0xe0: {  	_ =	swait.ge [sflag:s17], $0x280  }
0xe1: {  	[sflag:s17] =	ssyncset.done $0x0  }
0xe2: {  	s24 =	simm.s32 $0xE970;
	[sflag:s17] =	ssyncadd.s32 $0xFFFFFD80  }
0xe3: {  	[spmem:s3] =	stream.indirect.scatter.add.f32 [tilespmem:s2], [sflag:$0x8], $0x8, s24, s31, $0xb8;
	[tilespmem:$0x10AE0] =	vst v63  }
0xe4: {  	_ =	swait.ge [sflag:s19], $0x280  }
0xe5: {  	[sflag:s19] =	ssyncset.done $0x0  }
0xe6: {  	s25 =	simm.s32 $0xE9C0;
	[sflag:s19] =	ssyncadd.s32 $0xFFFFFD80  }
0xe7: {  	[spmem:s3] =	stream.indirect.scatter.add.f32 [tilespmem:s30], [sflag:$0x9], $0x8, s25, s31, $0xb8;
	[tilespmem:$0x10AE0] =	vst v63  }
0xe8: {  	_ =	swait.ge [sflag:s21], $0x280  }
0xe9: {  	[sflag:s21] =	ssyncset.done $0x0  }
0xea: {  	s7 =	simm.s32 $0xEA10;
	[sflag:s21] =	ssyncadd.s32 $0xFFFFFD80  }
0xeb: {  	[spmem:s3] =	stream.indirect.scatter.add.f32 [tilespmem:s29], [sflag:$0xA], $0x8, s7, s31, $0xb8;
	[tilespmem:$0x10AE0] =	vst v63  }
0xec: {  	_ =	swait.ge [sflag:s13], $0x280  }
0xed: {  	[sflag:s13] =	ssyncset.done $0x0  }
0xee: {  	[sflag:s13] =	ssyncadd.s32 $0xFFFFFD80  }
0xef: {  	_ =	swait.ge [sflag:s16], $0x280  }
0xf0: {  	[sflag:s16] =	ssyncset.done $0x0  }
0xf1: {  	[sflag:s16] =	ssyncadd.s32 $0xFFFFFD80  }
0xf2: {  	_ =	swait.ge [sflag:s18], $0x280  }
0xf3: {  	[sflag:s18] =	ssyncset.done $0x0  }
0xf4: {  	[sflag:s18] =	ssyncadd.s32 $0xFFFFFD80  }
0xf5: {  	_ =	swait.ge [sflag:s20], $0x280  }
0xf6: {  	[sflag:s20] =	ssyncset.done $0x0  }
0xf7: {  	[sflag:s20] =	ssyncadd.s32 $0xFFFFFD80  }
0xf8: {  	_ =	swait.ge [sflag:s22], $0x280  }
0xf9: {  	[sflag:s22] =	ssyncset.done $0x0  }
0xfa: {  	[sflag:s22] =	ssyncadd.s32 $0xFFFFFD80  }
0xfb: {  	[bflag:$0x0] =	sbarrier.arrive $0xFFFF  }
0xfc: {  	[tilespmem:s26], [sflag:$0xB] =	stream.linear.gather [spmem:s14], $0x280, $0x38;
	[tilespmem:$0x10AE0] =	vst v63  }
0xfd: {  	_ =	swait.ge [sflag:s28], $0x280  }
0xfe: {  	[sflag:s28] =	ssyncset.done $0x0  }
0xff: {  	s8 =	rddreg [dreg:$0xa];
	[sflag:s28] =	ssyncadd.s32 $0xFFFFFD80  }
0x100: {  	[hbm4b:s8+s4] =	stream.linear.scatter [tilespmem:s26], [sflag:$0xB], $0x280, $0x38;
	[tilespmem:$0x10AE0] =	vst v63  }
0x101: {  	_ =	swait.ge [sflag:s28], $0x280  }
0x102: {  	[sflag:s28] =	ssyncset.done $0x0  }
0x103: {  	[sflag:s28] =	ssyncadd.s32 $0xFFFFFD80  }
0x104: {  	[tilespmem:s0], [sflag:$0xB] =	stream.linear.gather [spmem:s9], $0x280, $0x38;
	[tilespmem:$0x10AE0] =	vst v63  }
0x105: {  	_ =	swait.ge [sflag:s28], $0x280  }
0x106: {  	[sflag:s28] =	ssyncset.done $0x0  }
0x107: {  	s24 =	smov.u32 s9;
	s9 =	rddreg [dreg:$0xb];
	[sflag:s28] =	ssyncadd.s32 $0xFFFFFD80  }
0x108: {  	[hbm4b:s9+s4] =	stream.linear.scatter [tilespmem:s0], [sflag:$0xB], $0x280, $0x38;
	[tilespmem:$0x10AE0] =	vst v63  }
0x109: {  	_ =	swait.ge [sflag:s28], $0x280  }
0x10a: {  	[sflag:s28] =	ssyncset.done $0x0  }
0x10b: {  	[sflag:s28] =	ssyncadd.s32 $0xFFFFFD80  }
0x10c: {  	[tilespmem:s2], [sflag:$0xB] =	stream.linear.gather [spmem:s10], $0x280, $0x38;
	[tilespmem:$0x10AE0] =	vst v63  }
0x10d: {  	_ =	swait.ge [sflag:s28], $0x280  }
0x10e: {  	[sflag:s28] =	ssyncset.done $0x0  }
0x10f: {  	s12 =	rddreg [dreg:$0xc];
	[sflag:s28] =	ssyncadd.s32 $0xFFFFFD80  }
0x110: {  	[hbm4b:s12+s4] =	stream.linear.scatter [tilespmem:s2], [sflag:$0xB], $0x280, $0x38;
	[tilespmem:$0x10AE0] =	vst v63  }
0x111: {  	_ =	swait.ge [sflag:s28], $0x280  }
0x112: {  	[sflag:s28] =	ssyncset.done $0x0  }
0x113: {  	[sflag:s28] =	ssyncadd.s32 $0xFFFFFD80  }
0x114: {  	[tilespmem:s30], [sflag:$0xB] =	stream.linear.gather [spmem:s11], $0x280, $0x38;
	[tilespmem:$0x10AE0] =	vst v63  }
0x115: {  	_ =	swait.ge [sflag:s28], $0x280  }
0x116: {  	[sflag:s28] =	ssyncset.done $0x0  }
0x117: {  	s7 =	smov.u32 s14;
	s14 =	rddreg [dreg:$0xd];
	[sflag:s28] =	ssyncadd.s32 $0xFFFFFD80  }
0x118: {  	[hbm4b:s14+s4] =	stream.linear.scatter [tilespmem:s30], [sflag:$0xB], $0x280, $0x38;
	[tilespmem:$0x10AE0] =	vst v63  }
0x119: {  	_ =	swait.ge [sflag:s28], $0x280  }
0x11a: {  	[sflag:s28] =	ssyncset.done $0x0  }
0x11b: {  	s12 =	rddreg [dreg:$0x6];
	[sflag:s28] =	ssyncadd.s32 $0xFFFFFD80  }
0x11c: {  	[tilespmem:s29], [sflag:$0xB] =	stream.linear.gather [spmem:s12], $0x280, $0x38;
	[tilespmem:$0x10AE0] =	vst v63  }
0x11d: {  	_ =	swait.ge [sflag:s28], $0x280  }
0x11e: {  	[sflag:s28] =	ssyncset.done $0x0  }
0x11f: {  	s8 =	rddreg [dreg:$0xe];
	[sflag:s28] =	ssyncadd.s32 $0xFFFFFD80  }
0x120: {  	[hbm4b:s8+s4] =	stream.linear.scatter [tilespmem:s29], [sflag:$0xB], $0x280, $0x38;
	[tilespmem:$0x10AE0] =	vst v63  }
0x121: {  	_ =	swait.ge [sflag:s28], $0x280  }
0x122: {  	[sflag:s28] =	ssyncset.done $0x0  }
0x123: {  	s8 =	rddreg [dreg:$0x5];
	[sflag:s28] =	ssyncadd.s32 $0xFFFFFD80  }
0x124: {  	[tilespmem:s26], [sflag:$0xB] =	stream.linear.gather [spmem:s8], $0x280, $0x38;
	[tilespmem:$0x10AE0] =	vst v63  }
0x125: {  	_ =	swait.ge [sflag:s28], $0x280  }
0x126: {  	[sflag:s28] =	ssyncset.done $0x0  }
0x127: {  	s9 =	rddreg [dreg:$0xf];
	[sflag:s28] =	ssyncadd.s32 $0xFFFFFD80  }
0x128: {  	[hbm4b:s9+s4] =	stream.linear.scatter [tilespmem:s26], [sflag:$0xB], $0x280, $0x38;
	[tilespmem:$0x10AE0] =	vst v63  }
0x129: {  	_ =	swait.ge [sflag:s28], $0x280  }
0x12a: {  	[sflag:s28] =	ssyncset.done $0x0  }
0x12b: {  	s9 =	rddreg [dreg:$0x7];
	[sflag:s28] =	ssyncadd.s32 $0xFFFFFD80  }
0x12c: {  	[tilespmem:s0], [sflag:$0xB] =	stream.linear.gather [spmem:s9], $0x280, $0x38;
	[tilespmem:$0x10AE0] =	vst v63  }
0x12d: {  	_ =	swait.ge [sflag:s28], $0x280  }
0x12e: {  	[sflag:s28] =	ssyncset.done $0x0  }
0x12f: {  	s25 =	smov.u32 s10;
	s10 =	rddreg [dreg:$0x10];
	[sflag:s28] =	ssyncadd.s32 $0xFFFFFD80  }
0x130: {  	[hbm4b:s10+s4] =	stream.linear.scatter [tilespmem:s0], [sflag:$0xB], $0x280, $0x38;
	[tilespmem:$0x10AE0] =	vst v63  }
0x131: {  	_ =	swait.ge [sflag:s28], $0x280  }
0x132: {  	[sflag:s28] =	ssyncset.done $0x0  }
0x133: {  	s10 =	rddreg [dreg:$0x9];
	[sflag:s28] =	ssyncadd.s32 $0xFFFFFD80  }
0x134: {  	[tilespmem:s2], [sflag:$0xB] =	stream.linear.gather [spmem:s10], $0x280, $0x38;
	[tilespmem:$0x10AE0] =	vst v63  }
0x135: {  	_ =	swait.ge [sflag:s28], $0x280  }
0x136: {  	[sflag:s28] =	ssyncset.done $0x0  }
0x137: {  	s14 =	rddreg [dreg:$0x11];
	[sflag:s28] =	ssyncadd.s32 $0xFFFFFD80  }
0x138: {  	[hbm4b:s14+s4] =	stream.linear.scatter [tilespmem:s2], [sflag:$0xB], $0x280, $0x38;
	[tilespmem:$0x10AE0] =	vst v63  }
0x139: {  	_ =	swait.ge [sflag:s28], $0x280  }
0x13a: {  	s23 =	sadd.s32 $0x1, s23;
	s14 =	rddreg [dreg:$0x14]  }
0x13b: {  	p0 =	sne.s32 s23, s14  }
.Ltmp2:
0x13c: {  	_ = 	snop;
	(pc) =	sbr.rel @p0 .LBB2_1-.Ltmp2, $3  }
0x13d: {  	_ =	sdelay $0x1  }
0x13e: {  	[sflag:s28] =	ssyncset.done $0x0  }
0x13f: {  	[sflag:s28] =	ssyncadd.s32 $0xFFFFFD80  }
0x140: {  	_ =	sfence.sel $0x180000  }
0x141: {  	[bflag:$0x0] =	sbarrier.arrive $0xFFFF  }
0x142: {  	_ =	strace $0x9000004A  }
0x143: {  	s0 =	stileid.u32;
	[bflag:$0x2] =	sbarrier.arrive $0xFFFF  }
0x144: {  	p0 =	sne.s32 s0, $0x0;
	s0 =	rddreg [dreg:$0x4]  }
0x145: {  	s0 =	sadd.s32 @!p0 $0x100000, s0  }
0x146: {  	[sflag:s0] =	ssyncadd.tile.s32 @!p0 $0x1;
	_ =	shalt  }
.Lfunc_end2:
_tile_overlayer_lowered:
.L_overlay_start_2:
0x147: {  	(tag) =	ssettag $0x2  }
0x148: {  	s0 =	rddreg [dreg:$0x0];
	s2 =	stileid.u32  }
0x149: {  	s1 =	rddreg [dreg:$0x1];
	p0 =	sne.s32 s2, $0x0  }
0x14a: {  	s3 =	rddreg [dreg:$0x2];
	[bflag:$0x3] =	sbarrier.arrive $0xFFFF;
	s2 =	simm.s32 @!p0 $0x1C0B  }
0x14b: {  	[timem:s3], [sflag:s2] =	dma.local @!p0 [hbm:s0], s1  }
0x14c: {  	s0 =	simm.s32 @!p0 $0xB  }
0x14d: {  	_ =	swait.ge @!p0 [sflag:s0], s1  }
0x14e: {  	s1 =	ssub.s32 @!p0 $0x0, s1;
	[sflag:s0] =	ssyncset.done @!p0 $0x0  }
0x14f: {  	[sflag:s0] =	ssyncadd.s32 @!p0 s1  }
0x150: {  	[bflag:$0x3] =	sbarrier.arrive $0xFFFF  }
0x151: {  	_ =	shalt  }

// kernel: kernel.7.cloned.1.call-start
scs
__scs_entry_jumppad:
0x0: {  	(pc) =	sbr.rel $0x88, $3  }
0x1: {  	(tag) =	ssettag $0x0;
	lr =	simm.s32 $0x1  }
0x2: {  	[smem:$0x3F99] =	sst lr;
	_ =	strace $0xD0000000  }
0x3: {  	_ = 	snop  }
0x4: {  	_ = 	snop  }
0x5: {  	_ = 	snop  }
0x6: {  	_ = 	snop  }
0x7: {  	_ = 	snop  }
__scs_overlays_trampoline_lowered:
0x8: {  	[smem:$0x3FA8] =	sst s0  }
0x9: {  	[smem:$0x3FA9] =	sst s1  }
0xa: {  	[smem:$0x3FAA] =	sst s2  }
0xb: {  	[smem:$0x3FAB] =	sst s3  }
0xc: {  	[smem:$0x3FAC] =	sst s4  }
0xd: {  	[smem:$0x3FAD] =	sst s5  }
0xe: {  	[smem:$0x3FAE] =	sst s6  }
0xf: {  	[smem:$0x3FAF] =	sst s7  }
0x10: {  	[smem:$0x3FB0] =	sst s8  }
0x11: {  	[smem:$0x3FB1] =	sst s9;
	s0 =	simm.s32 @!p0 $0x0  }
0x12: {  	s1 =	sld [smem:$0x3F97];
	s0 =	simm.s32 @p0 $0x1  }
0x13: {  	[smem:$0x3FB2] =	sst s0;
	s0 =	simm.s32 @!p1 $0x0  }
0x14: {  	s2 =	sld [smem:$0x3F96];
	s0 =	simm.s32 @p1 $0x1  }
0x15: {  	[smem:$0x3FB3] =	sst s0;
	s0 =	simm.s32 @!p2 $0x0  }
0x16: {  	s3 =	sld [smem:$0x3FDB];
	s0 =	simm.s32 @p2 $0x1  }
0x17: {  	s4 =	simm.s32 $0x1BF5;
	[smem:$0x3FB5] =	sst s0  }
0x18: {  	s0 =	sld [smem:$0x3F98];
	_ =	swait.ge [sflag:s4], $0x0  }
0x19: {  	s7 =	sld [smem:$0x3F99]  }
0x1a: {  	s8 =	sadd.s32 $0xFFFFE003, lr  }
0x1b: {  	s9 =	sadd.s32 $0xFFFFFEF7, lr;
	s5 =	simm.s32 $0xFFFFFFFF;
	p2 =	slt.u32 s8, $0xFFFFF086  }
0x1c: {  	p1 =	slt.u32 s9, $0xF7A;
	s5 =	simm.s32 @!p2 $0x0  }
0x1d: {  	s5 =	simm.s32 @p1 $0x1;
	p0 =	seq.s32 s7, s2  }
0x1e: {  	s7 =	smul.u32 @!p0 $0xF7A, s2;
	p2 =	seq.s32 @!p0 s5, $0x0  }
0x1f: {  	s9 =	smul.u32 $0xF7A, s1;
	s8 =	simm.s32 @!p0 $0x1BF5;
	p2 =	por !p2, p0  }
0x20: {  	[sflag:s8] =	ssyncset.s32 @!p0 $0xFFFFF086;
	s6 =	sadd.s32 @!p0 s3, s7;
	s7 =	simm.s32 @!p0 $0x108  }
0x21: {  	s3 =	sadd.s32 s3, s9;
	s6 =	sadd.s32 @!p0 $0x88, s6;
	s7 =	simm.s32 @p2 $0x1082  }
0x22: {  	[simem:s7], [sflag:s8] =	dma.local @!p0 [hbm:s6], $0xF7A  }
0x23: {  	s9 =	sor.u32 $0xD0000000, s2;
	s6 =	simm.s32 $0x108;
	_ =	swait.ge @!p0 [sflag:s8], $0x0  }
0x24: {  	s3 =	sadd.s32 $0x88, s3;
	s6 =	simm.s32 @!p1 $0x1082;
	[sflag:s4] =	ssyncset.s32 $0xFFFFF086  }
0x25: {  	[simem:s6], [sflag:s4] =	dma.local [hbm:s3], $0xF7A  }
0x26: {  	[smem:$0x3F99] =	sst s1;
	(tag) =	ssettag s2;
	_ =	strace s9  }
0x27: {  	s1 =	sld [smem:$0x3FA9]  }
0x28: {  	s2 =	sld [smem:$0x3FAA]  }
0x29: {  	s4 =	sld [smem:$0x3FAC]  }
0x2a: {  	p0 =	seq.s32 s5, $0x0;
	s5 =	sld [smem:$0x3FAD]  }
0x2b: {  	s6 =	sld [smem:$0x3FAE]  }
0x2c: {  	s7 =	sld [smem:$0x3FAF]  }
0x2d: {  	s3 =	simm.s32 $0x108;
	s8 =	sld [smem:$0x3FB0]  }
0x2e: {  	s3 =	simm.s32 @!p0 $0x1082;
	s9 =	sld [smem:$0x3FB1]  }
0x2f: {  	lr =	sadd.s32 s0, s3;
	s0 =	sld [smem:$0x3FA8]  }
0x30: {  	s3 =	sld [smem:$0x3FAB]  }
0x31: {  	[smem:$0x3FB4] =	sst s10  }
0x32: {  	s10 =	sld [smem:$0x3FB2];
	_ =	sdelay $0x3  }
0x33: {  	p0 =	seq.s32 s10, $0x1;
	s10 =	sld [smem:$0x3FB4];
	_ =	sdelay $0x3  }
0x34: {  	[smem:$0x3FB4] =	sst s10  }
0x35: {  	s10 =	sld [smem:$0x3FB3];
	_ =	sdelay $0x3  }
0x36: {  	p1 =	seq.s32 s10, $0x1;
	s10 =	sld [smem:$0x3FB4];
	_ =	sdelay $0x3  }
0x37: {  	[smem:$0x3FB4] =	sst s10  }
0x38: {  	s10 =	sld [smem:$0x3FB5]  }
0x39: {  	_ = 	snop;
	(pc) =	sbr.ind lr, $3  }
0x3a: {  	_ = 	snop  }
0x3b: {  	_ = 	snop  }
0x3c: {  	p2 =	seq.s32 s10, $0x1;
	s10 =	sld [smem:$0x3FB4]  }
0x3d: {  	_ =	shalt  }
0x3e: {  	_ =	shalt  }
0x3f: {  	_ =	shalt  }
0x40: {  	_ =	shalt  }
0x41: {  	_ =	shalt  }
0x42: {  	_ =	shalt  }
0x43: {  	_ =	shalt  }
0x44: {  	_ =	shalt  }
0x45: {  	_ =	shalt  }
0x46: {  	_ =	shalt  }
0x47: {  	_ =	shalt  }
0x48: {  	_ =	shalt  }
0x49: {  	_ =	shalt  }
0x4a: {  	_ =	shalt  }
0x4b: {  	_ =	shalt  }
0x4c: {  	_ =	shalt  }
0x4d: {  	_ =	shalt  }
0x4e: {  	_ =	shalt  }
0x4f: {  	_ =	shalt  }
0x50: {  	_ =	shalt  }
0x51: {  	_ =	shalt  }
0x52: {  	_ =	shalt  }
0x53: {  	_ =	shalt  }
0x54: {  	_ =	shalt  }
0x55: {  	_ =	shalt  }
0x56: {  	_ =	shalt  }
0x57: {  	_ =	shalt  }
0x58: {  	_ =	shalt  }
0x59: {  	_ =	shalt  }
0x5a: {  	_ =	shalt  }
0x5b: {  	_ =	shalt  }
0x5c: {  	_ =	shalt  }
0x5d: {  	_ =	shalt  }
0x5e: {  	_ =	shalt  }
0x5f: {  	_ =	shalt  }
0x60: {  	_ =	shalt  }
0x61: {  	_ =	shalt  }
0x62: {  	_ =	shalt  }
0x63: {  	_ =	shalt  }
0x64: {  	_ =	shalt  }
0x65: {  	_ =	shalt  }
0x66: {  	_ =	shalt  }
0x67: {  	_ =	shalt  }
0x68: {  	_ =	shalt  }
0x69: {  	_ =	shalt  }
0x6a: {  	_ =	shalt  }
0x6b: {  	_ =	shalt  }
0x6c: {  	_ =	shalt  }
0x6d: {  	_ =	shalt  }
0x6e: {  	_ =	shalt  }
0x6f: {  	_ =	shalt  }
0x70: {  	_ =	shalt  }
0x71: {  	_ =	shalt  }
0x72: {  	_ =	shalt  }
0x73: {  	_ =	shalt  }
0x74: {  	_ =	shalt  }
0x75: {  	_ =	shalt  }
0x76: {  	_ =	shalt  }
0x77: {  	_ =	shalt  }
0x78: {  	_ =	shalt  }
0x79: {  	_ =	shalt  }
0x7a: {  	_ =	shalt  }
0x7b: {  	_ =	shalt  }
0x7c: {  	_ =	shalt  }
0x7d: {  	_ =	shalt  }
0x7e: {  	_ =	shalt  }
0x7f: {  	_ =	shalt  }
0x80: {  	_ =	shalt  }
0x81: {  	_ =	shalt  }
0x82: {  	_ =	shalt  }
0x83: {  	_ =	shalt  }
0x84: {  	_ =	shalt  }
0x85: {  	_ =	shalt  }
0x86: {  	_ =	shalt  }
0x87: {  	_ =	shalt  }
.Lfunc_end0:
.L_simem_size_0:
called_computation_lowered:
.L_overlay_start_0:
0x88: {  	s2 =	sld [smem:$0x3FD9]  }
0x89: {  	s3 =	sld [smem:$0x3FFE];
	_ =	sdelay $0x1  }
0x8a: {  	s1 =	srdreg.scid  }
0x8b: {  	s0 =	sand.u32 $0x1, s1  }
0x8c: {  	s17 =	sshll.u32 s0, $0xA;
	s2 =	sadd.s32 s3, s2  }
0x8d: {  	s2 =	sadd.s32 s2, s17  }
0x8e: {  	[smem:$0x3FC0] =	sst s2  }
0x8f: {  	_ = 	snop  }
0x90: {  	s2 =	sld [smem:$0x3FC8]  }
0x91: {  	s18 =	sld [smem:$0x3FD0];
	(tm) =	ssettm $0x1  }
0x92: {  	s4 =	sld [smem:$0x3FFB];
	_ =	sdelay $0x3  }
0x93: {  	_ =	strace s4  }
0x94: {  	s4 =	sld [smem:$0x3FFC];
	_ =	sdelay $0x3  }
0x95: {  	_ =	strace s4  }
0x96: {  	s4 =	sld [smem:$0x3FFD];
	_ =	sdelay $0x3  }
0x97: {  	_ =	strace s4  }
0x98: {  	_ =	strace $0x8FFFFFFF  }
0x99: {  	s19 =	sld [smem:$0x3FDB];
	_ =	sdelay $0x1  }
0x9a: {  	s5 =	simm.s32 $_scs_section_size  }
0x9b: {  	s6 =	simm.s32 $_size__tile_overlayer_lowered;
	s7 =	simm.s32 $_tile_overlayer_lowered  }
0x9c: {  	s22 =	simm.s32 $0x1BFF;
	s21 =	sshll.u32 s7, $0x1;
	s4 =	sadd.s32 s5, s19  }
0x9d: {  	s8 =	simm.s32 $0x0;
	s20 =	sshll.u32 s6, $0x1;
	s6 =	sadd.s32 s21, s4  }
0x9e: {  	[timem:s8], [sflag:s22] =	dma.local [hbm:s6], s20  }
0x9f: {  	_ =	swait.ge [sflag:s22], s20  }
0xa0: {  	s5 =	ssub.s32 $0x0, s20;
	[sflag:s22] =	ssyncset.done $0x0  }
0xa1: {  	[sflag:s22] =	ssyncadd.s32 s5;
	_ =	sdelay $0x1  }
0xa2: {  	s23 =	simm.s32 $0x1B8B  }
0xa3: {  	_ =	swait.ge [sflag:s23], $0x1  }
0xa4: {  	[sflag:s23] =	ssyncset.done $0x0  }
0xa5: {  	s25 =	simm.s32 $0x1B8E;
	s24 =	sld [smem:$0x3FFE];
	[sflag:s23] =	ssyncadd.s32 $0xFFFFFFFF  }
0xa6: {  	s26 =	simm.s32 $execute0_lowered;
	[smem:$0x3FD2] =	sst s25  }
0xa7: {  	s6 =	sshll.u32 s26, $0x1;
	_ =	strace $0x80000046;
	[dreg:$0x1] =	wrdreg $0xFFFFFFFF  }
0xa8: {  	s28 =	simm.s32 $_size_execute0_lowered;
	s4 =	sadd.s32 s4, s6;
	[dreg:$0x0] =	wrdreg $0x0  }
0xa9: {  	s6 =	sshll.u32 s28, $0x1;
	[dreg:$0x2] =	wrdreg s4  }
0xaa: {  	[dreg:$0x3] =	wrdreg s6  }
0xab: {  	[dreg:$0x4] =	wrdreg $0xC0  }
0xac: {  	_ =	task [dreg:s8], $0x5FFFF  }
0xad: {  	[dreg:$0x1] =	wrdreg $0xFFFFFFFF  }
0xae: {  	[dreg:$0x0] =	wrdreg $0x60  }
0xaf: {  	[dreg:$0x2] =	wrdreg s24  }
0xb0: {  	[dreg:$0x3] =	wrdreg s2  }
0xb1: {  	[dreg:$0x4] =	wrdreg s18  }
0xb2: {  	[dreg:$0x5] =	wrdreg $0x14E600  }
0xb3: {  	[dreg:$0x6] =	wrdreg $0x9  }
0xb4: {  	_ =	task.clear_ibuf [dreg:s8], $0x7FFFF;
	_ =	strace $0x90000046  }
0xb5: {  	s29 =	simm.s32 $0x9;
	_ =	strace $0x80000048  }
0xb6: {  	_ =	swait.ge [sflag:s29], $0x1  }
0xb7: {  	[sflag:s29] =	ssyncadd.s32 $0xFFFFFFFF  }
0xb8: {  	_ =	strace $0x90000048  }
0xb9: {  	_ =	sfence  }
0xba: {  	s30 =	sld [smem:$0x0];
	_ =	sdelay $0x2  }
0xbb: {  	s31 =	sshll.u32 s1, $0xD;
	s1 =	sshrl.u32 s1, $0x2  }
0xbc: {  	s3 =	sand.u32 $0x4000, s31;
	s1 =	sadd.s32 s1, s30  }
0xbd: {  	s0 =	sor.u32 s3, s0;
	s1 =	sshll.u32 s1, $0x11  }
0xbe: {  	s0 =	sor.u32 s1, s0  }
0xbf: {  	s0 =	sadd.s32 $0x8F2B, s0  }
0xc0: {  	[sflag:s0] =	ssyncadd.remote.s32 $0x1  }
0xc1: {  	_ =	sfence.sel $0xFFFF  }
0xc2: {  	[dreg:$0x0] =	wrdreg $0xFFFFFFFF;
	(pc) =	sbr.abs _section_cstart, $3  }
0xc3: {  	[dreg:$0x1] =	wrdreg $0xFFFFFFFF  }
0xc4: {  	_ =	task.clear_ibuf [dreg:s8], $0x2FFFF;
	_ =	strace $0x9FFFFFFF  }
0xc5: {  	(tm) =	ssettm $0x7FFFFFFF  }
tec
execute0_lowered:
.L_overlay_start_1:
0x0: {  	(tag) =	ssettag $0x1  }
0x1: {  	s0 =	rddreg [dreg:$0x0]  }
0x2: {  	s1 =	rddreg [dreg:$0x1]  }
0x3: {  	s2 =	srdreg.scid;
	s3 =	rddreg [dreg:$0x3]  }
0x4: {  	s7 =	stileid.u32;
	s4 =	simm.s32 $0x0;
	s28 =	simm.s32 $0xB  }
0x5: {  	s31 =	simm.s32 $0x50;
	s30 =	simm.s32 $0x12660;
	s2 =	sand.u32 $0x1, s2  }
0x6: {  	s29 =	simm.s32 $0x13A60;
	[smem:$0x7FF] =	sst s4;
	s5 =	sshll.u32 s2, $0x4  }
0x7: {  	_ =	strace $0x80000047;
	s8 =	ssub.s32 $0x2, s2;
	s2 =	smul.u32 $0xA0000, s2  }
0x8: {  	s5 =	sor.u32 s7, s5;
	s7 =	smul.u32 $0xA000, s7;
	s9 =	sshrl.u32 s8, $0x1  }
0x9: {  	s6 =	smul.u32 $0x9C4, s5;
	s5 =	sadd.s32 $0x28A00, s0;
	s15 =	ssub.s32 s8, s9  }
0xa: {  	s14 =	sor.u32 $0x1400, s7;
	s8 =	sadd.s32 s7, s3;
	s16 =	sadd.s32 $0x2800, s7  }
0xb: {  	s17 =	sadd.s32 $0x3C00, s7;
	s18 =	sadd.s32 $0x5000, s7;
	s19 =	sadd.s32 $0x6400, s7  }
0xc: {  	s20 =	sadd.s32 $0x7800, s7;
	s21 =	sadd.s32 s7, s2;
	s13 =	sadd.s32 s6, s0  }
0xd: {  	s0 =	sadd.s32 $0x706800, s0;
	s24 =	sadd.s32 s14, s3;
	s25 =	sadd.s32 s16, s3  }
0xe: {  	s9 =	sadd.s32 s17, s3;
	s10 =	sadd.s32 s18, s3;
	s11 =	sadd.s32 s19, s3  }
0xf: {  	s12 =	sadd.s32 s20, s3;
	s1 =	sadd.s32 s1, s6;
	s6 =	sadd.s32 $0x8C00, s7  }
0x10: {  	s22 =	sadd.s32 s2, s14;
	s16 =	sadd.s32 s2, s16;
	s17 =	sadd.s32 s2, s17  }
0x11: {  	s18 =	sadd.s32 s2, s18;
	s19 =	sadd.s32 s2, s19;
	s20 =	sadd.s32 s2, s20  }
0x12: {  	s23 =	sshrl.u32 s21, $0x3;
	[dreg:$0x7] =	wrdreg s1;
	s2 =	sadd.s32 s2, s6  }
0x13: {  	s14 =	sadd.s32 s6, s3;
	s26 =	sshrl.u32 s22, $0x3;
	s7 =	smov.u32 s9  }
0x14: {  	s1 =	sadd.s32 s0, s23;
	s9 =	sshrl.u32 s16, $0x3;
	[dreg:$0x5] =	wrdreg s11  }
0x15: {  	s16 =	sshrl.u32 s17, $0x3;
	s17 =	sshrl.u32 s18, $0x3;
	[dreg:$0x6] =	wrdreg s12  }
0x16: {  	s19 =	sshrl.u32 s19, $0x3;
	s22 =	sadd.s32 $0x15000, s13;
	[dreg:$0x9] =	wrdreg s1  }
0x17: {  	s21 =	sshrl.u32 s20, $0x3;
	s23 =	sadd.s32 $0x1600, s13;
	[dreg:$0x11] =	wrdreg s22  }
0x18: {  	s13 =	simm.s32 $0x6;
	s20 =	simm.s32 $0x9;
	[dreg:$0x12] =	wrdreg s23  }
0x19: {  	s6 =	sadd.s32 s0, s26;
	s1 =	sadd.s32 s0, s9;
	[dreg:$0x8] =	wrdreg s14  }
0x1a: {  	s18 =	sadd.s32 s0, s17;
	s2 =	sshrl.u32 s2, $0x3;
	[dreg:$0xa] =	wrdreg s6  }
0x1b: {  	s26 =	smax.u32 s15, $0x1;
	s15 =	simm.s32 $0x2;
	[dreg:$0xb] =	wrdreg s1  }
0x1c: {  	s17 =	simm.s32 $0x3;
	s22 =	simm.s32 $0xA;
	[dreg:$0xd] =	wrdreg s18  }
0x1d: {  	s23 =	simm.s32 $0x0;
	s1 =	sadd.s32 s0, s16;
	[dreg:$0x13] =	wrdreg s26  }
0x1e: {  	s26 =	simm.s32 $0xEA60;
	s16 =	simm.s32 $0x7;
	s18 =	simm.s32 $0x8  }
0x1f: {  	[dreg:$0xc] =	wrdreg s1;
	s1 =	sadd.s32 s0, s19;
	s19 =	simm.s32 $0x4  }
0x20: {  	[dreg:$0xe] =	wrdreg s1;
	s1 =	sadd.s32 s0, s21;
	s0 =	sadd.s32 s0, s2  }
0x21: {  	s2 =	simm.s32 $0x11260;
	s21 =	simm.s32 $0x5;
	[dreg:$0xf] =	wrdreg s1  }
0x22: {  	[dreg:$0x10] =	wrdreg s0;
	s0 =	simm.s32 $0xFE60;
	s1 =	simm.s32 $0x1  }
.LBB2_1:
0x23: {  	s6 =	rddreg [dreg:$0x2]  }
0x24: {  	[tilespmem:s26], [sflag:$0xB] =	stream.linear.gather [hbm4b:s6+s4], $0x1400, $0x38;
	[tilespmem:$0x1EE60] =	vst v63  }
0x25: {  	_ =	swait.ge [sflag:s28], $0x1400  }
0x26: {  	[sflag:s28] =	ssyncset.done $0x0  }
0x27: {  	[sflag:s28] =	ssyncadd.s32 $0xFFFFEC00  }
0x28: {  	[spmem:s8] =	stream.linear.scatter [tilespmem:s26], [sflag:$0xB], $0x1400, $0x38;
	[tilespmem:$0x1EE60] =	vst v63  }
0x29: {  	_ =	swait.ge [sflag:s28], $0x1400  }
0x2a: {  	[sflag:s28] =	ssyncset.done $0x0  }
0x2b: {  	[sflag:s28] =	ssyncadd.s32 $0xFFFFEC00  }
0x2c: {  	[spmem:s24] =	stream.linear.scatter [tilespmem:s26], [sflag:$0xB], $0x1400, $0x38;
	[tilespmem:$0x1EE60] =	vst v63  }
0x2d: {  	_ =	swait.ge [sflag:s28], $0x1400  }
0x2e: {  	[sflag:s28] =	ssyncset.done $0x0  }
0x2f: {  	[sflag:s28] =	ssyncadd.s32 $0xFFFFEC00  }
0x30: {  	[spmem:s25] =	stream.linear.scatter [tilespmem:s26], [sflag:$0xB], $0x1400, $0x38;
	[tilespmem:$0x1EE60] =	vst v63  }
0x31: {  	_ =	swait.ge [sflag:s28], $0x1400  }
0x32: {  	[sflag:s28] =	ssyncset.done $0x0  }
0x33: {  	[sflag:s28] =	ssyncadd.s32 $0xFFFFEC00  }
0x34: {  	[spmem:s7] =	stream.linear.scatter [tilespmem:s26], [sflag:$0xB], $0x1400, $0x38;
	[tilespmem:$0x1EE60] =	vst v63  }
0x35: {  	_ =	swait.ge [sflag:s28], $0x1400  }
0x36: {  	[sflag:s28] =	ssyncset.done $0x0  }
0x37: {  	s6 =	smov.u32 s10;
	[sflag:s28] =	ssyncadd.s32 $0xFFFFEC00  }
0x38: {  	[spmem:s6] =	stream.linear.scatter [tilespmem:s26], [sflag:$0xB], $0x1400, $0x38;
	[tilespmem:$0x1EE60] =	vst v63  }
0x39: {  	_ =	swait.ge [sflag:s28], $0x1400  }
0x3a: {  	[sflag:s28] =	ssyncset.done $0x0  }
0x3b: {  	s9 =	smov.u32 s8;
	s8 =	smov.u32 s11;
	[sflag:s28] =	ssyncadd.s32 $0xFFFFEC00  }
0x3c: {  	[spmem:s8] =	stream.linear.scatter [tilespmem:s26], [sflag:$0xB], $0x1400, $0x38;
	[tilespmem:$0x1EE60] =	vst v63  }
0x3d: {  	_ =	swait.ge [sflag:s28], $0x1400  }
0x3e: {  	[sflag:s28] =	ssyncset.done $0x0  }
0x3f: {  	s10 =	smov.u32 s24;
	s24 =	smov.u32 s12;
	[sflag:s28] =	ssyncadd.s32 $0xFFFFEC00  }
0x40: {  	[spmem:s24] =	stream.linear.scatter [tilespmem:s26], [sflag:$0xB], $0x1400, $0x38;
	[tilespmem:$0x1EE60] =	vst v63  }
0x41: {  	_ =	swait.ge [sflag:s28], $0x1400  }
0x42: {  	[sflag:s28] =	ssyncset.done $0x0  }
0x43: {  	s11 =	smov.u32 s25;
	s25 =	smov.u32 s14;
	[sflag:s28] =	ssyncadd.s32 $0xFFFFEC00  }
0x44: {  	[spmem:s25] =	stream.linear.scatter [tilespmem:s26], [sflag:$0xB], $0x1400, $0x38;
	[tilespmem:$0x1EE60] =	vst v63  }
0x45: {  	_ =	swait.ge [sflag:s28], $0x1400  }
0x46: {  	[sflag:s28] =	ssyncset.done $0x0  }
0x47: {  	s25 =	rddreg [dreg:$0x11];
	[sflag:s28] =	ssyncadd.s32 $0xFFFFEC00  }
0x48: {  	[tilespmem:s4], [sflag:$0xB] =	stream.linear.gather [hbm4b:s25+s4], $0x4E20, $0x38;
	[tilespmem:$0x1EE60] =	vst v63  }
0x49: {  	_ =	swait.ge [sflag:s28], $0x4E20  }
0x4a: {  	s12 =	smov.u32 s7;
	[sflag:s28] =	ssyncset.done $0x0  }
0x4b: {  	s8 =	simm.s32 $0x4E20;
	s7 =	rddreg [dreg:$0x7];
	[sflag:s28] =	ssyncadd.s32 $0xFFFFB1E0  }
0x4c: {  	[tilespmem:s8], [sflag:$0xB] =	stream.linear.gather [hbm4b:s7+s4], $0x4E20, $0x38;
	[tilespmem:$0x1EE60] =	vst v63  }
0x4d: {  	_ =	swait.ge [sflag:s28], $0x4E20  }
0x4e: {  	[sflag:s28] =	ssyncset.done $0x0  }
0x4f: {  	s25 =	simm.s32 $0x9C40;
	s24 =	rddreg [dreg:$0x12];
	[sflag:s28] =	ssyncadd.s32 $0xFFFFB1E0  }
0x50: {  	[tilespmem:s25], [sflag:$0xB] =	stream.linear.gather [hbm4b:s24+s4], $0x4E20, $0x38;
	[tilespmem:$0x1EE60] =	vst v63  }
0x51: {  	_ =	swait.ge [sflag:s28], $0x4E20  }
0x52: {  	[sflag:s28] =	ssyncset.done $0x0  }
0x53: {  	s14 =	smov.u32 s6;
	s6 =	simm.s32 $0x0;
	[sflag:s28] =	ssyncadd.s32 $0xFFFFB1E0  }
0x54: {  	v1 =	vld [tilespmem:s6+$0x4E30]  }
0x55: {  	v2 =	vld [tilespmem:s6+$0x4E50]  }
0x56: {  	v0 =	vld [tilespmem:s6+$0x4E20]  }
0x57: {  	v4 =	vld [tilespmem:s6+$0x4E60]  }
0x58: {  	v3 =	vld [tilespmem:s6+$0x4E40]  }
0x59: {  	s25 =	simm.s32 $0x50;
	v5 =	vld [tilespmem:s6+$0x0]  }
0x5a: {  	v7 =	vld [tilespmem:s25+$0x4E30]  }
0x5b: {  	v6 =	vld [tilespmem:s25+$0x4E50]  }
0x5c: {  	v8 =	vld [tilespmem:s6+$0x10]  }
0x5d: {  	v10 =	vld [tilespmem:s6+$0x30]  }
0x5e: {  	v9 =	vld [tilespmem:s25+$0x4E20];
	v11 =	vshll.u32 v5, $0x1  }
0x5f: {  	v12 =	vld [tilespmem:s25+$0x4E60];
	v0 =	vmul.u32 $0x2710, v0;
	vm0 =	vgt.s32 v5, $0x1387;
	v5 =	vadd.s32 $0xFFFFD8F1, v11  }
0x60: {  	v13 =	vld [tilespmem:s6+$0x20];
	v5 =	vsel vm0, v5, v11  }
0x61: {  	s24 =	simm.s32 $0xA0;
	v1 =	vmul.u32 $0x2710, v1;
	v11 =	vld [tilespmem:s25+$0x4E40];
	v5 =	vadd.s32 v0, v5  }
0x62: {  	v2 =	vmul.u32 $0x2710, v2;
	v16 =	vshll.u32 v10, $0x1;
	v0 =	vld [tilespmem:s24+$0x4E30];
	[tilespmem:s6+$0x0] =	vst v5;
	v5 =	vshll.u32 v8, $0x1  }
0x63: {  	v17 =	vld [tilespmem:s6+$0x40];
	v18 =	vmul.u32 $0x2710, v3;
	vm0 =	vgt.s32 v8, $0x1387;
	v8 =	vadd.s32 $0xFFFFD8F1, v5  }
0x64: {  	v3 =	vmul.u32 $0x2710, v6;
	v7 =	vmul.u32 $0x2710, v7;
	v14 =	vld [tilespmem:s25+$0x0];
	v5 =	vsel vm0, v8, v5  }
0x65: {  	v15 =	vld [tilespmem:s24+$0x4E50];
	vm0 =	vgt.s32 v10, $0x1387;
	v10 =	vadd.s32 $0xFFFFD8F1, v16;
	v1 =	vadd.s32 v1, v5  }
0x66: {  	v8 =	vld [tilespmem:s24+$0x4E20];
	v6 =	vsel vm0, v10, v16;
	vm0 =	vgt.s32 v13, $0x1387;
	[tilespmem:s6+$0x10] =	vst v1;
	v1 =	vshll.u32 v13, $0x1  }
0x67: {  	v2 =	vadd.s32 v2, v6;
	v6 =	vmul.u32 $0x2710, v9;
	v9 =	vadd.s32 $0xFFFFD8F1, v1  }
0x68: {  	v5 =	vmul.u32 $0x2710, v4;
	v4 =	vmul.u32 $0x2710, v11;
	v10 =	vld [tilespmem:s25+$0x10];
	[tilespmem:s6+$0x30] =	vst v2;
	v1 =	vsel vm0, v9, v1  }
0x69: {  	v11 =	vld [tilespmem:s25+$0x30];
	vm0 =	vgt.s32 v14, $0x1387;
	v13 =	vshll.u32 v14, $0x1;
	v14 =	vadd.s32 v18, v1  }
0x6a: {  	v2 =	vmul.u32 $0x2710, v15;
	v9 =	vmul.u32 $0x2710, v12;
	v1 =	vld [tilespmem:s24+$0x4E60];
	v15 =	vadd.s32 $0xFFFFD8F1, v13;
	[tilespmem:s6+$0x20] =	vst v14  }
0x6b: {  	s7 =	simm.s32 $0x3C0;
	v14 =	vsel vm0, v15, v13;
	vm0 =	vgt.s32 v17, $0x1387;
	v13 =	vshll.u32 v17, $0x1;
	v12 =	vld [tilespmem:s25+$0x20]  }
.LBB2_2:
0x6c: {  	s8 =	sshra.s32 s7, $0x2;
	p0 =	sne.s32 s7, $0x13740;
	s7 =	sadd.s32 $0x140, s7;
	v15 =	vld [tilespmem:s24+$0x4E40];
	v14 =	vadd.s32 v6, v14;
	v6 =	vmul.u32 $0x2710, v8;
	v8 =	vadd.s32 $0xFFFFD8F1, v13  }
0x6d: {  	v16 =	vld [tilespmem:s8+$0x4E30];
	[tilespmem:s25+$0x0] =	vst v14;
	vm1 =	vgt.s32 v10, $0x1387;
	v10 =	vshll.u32 v10, $0x1;
	v8 =	vsel vm0, v8, v13  }
0x6e: {  	v13 =	vld [tilespmem:s24+$0x0];
	v14 =	vadd.s32 $0xFFFFD8F1, v10;
	v17 =	vshll.u32 v11, $0x1;
	v8 =	vadd.s32 v5, v8;
	v5 =	vmovc v9  }
0x6f: {  	vm0 =	vgt.s32 v11, $0x1387;
	v9 =	vld [tilespmem:s8+$0x4E50];
	v10 =	vsel vm1, v14, v10;
	v11 =	vadd.s32 $0xFFFFD8F1, v17;
	[tilespmem:s6+$0x40] =	vst v8;
	s6 =	smov.u32 s25;
	s25 =	smov.u32 s24;
	s24 =	smov.u32 s8  }
0x70: {  	v7 =	vadd.s32 v7, v10;
	v14 =	vshll.u32 v12, $0x1;
	v10 =	vsel vm0, v11, v17;
	v17 =	vld [tilespmem:s6+$0x40]  }
.Ltmp0:
0x71: {  	vm0 =	vgt.s32 v12, $0x1387;
	v8 =	vld [tilespmem:s24+$0x4E20];
	[tilespmem:s6+$0x10] =	vst v7;
	v11 =	vadd.s32 $0xFFFFD8F1, v14;
	v12 =	vadd.s32 v3, v10;
	v3 =	vmovc v2;
	(pc) =	sbr.rel @p0 .LBB2_2-.Ltmp0, $4  }
0x72: {  	v7 =	vmul.u32 $0x2710, v0;
	v15 =	vmul.u32 $0x2710, v15;
	v10 =	vld [tilespmem:s25+$0x10];
	v2 =	vsel vm0, v11, v14;
	[tilespmem:s6+$0x30] =	vst v12;
	v0 =	vmovc v16  }
0x73: {  	vm0 =	vgt.s32 v13, $0x1387;
	v12 =	vshll.u32 v13, $0x1;
	v11 =	vld [tilespmem:s25+$0x30];
	v14 =	vadd.s32 v4, v2  }
0x74: {  	v4 =	vmovc v15;
	v2 =	vmul.u32 $0x2710, v9;
	v13 =	vadd.s32 $0xFFFFD8F1, v12;
	v9 =	vmul.u32 $0x2710, v1;
	v1 =	vld [tilespmem:s24+$0x4E60];
	[tilespmem:s6+$0x20] =	vst v14  }
0x75: {  	v14 =	vsel vm0, v13, v12;
	v12 =	vld [tilespmem:s25+$0x20];
	vm0 =	vgt.s32 v17, $0x1387;
	v13 =	vshll.u32 v17, $0x1  }
0x76: {  	v32 =	vadd.s32 $0xFFFFD8F1, v13  }
0x77: {  	v6 =	vadd.s32 v6, v14;
	v33 =	vsel vm0, v32, v13  }
0x78: {  	v15 =	vld [tilespmem:s24+$0x4E40];
	[tilespmem:s25+$0x0] =	vst v6;
	v5 =	vadd.s32 v5, v33  }
0x79: {  	v40 =	vmul.u32 $0x2710, v8;
	v34 =	vshll.u32 v10, $0x1;
	v35 =	vld [tilespmem:s24+$0x0];
	[tilespmem:s6+$0x40] =	vst v5  }
0x7a: {  	vm7 =	vgt.s32 v10, $0x1387;
	v36 =	vadd.s32 $0xFFFFD8F1, v34;
	v37 =	vshll.u32 v11, $0x1;
	v38 =	vld [tilespmem:s25+$0x40]  }
0x7b: {  	vm8 =	vgt.s32 v11, $0x1387;
	v6 =	vsel vm7, v36, v34;
	v39 =	vadd.s32 $0xFFFFD8F1, v37  }
0x7c: {  	v6 =	vadd.s32 v7, v6;
	v41 =	vshll.u32 v12, $0x1;
	v5 =	vsel vm8, v39, v37  }
0x7d: {  	vm9 =	vgt.s32 v12, $0x1387;
	v42 =	vadd.s32 $0xFFFFD8F1, v41;
	v3 =	vadd.s32 v3, v5  }
0x7e: {  	[tilespmem:s25+$0x10] =	vst v6;
	v6 =	vsel vm9, v42, v41;
	vm10 =	vgt.s32 v35, $0x1387;
	v44 =	vshll.u32 v35, $0x1  }
0x7f: {  	v43 =	vld [tilespmem:s24+$0x10];
	v4 =	vadd.s32 v4, v6;
	v46 =	vadd.s32 $0xFFFFD8F1, v44;
	v47 =	vshll.u32 v38, $0x1  }
0x80: {  	[tilespmem:s25+$0x30] =	vst v3;
	v3 =	vsel vm10, v46, v44;
	vm11 =	vgt.s32 v38, $0x1387;
	v48 =	vadd.s32 $0xFFFFD8F1, v47  }
0x81: {  	v45 =	vld [tilespmem:s24+$0x30];
	[tilespmem:s25+$0x20] =	vst v4;
	v3 =	vadd.s32 v40, v3;
	v4 =	vsel vm11, v48, v47  }
0x82: {  	[tilespmem:s24+$0x0] =	vst v3;
	v50 =	vadd.s32 v9, v4  }
0x83: {  	v49 =	vld [tilespmem:s24+$0x20];
	[tilespmem:s25+$0x40] =	vst v50  }
0x84: {  	v0 =	vmul.u32 $0x2710, v0;
	v51 =	vshll.u32 v43, $0x1;
	v52 =	vld [tilespmem:s24+$0x40]  }
0x85: {  	v1 =	vmul.u32 $0x2710, v1;
	vm12 =	vgt.s32 v43, $0x1387;
	v54 =	vadd.s32 $0xFFFFD8F1, v51  }
0x86: {  	v53 =	vmul.u32 $0x2710, v15;
	v55 =	vshll.u32 v45, $0x1;
	v3 =	vsel vm12, v54, v51  }
0x87: {  	vm13 =	vgt.s32 v45, $0x1387;
	v56 =	vadd.s32 $0xFFFFD8F1, v55;
	v0 =	vadd.s32 v0, v3  }
0x88: {  	v57 =	vshll.u32 v49, $0x1;
	v5 =	vsel vm13, v56, v55;
	vm14 =	vgt.s32 v49, $0x1387  }
0x89: {  	v58 =	vadd.s32 $0xFFFFD8F1, v57;
	v2 =	vadd.s32 v2, v5;
	v59 =	vshll.u32 v52, $0x1  }
0x8a: {  	[tilespmem:s24+$0x10] =	vst v0;
	v60 =	vsel vm14, v58, v57;
	vm15 =	vgt.s32 v52, $0x1387;
	v61 =	vadd.s32 $0xFFFFD8F1, v59  }
0x8b: {  	[tilespmem:s24+$0x30] =	vst v2;
	v0 =	vadd.s32 v53, v60;
	v62 =	vsel vm15, v61, v59  }
0x8c: {  	[tilespmem:s24+$0x20] =	vst v0;
	v63 =	vadd.s32 v1, v62  }
0x8d: {  	[tilespmem:s24+$0x40] =	vst v63  }
0x8e: {  	s25 =	simm.s32 $0x0;
	[bflag:$0x0] =	sbarrier.arrive $0xFFFF  }
0x8f: {  	[tilespmem:s26], [sflag:$0x1] =	stream.indirect.gather [hbm4b:s5+s31], $0x40, s25, s31, $0xb8;
	[tilespmem:$0x1EE60] =	vst v63  }
0x90: {  	_ = 	snop  }
0x91: {  	[tilespmem:s0], [sflag:$0x2] =	stream.indirect.gather [hbm4b:s5+s31], $0x40, s31, s31, $0xb8;
	[tilespmem:$0x1EE60] =	vst v63  }
0x92: {  	s7 =	simm.s32 $0xA0  }
0x93: {  	[tilespmem:s2], [sflag:$0x3] =	stream.indirect.gather [hbm4b:s5+s31], $0x40, s7, s31, $0xb8;
	[tilespmem:$0x1EE60] =	vst v63  }
0x94: {  	s8 =	simm.s32 $0xF0  }
0x95: {  	[tilespmem:s30], [sflag:$0x4] =	stream.indirect.gather [hbm4b:s5+s31], $0x40, s8, s31, $0xb8;
	[tilespmem:$0x1EE60] =	vst v63  }
0x96: {  	s24 =	simm.s32 $0x140  }
0x97: {  	[tilespmem:s29], [sflag:$0x5] =	stream.indirect.gather [hbm4b:s5+s31], $0x40, s24, s31, $0xb8;
	[tilespmem:$0x1EE60] =	vst v63  }
0x98: {  	_ =	swait.ge [sflag:s1], $0x1400  }
0x99: {  	[sflag:s1] =	ssyncset.done $0x0  }
0x9a: {  	s25 =	simm.s32 $0x9C40;
	[sflag:s1] =	ssyncadd.s32 $0xFFFFEC00  }
0x9b: {  	[spmem:s3] =	stream.indirect.scatter.add.f32 [tilespmem:s26], [sflag:$0x6], $0x40, s25, s31, $0xb8;
	[tilespmem:$0x1EE60] =	vst v63  }
0x9c: {  	_ =	swait.ge [sflag:s13], $0x1400  }
0x9d: {  	[sflag:s13] =	ssyncset.done $0x0  }
0x9e: {  	s7 =	simm.s32 $0x190;
	[sflag:s13] =	ssyncadd.s32 $0xFFFFEC00  }
0x9f: {  	[tilespmem:s26], [sflag:$0x1] =	stream.indirect.gather [hbm4b:s5+s31], $0x40, s7, s31, $0xb8;
	[tilespmem:$0x1EE60] =	vst v63  }
0xa0: {  	_ =	swait.ge [sflag:s15], $0x1400  }
0xa1: {  	[sflag:s15] =	ssyncset.done $0x0  }
0xa2: {  	s8 =	simm.s32 $0x9C90;
	[sflag:s15] =	ssyncadd.s32 $0xFFFFEC00  }
0xa3: {  	[spmem:s3] =	stream.indirect.scatter.add.f32 [tilespmem:s0], [sflag:$0x7], $0x40, s8, s31, $0xb8;
	[tilespmem:$0x1EE60] =	vst v63  }
0xa4: {  	_ =	swait.ge [sflag:s16], $0x1400  }
0xa5: {  	[sflag:s16] =	ssyncset.done $0x0  }
0xa6: {  	s24 =	simm.s32 $0x1E0;
	[sflag:s16] =	ssyncadd.s32 $0xFFFFEC00  }
0xa7: {  	[tilespmem:s0], [sflag:$0x2] =	stream.indirect.gather [hbm4b:s5+s31], $0x40, s24, s31, $0xb8;
	[tilespmem:$0x1EE60] =	vst v63  }
0xa8: {  	_ =	swait.ge [sflag:s17], $0x1400  }
0xa9: {  	[sflag:s17] =	ssyncset.done $0x0  }
0xaa: {  	s25 =	simm.s32 $0x9CE0;
	[sflag:s17] =	ssyncadd.s32 $0xFFFFEC00  }
0xab: {  	[spmem:s3] =	stream.indirect.scatter.add.f32 [tilespmem:s2], [sflag:$0x8], $0x40, s25, s31, $0xb8;
	[tilespmem:$0x1EE60] =	vst v63  }
0xac: {  	_ =	swait.ge [sflag:s18], $0x1400  }
0xad: {  	[sflag:s18] =	ssyncset.done $0x0  }
0xae: {  	s7 =	simm.s32 $0x230;
	[sflag:s18] =	ssyncadd.s32 $0xFFFFEC00  }
0xaf: {  	[tilespmem:s2], [sflag:$0x3] =	stream.indirect.gather [hbm4b:s5+s31], $0x40, s7, s31, $0xb8;
	[tilespmem:$0x1EE60] =	vst v63  }
0xb0: {  	_ =	swait.ge [sflag:s19], $0x1400  }
0xb1: {  	[sflag:s19] =	ssyncset.done $0x0  }
0xb2: {  	s8 =	simm.s32 $0x9D30;
	[sflag:s19] =	ssyncadd.s32 $0xFFFFEC00  }
0xb3: {  	[spmem:s3] =	stream.indirect.scatter.add.f32 [tilespmem:s30], [sflag:$0x9], $0x40, s8, s31, $0xb8;
	[tilespmem:$0x1EE60] =	vst v63  }
0xb4: {  	_ =	swait.ge [sflag:s20], $0x1400  }
0xb5: {  	[sflag:s20] =	ssyncset.done $0x0  }
0xb6: {  	s24 =	simm.s32 $0x280;
	[sflag:s20] =	ssyncadd.s32 $0xFFFFEC00  }
0xb7: {  	[tilespmem:s30], [sflag:$0x4] =	stream.indirect.gather [hbm4b:s5+s31], $0x40, s24, s31, $0xb8;
	[tilespmem:$0x1EE60] =	vst v63  }
0xb8: {  	_ =	swait.ge [sflag:s21], $0x1400  }
0xb9: {  	[sflag:s21] =	ssyncset.done $0x0  }
0xba: {  	s25 =	simm.s32 $0x9D80;
	[sflag:s21] =	ssyncadd.s32 $0xFFFFEC00  }
0xbb: {  	[spmem:s3] =	stream.indirect.scatter.add.f32 [tilespmem:s29], [sflag:$0xA], $0x40, s25, s31, $0xb8;
	[tilespmem:$0x1EE60] =	vst v63  }
0xbc: {  	_ =	swait.ge [sflag:s22], $0x1400  }
0xbd: {  	[sflag:s22] =	ssyncset.done $0x0  }
0xbe: {  	s6 =	simm.s32 $0x640;
	s7 =	simm.s32 $0x2D0;
	[sflag:s22] =	ssyncadd.s32 $0xFFFFEC00  }
.LBB2_4:
0xbf: {  	[tilespmem:s29], [sflag:$0x5] =	stream.indirect.gather [hbm4b:s5+s31], $0x40, s7, s31, $0xb8;
	[tilespmem:$0x1EE60] =	vst v63  }
0xc0: {  	s7 =	smov.u32 s6  }
0xc1: {  	p0 =	sne.s32 s6, $0x12C00;
	s6 =	sadd.s32 $0x640, s6;
	_ =	swait.ge [sflag:s1], $0x1400  }
0xc2: {  	s24 =	sshra.s32 s7, $0x2;
	[sflag:s1] =	ssyncset.done $0x0  }
0xc3: {  	s7 =	sadd.s32 $0x9C40, s24;
	[sflag:s1] =	ssyncadd.s32 $0xFFFFEC00  }
0xc4: {  	[spmem:s3] =	stream.indirect.scatter.add.f32 [tilespmem:s26], [sflag:$0x6], $0x40, s7, s31, $0xb8;
	[tilespmem:$0x1EE60] =	vst v63  }
0xc5: {  	_ =	swait.ge [sflag:s13], $0x1400  }
0xc6: {  	[sflag:s13] =	ssyncset.done $0x0  }
0xc7: {  	s7 =	sadd.s32 $0x190, s24;
	[sflag:s13] =	ssyncadd.s32 $0xFFFFEC00  }
0xc8: {  	[tilespmem:s26], [sflag:$0x1] =	stream.indirect.gather [hbm4b:s5+s31], $0x40, s7, s31, $0xb8;
	[tilespmem:$0x1EE60] =	vst v63  }
0xc9: {  	_ =	swait.ge [sflag:s15], $0x1400  }
0xca: {  	[sflag:s15] =	ssyncset.done $0x0  }
0xcb: {  	s7 =	sadd.s32 $0x9C90, s24;
	[sflag:s15] =	ssyncadd.s32 $0xFFFFEC00  }
0xcc: {  	[spmem:s3] =	stream.indirect.scatter.add.f32 [tilespmem:s0], [sflag:$0x7], $0x40, s7, s31, $0xb8;
	[tilespmem:$0x1EE60] =	vst v63  }
0xcd: {  	_ =	swait.ge [sflag:s16], $0x1400  }
0xce: {  	[sflag:s16] =	ssyncset.done $0x0  }
0xcf: {  	s7 =	sadd.s32 $0x1E0, s24;
	[sflag:s16] =	ssyncadd.s32 $0xFFFFEC00  }
0xd0: {  	[tilespmem:s0], [sflag:$0x2] =	stream.indirect.gather [hbm4b:s5+s31], $0x40, s7, s31, $0xb8;
	[tilespmem:$0x1EE60] =	vst v63  }
0xd1: {  	_ =	swait.ge [sflag:s17], $0x1400  }
0xd2: {  	[sflag:s17] =	ssyncset.done $0x0  }
0xd3: {  	s7 =	sadd.s32 $0x9CE0, s24;
	[sflag:s17] =	ssyncadd.s32 $0xFFFFEC00  }
0xd4: {  	[spmem:s3] =	stream.indirect.scatter.add.f32 [tilespmem:s2], [sflag:$0x8], $0x40, s7, s31, $0xb8;
	[tilespmem:$0x1EE60] =	vst v63  }
0xd5: {  	_ =	swait.ge [sflag:s18], $0x1400  }
0xd6: {  	[sflag:s18] =	ssyncset.done $0x0  }
0xd7: {  	s7 =	sadd.s32 $0x230, s24;
	[sflag:s18] =	ssyncadd.s32 $0xFFFFEC00  }
0xd8: {  	[tilespmem:s2], [sflag:$0x3] =	stream.indirect.gather [hbm4b:s5+s31], $0x40, s7, s31, $0xb8;
	[tilespmem:$0x1EE60] =	vst v63  }
0xd9: {  	_ =	swait.ge [sflag:s19], $0x1400  }
0xda: {  	[sflag:s19] =	ssyncset.done $0x0  }
0xdb: {  	s7 =	sadd.s32 $0x9D30, s24;
	[sflag:s19] =	ssyncadd.s32 $0xFFFFEC00  }
0xdc: {  	[spmem:s3] =	stream.indirect.scatter.add.f32 [tilespmem:s30], [sflag:$0x9], $0x40, s7, s31, $0xb8;
	[tilespmem:$0x1EE60] =	vst v63  }
0xdd: {  	_ =	swait.ge [sflag:s20], $0x1400  }
0xde: {  	[sflag:s20] =	ssyncset.done $0x0  }
0xdf: {  	s7 =	sadd.s32 $0x280, s24;
	[sflag:s20] =	ssyncadd.s32 $0xFFFFEC00  }
0xe0: {  	[tilespmem:s30], [sflag:$0x4] =	stream.indirect.gather [hbm4b:s5+s31], $0x40, s7, s31, $0xb8;
	[tilespmem:$0x1EE60] =	vst v63  }
0xe1: {  	_ =	swait.ge [sflag:s21], $0x1400  }
0xe2: {  	[sflag:s21] =	ssyncset.done $0x0  }
.Ltmp1:
0xe3: {  	s7 =	sadd.s32 $0x9D80, s24;
	[sflag:s21] =	ssyncadd.s32 $0xFFFFEC00;
	(pc) =	sbr.rel @p0 .LBB2_4-.Ltmp1, $4  }
0xe4: {  	[spmem:s3] =	stream.indirect.scatter.add.f32 [tilespmem:s29], [sflag:$0xA], $0x40, s7, s31, $0xb8;
	[tilespmem:$0x1EE60] =	vst v63  }
0xe5: {  	_ =	swait.ge [sflag:s22], $0x1400  }
0xe6: {  	[sflag:s22] =	ssyncset.done $0x0  }
0xe7: {  	s7 =	sadd.s32 $0x2D0, s24;
	[sflag:s22] =	ssyncadd.s32 $0xFFFFEC00  }
0xe8: {  	[tilespmem:s29], [sflag:$0x5] =	stream.indirect.gather [hbm4b:s5+s31], $0x40, s7, s31, $0xb8;
	[tilespmem:$0x1EE60] =	vst v63  }
0xe9: {  	_ =	swait.ge [sflag:s1], $0x1400  }
0xea: {  	[sflag:s1] =	ssyncset.done $0x0  }
0xeb: {  	s6 =	simm.s32 $0xE8D0;
	[sflag:s1] =	ssyncadd.s32 $0xFFFFEC00  }
0xec: {  	[spmem:s3] =	stream.indirect.scatter.add.f32 [tilespmem:s26], [sflag:$0x6], $0x40, s6, s31, $0xb8;
	[tilespmem:$0x1EE60] =	vst v63  }
0xed: {  	_ =	swait.ge [sflag:s15], $0x1400  }
0xee: {  	[sflag:s15] =	ssyncset.done $0x0  }
0xef: {  	s25 =	simm.s32 $0xE920;
	[sflag:s15] =	ssyncadd.s32 $0xFFFFEC00  }
0xf0: {  	[spmem:s3] =	stream.indirect.scatter.add.f32 [tilespmem:s0], [sflag:$0x7], $0x40, s25, s31, $0xb8;
	[tilespmem:$0x1EE60] =	vst v63  }
0xf1: {  	_ =	swait.ge [sflag:s17], $0x1400  }
0xf2: {  	[sflag:s17] =	ssyncset.done $0x0  }
0xf3: {  	s7 =	simm.s32 $0xE970;
	[sflag:s17] =	ssyncadd.s32 $0xFFFFEC00  }
0xf4: {  	[spmem:s3] =	stream.indirect.scatter.add.f32 [tilespmem:s2], [sflag:$0x8], $0x40, s7, s31, $0xb8;
	[tilespmem:$0x1EE60] =	vst v63  }
0xf5: {  	_ =	swait.ge [sflag:s19], $0x1400  }
0xf6: {  	[sflag:s19] =	ssyncset.done $0x0  }
0xf7: {  	s8 =	simm.s32 $0xE9C0;
	[sflag:s19] =	ssyncadd.s32 $0xFFFFEC00  }
0xf8: {  	[spmem:s3] =	stream.indirect.scatter.add.f32 [tilespmem:s30], [sflag:$0x9], $0x40, s8, s31, $0xb8;
	[tilespmem:$0x1EE60] =	vst v63  }
0xf9: {  	_ =	swait.ge [sflag:s21], $0x1400  }
0xfa: {  	[sflag:s21] =	ssyncset.done $0x0  }
0xfb: {  	s24 =	simm.s32 $0xEA10;
	[sflag:s21] =	ssyncadd.s32 $0xFFFFEC00  }
0xfc: {  	[spmem:s3] =	stream.indirect.scatter.add.f32 [tilespmem:s29], [sflag:$0xA], $0x40, s24, s31, $0xb8;
	[tilespmem:$0x1EE60] =	vst v63  }
0xfd: {  	_ =	swait.ge [sflag:s13], $0x1400  }
0xfe: {  	[sflag:s13] =	ssyncset.done $0x0  }
0xff: {  	[sflag:s13] =	ssyncadd.s32 $0xFFFFEC00  }
0x100: {  	_ =	swait.ge [sflag:s16], $0x1400  }
0x101: {  	[sflag:s16] =	ssyncset.done $0x0  }
0x102: {  	[sflag:s16] =	ssyncadd.s32 $0xFFFFEC00  }
0x103: {  	_ =	swait.ge [sflag:s18], $0x1400  }
0x104: {  	[sflag:s18] =	ssyncset.done $0x0  }
0x105: {  	[sflag:s18] =	ssyncadd.s32 $0xFFFFEC00  }
0x106: {  	_ =	swait.ge [sflag:s20], $0x1400  }
0x107: {  	[sflag:s20] =	ssyncset.done $0x0  }
0x108: {  	[sflag:s20] =	ssyncadd.s32 $0xFFFFEC00  }
0x109: {  	_ =	swait.ge [sflag:s22], $0x1400  }
0x10a: {  	[sflag:s22] =	ssyncset.done $0x0  }
0x10b: {  	[sflag:s22] =	ssyncadd.s32 $0xFFFFEC00  }
0x10c: {  	[bflag:$0x0] =	sbarrier.arrive $0xFFFF  }
0x10d: {  	[tilespmem:s26], [sflag:$0xB] =	stream.linear.gather [spmem:s9], $0x1400, $0x38;
	[tilespmem:$0x1EE60] =	vst v63  }
0x10e: {  	_ =	swait.ge [sflag:s28], $0x1400  }
0x10f: {  	[sflag:s28] =	ssyncset.done $0x0  }
0x110: {  	s25 =	rddreg [dreg:$0x9];
	[sflag:s28] =	ssyncadd.s32 $0xFFFFEC00  }
0x111: {  	[hbm4b:s25+s4] =	stream.linear.scatter [tilespmem:s26], [sflag:$0xB], $0x1400, $0x38;
	[tilespmem:$0x1EE60] =	vst v63  }
0x112: {  	_ =	swait.ge [sflag:s28], $0x1400  }
0x113: {  	[sflag:s28] =	ssyncset.done $0x0  }
0x114: {  	[sflag:s28] =	ssyncadd.s32 $0xFFFFEC00  }
0x115: {  	[tilespmem:s0], [sflag:$0xB] =	stream.linear.gather [spmem:s10], $0x1400, $0x38;
	[tilespmem:$0x1EE60] =	vst v63  }
0x116: {  	_ =	swait.ge [sflag:s28], $0x1400  }
0x117: {  	[sflag:s28] =	ssyncset.done $0x0  }
0x118: {  	s7 =	rddreg [dreg:$0xa];
	[sflag:s28] =	ssyncadd.s32 $0xFFFFEC00  }
0x119: {  	[hbm4b:s7+s4] =	stream.linear.scatter [tilespmem:s0], [sflag:$0xB], $0x1400, $0x38;
	[tilespmem:$0x1EE60] =	vst v63  }
0x11a: {  	_ =	swait.ge [sflag:s28], $0x1400  }
0x11b: {  	[sflag:s28] =	ssyncset.done $0x0  }
0x11c: {  	[sflag:s28] =	ssyncadd.s32 $0xFFFFEC00  }
0x11d: {  	[tilespmem:s2], [sflag:$0xB] =	stream.linear.gather [spmem:s11], $0x1400, $0x38;
	[tilespmem:$0x1EE60] =	vst v63  }
0x11e: {  	_ =	swait.ge [sflag:s28], $0x1400  }
0x11f: {  	[sflag:s28] =	ssyncset.done $0x0  }
0x120: {  	s8 =	smov.u32 s9;
	s9 =	rddreg [dreg:$0xb];
	[sflag:s28] =	ssyncadd.s32 $0xFFFFEC00  }
0x121: {  	[hbm4b:s9+s4] =	stream.linear.scatter [tilespmem:s2], [sflag:$0xB], $0x1400, $0x38;
	[tilespmem:$0x1EE60] =	vst v63  }
0x122: {  	_ =	swait.ge [sflag:s28], $0x1400  }
0x123: {  	[sflag:s28] =	ssyncset.done $0x0  }
0x124: {  	[sflag:s28] =	ssyncadd.s32 $0xFFFFEC00  }
0x125: {  	[tilespmem:s30], [sflag:$0xB] =	stream.linear.gather [spmem:s12], $0x1400, $0x38;
	[tilespmem:$0x1EE60] =	vst v63  }
0x126: {  	_ =	swait.ge [sflag:s28], $0x1400  }
0x127: {  	[sflag:s28] =	ssyncset.done $0x0  }
0x128: {  	s24 =	smov.u32 s10;
	s10 =	rddreg [dreg:$0xc];
	[sflag:s28] =	ssyncadd.s32 $0xFFFFEC00  }
0x129: {  	[hbm4b:s10+s4] =	stream.linear.scatter [tilespmem:s30], [sflag:$0xB], $0x1400, $0x38;
	[tilespmem:$0x1EE60] =	vst v63  }
0x12a: {  	_ =	swait.ge [sflag:s28], $0x1400  }
0x12b: {  	[sflag:s28] =	ssyncset.done $0x0  }
0x12c: {  	[sflag:s28] =	ssyncadd.s32 $0xFFFFEC00  }
0x12d: {  	[tilespmem:s29], [sflag:$0xB] =	stream.linear.gather [spmem:s14], $0x1400, $0x38;
	[tilespmem:$0x1EE60] =	vst v63  }
0x12e: {  	_ =	swait.ge [sflag:s28], $0x1400  }
0x12f: {  	[sflag:s28] =	ssyncset.done $0x0  }
0x130: {  	s25 =	smov.u32 s11;
	s11 =	rddreg [dreg:$0xd];
	[sflag:s28] =	ssyncadd.s32 $0xFFFFEC00  }
0x131: {  	[hbm4b:s11+s4] =	stream.linear.scatter [tilespmem:s29], [sflag:$0xB], $0x1400, $0x38;
	[tilespmem:$0x1EE60] =	vst v63  }
0x132: {  	_ =	swait.ge [sflag:s28], $0x1400  }
0x133: {  	[sflag:s28] =	ssyncset.done $0x0  }
0x134: {  	s11 =	rddreg [dreg:$0x5];
	[sflag:s28] =	ssyncadd.s32 $0xFFFFEC00  }
0x135: {  	[tilespmem:s26], [sflag:$0xB] =	stream.linear.gather [spmem:s11], $0x1400, $0x38;
	[tilespmem:$0x1EE60] =	vst v63  }
0x136: {  	_ =	swait.ge [sflag:s28], $0x1400  }
0x137: {  	[sflag:s28] =	ssyncset.done $0x0  }
0x138: {  	s7 =	smov.u32 s12;
	s12 =	rddreg [dreg:$0xe];
	[sflag:s28] =	ssyncadd.s32 $0xFFFFEC00  }
0x139: {  	[hbm4b:s12+s4] =	stream.linear.scatter [tilespmem:s26], [sflag:$0xB], $0x1400, $0x38;
	[tilespmem:$0x1EE60] =	vst v63  }
0x13a: {  	_ =	swait.ge [sflag:s28], $0x1400  }
0x13b: {  	[sflag:s28] =	ssyncset.done $0x0  }
0x13c: {  	s12 =	rddreg [dreg:$0x6];
	[sflag:s28] =	ssyncadd.s32 $0xFFFFEC00  }
0x13d: {  	[tilespmem:s0], [sflag:$0xB] =	stream.linear.gather [spmem:s12], $0x1400, $0x38;
	[tilespmem:$0x1EE60] =	vst v63  }
0x13e: {  	_ =	swait.ge [sflag:s28], $0x1400  }
0x13f: {  	[sflag:s28] =	ssyncset.done $0x0  }
0x140: {  	s10 =	smov.u32 s14;
	s14 =	rddreg [dreg:$0xf];
	[sflag:s28] =	ssyncadd.s32 $0xFFFFEC00  }
0x141: {  	[hbm4b:s14+s4] =	stream.linear.scatter [tilespmem:s0], [sflag:$0xB], $0x1400, $0x38;
	[tilespmem:$0x1EE60] =	vst v63  }
0x142: {  	_ =	swait.ge [sflag:s28], $0x1400  }
0x143: {  	[sflag:s28] =	ssyncset.done $0x0  }
0x144: {  	s14 =	rddreg [dreg:$0x8];
	[sflag:s28] =	ssyncadd.s32 $0xFFFFEC00  }
0x145: {  	[tilespmem:s2], [sflag:$0xB] =	stream.linear.gather [spmem:s14], $0x1400, $0x38;
	[tilespmem:$0x1EE60] =	vst v63  }
0x146: {  	_ =	swait.ge [sflag:s28], $0x1400  }
0x147: {  	[sflag:s28] =	ssyncset.done $0x0  }
0x148: {  	s9 =	rddreg [dreg:$0x10];
	[sflag:s28] =	ssyncadd.s32 $0xFFFFEC00  }
0x149: {  	[hbm4b:s9+s4] =	stream.linear.scatter [tilespmem:s2], [sflag:$0xB], $0x1400, $0x38;
	[tilespmem:$0x1EE60] =	vst v63  }
0x14a: {  	_ =	swait.ge [sflag:s28], $0x1400  }
0x14b: {  	s23 =	sadd.s32 $0x1, s23;
	s9 =	rddreg [dreg:$0x13]  }
0x14c: {  	p0 =	sne.s32 s23, s9  }
.Ltmp2:
0x14d: {  	_ = 	snop;
	(pc) =	sbr.rel @p0 .LBB2_1-.Ltmp2, $3  }
0x14e: {  	_ =	sdelay $0x1  }
0x14f: {  	[sflag:s28] =	ssyncset.done $0x0  }
0x150: {  	[sflag:s28] =	ssyncadd.s32 $0xFFFFEC00  }
0x151: {  	_ =	sfence.sel $0x180000  }
0x152: {  	[bflag:$0x0] =	sbarrier.arrive $0xFFFF  }
0x153: {  	_ =	strace $0x90000047  }
0x154: {  	s0 =	stileid.u32;
	[bflag:$0x2] =	sbarrier.arrive $0xFFFF  }
0x155: {  	p0 =	sne.s32 s0, $0x0;
	s0 =	rddreg [dreg:$0x4]  }
0x156: {  	s0 =	sadd.s32 @!p0 $0x100000, s0  }
0x157: {  	[sflag:s0] =	ssyncadd.tile.s32 @!p0 $0x1;
	_ =	shalt  }
.Lfunc_end2:
_tile_overlayer_lowered:
.L_overlay_start_2:
0x158: {  	(tag) =	ssettag $0x2  }
0x159: {  	s0 =	rddreg [dreg:$0x0];
	s2 =	stileid.u32  }
0x15a: {  	s1 =	rddreg [dreg:$0x1];
	p0 =	sne.s32 s2, $0x0  }
0x15b: {  	s3 =	rddreg [dreg:$0x2];
	[bflag:$0x3] =	sbarrier.arrive $0xFFFF;
	s2 =	simm.s32 @!p0 $0x1C0B  }
0x15c: {  	[timem:s3], [sflag:s2] =	dma.local @!p0 [hbm:s0], s1  }
0x15d: {  	s0 =	simm.s32 @!p0 $0xB  }
0x15e: {  	_ =	swait.ge @!p0 [sflag:s0], s1  }
0x15f: {  	s1 =	ssub.s32 @!p0 $0x0, s1;
	[sflag:s0] =	ssyncset.done @!p0 $0x0  }
0x160: {  	[sflag:s0] =	ssyncadd.s32 @!p0 s1  }
0x161: {  	[bflag:$0x3] =	sbarrier.arrive $0xFFFF  }
0x162: {  	_ =	shalt  }

</sc_bundles>
